<compile_context>
chip_gen: v7x
topology: tpu7x:2x2x1
jax: 0.10.2.dev20260603
libtpu: 0.0.44.dev20260713+nightly
codegen_flags: <defaults>
</compile_context>

<pallas_src>
import functools

import jax
import jax.numpy as jnp
from jax import lax
from jax.experimental import pallas as pl
from jax.experimental.pallas import tpu as pltpu
from jax.experimental.pallas import tpu_sc as plsc

BATCH = 4096
UNITS = 8192
L = 16
RT = 8
RS = 4
LANES = 128
UT = UNITS // LANES
UNROLL = 4
NP = 2
UTP = UT // NP
HS = RT // RS


@functools.cache
def _build():
    info = plsc.get_sparse_core_info()
    NC, NS = info.num_cores, info.num_subcores
    NW = NC * NS
    nbt = BATCH // RT
    nblk = nbt * HS // NW

    mesh = plsc.VectorSubcoreMesh(core_axis_name="c", subcore_axis_name="s")

    @functools.partial(
        pl.kernel,
        mesh=mesh,
        compiler_params=pltpu.CompilerParams(needs_layout_passes=False),
        out_type=jax.ShapeDtypeStruct((nbt, UT, HS, RS, LANES), jnp.float32),
        scratch_types=[
            pltpu.VMEM((UNITS,), jnp.int32),
            pltpu.VMEM((UT, 1, RS, LANES), jnp.float32),
            pltpu.VMEM((UT, 1, RS, LANES), jnp.float32),
            pltpu.VMEM((UTP, 1, RS, LANES), jnp.float32),
            pltpu.VMEM((UTP, 1, RS, LANES), jnp.float32),
            pltpu.SemaphoreType.DMA,
            pltpu.SemaphoreType.DMA,
            pltpu.SemaphoreType.DMA,
            pltpu.SemaphoreType.DMA,
        ],
    )
    def permute_cols(in_hbm, perm_hbm, out_hbm, pk_v,
                     rin0, rin1, rout0, rout1, si0, si1, so0, so1):
        c = lax.axis_index("c")
        s = lax.axis_index("s")
        wid = s * NC + c
        sb0 = wid * nblk
        rins, routs = (rin0, rin1), (rout0, rout1)
        sins, souts = (si0, si1), (so0, so1)

        pltpu.sync_copy(perm_hbm, pk_v)

        @plsc.parallel_loop(0, UNITS // L, unroll=UNROLL)
        def _(cj):
            p = pk_v[pl.ds(cj * L, L)]
            pk_v[pl.ds(cj * L, L)] = ((p >> 7) << 16) | (p & (LANES - 1))

        def in_slice(sb):
            return in_hbm.at[sb >> 1, :, pl.ds(sb & 1, 1)]

        def start_in(sb, b):
            pltpu.async_copy(in_slice(sb), rins[b], sins[b])

        def wait_in(sb, b):
            pltpu.make_async_copy(in_slice(sb), rins[b], sins[b]).wait()

        def out_slice(sb, piece):
            return out_hbm.at[
                sb >> 1, pl.ds(piece * UTP, UTP), pl.ds(sb & 1, 1)]

        def start_out(sb, piece, b):
            pltpu.async_copy(routs[b], out_slice(sb, piece), souts[b])

        def wait_out(sb, piece, b):
            pltpu.make_async_copy(routs[b], out_slice(sb, piece), souts[b]).wait()

        rvecs = [jnp.full((L,), r, jnp.int32) for r in range(RS)]
        zvec = jnp.zeros((L,), jnp.int32)

        def compute_piece(piece, bi, bo):
            rin, rout = rins[bi], routs[bo]

            @plsc.parallel_loop(0, UTP * (LANES // L), unroll=UNROLL)
            def _(jl):
                off = (piece * UTP * (LANES // L) + jl) * L
                pk = pk_v[pl.ds(off, L)]
                pt = pk >> 16
                pi = pk & 0xFFFF
                t1 = jl >> 3
                lc = jl & 7
                for r in range(RS):
                    rout[t1, 0, r, pl.ds(lc * L, L)] = plsc.load_gather(
                        rin, [pt, zvec, rvecs[r], pi])

        def do_block(blk, bi, first, last):
            sb = sb0 + blk
            wait_in(sb, bi)
            for piece in range(NP):
                bo = piece % 2
                if not first:
                    wait_out(sb, piece, bo)
                compute_piece(piece, bi, bo)
                start_out(sb, piece, bo)
            if not last:
                start_in(sb + 2, bi)

        start_in(sb0, 0)
        start_in(sb0 + 1, 1)
        do_block(0, 0, True, False)
        do_block(1, 1, False, False)

        @pl.loop(2, nblk - 2, step=2)
        def _(g):
            for db in range(2):
                do_block(g + db, db, False, False)

        do_block(nblk - 2, 0, False, True)
        do_block(nblk - 1, 1, False, True)
        for piece in range(NP):
            wait_out(sb0 + nblk - 1, piece, piece % 2)

    return permute_cols


def kernel(inputs, permutation):
    x = inputs.reshape(BATCH // RT, RT, UT, LANES)
    x = x.transpose(0, 2, 1, 3).reshape(BATCH // RT, UT, HS, RS, LANES)
    y = _build()(x, permutation)
    y = y.reshape(BATCH // RT, UT, RT, LANES)
    return y.transpose(0, 2, 1, 3).reshape(BATCH, UNITS)

# --- scband reference (transcript-rebuilt; emitter-appended) ---
"""Pipeline reference for scband-permutation-matrix-27075473834254 (READ-ONLY COPY).

The authoritative reference and input builder live on the scoring server;
editing this copy changes nothing except your own understanding.
"""

import jax, jax.numpy as jnp
import numpy as np

UNITS = 8192
BATCH = 4096

def setup_inputs(seed: int = 0) -> dict:
    key = jax.random.key(seed)
    k1, k2 = jax.random.split(key)
    inputs = jax.random.normal(k1, (BATCH, UNITS), dtype=jnp.float32)
    # The layer builds a fixed random permutation of range(units) at __init__ time
    permutation = jax.random.permutation(k2, jnp.arange(UNITS, dtype=jnp.int32))
    return {"inputs": inputs, "permutation": permutation}

def reference(inputs, permutation):
    # tf.gather(inputs, self.permutation, axis=1)
    return jnp.take(inputs, permutation, axis=1)

if __name__ == "__main__":
    import jax
    _d = setup_inputs()
    print(jax.jit(kernel)(*tuple(_d.values())))

</pallas_src>

<mosaic_0001>
#map = affine_map<(d0, d1) -> (0, 0, 0, 0, 0)>
#map1 = affine_map<(d0, d1) -> (0)>
module attributes {stable_mosaic.version = 14 : i64} {
  func.func @permute_cols(%arg0: i32, %arg1: i32, %arg2: memref<512x64x2x4x128xf32, #tpu.memory_space<hbm>>, %arg3: memref<8192xi32, #tpu.memory_space<hbm>>, %arg4: memref<512x64x2x4x128xf32, #tpu.memory_space<hbm>>, %arg5: memref<8192xi32, #tpu.memory_space<vmem>>, %arg6: memref<64x1x4x128xf32, #tpu.memory_space<vmem>>, %arg7: memref<64x1x4x128xf32, #tpu.memory_space<vmem>>, %arg8: memref<32x1x4x128xf32, #tpu.memory_space<vmem>>, %arg9: memref<32x1x4x128xf32, #tpu.memory_space<vmem>>, %arg10: memref<!tpu.dma_semaphore, #tpu.memory_space<semaphore_mem>>, %arg11: memref<!tpu.dma_semaphore, #tpu.memory_space<semaphore_mem>>, %arg12: memref<!tpu.dma_semaphore, #tpu.memory_space<semaphore_mem>>, %arg13: memref<!tpu.dma_semaphore, #tpu.memory_space<semaphore_mem>>) attributes {dimension_semantics = [#tpu.dimension_semantics<core_parallel>, #tpu.dimension_semantics<subcore_parallel>], iteration_bounds = array<i64: 2, 16>, scalar_prefetch = 0 : i64, scratch_operands = 9 : i64, tpu.core_type = #tpu.core_type<sc_vector_subcore>, window_params = [{transform_indices = #map}, {transform_indices = #map1}, {transform_indices = #map}]} {
    %mul3A = arith.constant 2 : i32
    %mul3A_0 = arith.muli %arg1, %mul3A : i32
    %add3A = arith.addi %mul3A_0, %arg0 : i32
    %mul3A_1 = arith.constant 32 : i32
    %mul3A_2 = arith.muli %add3A, %mul3A_1 : i32
    "tpu.region"() ({
      %run_scoped3A = tpu.sem_alloc : memref<!tpu.dma_semaphore, #tpu.memory_space<semaphore_mem>>
      tpu.enqueue_dma source(%arg3 : memref<8192xi32, #tpu.memory_space<hbm>>) target(%arg5 : memref<8192xi32, #tpu.memory_space<vmem>>) target_semaphore(%run_scoped3A : memref<!tpu.dma_semaphore, #tpu.memory_space<semaphore_mem>>)
      tpu.wait_dma2 semaphore(%run_scoped3A : memref<!tpu.dma_semaphore, #tpu.memory_space<semaphore_mem>>) src(%arg3 : memref<8192xi32, #tpu.memory_space<hbm>>) dst(%arg5 : memref<8192xi32, #tpu.memory_space<vmem>>)
      tpu.yield
    }) : () -> ()
    %parallel_loop3A = arith.constant 0 : i32
    %parallel_loop3A_3 = arith.constant 512 : i32
    %parallel_loop3A_4 = arith.constant 1 : i32
    scf.for %parallel_loop3A_395 = %parallel_loop3A to %parallel_loop3A_3 step %parallel_loop3A_4  : i32 {
      %parallel_loop3A_396 = arith.constant 16 : i32
      %parallel_loop3A_397 = arith.muli %parallel_loop3A_395, %parallel_loop3A_396 : i32
      %parallel_loop3A_398 = arith.index_cast %parallel_loop3A_397 : i32 to index
      %parallel_loop3A_399 = tpu.vector_load %arg5[%parallel_loop3A_398] {strides = array<i32>} : memref<8192xi32, #tpu.memory_space<vmem>>, vector<16xi32>,
      %parallel_loop3A_400 = arith.constant 7 : i32
      %parallel_loop3A_401 = vector.broadcast %parallel_loop3A_400 : i32 to vector<16xi32>
      %parallel_loop3A_402 = arith.shrsi %parallel_loop3A_399, %parallel_loop3A_401 : vector<16xi32>
      %parallel_loop3A_403 = arith.constant 16 : i32
      %parallel_loop3A_404 = vector.broadcast %parallel_loop3A_403 : i32 to vector<16xi32>
      %parallel_loop3A_405 = arith.shli %parallel_loop3A_402, %parallel_loop3A_404 : vector<16xi32>
      %parallel_loop3A_406 = arith.constant 127 : i32
      %parallel_loop3A_407 = vector.broadcast %parallel_loop3A_406 : i32 to vector<16xi32>
      %parallel_loop3A_408 = arith.andi %parallel_loop3A_399, %parallel_loop3A_407 : vector<16xi32>
      %parallel_loop3A_409 = arith.ori %parallel_loop3A_405, %parallel_loop3A_408 : vector<16xi32>
      %parallel_loop3A_410 = arith.constant 16 : i32
      %parallel_loop3A_411 = arith.muli %parallel_loop3A_395, %parallel_loop3A_410 : i32
      %parallel_loop3A_412 = arith.index_cast %parallel_loop3A_411 : i32 to index
      %parallel_loop3A_413 = tpu.vector_load %arg5[%parallel_loop3A_412] {strides = array<i32>} : memref<8192xi32, #tpu.memory_space<vmem>>, vector<16xi32>,
      tpu.vector_store %arg5[%parallel_loop3A_412], %parallel_loop3A_409 {strides = array<i32>} : memref<8192xi32, #tpu.memory_space<vmem>>, vector<16xi32>,
    } {sc.loop_unroll_factor = 4 : i64, sc.parallel_access}
    %broadcast_in_dim3A = arith.constant 0 : i32
    %broadcast_in_dim3A_5 = vector.broadcast %broadcast_in_dim3A : i32 to vector<16xi32>
    %broadcast_in_dim3A_6 = arith.constant 1 : i32
    %broadcast_in_dim3A_7 = vector.broadcast %broadcast_in_dim3A_6 : i32 to vector<16xi32>
    %broadcast_in_dim3A_8 = arith.constant 2 : i32
    %broadcast_in_dim3A_9 = vector.broadcast %broadcast_in_dim3A_8 : i32 to vector<16xi32>
    %broadcast_in_dim3A_10 = arith.constant 3 : i32
    %broadcast_in_dim3A_11 = vector.broadcast %broadcast_in_dim3A_10 : i32 to vector<16xi32>
    %broadcast_in_dim3A_12 = arith.constant 0 : i32
    %broadcast_in_dim3A_13 = vector.broadcast %broadcast_in_dim3A_12 : i32 to vector<16xi32>
    %shift_right_arithmetic3A = arith.constant 1 : i32
    %shift_right_arithmetic3A_14 = arith.shrsi %mul3A_2, %shift_right_arithmetic3A : i32
    %and3A = arith.constant 1 : i32
    %and3A_15 = arith.andi %mul3A_2, %and3A : i32
    %dma_start3A = arith.constant 0 : i32
    %dma_start3A_16 = arith.constant 0 : i32
    %dma_start3A_17 = arith.constant 0 : i32
    %dma_start3A_18 = tpu.memref_slice %arg2[%shift_right_arithmetic3A_14, %dma_start3A, %and3A_15, %dma_start3A_16, %dma_start3A_17] : memref<512x64x2x4x128xf32, #tpu.memory_space<hbm>> -> memref<1x64x1x4x128xf32, #tpu.memory_space<hbm>>
    %dma_start3A_19 = tpu.memref_squeeze %dma_start3A_18 : memref<1x64x1x4x128xf32, #tpu.memory_space<hbm>> -> memref<64x1x4x128xf32, #tpu.memory_space<hbm>>
    %dma_start3A_20 = arith.constant 0 : i32
    %dma_start3A_21 = arith.constant 0 : i32
    %dma_start3A_22 = arith.constant 0 : i32
    %dma_start3A_23 = tpu.memref_slice %arg2[%shift_right_arithmetic3A_14, %dma_start3A_20, %and3A_15, %dma_start3A_21, %dma_start3A_22] : memref<512x64x2x4x128xf32, #tpu.memory_space<hbm>> -> memref<1x64x1x4x128xf32, #tpu.memory_space<hbm>>
    %dma_start3A_24 = tpu.memref_squeeze %dma_start3A_23 : memref<1x64x1x4x128xf32, #tpu.memory_space<hbm>> -> memref<64x1x4x128xf32, #tpu.memory_space<hbm>>
    tpu.enqueue_dma source(%dma_start3A_24 : memref<64x1x4x128xf32, #tpu.memory_space<hbm>>) target(%arg6 : memref<64x1x4x128xf32, #tpu.memory_space<vmem>>) target_semaphore(%arg10 : memref<!tpu.dma_semaphore, #tpu.memory_space<semaphore_mem>>)
    %add3A_25 = arith.constant 1 : i32
    %add3A_26 = arith.addi %mul3A_2, %add3A_25 : i32
    %shift_right_arithmetic3A_27 = arith.constant 1 : i32
    %shift_right_arithmetic3A_28 = arith.shrsi %add3A_26, %shift_right_arithmetic3A_27 : i32
    %and3A_29 = arith.constant 1 : i32
    %and3A_30 = arith.andi %add3A_26, %and3A_29 : i32
    %dma_start3A_31 = arith.constant 0 : i32
    %dma_start3A_32 = arith.constant 0 : i32
    %dma_start3A_33 = arith.constant 0 : i32
    %dma_start3A_34 = tpu.memref_slice %arg2[%shift_right_arithmetic3A_28, %dma_start3A_31, %and3A_30, %dma_start3A_32, %dma_start3A_33] : memref<512x64x2x4x128xf32, #tpu.memory_space<hbm>> -> memref<1x64x1x4x128xf32, #tpu.memory_space<hbm>>
    %dma_start3A_35 = tpu.memref_squeeze %dma_start3A_34 : memref<1x64x1x4x128xf32, #tpu.memory_space<hbm>> -> memref<64x1x4x128xf32, #tpu.memory_space<hbm>>
    %dma_start3A_36 = arith.constant 0 : i32
    %dma_start3A_37 = arith.constant 0 : i32
    %dma_start3A_38 = arith.constant 0 : i32
    %dma_start3A_39 = tpu.memref_slice %arg2[%shift_right_arithmetic3A_28, %dma_start3A_36, %and3A_30, %dma_start3A_37, %dma_start3A_38] : memref<512x64x2x4x128xf32, #tpu.memory_space<hbm>> -> memref<1x64x1x4x128xf32, #tpu.memory_space<hbm>>
    %dma_start3A_40 = tpu.memref_squeeze %dma_start3A_39 : memref<1x64x1x4x128xf32, #tpu.memory_space<hbm>> -> memref<64x1x4x128xf32, #tpu.memory_space<hbm>>
    tpu.enqueue_dma source(%dma_start3A_40 : memref<64x1x4x128xf32, #tpu.memory_space<hbm>>) target(%arg7 : memref<64x1x4x128xf32, #tpu.memory_space<vmem>>) target_semaphore(%arg11 : memref<!tpu.dma_semaphore, #tpu.memory_space<semaphore_mem>>)
    %add3A_41 = arith.constant 0 : i32
    %add3A_42 = arith.addi %mul3A_2, %add3A_41 : i32
    %shift_right_arithmetic3A_43 = arith.constant 1 : i32
    %shift_right_arithmetic3A_44 = arith.shrsi %add3A_42, %shift_right_arithmetic3A_43 : i32
    %and3A_45 = arith.constant 1 : i32
    %and3A_46 = arith.andi %add3A_42, %and3A_45 : i32
    %dma_wait3A = arith.constant 0 : i32
    %dma_wait3A_47 = arith.constant 0 : i32
    %dma_wait3A_48 = arith.constant 0 : i32
    %dma_wait3A_49 = tpu.memref_slice %arg2[%shift_right_arithmetic3A_44, %dma_wait3A, %and3A_46, %dma_wait3A_47, %dma_wait3A_48] : memref<512x64x2x4x128xf32, #tpu.memory_space<hbm>> -> memref<1x64x1x4x128xf32, #tpu.memory_space<hbm>>
    %dma_wait3A_50 = tpu.memref_squeeze %dma_wait3A_49 : memref<1x64x1x4x128xf32, #tpu.memory_space<hbm>> -> memref<64x1x4x128xf32, #tpu.memory_space<hbm>>
    %dma_wait3A_51 = arith.constant 0 : i32
    %dma_wait3A_52 = arith.constant 0 : i32
    %dma_wait3A_53 = arith.constant 0 : i32
    %dma_wait3A_54 = tpu.memref_slice %arg2[%shift_right_arithmetic3A_44, %dma_wait3A_51, %and3A_46, %dma_wait3A_52, %dma_wait3A_53] : memref<512x64x2x4x128xf32, #tpu.memory_space<hbm>> -> memref<1x64x1x4x128xf32, #tpu.memory_space<hbm>>
    %dma_wait3A_55 = tpu.memref_squeeze %dma_wait3A_54 : memref<1x64x1x4x128xf32, #tpu.memory_space<hbm>> -> memref<64x1x4x128xf32, #tpu.memory_space<hbm>>
    tpu.wait_dma2 semaphore(%arg10 : memref<!tpu.dma_semaphore, #tpu.memory_space<semaphore_mem>>) src(%dma_wait3A_55 : memref<64x1x4x128xf32, #tpu.memory_space<hbm>>) dst(%arg6 : memref<64x1x4x128xf32, #tpu.memory_space<vmem>>)
    %parallel_loop3A_56 = arith.constant 0 : i32
    %parallel_loop3A_57 = arith.constant 256 : i32
    %parallel_loop3A_58 = arith.constant 1 : i32
    scf.for %parallel_loop3A_395 = %parallel_loop3A_56 to %parallel_loop3A_57 step %parallel_loop3A_58  : i32 {
      %parallel_loop3A_396 = arith.constant 0 : i32
      %parallel_loop3A_397 = arith.addi %parallel_loop3A_396, %parallel_loop3A_395 : i32
      %parallel_loop3A_398 = arith.constant 16 : i32
      %parallel_loop3A_399 = arith.muli %parallel_loop3A_397, %parallel_loop3A_398 : i32
      %parallel_loop3A_400 = arith.index_cast %parallel_loop3A_399 : i32 to index
      %parallel_loop3A_401 = tpu.vector_load %arg5[%parallel_loop3A_400] {strides = array<i32>} : memref<8192xi32, #tpu.memory_space<vmem>>, vector<16xi32>,
      %parallel_loop3A_402 = arith.constant 16 : i32
      %parallel_loop3A_403 = vector.broadcast %parallel_loop3A_402 : i32 to vector<16xi32>
      %parallel_loop3A_404 = arith.shrsi %parallel_loop3A_401, %parallel_loop3A_403 : vector<16xi32>
      %parallel_loop3A_405 = arith.constant 65535 : i32
      %parallel_loop3A_406 = vector.broadcast %parallel_loop3A_405 : i32 to vector<16xi32>
      %parallel_loop3A_407 = arith.andi %parallel_loop3A_401, %parallel_loop3A_406 : vector<16xi32>
      %parallel_loop3A_408 = arith.constant 3 : i32
      %parallel_loop3A_409 = arith.shrsi %parallel_loop3A_395, %parallel_loop3A_408 : i32
      %parallel_loop3A_410 = arith.constant 7 : i32
      %parallel_loop3A_411 = arith.andi %parallel_loop3A_395, %parallel_loop3A_410 : i32
      %parallel_loop3A_412 = tpu.vector_load_idx %arg6[%parallel_loop3A_404, %broadcast_in_dim3A_13, %broadcast_in_dim3A_5, %parallel_loop3A_407] : memref<64x1x4x128xf32, #tpu.memory_space<vmem>>[vector<16xi32>, vector<16xi32>, vector<16xi32>, vector<16xi32>], vector<16xf32>,
      %parallel_loop3A_413 = arith.constant 16 : i32
      %parallel_loop3A_414 = arith.muli %parallel_loop3A_411, %parallel_loop3A_413 : i32
      %parallel_loop3A_415 = arith.constant 0 : i32
      %parallel_loop3A_416 = arith.constant 0 : i32
      %parallel_loop3A_417 = arith.index_cast %parallel_loop3A_409 : i32 to index
      %parallel_loop3A_418 = arith.index_cast %parallel_loop3A_415 : i32 to index
      %parallel_loop3A_419 = arith.index_cast %parallel_loop3A_416 : i32 to index
      %parallel_loop3A_420 = arith.index_cast %parallel_loop3A_414 : i32 to index
      %parallel_loop3A_421 = tpu.vector_load %arg8[%parallel_loop3A_417, %parallel_loop3A_418, %parallel_loop3A_419, %parallel_loop3A_420] {strides = array<i32>} : memref<32x1x4x128xf32, #tpu.memory_space<vmem>>, vector<16xf32>,
      tpu.vector_store %arg8[%parallel_loop3A_417, %parallel_loop3A_418, %parallel_loop3A_419, %parallel_loop3A_420], %parallel_loop3A_412 {strides = array<i32>} : memref<32x1x4x128xf32, #tpu.memory_space<vmem>>, vector<16xf32>,
      %parallel_loop3A_422 = tpu.vector_load_idx %arg6[%parallel_loop3A_404, %broadcast_in_dim3A_13, %broadcast_in_dim3A_7, %parallel_loop3A_407] : memref<64x1x4x128xf32, #tpu.memory_space<vmem>>[vector<16xi32>, vector<16xi32>, vector<16xi32>, vector<16xi32>], vector<16xf32>,
      %parallel_loop3A_423 = arith.constant 16 : i32
      %parallel_loop3A_424 = arith.muli %parallel_loop3A_411, %parallel_loop3A_423 : i32
      %parallel_loop3A_425 = arith.constant 0 : i32
      %parallel_loop3A_426 = arith.constant 1 : i32
      %parallel_loop3A_427 = arith.index_cast %parallel_loop3A_409 : i32 to index
      %parallel_loop3A_428 = arith.index_cast %parallel_loop3A_425 : i32 to index
      %parallel_loop3A_429 = arith.index_cast %parallel_loop3A_426 : i32 to index
      %parallel_loop3A_430 = arith.index_cast %parallel_loop3A_424 : i32 to index
      %parallel_loop3A_431 = tpu.vector_load %arg8[%parallel_loop3A_427, %parallel_loop3A_428, %parallel_loop3A_429, %parallel_loop3A_430] {strides = array<i32>} : memref<32x1x4x128xf32, #tpu.memory_space<vmem>>, vector<16xf32>,
      tpu.vector_store %arg8[%parallel_loop3A_427, %parallel_loop3A_428, %parallel_loop3A_429, %parallel_loop3A_430], %parallel_loop3A_422 {strides = array<i32>} : memref<32x1x4x128xf32, #tpu.memory_space<vmem>>, vector<16xf32>,
      %parallel_loop3A_432 = tpu.vector_load_idx %arg6[%parallel_loop3A_404, %broadcast_in_dim3A_13, %broadcast_in_dim3A_9, %parallel_loop3A_407] : memref<64x1x4x128xf32, #tpu.memory_space<vmem>>[vector<16xi32>, vector<16xi32>, vector<16xi32>, vector<16xi32>], vector<16xf32>,
      %parallel_loop3A_433 = arith.constant 16 : i32
      %parallel_loop3A_434 = arith.muli %parallel_loop3A_411, %parallel_loop3A_433 : i32
      %parallel_loop3A_435 = arith.constant 0 : i32
      %parallel_loop3A_436 = arith.constant 2 : i32
      %parallel_loop3A_437 = arith.index_cast %parallel_loop3A_409 : i32 to index
      %parallel_loop3A_438 = arith.index_cast %parallel_loop3A_435 : i32 to index
      %parallel_loop3A_439 = arith.index_cast %parallel_loop3A_436 : i32 to index
      %parallel_loop3A_440 = arith.index_cast %parallel_loop3A_434 : i32 to index
      %parallel_loop3A_441 = tpu.vector_load %arg8[%parallel_loop3A_437, %parallel_loop3A_438, %parallel_loop3A_439, %parallel_loop3A_440] {strides = array<i32>} : memref<32x1x4x128xf32, #tpu.memory_space<vmem>>, vector<16xf32>,
      tpu.vector_store %arg8[%parallel_loop3A_437, %parallel_loop3A_438, %parallel_loop3A_439, %parallel_loop3A_440], %parallel_loop3A_432 {strides = array<i32>} : memref<32x1x4x128xf32, #tpu.memory_space<vmem>>, vector<16xf32>,
      %parallel_loop3A_442 = tpu.vector_load_idx %arg6[%parallel_loop3A_404, %broadcast_in_dim3A_13, %broadcast_in_dim3A_11, %parallel_loop3A_407] : memref<64x1x4x128xf32, #tpu.memory_space<vmem>>[vector<16xi32>, vector<16xi32>, vector<16xi32>, vector<16xi32>], vector<16xf32>,
      %parallel_loop3A_443 = arith.constant 16 : i32
      %parallel_loop3A_444 = arith.muli %parallel_loop3A_411, %parallel_loop3A_443 : i32
      %parallel_loop3A_445 = arith.constant 0 : i32
      %parallel_loop3A_446 = arith.constant 3 : i32
      %parallel_loop3A_447 = arith.index_cast %parallel_loop3A_409 : i32 to index
      %parallel_loop3A_448 = arith.index_cast %parallel_loop3A_445 : i32 to index
      %parallel_loop3A_449 = arith.index_cast %parallel_loop3A_446 : i32 to index
      %parallel_loop3A_450 = arith.index_cast %parallel_loop3A_444 : i32 to index
      %parallel_loop3A_451 = tpu.vector_load %arg8[%parallel_loop3A_447, %parallel_loop3A_448, %parallel_loop3A_449, %parallel_loop3A_450] {strides = array<i32>} : memref<32x1x4x128xf32, #tpu.memory_space<vmem>>, vector<16xf32>,
      tpu.vector_store %arg8[%parallel_loop3A_447, %parallel_loop3A_448, %parallel_loop3A_449, %parallel_loop3A_450], %parallel_loop3A_442 {strides = array<i32>} : memref<32x1x4x128xf32, #tpu.memory_space<vmem>>, vector<16xf32>,
    } {sc.loop_unroll_factor = 4 : i64, sc.parallel_access}
    %shift_right_arithmetic3A_59 = arith.constant 1 : i32
    %shift_right_arithmetic3A_60 = arith.shrsi %add3A_42, %shift_right_arithmetic3A_59 : i32
    %and3A_61 = arith.constant 1 : i32
    %and3A_62 = arith.andi %add3A_42, %and3A_61 : i32
    %dma_start3A_63 = arith.constant 0 : i32
    %dma_start3A_64 = arith.constant 0 : i32
    %dma_start3A_65 = arith.constant 0 : i32
    %dma_start3A_66 = tpu.memref_slice %arg4[%shift_right_arithmetic3A_60, %dma_start3A_63, %and3A_62, %dma_start3A_64, %dma_start3A_65] : memref<512x64x2x4x128xf32, #tpu.memory_space<hbm>> -> memref<1x32x1x4x128xf32, #tpu.memory_space<hbm>>
    %dma_start3A_67 = tpu.memref_squeeze %dma_start3A_66 : memref<1x32x1x4x128xf32, #tpu.memory_space<hbm>> -> memref<32x1x4x128xf32, #tpu.memory_space<hbm>>
    %dma_start3A_68 = arith.constant 0 : i32
    %dma_start3A_69 = arith.constant 0 : i32
    %dma_start3A_70 = arith.constant 0 : i32
    %dma_start3A_71 = tpu.memref_slice %arg4[%shift_right_arithmetic3A_60, %dma_start3A_68, %and3A_62, %dma_start3A_69, %dma_start3A_70] : memref<512x64x2x4x128xf32, #tpu.memory_space<hbm>> -> memref<1x32x1x4x128xf32, #tpu.memory_space<hbm>>
    %dma_start3A_72 = tpu.memref_squeeze %dma_start3A_71 : memref<1x32x1x4x128xf32, #tpu.memory_space<hbm>> -> memref<32x1x4x128xf32, #tpu.memory_space<hbm>>
    tpu.enqueue_dma source(%arg8 : memref<32x1x4x128xf32, #tpu.memory_space<vmem>>) target(%dma_start3A_72 : memref<32x1x4x128xf32, #tpu.memory_space<hbm>>) target_semaphore(%arg12 : memref<!tpu.dma_semaphore, #tpu.memory_space<semaphore_mem>>)
    %parallel_loop3A_73 = arith.constant 0 : i32
    %parallel_loop3A_74 = arith.constant 256 : i32
    %parallel_loop3A_75 = arith.constant 1 : i32
    scf.for %parallel_loop3A_395 = %parallel_loop3A_73 to %parallel_loop3A_74 step %parallel_loop3A_75  : i32 {
      %parallel_loop3A_396 = arith.constant 256 : i32
      %parallel_loop3A_397 = arith.addi %parallel_loop3A_396, %parallel_loop3A_395 : i32
      %parallel_loop3A_398 = arith.constant 16 : i32
      %parallel_loop3A_399 = arith.muli %parallel_loop3A_397, %parallel_loop3A_398 : i32
      %parallel_loop3A_400 = arith.index_cast %parallel_loop3A_399 : i32 to index
      %parallel_loop3A_401 = tpu.vector_load %arg5[%parallel_loop3A_400] {strides = array<i32>} : memref<8192xi32, #tpu.memory_space<vmem>>, vector<16xi32>,
      %parallel_loop3A_402 = arith.constant 16 : i32
      %parallel_loop3A_403 = vector.broadcast %parallel_loop3A_402 : i32 to vector<16xi32>
      %parallel_loop3A_404 = arith.shrsi %parallel_loop3A_401, %parallel_loop3A_403 : vector<16xi32>
      %parallel_loop3A_405 = arith.constant 65535 : i32
      %parallel_loop3A_406 = vector.broadcast %parallel_loop3A_405 : i32 to vector<16xi32>
      %parallel_loop3A_407 = arith.andi %parallel_loop3A_401, %parallel_loop3A_406 : vector<16xi32>
      %parallel_loop3A_408 = arith.constant 3 : i32
      %parallel_loop3A_409 = arith.shrsi %parallel_loop3A_395, %parallel_loop3A_408 : i32
      %parallel_loop3A_410 = arith.constant 7 : i32
      %parallel_loop3A_411 = arith.andi %parallel_loop3A_395, %parallel_loop3A_410 : i32
      %parallel_loop3A_412 = tpu.vector_load_idx %arg6[%parallel_loop3A_404, %broadcast_in_dim3A_13, %broadcast_in_dim3A_5, %parallel_loop3A_407] : memref<64x1x4x128xf32, #tpu.memory_space<vmem>>[vector<16xi32>, vector<16xi32>, vector<16xi32>, vector<16xi32>], vector<16xf32>,
      %parallel_loop3A_413 = arith.constant 16 : i32
      %parallel_loop3A_414 = arith.muli %parallel_loop3A_411, %parallel_loop3A_413 : i32
      %parallel_loop3A_415 = arith.constant 0 : i32
      %parallel_loop3A_416 = arith.constant 0 : i32
      %parallel_loop3A_417 = arith.index_cast %parallel_loop3A_409 : i32 to index
      %parallel_loop3A_418 = arith.index_cast %parallel_loop3A_415 : i32 to index
      %parallel_loop3A_419 = arith.index_cast %parallel_loop3A_416 : i32 to index
      %parallel_loop3A_420 = arith.index_cast %parallel_loop3A_414 : i32 to index
      %parallel_loop3A_421 = tpu.vector_load %arg9[%parallel_loop3A_417, %parallel_loop3A_418, %parallel_loop3A_419, %parallel_loop3A_420] {strides = array<i32>} : memref<32x1x4x128xf32, #tpu.memory_space<vmem>>, vector<16xf32>,
      tpu.vector_store %arg9[%parallel_loop3A_417, %parallel_loop3A_418, %parallel_loop3A_419, %parallel_loop3A_420], %parallel_loop3A_412 {strides = array<i32>} : memref<32x1x4x128xf32, #tpu.memory_space<vmem>>, vector<16xf32>,
      %parallel_loop3A_422 = tpu.vector_load_idx %arg6[%parallel_loop3A_404, %broadcast_in_dim3A_13, %broadcast_in_dim3A_7, %parallel_loop3A_407] : memref<64x1x4x128xf32, #tpu.memory_space<vmem>>[vector<16xi32>, vector<16xi32>, vector<16xi32>, vector<16xi32>], vector<16xf32>,
      %parallel_loop3A_423 = arith.constant 16 : i32
      %parallel_loop3A_424 = arith.muli %parallel_loop3A_411, %parallel_loop3A_423 : i32
      %parallel_loop3A_425 = arith.constant 0 : i32
      %parallel_loop3A_426 = arith.constant 1 : i32
      %parallel_loop3A_427 = arith.index_cast %parallel_loop3A_409 : i32 to index
      %parallel_loop3A_428 = arith.index_cast %parallel_loop3A_425 : i32 to index
      %parallel_loop3A_429 = arith.index_cast %parallel_loop3A_426 : i32 to index
      %parallel_loop3A_430 = arith.index_cast %parallel_loop3A_424 : i32 to index
      %parallel_loop3A_431 = tpu.vector_load %arg9[%parallel_loop3A_427, %parallel_loop3A_428, %parallel_loop3A_429, %parallel_loop3A_430] {strides = array<i32>} : memref<32x1x4x128xf32, #tpu.memory_space<vmem>>, vector<16xf32>,
      tpu.vector_store %arg9[%parallel_loop3A_427, %parallel_loop3A_428, %parallel_loop3A_429, %parallel_loop3A_430], %parallel_loop3A_422 {strides = array<i32>} : memref<32x1x4x128xf32, #tpu.memory_space<vmem>>, vector<16xf32>,
      %parallel_loop3A_432 = tpu.vector_load_idx %arg6[%parallel_loop3A_404, %broadcast_in_dim3A_13, %broadcast_in_dim3A_9, %parallel_loop3A_407] : memref<64x1x4x128xf32, #tpu.memory_space<vmem>>[vector<16xi32>, vector<16xi32>, vector<16xi32>, vector<16xi32>], vector<16xf32>,
      %parallel_loop3A_433 = arith.constant 16 : i32
      %parallel_loop3A_434 = arith.muli %parallel_loop3A_411, %parallel_loop3A_433 : i32
      %parallel_loop3A_435 = arith.constant 0 : i32
      %parallel_loop3A_436 = arith.constant 2 : i32
      %parallel_loop3A_437 = arith.index_cast %parallel_loop3A_409 : i32 to index
      %parallel_loop3A_438 = arith.index_cast %parallel_loop3A_435 : i32 to index
      %parallel_loop3A_439 = arith.index_cast %parallel_loop3A_436 : i32 to index
      %parallel_loop3A_440 = arith.index_cast %parallel_loop3A_434 : i32 to index
      %parallel_loop3A_441 = tpu.vector_load %arg9[%parallel_loop3A_437, %parallel_loop3A_438, %parallel_loop3A_439, %parallel_loop3A_440] {strides = array<i32>} : memref<32x1x4x128xf32, #tpu.memory_space<vmem>>, vector<16xf32>,
      tpu.vector_store %arg9[%parallel_loop3A_437, %parallel_loop3A_438, %parallel_loop3A_439, %parallel_loop3A_440], %parallel_loop3A_432 {strides = array<i32>} : memref<32x1x4x128xf32, #tpu.memory_space<vmem>>, vector<16xf32>,
      %parallel_loop3A_442 = tpu.vector_load_idx %arg6[%parallel_loop3A_404, %broadcast_in_dim3A_13, %broadcast_in_dim3A_11, %parallel_loop3A_407] : memref<64x1x4x128xf32, #tpu.memory_space<vmem>>[vector<16xi32>, vector<16xi32>, vector<16xi32>, vector<16xi32>], vector<16xf32>,
      %parallel_loop3A_443 = arith.constant 16 : i32
      %parallel_loop3A_444 = arith.muli %parallel_loop3A_411, %parallel_loop3A_443 : i32
      %parallel_loop3A_445 = arith.constant 0 : i32
      %parallel_loop3A_446 = arith.constant 3 : i32
      %parallel_loop3A_447 = arith.index_cast %parallel_loop3A_409 : i32 to index
      %parallel_loop3A_448 = arith.index_cast %parallel_loop3A_445 : i32 to index
      %parallel_loop3A_449 = arith.index_cast %parallel_loop3A_446 : i32 to index
      %parallel_loop3A_450 = arith.index_cast %parallel_loop3A_444 : i32 to index
      %parallel_loop3A_451 = tpu.vector_load %arg9[%parallel_loop3A_447, %parallel_loop3A_448, %parallel_loop3A_449, %parallel_loop3A_450] {strides = array<i32>} : memref<32x1x4x128xf32, #tpu.memory_space<vmem>>, vector<16xf32>,
      tpu.vector_store %arg9[%parallel_loop3A_447, %parallel_loop3A_448, %parallel_loop3A_449, %parallel_loop3A_450], %parallel_loop3A_442 {strides = array<i32>} : memref<32x1x4x128xf32, #tpu.memory_space<vmem>>, vector<16xf32>,
    } {sc.loop_unroll_factor = 4 : i64, sc.parallel_access}
    %shift_right_arithmetic3A_76 = arith.constant 1 : i32
    %shift_right_arithmetic3A_77 = arith.shrsi %add3A_42, %shift_right_arithmetic3A_76 : i32
    %and3A_78 = arith.constant 1 : i32
    %and3A_79 = arith.andi %add3A_42, %and3A_78 : i32
    %dma_start3A_80 = arith.constant 32 : i32
    %dma_start3A_81 = arith.constant 0 : i32
    %dma_start3A_82 = arith.constant 0 : i32
    %dma_start3A_83 = tpu.memref_slice %arg4[%shift_right_arithmetic3A_77, %dma_start3A_80, %and3A_79, %dma_start3A_81, %dma_start3A_82] : memref<512x64x2x4x128xf32, #tpu.memory_space<hbm>> -> memref<1x32x1x4x128xf32, #tpu.memory_space<hbm>>
    %dma_start3A_84 = tpu.memref_squeeze %dma_start3A_83 : memref<1x32x1x4x128xf32, #tpu.memory_space<hbm>> -> memref<32x1x4x128xf32, #tpu.memory_space<hbm>>
    %dma_start3A_85 = arith.constant 32 : i32
    %dma_start3A_86 = arith.constant 0 : i32
    %dma_start3A_87 = arith.constant 0 : i32
    %dma_start3A_88 = tpu.memref_slice %arg4[%shift_right_arithmetic3A_77, %dma_start3A_85, %and3A_79, %dma_start3A_86, %dma_start3A_87] : memref<512x64x2x4x128xf32, #tpu.memory_space<hbm>> -> memref<1x32x1x4x128xf32, #tpu.memory_space<hbm>>
    %dma_start3A_89 = tpu.memref_squeeze %dma_start3A_88 : memref<1x32x1x4x128xf32, #tpu.memory_space<hbm>> -> memref<32x1x4x128xf32, #tpu.memory_space<hbm>>
    tpu.enqueue_dma source(%arg9 : memref<32x1x4x128xf32, #tpu.memory_space<vmem>>) target(%dma_start3A_89 : memref<32x1x4x128xf32, #tpu.memory_space<hbm>>) target_semaphore(%arg13 : memref<!tpu.dma_semaphore, #tpu.memory_space<semaphore_mem>>)
    %add3A_90 = arith.constant 2 : i32
    %add3A_91 = arith.addi %add3A_42, %add3A_90 : i32
    %shift_right_arithmetic3A_92 = arith.constant 1 : i32
    %shift_right_arithmetic3A_93 = arith.shrsi %add3A_91, %shift_right_arithmetic3A_92 : i32
    %and3A_94 = arith.constant 1 : i32
    %and3A_95 = arith.andi %add3A_91, %and3A_94 : i32
    %dma_start3A_96 = arith.constant 0 : i32
    %dma_start3A_97 = arith.constant 0 : i32
    %dma_start3A_98 = arith.constant 0 : i32
    %dma_start3A_99 = tpu.memref_slice %arg2[%shift_right_arithmetic3A_93, %dma_start3A_96, %and3A_95, %dma_start3A_97, %dma_start3A_98] : memref<512x64x2x4x128xf32, #tpu.memory_space<hbm>> -> memref<1x64x1x4x128xf32, #tpu.memory_space<hbm>>
    %dma_start3A_100 = tpu.memref_squeeze %dma_start3A_99 : memref<1x64x1x4x128xf32, #tpu.memory_space<hbm>> -> memref<64x1x4x128xf32, #tpu.memory_space<hbm>>
    %dma_start3A_101 = arith.constant 0 : i32
    %dma_start3A_102 = arith.constant 0 : i32
    %dma_start3A_103 = arith.constant 0 : i32
    %dma_start3A_104 = tpu.memref_slice %arg2[%shift_right_arithmetic3A_93, %dma_start3A_101, %and3A_95, %dma_start3A_102, %dma_start3A_103] : memref<512x64x2x4x128xf32, #tpu.memory_space<hbm>> -> memref<1x64x1x4x128xf32, #tpu.memory_space<hbm>>
    %dma_start3A_105 = tpu.memref_squeeze %dma_start3A_104 : memref<1x64x1x4x128xf32, #tpu.memory_space<hbm>> -> memref<64x1x4x128xf32, #tpu.memory_space<hbm>>
    tpu.enqueue_dma source(%dma_start3A_105 : memref<64x1x4x128xf32, #tpu.memory_space<hbm>>) target(%arg6 : memref<64x1x4x128xf32, #tpu.memory_space<vmem>>) target_semaphore(%arg10 : memref<!tpu.dma_semaphore, #tpu.memory_space<semaphore_mem>>)
    %add3A_106 = arith.constant 1 : i32
    %add3A_107 = arith.addi %mul3A_2, %add3A_106 : i32
    %shift_right_arithmetic3A_108 = arith.constant 1 : i32
    %shift_right_arithmetic3A_109 = arith.shrsi %add3A_107, %shift_right_arithmetic3A_108 : i32
    %and3A_110 = arith.constant 1 : i32
    %and3A_111 = arith.andi %add3A_107, %and3A_110 : i32
    %dma_wait3A_112 = arith.constant 0 : i32
    %dma_wait3A_113 = arith.constant 0 : i32
    %dma_wait3A_114 = arith.constant 0 : i32
    %dma_wait3A_115 = tpu.memref_slice %arg2[%shift_right_arithmetic3A_109, %dma_wait3A_112, %and3A_111, %dma_wait3A_113, %dma_wait3A_114] : memref<512x64x2x4x128xf32, #tpu.memory_space<hbm>> -> memref<1x64x1x4x128xf32, #tpu.memory_space<hbm>>
    %dma_wait3A_116 = tpu.memref_squeeze %dma_wait3A_115 : memref<1x64x1x4x128xf32, #tpu.memory_space<hbm>> -> memref<64x1x4x128xf32, #tpu.memory_space<hbm>>
    %dma_wait3A_117 = arith.constant 0 : i32
    %dma_wait3A_118 = arith.constant 0 : i32
    %dma_wait3A_119 = arith.constant 0 : i32
    %dma_wait3A_120 = tpu.memref_slice %arg2[%shift_right_arithmetic3A_109, %dma_wait3A_117, %and3A_111, %dma_wait3A_118, %dma_wait3A_119] : memref<512x64x2x4x128xf32, #tpu.memory_space<hbm>> -> memref<1x64x1x4x128xf32, #tpu.memory_space<hbm>>
    %dma_wait3A_121 = tpu.memref_squeeze %dma_wait3A_120 : memref<1x64x1x4x128xf32, #tpu.memory_space<hbm>> -> memref<64x1x4x128xf32, #tpu.memory_space<hbm>>
    tpu.wait_dma2 semaphore(%arg11 : memref<!tpu.dma_semaphore, #tpu.memory_space<semaphore_mem>>) src(%dma_wait3A_121 : memref<64x1x4x128xf32, #tpu.memory_space<hbm>>) dst(%arg7 : memref<64x1x4x128xf32, #tpu.memory_space<vmem>>)
    %shift_right_arithmetic3A_122 = arith.constant 1 : i32
    %shift_right_arithmetic3A_123 = arith.shrsi %add3A_107, %shift_right_arithmetic3A_122 : i32
    %and3A_124 = arith.constant 1 : i32
    %and3A_125 = arith.andi %add3A_107, %and3A_124 : i32
    %dma_wait3A_126 = arith.constant 0 : i32
    %dma_wait3A_127 = arith.constant 0 : i32
    %dma_wait3A_128 = arith.constant 0 : i32
    %dma_wait3A_129 = tpu.memref_slice %arg4[%shift_right_arithmetic3A_123, %dma_wait3A_126, %and3A_125, %dma_wait3A_127, %dma_wait3A_128] : memref<512x64x2x4x128xf32, #tpu.memory_space<hbm>> -> memref<1x32x1x4x128xf32, #tpu.memory_space<hbm>>
    %dma_wait3A_130 = tpu.memref_squeeze %dma_wait3A_129 : memref<1x32x1x4x128xf32, #tpu.memory_space<hbm>> -> memref<32x1x4x128xf32, #tpu.memory_space<hbm>>
    %dma_wait3A_131 = arith.constant 0 : i32
    %dma_wait3A_132 = arith.constant 0 : i32
    %dma_wait3A_133 = arith.constant 0 : i32
    %dma_wait3A_134 = tpu.memref_slice %arg4[%shift_right_arithmetic3A_123, %dma_wait3A_131, %and3A_125, %dma_wait3A_132, %dma_wait3A_133] : memref<512x64x2x4x128xf32, #tpu.memory_space<hbm>> -> memref<1x32x1x4x128xf32, #tpu.memory_space<hbm>>
    %dma_wait3A_135 = tpu.memref_squeeze %dma_wait3A_134 : memref<1x32x1x4x128xf32, #tpu.memory_space<hbm>> -> memref<32x1x4x128xf32, #tpu.memory_space<hbm>>
    tpu.wait_dma2 semaphore(%arg12 : memref<!tpu.dma_semaphore, #tpu.memory_space<semaphore_mem>>) src(%arg8 : memref<32x1x4x128xf32, #tpu.memory_space<vmem>>) dst(%dma_wait3A_135 : memref<32x1x4x128xf32, #tpu.memory_space<hbm>>)
    %parallel_loop3A_136 = arith.constant 0 : i32
    %parallel_loop3A_137 = arith.constant 256 : i32
    %parallel_loop3A_138 = arith.constant 1 : i32
    scf.for %parallel_loop3A_395 = %parallel_loop3A_136 to %parallel_loop3A_137 step %parallel_loop3A_138  : i32 {
      %parallel_loop3A_396 = arith.constant 0 : i32
      %parallel_loop3A_397 = arith.addi %parallel_loop3A_396, %parallel_loop3A_395 : i32
      %parallel_loop3A_398 = arith.constant 16 : i32
      %parallel_loop3A_399 = arith.muli %parallel_loop3A_397, %parallel_loop3A_398 : i32
      %parallel_loop3A_400 = arith.index_cast %parallel_loop3A_399 : i32 to index
      %parallel_loop3A_401 = tpu.vector_load %arg5[%parallel_loop3A_400] {strides = array<i32>} : memref<8192xi32, #tpu.memory_space<vmem>>, vector<16xi32>,
      %parallel_loop3A_402 = arith.constant 16 : i32
      %parallel_loop3A_403 = vector.broadcast %parallel_loop3A_402 : i32 to vector<16xi32>
      %parallel_loop3A_404 = arith.shrsi %parallel_loop3A_401, %parallel_loop3A_403 : vector<16xi32>
      %parallel_loop3A_405 = arith.constant 65535 : i32
      %parallel_loop3A_406 = vector.broadcast %parallel_loop3A_405 : i32 to vector<16xi32>
      %parallel_loop3A_407 = arith.andi %parallel_loop3A_401, %parallel_loop3A_406 : vector<16xi32>
      %parallel_loop3A_408 = arith.constant 3 : i32
      %parallel_loop3A_409 = arith.shrsi %parallel_loop3A_395, %parallel_loop3A_408 : i32
      %parallel_loop3A_410 = arith.constant 7 : i32
      %parallel_loop3A_411 = arith.andi %parallel_loop3A_395, %parallel_loop3A_410 : i32
      %parallel_loop3A_412 = tpu.vector_load_idx %arg7[%parallel_loop3A_404, %broadcast_in_dim3A_13, %broadcast_in_dim3A_5, %parallel_loop3A_407] : memref<64x1x4x128xf32, #tpu.memory_space<vmem>>[vector<16xi32>, vector<16xi32>, vector<16xi32>, vector<16xi32>], vector<16xf32>,
      %parallel_loop3A_413 = arith.constant 16 : i32
      %parallel_loop3A_414 = arith.muli %parallel_loop3A_411, %parallel_loop3A_413 : i32
      %parallel_loop3A_415 = arith.constant 0 : i32
      %parallel_loop3A_416 = arith.constant 0 : i32
      %parallel_loop3A_417 = arith.index_cast %parallel_loop3A_409 : i32 to index
      %parallel_loop3A_418 = arith.index_cast %parallel_loop3A_415 : i32 to index
      %parallel_loop3A_419 = arith.index_cast %parallel_loop3A_416 : i32 to index
      %parallel_loop3A_420 = arith.index_cast %parallel_loop3A_414 : i32 to index
      %parallel_loop3A_421 = tpu.vector_load %arg8[%parallel_loop3A_417, %parallel_loop3A_418, %parallel_loop3A_419, %parallel_loop3A_420] {strides = array<i32>} : memref<32x1x4x128xf32, #tpu.memory_space<vmem>>, vector<16xf32>,
      tpu.vector_store %arg8[%parallel_loop3A_417, %parallel_loop3A_418, %parallel_loop3A_419, %parallel_loop3A_420], %parallel_loop3A_412 {strides = array<i32>} : memref<32x1x4x128xf32, #tpu.memory_space<vmem>>, vector<16xf32>,
      %parallel_loop3A_422 = tpu.vector_load_idx %arg7[%parallel_loop3A_404, %broadcast_in_dim3A_13, %broadcast_in_dim3A_7, %parallel_loop3A_407] : memref<64x1x4x128xf32, #tpu.memory_space<vmem>>[vector<16xi32>, vector<16xi32>, vector<16xi32>, vector<16xi32>], vector<16xf32>,
      %parallel_loop3A_423 = arith.constant 16 : i32
      %parallel_loop3A_424 = arith.muli %parallel_loop3A_411, %parallel_loop3A_423 : i32
      %parallel_loop3A_425 = arith.constant 0 : i32
      %parallel_loop3A_426 = arith.constant 1 : i32
      %parallel_loop3A_427 = arith.index_cast %parallel_loop3A_409 : i32 to index
      %parallel_loop3A_428 = arith.index_cast %parallel_loop3A_425 : i32 to index
      %parallel_loop3A_429 = arith.index_cast %parallel_loop3A_426 : i32 to index
      %parallel_loop3A_430 = arith.index_cast %parallel_loop3A_424 : i32 to index
      %parallel_loop3A_431 = tpu.vector_load %arg8[%parallel_loop3A_427, %parallel_loop3A_428, %parallel_loop3A_429, %parallel_loop3A_430] {strides = array<i32>} : memref<32x1x4x128xf32, #tpu.memory_space<vmem>>, vector<16xf32>,
      tpu.vector_store %arg8[%parallel_loop3A_427, %parallel_loop3A_428, %parallel_loop3A_429, %parallel_loop3A_430], %parallel_loop3A_422 {strides = array<i32>} : memref<32x1x4x128xf32, #tpu.memory_space<vmem>>, vector<16xf32>,
      %parallel_loop3A_432 = tpu.vector_load_idx %arg7[%parallel_loop3A_404, %broadcast_in_dim3A_13, %broadcast_in_dim3A_9, %parallel_loop3A_407] : memref<64x1x4x128xf32, #tpu.memory_space<vmem>>[vector<16xi32>, vector<16xi32>, vector<16xi32>, vector<16xi32>], vector<16xf32>,
      %parallel_loop3A_433 = arith.constant 16 : i32
      %parallel_loop3A_434 = arith.muli %parallel_loop3A_411, %parallel_loop3A_433 : i32
      %parallel_loop3A_435 = arith.constant 0 : i32
      %parallel_loop3A_436 = arith.constant 2 : i32
      %parallel_loop3A_437 = arith.index_cast %parallel_loop3A_409 : i32 to index
      %parallel_loop3A_438 = arith.index_cast %parallel_loop3A_435 : i32 to index
      %parallel_loop3A_439 = arith.index_cast %parallel_loop3A_436 : i32 to index
      %parallel_loop3A_440 = arith.index_cast %parallel_loop3A_434 : i32 to index
      %parallel_loop3A_441 = tpu.vector_load %arg8[%parallel_loop3A_437, %parallel_loop3A_438, %parallel_loop3A_439, %parallel_loop3A_440] {strides = array<i32>} : memref<32x1x4x128xf32, #tpu.memory_space<vmem>>, vector<16xf32>,
      tpu.vector_store %arg8[%parallel_loop3A_437, %parallel_loop3A_438, %parallel_loop3A_439, %parallel_loop3A_440], %parallel_loop3A_432 {strides = array<i32>} : memref<32x1x4x128xf32, #tpu.memory_space<vmem>>, vector<16xf32>,
      %parallel_loop3A_442 = tpu.vector_load_idx %arg7[%parallel_loop3A_404, %broadcast_in_dim3A_13, %broadcast_in_dim3A_11, %parallel_loop3A_407] : memref<64x1x4x128xf32, #tpu.memory_space<vmem>>[vector<16xi32>, vector<16xi32>, vector<16xi32>, vector<16xi32>], vector<16xf32>,
      %parallel_loop3A_443 = arith.constant 16 : i32
      %parallel_loop3A_444 = arith.muli %parallel_loop3A_411, %parallel_loop3A_443 : i32
      %parallel_loop3A_445 = arith.constant 0 : i32
      %parallel_loop3A_446 = arith.constant 3 : i32
      %parallel_loop3A_447 = arith.index_cast %parallel_loop3A_409 : i32 to index
      %parallel_loop3A_448 = arith.index_cast %parallel_loop3A_445 : i32 to index
      %parallel_loop3A_449 = arith.index_cast %parallel_loop3A_446 : i32 to index
      %parallel_loop3A_450 = arith.index_cast %parallel_loop3A_444 : i32 to index
      %parallel_loop3A_451 = tpu.vector_load %arg8[%parallel_loop3A_447, %parallel_loop3A_448, %parallel_loop3A_449, %parallel_loop3A_450] {strides = array<i32>} : memref<32x1x4x128xf32, #tpu.memory_space<vmem>>, vector<16xf32>,
      tpu.vector_store %arg8[%parallel_loop3A_447, %parallel_loop3A_448, %parallel_loop3A_449, %parallel_loop3A_450], %parallel_loop3A_442 {strides = array<i32>} : memref<32x1x4x128xf32, #tpu.memory_space<vmem>>, vector<16xf32>,
    } {sc.loop_unroll_factor = 4 : i64, sc.parallel_access}
    %shift_right_arithmetic3A_139 = arith.constant 1 : i32
    %shift_right_arithmetic3A_140 = arith.shrsi %add3A_107, %shift_right_arithmetic3A_139 : i32
    %and3A_141 = arith.constant 1 : i32
    %and3A_142 = arith.andi %add3A_107, %and3A_141 : i32
    %dma_start3A_143 = arith.constant 0 : i32
    %dma_start3A_144 = arith.constant 0 : i32
    %dma_start3A_145 = arith.constant 0 : i32
    %dma_start3A_146 = tpu.memref_slice %arg4[%shift_right_arithmetic3A_140, %dma_start3A_143, %and3A_142, %dma_start3A_144, %dma_start3A_145] : memref<512x64x2x4x128xf32, #tpu.memory_space<hbm>> -> memref<1x32x1x4x128xf32, #tpu.memory_space<hbm>>
    %dma_start3A_147 = tpu.memref_squeeze %dma_start3A_146 : memref<1x32x1x4x128xf32, #tpu.memory_space<hbm>> -> memref<32x1x4x128xf32, #tpu.memory_space<hbm>>
    %dma_start3A_148 = arith.constant 0 : i32
    %dma_start3A_149 = arith.constant 0 : i32
    %dma_start3A_150 = arith.constant 0 : i32
    %dma_start3A_151 = tpu.memref_slice %arg4[%shift_right_arithmetic3A_140, %dma_start3A_148, %and3A_142, %dma_start3A_149, %dma_start3A_150] : memref<512x64x2x4x128xf32, #tpu.memory_space<hbm>> -> memref<1x32x1x4x128xf32, #tpu.memory_space<hbm>>
    %dma_start3A_152 = tpu.memref_squeeze %dma_start3A_151 : memref<1x32x1x4x128xf32, #tpu.memory_space<hbm>> -> memref<32x1x4x128xf32, #tpu.memory_space<hbm>>
    tpu.enqueue_dma source(%arg8 : memref<32x1x4x128xf32, #tpu.memory_space<vmem>>) target(%dma_start3A_152 : memref<32x1x4x128xf32, #tpu.memory_space<hbm>>) target_semaphore(%arg12 : memref<!tpu.dma_semaphore, #tpu.memory_space<semaphore_mem>>)
    %shift_right_arithmetic3A_153 = arith.constant 1 : i32
    %shift_right_arithmetic3A_154 = arith.shrsi %add3A_107, %shift_right_arithmetic3A_153 : i32
    %and3A_155 = arith.constant 1 : i32
    %and3A_156 = arith.andi %add3A_107, %and3A_155 : i32
    %dma_wait3A_157 = arith.constant 32 : i32
    %dma_wait3A_158 = arith.constant 0 : i32
    %dma_wait3A_159 = arith.constant 0 : i32
    %dma_wait3A_160 = tpu.memref_slice %arg4[%shift_right_arithmetic3A_154, %dma_wait3A_157, %and3A_156, %dma_wait3A_158, %dma_wait3A_159] : memref<512x64x2x4x128xf32, #tpu.memory_space<hbm>> -> memref<1x32x1x4x128xf32, #tpu.memory_space<hbm>>
    %dma_wait3A_161 = tpu.memref_squeeze %dma_wait3A_160 : memref<1x32x1x4x128xf32, #tpu.memory_space<hbm>> -> memref<32x1x4x128xf32, #tpu.memory_space<hbm>>
    %dma_wait3A_162 = arith.constant 32 : i32
    %dma_wait3A_163 = arith.constant 0 : i32
    %dma_wait3A_164 = arith.constant 0 : i32
    %dma_wait3A_165 = tpu.memref_slice %arg4[%shift_right_arithmetic3A_154, %dma_wait3A_162, %and3A_156, %dma_wait3A_163, %dma_wait3A_164] : memref<512x64x2x4x128xf32, #tpu.memory_space<hbm>> -> memref<1x32x1x4x128xf32, #tpu.memory_space<hbm>>
    %dma_wait3A_166 = tpu.memref_squeeze %dma_wait3A_165 : memref<1x32x1x4x128xf32, #tpu.memory_space<hbm>> -> memref<32x1x4x128xf32, #tpu.memory_space<hbm>>
    tpu.wait_dma2 semaphore(%arg13 : memref<!tpu.dma_semaphore, #tpu.memory_space<semaphore_mem>>) src(%arg9 : memref<32x1x4x128xf32, #tpu.memory_space<vmem>>) dst(%dma_wait3A_166 : memref<32x1x4x128xf32, #tpu.memory_space<hbm>>)
    %parallel_loop3A_167 = arith.constant 0 : i32
    %parallel_loop3A_168 = arith.constant 256 : i32
    %parallel_loop3A_169 = arith.constant 1 : i32
    scf.for %parallel_loop3A_395 = %parallel_loop3A_167 to %parallel_loop3A_168 step %parallel_loop3A_169  : i32 {
      %parallel_loop3A_396 = arith.constant 256 : i32
      %parallel_loop3A_397 = arith.addi %parallel_loop3A_396, %parallel_loop3A_395 : i32
      %parallel_loop3A_398 = arith.constant 16 : i32
      %parallel_loop3A_399 = arith.muli %parallel_loop3A_397, %parallel_loop3A_398 : i32
      %parallel_loop3A_400 = arith.index_cast %parallel_loop3A_399 : i32 to index
      %parallel_loop3A_401 = tpu.vector_load %arg5[%parallel_loop3A_400] {strides = array<i32>} : memref<8192xi32, #tpu.memory_space<vmem>>, vector<16xi32>,
      %parallel_loop3A_402 = arith.constant 16 : i32
      %parallel_loop3A_403 = vector.broadcast %parallel_loop3A_402 : i32 to vector<16xi32>
      %parallel_loop3A_404 = arith.shrsi %parallel_loop3A_401, %parallel_loop3A_403 : vector<16xi32>
      %parallel_loop3A_405 = arith.constant 65535 : i32
      %parallel_loop3A_406 = vector.broadcast %parallel_loop3A_405 : i32 to vector<16xi32>
      %parallel_loop3A_407 = arith.andi %parallel_loop3A_401, %parallel_loop3A_406 : vector<16xi32>
      %parallel_loop3A_408 = arith.constant 3 : i32
      %parallel_loop3A_409 = arith.shrsi %parallel_loop3A_395, %parallel_loop3A_408 : i32
      %parallel_loop3A_410 = arith.constant 7 : i32
      %parallel_loop3A_411 = arith.andi %parallel_loop3A_395, %parallel_loop3A_410 : i32
      %parallel_loop3A_412 = tpu.vector_load_idx %arg7[%parallel_loop3A_404, %broadcast_in_dim3A_13, %broadcast_in_dim3A_5, %parallel_loop3A_407] : memref<64x1x4x128xf32, #tpu.memory_space<vmem>>[vector<16xi32>, vector<16xi32>, vector<16xi32>, vector<16xi32>], vector<16xf32>,
      %parallel_loop3A_413 = arith.constant 16 : i32
      %parallel_loop3A_414 = arith.muli %parallel_loop3A_411, %parallel_loop3A_413 : i32
      %parallel_loop3A_415 = arith.constant 0 : i32
      %parallel_loop3A_416 = arith.constant 0 : i32
      %parallel_loop3A_417 = arith.index_cast %parallel_loop3A_409 : i32 to index
      %parallel_loop3A_418 = arith.index_cast %parallel_loop3A_415 : i32 to index
      %parallel_loop3A_419 = arith.index_cast %parallel_loop3A_416 : i32 to index
      %parallel_loop3A_420 = arith.index_cast %parallel_loop3A_414 : i32 to index
      %parallel_loop3A_421 = tpu.vector_load %arg9[%parallel_loop3A_417, %parallel_loop3A_418, %parallel_loop3A_419, %parallel_loop3A_420] {strides = array<i32>} : memref<32x1x4x128xf32, #tpu.memory_space<vmem>>, vector<16xf32>,
      tpu.vector_store %arg9[%parallel_loop3A_417, %parallel_loop3A_418, %parallel_loop3A_419, %parallel_loop3A_420], %parallel_loop3A_412 {strides = array<i32>} : memref<32x1x4x128xf32, #tpu.memory_space<vmem>>, vector<16xf32>,
      %parallel_loop3A_422 = tpu.vector_load_idx %arg7[%parallel_loop3A_404, %broadcast_in_dim3A_13, %broadcast_in_dim3A_7, %parallel_loop3A_407] : memref<64x1x4x128xf32, #tpu.memory_space<vmem>>[vector<16xi32>, vector<16xi32>, vector<16xi32>, vector<16xi32>], vector<16xf32>,
      %parallel_loop3A_423 = arith.constant 16 : i32
      %parallel_loop3A_424 = arith.muli %parallel_loop3A_411, %parallel_loop3A_423 : i32
      %parallel_loop3A_425 = arith.constant 0 : i32
      %parallel_loop3A_426 = arith.constant 1 : i32
      %parallel_loop3A_427 = arith.index_cast %parallel_loop3A_409 : i32 to index
      %parallel_loop3A_428 = arith.index_cast %parallel_loop3A_425 : i32 to index
      %parallel_loop3A_429 = arith.index_cast %parallel_loop3A_426 : i32 to index
      %parallel_loop3A_430 = arith.index_cast %parallel_loop3A_424 : i32 to index
      %parallel_loop3A_431 = tpu.vector_load %arg9[%parallel_loop3A_427, %parallel_loop3A_428, %parallel_loop3A_429, %parallel_loop3A_430] {strides = array<i32>} : memref<32x1x4x128xf32, #tpu.memory_space<vmem>>, vector<16xf32>,
      tpu.vector_store %arg9[%parallel_loop3A_427, %parallel_loop3A_428, %parallel_loop3A_429, %parallel_loop3A_430], %parallel_loop3A_422 {strides = array<i32>} : memref<32x1x4x128xf32, #tpu.memory_space<vmem>>, vector<16xf32>,
      %parallel_loop3A_432 = tpu.vector_load_idx %arg7[%parallel_loop3A_404, %broadcast_in_dim3A_13, %broadcast_in_dim3A_9, %parallel_loop3A_407] : memref<64x1x4x128xf32, #tpu.memory_space<vmem>>[vector<16xi32>, vector<16xi32>, vector<16xi32>, vector<16xi32>], vector<16xf32>,
      %parallel_loop3A_433 = arith.constant 16 : i32
      %parallel_loop3A_434 = arith.muli %parallel_loop3A_411, %parallel_loop3A_433 : i32
      %parallel_loop3A_435 = arith.constant 0 : i32
      %parallel_loop3A_436 = arith.constant 2 : i32
      %parallel_loop3A_437 = arith.index_cast %parallel_loop3A_409 : i32 to index
      %parallel_loop3A_438 = arith.index_cast %parallel_loop3A_435 : i32 to index
      %parallel_loop3A_439 = arith.index_cast %parallel_loop3A_436 : i32 to index
      %parallel_loop3A_440 = arith.index_cast %parallel_loop3A_434 : i32 to index
      %parallel_loop3A_441 = tpu.vector_load %arg9[%parallel_loop3A_437, %parallel_loop3A_438, %parallel_loop3A_439, %parallel_loop3A_440] {strides = array<i32>} : memref<32x1x4x128xf32, #tpu.memory_space<vmem>>, vector<16xf32>,
      tpu.vector_store %arg9[%parallel_loop3A_437, %parallel_loop3A_438, %parallel_loop3A_439, %parallel_loop3A_440], %parallel_loop3A_432 {strides = array<i32>} : memref<32x1x4x128xf32, #tpu.memory_space<vmem>>, vector<16xf32>,
      %parallel_loop3A_442 = tpu.vector_load_idx %arg7[%parallel_loop3A_404, %broadcast_in_dim3A_13, %broadcast_in_dim3A_11, %parallel_loop3A_407] : memref<64x1x4x128xf32, #tpu.memory_space<vmem>>[vector<16xi32>, vector<16xi32>, vector<16xi32>, vector<16xi32>], vector<16xf32>,
      %parallel_loop3A_443 = arith.constant 16 : i32
      %parallel_loop3A_444 = arith.muli %parallel_loop3A_411, %parallel_loop3A_443 : i32
      %parallel_loop3A_445 = arith.constant 0 : i32
      %parallel_loop3A_446 = arith.constant 3 : i32
      %parallel_loop3A_447 = arith.index_cast %parallel_loop3A_409 : i32 to index
      %parallel_loop3A_448 = arith.index_cast %parallel_loop3A_445 : i32 to index
      %parallel_loop3A_449 = arith.index_cast %parallel_loop3A_446 : i32 to index
      %parallel_loop3A_450 = arith.index_cast %parallel_loop3A_444 : i32 to index
      %parallel_loop3A_451 = tpu.vector_load %arg9[%parallel_loop3A_447, %parallel_loop3A_448, %parallel_loop3A_449, %parallel_loop3A_450] {strides = array<i32>} : memref<32x1x4x128xf32, #tpu.memory_space<vmem>>, vector<16xf32>,
      tpu.vector_store %arg9[%parallel_loop3A_447, %parallel_loop3A_448, %parallel_loop3A_449, %parallel_loop3A_450], %parallel_loop3A_442 {strides = array<i32>} : memref<32x1x4x128xf32, #tpu.memory_space<vmem>>, vector<16xf32>,
    } {sc.loop_unroll_factor = 4 : i64, sc.parallel_access}
    %shift_right_arithmetic3A_170 = arith.constant 1 : i32
    %shift_right_arithmetic3A_171 = arith.shrsi %add3A_107, %shift_right_arithmetic3A_170 : i32
    %and3A_172 = arith.constant 1 : i32
    %and3A_173 = arith.andi %add3A_107, %and3A_172 : i32
    %dma_start3A_174 = arith.constant 32 : i32
    %dma_start3A_175 = arith.constant 0 : i32
    %dma_start3A_176 = arith.constant 0 : i32
    %dma_start3A_177 = tpu.memref_slice %arg4[%shift_right_arithmetic3A_171, %dma_start3A_174, %and3A_173, %dma_start3A_175, %dma_start3A_176] : memref<512x64x2x4x128xf32, #tpu.memory_space<hbm>> -> memref<1x32x1x4x128xf32, #tpu.memory_space<hbm>>
    %dma_start3A_178 = tpu.memref_squeeze %dma_start3A_177 : memref<1x32x1x4x128xf32, #tpu.memory_space<hbm>> -> memref<32x1x4x128xf32, #tpu.memory_space<hbm>>
    %dma_start3A_179 = arith.constant 32 : i32
    %dma_start3A_180 = arith.constant 0 : i32
    %dma_start3A_181 = arith.constant 0 : i32
    %dma_start3A_182 = tpu.memref_slice %arg4[%shift_right_arithmetic3A_171, %dma_start3A_179, %and3A_173, %dma_start3A_180, %dma_start3A_181] : memref<512x64x2x4x128xf32, #tpu.memory_space<hbm>> -> memref<1x32x1x4x128xf32, #tpu.memory_space<hbm>>
    %dma_start3A_183 = tpu.memref_squeeze %dma_start3A_182 : memref<1x32x1x4x128xf32, #tpu.memory_space<hbm>> -> memref<32x1x4x128xf32, #tpu.memory_space<hbm>>
    tpu.enqueue_dma source(%arg9 : memref<32x1x4x128xf32, #tpu.memory_space<vmem>>) target(%dma_start3A_183 : memref<32x1x4x128xf32, #tpu.memory_space<hbm>>) target_semaphore(%arg13 : memref<!tpu.dma_semaphore, #tpu.memory_space<semaphore_mem>>)
    %add3A_184 = arith.constant 2 : i32
    %add3A_185 = arith.addi %add3A_107, %add3A_184 : i32
    %shift_right_arithmetic3A_186 = arith.constant 1 : i32
    %shift_right_arithmetic3A_187 = arith.shrsi %add3A_185, %shift_right_arithmetic3A_186 : i32
    %and3A_188 = arith.constant 1 : i32
    %and3A_189 = arith.andi %add3A_185, %and3A_188 : i32
    %dma_start3A_190 = arith.constant 0 : i32
    %dma_start3A_191 = arith.constant 0 : i32
    %dma_start3A_192 = arith.constant 0 : i32
    %dma_start3A_193 = tpu.memref_slice %arg2[%shift_right_arithmetic3A_187, %dma_start3A_190, %and3A_189, %dma_start3A_191, %dma_start3A_192] : memref<512x64x2x4x128xf32, #tpu.memory_space<hbm>> -> memref<1x64x1x4x128xf32, #tpu.memory_space<hbm>>
    %dma_start3A_194 = tpu.memref_squeeze %dma_start3A_193 : memref<1x64x1x4x128xf32, #tpu.memory_space<hbm>> -> memref<64x1x4x128xf32, #tpu.memory_space<hbm>>
    %dma_start3A_195 = arith.constant 0 : i32
    %dma_start3A_196 = arith.constant 0 : i32
    %dma_start3A_197 = arith.constant 0 : i32
    %dma_start3A_198 = tpu.memref_slice %arg2[%shift_right_arithmetic3A_187, %dma_start3A_195, %and3A_189, %dma_start3A_196, %dma_start3A_197] : memref<512x64x2x4x128xf32, #tpu.memory_space<hbm>> -> memref<1x64x1x4x128xf32, #tpu.memory_space<hbm>>
    %dma_start3A_199 = tpu.memref_squeeze %dma_start3A_198 : memref<1x64x1x4x128xf32, #tpu.memory_space<hbm>> -> memref<64x1x4x128xf32, #tpu.memory_space<hbm>>
    tpu.enqueue_dma source(%dma_start3A_199 : memref<64x1x4x128xf32, #tpu.memory_space<hbm>>) target(%arg7 : memref<64x1x4x128xf32, #tpu.memory_space<vmem>>) target_semaphore(%arg11 : memref<!tpu.dma_semaphore, #tpu.memory_space<semaphore_mem>>)
    %scan3A = arith.constant 0 : i32
    %scan3A_200 = arith.constant 14 : i32
    %scan3A_201 = arith.addi %scan3A, %scan3A_200 : i32
    %scan3A_202 = arith.constant 1 : i32
    scf.for %scan3A_395 = %scan3A to %scan3A_201 step %scan3A_202  : i32 {
      %mul3A_396 = arith.constant 2 : i32
      %mul3A_397 = arith.muli %scan3A_395, %mul3A_396 : i32
      %add3A_398 = arith.constant 2 : i32
      %add3A_399 = arith.addi %add3A_398, %mul3A_397 : i32
      %add3A_400 = arith.constant 0 : i32
      %add3A_401 = arith.addi %add3A_399, %add3A_400 : i32
      %add3A_402 = arith.addi %mul3A_2, %add3A_401 : i32
      %shift_right_arithmetic3A_403 = arith.constant 1 : i32
      %shift_right_arithmetic3A_404 = arith.shrsi %add3A_402, %shift_right_arithmetic3A_403 : i32
      %and3A_405 = arith.constant 1 : i32
      %and3A_406 = arith.andi %add3A_402, %and3A_405 : i32
      %dma_wait3A_407 = arith.constant 0 : i32
      %dma_wait3A_408 = arith.constant 0 : i32
      %dma_wait3A_409 = arith.constant 0 : i32
      %dma_wait3A_410 = tpu.memref_slice %arg2[%shift_right_arithmetic3A_404, %dma_wait3A_407, %and3A_406, %dma_wait3A_408, %dma_wait3A_409] : memref<512x64x2x4x128xf32, #tpu.memory_space<hbm>> -> memref<1x64x1x4x128xf32, #tpu.memory_space<hbm>>
      %dma_wait3A_411 = tpu.memref_squeeze %dma_wait3A_410 : memref<1x64x1x4x128xf32, #tpu.memory_space<hbm>> -> memref<64x1x4x128xf32, #tpu.memory_space<hbm>>
      %dma_wait3A_412 = arith.constant 0 : i32
      %dma_wait3A_413 = arith.constant 0 : i32
      %dma_wait3A_414 = arith.constant 0 : i32
      %dma_wait3A_415 = tpu.memref_slice %arg2[%shift_right_arithmetic3A_404, %dma_wait3A_412, %and3A_406, %dma_wait3A_413, %dma_wait3A_414] : memref<512x64x2x4x128xf32, #tpu.memory_space<hbm>> -> memref<1x64x1x4x128xf32, #tpu.memory_space<hbm>>
      %dma_wait3A_416 = tpu.memref_squeeze %dma_wait3A_415 : memref<1x64x1x4x128xf32, #tpu.memory_space<hbm>> -> memref<64x1x4x128xf32, #tpu.memory_space<hbm>>
      tpu.wait_dma2 semaphore(%arg10 : memref<!tpu.dma_semaphore, #tpu.memory_space<semaphore_mem>>) src(%dma_wait3A_416 : memref<64x1x4x128xf32, #tpu.memory_space<hbm>>) dst(%arg6 : memref<64x1x4x128xf32, #tpu.memory_space<vmem>>)
      %shift_right_arithmetic3A_417 = arith.constant 1 : i32
      %shift_right_arithmetic3A_418 = arith.shrsi %add3A_402, %shift_right_arithmetic3A_417 : i32
      %and3A_419 = arith.constant 1 : i32
      %and3A_420 = arith.andi %add3A_402, %and3A_419 : i32
      %dma_wait3A_421 = arith.constant 0 : i32
      %dma_wait3A_422 = arith.constant 0 : i32
      %dma_wait3A_423 = arith.constant 0 : i32
      %dma_wait3A_424 = tpu.memref_slice %arg4[%shift_right_arithmetic3A_418, %dma_wait3A_421, %and3A_420, %dma_wait3A_422, %dma_wait3A_423] : memref<512x64x2x4x128xf32, #tpu.memory_space<hbm>> -> memref<1x32x1x4x128xf32, #tpu.memory_space<hbm>>
      %dma_wait3A_425 = tpu.memref_squeeze %dma_wait3A_424 : memref<1x32x1x4x128xf32, #tpu.memory_space<hbm>> -> memref<32x1x4x128xf32, #tpu.memory_space<hbm>>
      %dma_wait3A_426 = arith.constant 0 : i32
      %dma_wait3A_427 = arith.constant 0 : i32
      %dma_wait3A_428 = arith.constant 0 : i32
      %dma_wait3A_429 = tpu.memref_slice %arg4[%shift_right_arithmetic3A_418, %dma_wait3A_426, %and3A_420, %dma_wait3A_427, %dma_wait3A_428] : memref<512x64x2x4x128xf32, #tpu.memory_space<hbm>> -> memref<1x32x1x4x128xf32, #tpu.memory_space<hbm>>
      %dma_wait3A_430 = tpu.memref_squeeze %dma_wait3A_429 : memref<1x32x1x4x128xf32, #tpu.memory_space<hbm>> -> memref<32x1x4x128xf32, #tpu.memory_space<hbm>>
      tpu.wait_dma2 semaphore(%arg12 : memref<!tpu.dma_semaphore, #tpu.memory_space<semaphore_mem>>) src(%arg8 : memref<32x1x4x128xf32, #tpu.memory_space<vmem>>) dst(%dma_wait3A_430 : memref<32x1x4x128xf32, #tpu.memory_space<hbm>>)
      %parallel_loop3A_431 = arith.constant 0 : i32
      %parallel_loop3A_432 = arith.constant 256 : i32
      %parallel_loop3A_433 = arith.constant 1 : i32
      scf.for %parallel_loop3A_590 = %parallel_loop3A_431 to %parallel_loop3A_432 step %parallel_loop3A_433  : i32 {
        %parallel_loop3A_591 = arith.constant 0 : i32
        %parallel_loop3A_592 = arith.addi %parallel_loop3A_591, %parallel_loop3A_590 : i32
        %parallel_loop3A_593 = arith.constant 16 : i32
        %parallel_loop3A_594 = arith.muli %parallel_loop3A_592, %parallel_loop3A_593 : i32
        %parallel_loop3A_595 = arith.index_cast %parallel_loop3A_594 : i32 to index
        %parallel_loop3A_596 = tpu.vector_load %arg5[%parallel_loop3A_595] {strides = array<i32>} : memref<8192xi32, #tpu.memory_space<vmem>>, vector<16xi32>,
        %parallel_loop3A_597 = arith.constant 16 : i32
        %parallel_loop3A_598 = vector.broadcast %parallel_loop3A_597 : i32 to vector<16xi32>
        %parallel_loop3A_599 = arith.shrsi %parallel_loop3A_596, %parallel_loop3A_598 : vector<16xi32>
        %parallel_loop3A_600 = arith.constant 65535 : i32
        %parallel_loop3A_601 = vector.broadcast %parallel_loop3A_600 : i32 to vector<16xi32>
        %parallel_loop3A_602 = arith.andi %parallel_loop3A_596, %parallel_loop3A_601 : vector<16xi32>
        %parallel_loop3A_603 = arith.constant 3 : i32
        %parallel_loop3A_604 = arith.shrsi %parallel_loop3A_590, %parallel_loop3A_603 : i32
        %parallel_loop3A_605 = arith.constant 7 : i32
        %parallel_loop3A_606 = arith.andi %parallel_loop3A_590, %parallel_loop3A_605 : i32
        %parallel_loop3A_607 = tpu.vector_load_idx %arg6[%parallel_loop3A_599, %broadcast_in_dim3A_13, %broadcast_in_dim3A_5, %parallel_loop3A_602] : memref<64x1x4x128xf32, #tpu.memory_space<vmem>>[vector<16xi32>, vector<16xi32>, vector<16xi32>, vector<16xi32>], vector<16xf32>,
        %parallel_loop3A_608 = arith.constant 16 : i32
        %parallel_loop3A_609 = arith.muli %parallel_loop3A_606, %parallel_loop3A_608 : i32
        %parallel_loop3A_610 = arith.constant 0 : i32
        %parallel_loop3A_611 = arith.constant 0 : i32
        %parallel_loop3A_612 = arith.index_cast %parallel_loop3A_604 : i32 to index
        %parallel_loop3A_613 = arith.index_cast %parallel_loop3A_610 : i32 to index
        %parallel_loop3A_614 = arith.index_cast %parallel_loop3A_611 : i32 to index
        %parallel_loop3A_615 = arith.index_cast %parallel_loop3A_609 : i32 to index
        %parallel_loop3A_616 = tpu.vector_load %arg8[%parallel_loop3A_612, %parallel_loop3A_613, %parallel_loop3A_614, %parallel_loop3A_615] {strides = array<i32>} : memref<32x1x4x128xf32, #tpu.memory_space<vmem>>, vector<16xf32>,
        tpu.vector_store %arg8[%parallel_loop3A_612, %parallel_loop3A_613, %parallel_loop3A_614, %parallel_loop3A_615], %parallel_loop3A_607 {strides = array<i32>} : memref<32x1x4x128xf32, #tpu.memory_space<vmem>>, vector<16xf32>,
        %parallel_loop3A_617 = tpu.vector_load_idx %arg6[%parallel_loop3A_599, %broadcast_in_dim3A_13, %broadcast_in_dim3A_7, %parallel_loop3A_602] : memref<64x1x4x128xf32, #tpu.memory_space<vmem>>[vector<16xi32>, vector<16xi32>, vector<16xi32>, vector<16xi32>], vector<16xf32>,
        %parallel_loop3A_618 = arith.constant 16 : i32
        %parallel_loop3A_619 = arith.muli %parallel_loop3A_606, %parallel_loop3A_618 : i32
        %parallel_loop3A_620 = arith.constant 0 : i32
        %parallel_loop3A_621 = arith.constant 1 : i32
        %parallel_loop3A_622 = arith.index_cast %parallel_loop3A_604 : i32 to index
        %parallel_loop3A_623 = arith.index_cast %parallel_loop3A_620 : i32 to index
        %parallel_loop3A_624 = arith.index_cast %parallel_loop3A_621 : i32 to index
        %parallel_loop3A_625 = arith.index_cast %parallel_loop3A_619 : i32 to index
        %parallel_loop3A_626 = tpu.vector_load %arg8[%parallel_loop3A_622, %parallel_loop3A_623, %parallel_loop3A_624, %parallel_loop3A_625] {strides = array<i32>} : memref<32x1x4x128xf32, #tpu.memory_space<vmem>>, vector<16xf32>,
        tpu.vector_store %arg8[%parallel_loop3A_622, %parallel_loop3A_623, %parallel_loop3A_624, %parallel_loop3A_625], %parallel_loop3A_617 {strides = array<i32>} : memref<32x1x4x128xf32, #tpu.memory_space<vmem>>, vector<16xf32>,
        %parallel_loop3A_627 = tpu.vector_load_idx %arg6[%parallel_loop3A_599, %broadcast_in_dim3A_13, %broadcast_in_dim3A_9, %parallel_loop3A_602] : memref<64x1x4x128xf32, #tpu.memory_space<vmem>>[vector<16xi32>, vector<16xi32>, vector<16xi32>, vector<16xi32>], vector<16xf32>,
        %parallel_loop3A_628 = arith.constant 16 : i32
        %parallel_loop3A_629 = arith.muli %parallel_loop3A_606, %parallel_loop3A_628 : i32
        %parallel_loop3A_630 = arith.constant 0 : i32
        %parallel_loop3A_631 = arith.constant 2 : i32
        %parallel_loop3A_632 = arith.index_cast %parallel_loop3A_604 : i32 to index
        %parallel_loop3A_633 = arith.index_cast %parallel_loop3A_630 : i32 to index
        %parallel_loop3A_634 = arith.index_cast %parallel_loop3A_631 : i32 to index
        %parallel_loop3A_635 = arith.index_cast %parallel_loop3A_629 : i32 to index
        %parallel_loop3A_636 = tpu.vector_load %arg8[%parallel_loop3A_632, %parallel_loop3A_633, %parallel_loop3A_634, %parallel_loop3A_635] {strides = array<i32>} : memref<32x1x4x128xf32, #tpu.memory_space<vmem>>, vector<16xf32>,
        tpu.vector_store %arg8[%parallel_loop3A_632, %parallel_loop3A_633, %parallel_loop3A_634, %parallel_loop3A_635], %parallel_loop3A_627 {strides = array<i32>} : memref<32x1x4x128xf32, #tpu.memory_space<vmem>>, vector<16xf32>,
        %parallel_loop3A_637 = tpu.vector_load_idx %arg6[%parallel_loop3A_599, %broadcast_in_dim3A_13, %broadcast_in_dim3A_11, %parallel_loop3A_602] : memref<64x1x4x128xf32, #tpu.memory_space<vmem>>[vector<16xi32>, vector<16xi32>, vector<16xi32>, vector<16xi32>], vector<16xf32>,
        %parallel_loop3A_638 = arith.constant 16 : i32
        %parallel_loop3A_639 = arith.muli %parallel_loop3A_606, %parallel_loop3A_638 : i32
        %parallel_loop3A_640 = arith.constant 0 : i32
        %parallel_loop3A_641 = arith.constant 3 : i32
        %parallel_loop3A_642 = arith.index_cast %parallel_loop3A_604 : i32 to index
        %parallel_loop3A_643 = arith.index_cast %parallel_loop3A_640 : i32 to index
        %parallel_loop3A_644 = arith.index_cast %parallel_loop3A_641 : i32 to index
        %parallel_loop3A_645 = arith.index_cast %parallel_loop3A_639 : i32 to index
        %parallel_loop3A_646 = tpu.vector_load %arg8[%parallel_loop3A_642, %parallel_loop3A_643, %parallel_loop3A_644, %parallel_loop3A_645] {strides = array<i32>} : memref<32x1x4x128xf32, #tpu.memory_space<vmem>>, vector<16xf32>,
        tpu.vector_store %arg8[%parallel_loop3A_642, %parallel_loop3A_643, %parallel_loop3A_644, %parallel_loop3A_645], %parallel_loop3A_637 {strides = array<i32>} : memref<32x1x4x128xf32, #tpu.memory_space<vmem>>, vector<16xf32>,
      } {sc.loop_unroll_factor = 4 : i64, sc.parallel_access}
      %shift_right_arithmetic3A_434 = arith.constant 1 : i32
      %shift_right_arithmetic3A_435 = arith.shrsi %add3A_402, %shift_right_arithmetic3A_434 : i32
      %and3A_436 = arith.constant 1 : i32
      %and3A_437 = arith.andi %add3A_402, %and3A_436 : i32
      %dma_start3A_438 = arith.constant 0 : i32
      %dma_start3A_439 = arith.constant 0 : i32
      %dma_start3A_440 = arith.constant 0 : i32
      %dma_start3A_441 = tpu.memref_slice %arg4[%shift_right_arithmetic3A_435, %dma_start3A_438, %and3A_437, %dma_start3A_439, %dma_start3A_440] : memref<512x64x2x4x128xf32, #tpu.memory_space<hbm>> -> memref<1x32x1x4x128xf32, #tpu.memory_space<hbm>>
      %dma_start3A_442 = tpu.memref_squeeze %dma_start3A_441 : memref<1x32x1x4x128xf32, #tpu.memory_space<hbm>> -> memref<32x1x4x128xf32, #tpu.memory_space<hbm>>
      %dma_start3A_443 = arith.constant 0 : i32
      %dma_start3A_444 = arith.constant 0 : i32
      %dma_start3A_445 = arith.constant 0 : i32
      %dma_start3A_446 = tpu.memref_slice %arg4[%shift_right_arithmetic3A_435, %dma_start3A_443, %and3A_437, %dma_start3A_444, %dma_start3A_445] : memref<512x64x2x4x128xf32, #tpu.memory_space<hbm>> -> memref<1x32x1x4x128xf32, #tpu.memory_space<hbm>>
      %dma_start3A_447 = tpu.memref_squeeze %dma_start3A_446 : memref<1x32x1x4x128xf32, #tpu.memory_space<hbm>> -> memref<32x1x4x128xf32, #tpu.memory_space<hbm>>
      tpu.enqueue_dma source(%arg8 : memref<32x1x4x128xf32, #tpu.memory_space<vmem>>) target(%dma_start3A_447 : memref<32x1x4x128xf32, #tpu.memory_space<hbm>>) target_semaphore(%arg12 : memref<!tpu.dma_semaphore, #tpu.memory_space<semaphore_mem>>)
      %shift_right_arithmetic3A_448 = arith.constant 1 : i32
      %shift_right_arithmetic3A_449 = arith.shrsi %add3A_402, %shift_right_arithmetic3A_448 : i32
      %and3A_450 = arith.constant 1 : i32
      %and3A_451 = arith.andi %add3A_402, %and3A_450 : i32
      %dma_wait3A_452 = arith.constant 32 : i32
      %dma_wait3A_453 = arith.constant 0 : i32
      %dma_wait3A_454 = arith.constant 0 : i32
      %dma_wait3A_455 = tpu.memref_slice %arg4[%shift_right_arithmetic3A_449, %dma_wait3A_452, %and3A_451, %dma_wait3A_453, %dma_wait3A_454] : memref<512x64x2x4x128xf32, #tpu.memory_space<hbm>> -> memref<1x32x1x4x128xf32, #tpu.memory_space<hbm>>
      %dma_wait3A_456 = tpu.memref_squeeze %dma_wait3A_455 : memref<1x32x1x4x128xf32, #tpu.memory_space<hbm>> -> memref<32x1x4x128xf32, #tpu.memory_space<hbm>>
      %dma_wait3A_457 = arith.constant 32 : i32
      %dma_wait3A_458 = arith.constant 0 : i32
      %dma_wait3A_459 = arith.constant 0 : i32
      %dma_wait3A_460 = tpu.memref_slice %arg4[%shift_right_arithmetic3A_449, %dma_wait3A_457, %and3A_451, %dma_wait3A_458, %dma_wait3A_459] : memref<512x64x2x4x128xf32, #tpu.memory_space<hbm>> -> memref<1x32x1x4x128xf32, #tpu.memory_space<hbm>>
      %dma_wait3A_461 = tpu.memref_squeeze %dma_wait3A_460 : memref<1x32x1x4x128xf32, #tpu.memory_space<hbm>> -> memref<32x1x4x128xf32, #tpu.memory_space<hbm>>
      tpu.wait_dma2 semaphore(%arg13 : memref<!tpu.dma_semaphore, #tpu.memory_space<semaphore_mem>>) src(%arg9 : memref<32x1x4x128xf32, #tpu.memory_space<vmem>>) dst(%dma_wait3A_461 : memref<32x1x4x128xf32, #tpu.memory_space<hbm>>)
      %parallel_loop3A_462 = arith.constant 0 : i32
      %parallel_loop3A_463 = arith.constant 256 : i32
      %parallel_loop3A_464 = arith.constant 1 : i32
      scf.for %parallel_loop3A_590 = %parallel_loop3A_462 to %parallel_loop3A_463 step %parallel_loop3A_464  : i32 {
        %parallel_loop3A_591 = arith.constant 256 : i32
        %parallel_loop3A_592 = arith.addi %parallel_loop3A_591, %parallel_loop3A_590 : i32
        %parallel_loop3A_593 = arith.constant 16 : i32
        %parallel_loop3A_594 = arith.muli %parallel_loop3A_592, %parallel_loop3A_593 : i32
        %parallel_loop3A_595 = arith.index_cast %parallel_loop3A_594 : i32 to index
        %parallel_loop3A_596 = tpu.vector_load %arg5[%parallel_loop3A_595] {strides = array<i32>} : memref<8192xi32, #tpu.memory_space<vmem>>, vector<16xi32>,
        %parallel_loop3A_597 = arith.constant 16 : i32
        %parallel_loop3A_598 = vector.broadcast %parallel_loop3A_597 : i32 to vector<16xi32>
        %parallel_loop3A_599 = arith.shrsi %parallel_loop3A_596, %parallel_loop3A_598 : vector<16xi32>
        %parallel_loop3A_600 = arith.constant 65535 : i32
        %parallel_loop3A_601 = vector.broadcast %parallel_loop3A_600 : i32 to vector<16xi32>
        %parallel_loop3A_602 = arith.andi %parallel_loop3A_596, %parallel_loop3A_601 : vector<16xi32>
        %parallel_loop3A_603 = arith.constant 3 : i32
        %parallel_loop3A_604 = arith.shrsi %parallel_loop3A_590, %parallel_loop3A_603 : i32
        %parallel_loop3A_605 = arith.constant 7 : i32
        %parallel_loop3A_606 = arith.andi %parallel_loop3A_590, %parallel_loop3A_605 : i32
        %parallel_loop3A_607 = tpu.vector_load_idx %arg6[%parallel_loop3A_599, %broadcast_in_dim3A_13, %broadcast_in_dim3A_5, %parallel_loop3A_602] : memref<64x1x4x128xf32, #tpu.memory_space<vmem>>[vector<16xi32>, vector<16xi32>, vector<16xi32>, vector<16xi32>], vector<16xf32>,
        %parallel_loop3A_608 = arith.constant 16 : i32
        %parallel_loop3A_609 = arith.muli %parallel_loop3A_606, %parallel_loop3A_608 : i32
        %parallel_loop3A_610 = arith.constant 0 : i32
        %parallel_loop3A_611 = arith.constant 0 : i32
        %parallel_loop3A_612 = arith.index_cast %parallel_loop3A_604 : i32 to index
        %parallel_loop3A_613 = arith.index_cast %parallel_loop3A_610 : i32 to index
        %parallel_loop3A_614 = arith.index_cast %parallel_loop3A_611 : i32 to index
        %parallel_loop3A_615 = arith.index_cast %parallel_loop3A_609 : i32 to index
        %parallel_loop3A_616 = tpu.vector_load %arg9[%parallel_loop3A_612, %parallel_loop3A_613, %parallel_loop3A_614, %parallel_loop3A_615] {strides = array<i32>} : memref<32x1x4x128xf32, #tpu.memory_space<vmem>>, vector<16xf32>,
        tpu.vector_store %arg9[%parallel_loop3A_612, %parallel_loop3A_613, %parallel_loop3A_614, %parallel_loop3A_615], %parallel_loop3A_607 {strides = array<i32>} : memref<32x1x4x128xf32, #tpu.memory_space<vmem>>, vector<16xf32>,
        %parallel_loop3A_617 = tpu.vector_load_idx %arg6[%parallel_loop3A_599, %broadcast_in_dim3A_13, %broadcast_in_dim3A_7, %parallel_loop3A_602] : memref<64x1x4x128xf32, #tpu.memory_space<vmem>>[vector<16xi32>, vector<16xi32>, vector<16xi32>, vector<16xi32>], vector<16xf32>,
        %parallel_loop3A_618 = arith.constant 16 : i32
        %parallel_loop3A_619 = arith.muli %parallel_loop3A_606, %parallel_loop3A_618 : i32
        %parallel_loop3A_620 = arith.constant 0 : i32
        %parallel_loop3A_621 = arith.constant 1 : i32
        %parallel_loop3A_622 = arith.index_cast %parallel_loop3A_604 : i32 to index
        %parallel_loop3A_623 = arith.index_cast %parallel_loop3A_620 : i32 to index
        %parallel_loop3A_624 = arith.index_cast %parallel_loop3A_621 : i32 to index
        %parallel_loop3A_625 = arith.index_cast %parallel_loop3A_619 : i32 to index
        %parallel_loop3A_626 = tpu.vector_load %arg9[%parallel_loop3A_622, %parallel_loop3A_623, %parallel_loop3A_624, %parallel_loop3A_625] {strides = array<i32>} : memref<32x1x4x128xf32, #tpu.memory_space<vmem>>, vector<16xf32>,
        tpu.vector_store %arg9[%parallel_loop3A_622, %parallel_loop3A_623, %parallel_loop3A_624, %parallel_loop3A_625], %parallel_loop3A_617 {strides = array<i32>} : memref<32x1x4x128xf32, #tpu.memory_space<vmem>>, vector<16xf32>,
        %parallel_loop3A_627 = tpu.vector_load_idx %arg6[%parallel_loop3A_599, %broadcast_in_dim3A_13, %broadcast_in_dim3A_9, %parallel_loop3A_602] : memref<64x1x4x128xf32, #tpu.memory_space<vmem>>[vector<16xi32>, vector<16xi32>, vector<16xi32>, vector<16xi32>], vector<16xf32>,
        %parallel_loop3A_628 = arith.constant 16 : i32
        %parallel_loop3A_629 = arith.muli %parallel_loop3A_606, %parallel_loop3A_628 : i32
        %parallel_loop3A_630 = arith.constant 0 : i32
        %parallel_loop3A_631 = arith.constant 2 : i32
        %parallel_loop3A_632 = arith.index_cast %parallel_loop3A_604 : i32 to index
        %parallel_loop3A_633 = arith.index_cast %parallel_loop3A_630 : i32 to index
        %parallel_loop3A_634 = arith.index_cast %parallel_loop3A_631 : i32 to index
        %parallel_loop3A_635 = arith.index_cast %parallel_loop3A_629 : i32 to index
        %parallel_loop3A_636 = tpu.vector_load %arg9[%parallel_loop3A_632, %parallel_loop3A_633, %parallel_loop3A_634, %parallel_loop3A_635] {strides = array<i32>} : memref<32x1x4x128xf32, #tpu.memory_space<vmem>>, vector<16xf32>,
        tpu.vector_store %arg9[%parallel_loop3A_632, %parallel_loop3A_633, %parallel_loop3A_634, %parallel_loop3A_635], %parallel_loop3A_627 {strides = array<i32>} : memref<32x1x4x128xf32, #tpu.memory_space<vmem>>, vector<16xf32>,
        %parallel_loop3A_637 = tpu.vector_load_idx %arg6[%parallel_loop3A_599, %broadcast_in_dim3A_13, %broadcast_in_dim3A_11, %parallel_loop3A_602] : memref<64x1x4x128xf32, #tpu.memory_space<vmem>>[vector<16xi32>, vector<16xi32>, vector<16xi32>, vector<16xi32>], vector<16xf32>,
        %parallel_loop3A_638 = arith.constant 16 : i32
        %parallel_loop3A_639 = arith.muli %parallel_loop3A_606, %parallel_loop3A_638 : i32
        %parallel_loop3A_640 = arith.constant 0 : i32
        %parallel_loop3A_641 = arith.constant 3 : i32
        %parallel_loop3A_642 = arith.index_cast %parallel_loop3A_604 : i32 to index
        %parallel_loop3A_643 = arith.index_cast %parallel_loop3A_640 : i32 to index
        %parallel_loop3A_644 = arith.index_cast %parallel_loop3A_641 : i32 to index
        %parallel_loop3A_645 = arith.index_cast %parallel_loop3A_639 : i32 to index
        %parallel_loop3A_646 = tpu.vector_load %arg9[%parallel_loop3A_642, %parallel_loop3A_643, %parallel_loop3A_644, %parallel_loop3A_645] {strides = array<i32>} : memref<32x1x4x128xf32, #tpu.memory_space<vmem>>, vector<16xf32>,
        tpu.vector_store %arg9[%parallel_loop3A_642, %parallel_loop3A_643, %parallel_loop3A_644, %parallel_loop3A_645], %parallel_loop3A_637 {strides = array<i32>} : memref<32x1x4x128xf32, #tpu.memory_space<vmem>>, vector<16xf32>,
      } {sc.loop_unroll_factor = 4 : i64, sc.parallel_access}
      %shift_right_arithmetic3A_465 = arith.constant 1 : i32
      %shift_right_arithmetic3A_466 = arith.shrsi %add3A_402, %shift_right_arithmetic3A_465 : i32
      %and3A_467 = arith.constant 1 : i32
      %and3A_468 = arith.andi %add3A_402, %and3A_467 : i32
      %dma_start3A_469 = arith.constant 32 : i32
      %dma_start3A_470 = arith.constant 0 : i32
      %dma_start3A_471 = arith.constant 0 : i32
      %dma_start3A_472 = tpu.memref_slice %arg4[%shift_right_arithmetic3A_466, %dma_start3A_469, %and3A_468, %dma_start3A_470, %dma_start3A_471] : memref<512x64x2x4x128xf32, #tpu.memory_space<hbm>> -> memref<1x32x1x4x128xf32, #tpu.memory_space<hbm>>
      %dma_start3A_473 = tpu.memref_squeeze %dma_start3A_472 : memref<1x32x1x4x128xf32, #tpu.memory_space<hbm>> -> memref<32x1x4x128xf32, #tpu.memory_space<hbm>>
      %dma_start3A_474 = arith.constant 32 : i32
      %dma_start3A_475 = arith.constant 0 : i32
      %dma_start3A_476 = arith.constant 0 : i32
      %dma_start3A_477 = tpu.memref_slice %arg4[%shift_right_arithmetic3A_466, %dma_start3A_474, %and3A_468, %dma_start3A_475, %dma_start3A_476] : memref<512x64x2x4x128xf32, #tpu.memory_space<hbm>> -> memref<1x32x1x4x128xf32, #tpu.memory_space<hbm>>
      %dma_start3A_478 = tpu.memref_squeeze %dma_start3A_477 : memref<1x32x1x4x128xf32, #tpu.memory_space<hbm>> -> memref<32x1x4x128xf32, #tpu.memory_space<hbm>>
      tpu.enqueue_dma source(%arg9 : memref<32x1x4x128xf32, #tpu.memory_space<vmem>>) target(%dma_start3A_478 : memref<32x1x4x128xf32, #tpu.memory_space<hbm>>) target_semaphore(%arg13 : memref<!tpu.dma_semaphore, #tpu.memory_space<semaphore_mem>>)
      %add3A_479 = arith.constant 2 : i32
      %add3A_480 = arith.addi %add3A_402, %add3A_479 : i32
      %shift_right_arithmetic3A_481 = arith.constant 1 : i32
      %shift_right_arithmetic3A_482 = arith.shrsi %add3A_480, %shift_right_arithmetic3A_481 : i32
      %and3A_483 = arith.constant 1 : i32
      %and3A_484 = arith.andi %add3A_480, %and3A_483 : i32
      %dma_start3A_485 = arith.constant 0 : i32
      %dma_start3A_486 = arith.constant 0 : i32
      %dma_start3A_487 = arith.constant 0 : i32
      %dma_start3A_488 = tpu.memref_slice %arg2[%shift_right_arithmetic3A_482, %dma_start3A_485, %and3A_484, %dma_start3A_486, %dma_start3A_487] : memref<512x64x2x4x128xf32, #tpu.memory_space<hbm>> -> memref<1x64x1x4x128xf32, #tpu.memory_space<hbm>>
      %dma_start3A_489 = tpu.memref_squeeze %dma_start3A_488 : memref<1x64x1x4x128xf32, #tpu.memory_space<hbm>> -> memref<64x1x4x128xf32, #tpu.memory_space<hbm>>
      %dma_start3A_490 = arith.constant 0 : i32
      %dma_start3A_491 = arith.constant 0 : i32
      %dma_start3A_492 = arith.constant 0 : i32
      %dma_start3A_493 = tpu.memref_slice %arg2[%shift_right_arithmetic3A_482, %dma_start3A_490, %and3A_484, %dma_start3A_491, %dma_start3A_492] : memref<512x64x2x4x128xf32, #tpu.memory_space<hbm>> -> memref<1x64x1x4x128xf32, #tpu.memory_space<hbm>>
      %dma_start3A_494 = tpu.memref_squeeze %dma_start3A_493 : memref<1x64x1x4x128xf32, #tpu.memory_space<hbm>> -> memref<64x1x4x128xf32, #tpu.memory_space<hbm>>
      tpu.enqueue_dma source(%dma_start3A_494 : memref<64x1x4x128xf32, #tpu.memory_space<hbm>>) target(%arg6 : memref<64x1x4x128xf32, #tpu.memory_space<vmem>>) target_semaphore(%arg10 : memref<!tpu.dma_semaphore, #tpu.memory_space<semaphore_mem>>)
      %add3A_495 = arith.constant 1 : i32
      %add3A_496 = arith.addi %add3A_399, %add3A_495 : i32
      %add3A_497 = arith.addi %mul3A_2, %add3A_496 : i32
      %shift_right_arithmetic3A_498 = arith.constant 1 : i32
      %shift_right_arithmetic3A_499 = arith.shrsi %add3A_497, %shift_right_arithmetic3A_498 : i32
      %and3A_500 = arith.constant 1 : i32
      %and3A_501 = arith.andi %add3A_497, %and3A_500 : i32
      %dma_wait3A_502 = arith.constant 0 : i32
      %dma_wait3A_503 = arith.constant 0 : i32
      %dma_wait3A_504 = arith.constant 0 : i32
      %dma_wait3A_505 = tpu.memref_slice %arg2[%shift_right_arithmetic3A_499, %dma_wait3A_502, %and3A_501, %dma_wait3A_503, %dma_wait3A_504] : memref<512x64x2x4x128xf32, #tpu.memory_space<hbm>> -> memref<1x64x1x4x128xf32, #tpu.memory_space<hbm>>
      %dma_wait3A_506 = tpu.memref_squeeze %dma_wait3A_505 : memref<1x64x1x4x128xf32, #tpu.memory_space<hbm>> -> memref<64x1x4x128xf32, #tpu.memory_space<hbm>>
      %dma_wait3A_507 = arith.constant 0 : i32
      %dma_wait3A_508 = arith.constant 0 : i32
      %dma_wait3A_509 = arith.constant 0 : i32
      %dma_wait3A_510 = tpu.memref_slice %arg2[%shift_right_arithmetic3A_499, %dma_wait3A_507, %and3A_501, %dma_wait3A_508, %dma_wait3A_509] : memref<512x64x2x4x128xf32, #tpu.memory_space<hbm>> -> memref<1x64x1x4x128xf32, #tpu.memory_space<hbm>>
      %dma_wait3A_511 = tpu.memref_squeeze %dma_wait3A_510 : memref<1x64x1x4x128xf32, #tpu.memory_space<hbm>> -> memref<64x1x4x128xf32, #tpu.memory_space<hbm>>
      tpu.wait_dma2 semaphore(%arg11 : memref<!tpu.dma_semaphore, #tpu.memory_space<semaphore_mem>>) src(%dma_wait3A_511 : memref<64x1x4x128xf32, #tpu.memory_space<hbm>>) dst(%arg7 : memref<64x1x4x128xf32, #tpu.memory_space<vmem>>)
      %shift_right_arithmetic3A_512 = arith.constant 1 : i32
      %shift_right_arithmetic3A_513 = arith.shrsi %add3A_497, %shift_right_arithmetic3A_512 : i32
      %and3A_514 = arith.constant 1 : i32
      %and3A_515 = arith.andi %add3A_497, %and3A_514 : i32
      %dma_wait3A_516 = arith.constant 0 : i32
      %dma_wait3A_517 = arith.constant 0 : i32
      %dma_wait3A_518 = arith.constant 0 : i32
      %dma_wait3A_519 = tpu.memref_slice %arg4[%shift_right_arithmetic3A_513, %dma_wait3A_516, %and3A_515, %dma_wait3A_517, %dma_wait3A_518] : memref<512x64x2x4x128xf32, #tpu.memory_space<hbm>> -> memref<1x32x1x4x128xf32, #tpu.memory_space<hbm>>
      %dma_wait3A_520 = tpu.memref_squeeze %dma_wait3A_519 : memref<1x32x1x4x128xf32, #tpu.memory_space<hbm>> -> memref<32x1x4x128xf32, #tpu.memory_space<hbm>>
      %dma_wait3A_521 = arith.constant 0 : i32
      %dma_wait3A_522 = arith.constant 0 : i32
      %dma_wait3A_523 = arith.constant 0 : i32
      %dma_wait3A_524 = tpu.memref_slice %arg4[%shift_right_arithmetic3A_513, %dma_wait3A_521, %and3A_515, %dma_wait3A_522, %dma_wait3A_523] : memref<512x64x2x4x128xf32, #tpu.memory_space<hbm>> -> memref<1x32x1x4x128xf32, #tpu.memory_space<hbm>>
      %dma_wait3A_525 = tpu.memref_squeeze %dma_wait3A_524 : memref<1x32x1x4x128xf32, #tpu.memory_space<hbm>> -> memref<32x1x4x128xf32, #tpu.memory_space<hbm>>
      tpu.wait_dma2 semaphore(%arg12 : memref<!tpu.dma_semaphore, #tpu.memory_space<semaphore_mem>>) src(%arg8 : memref<32x1x4x128xf32, #tpu.memory_space<vmem>>) dst(%dma_wait3A_525 : memref<32x1x4x128xf32, #tpu.memory_space<hbm>>)
      %parallel_loop3A_526 = arith.constant 0 : i32
      %parallel_loop3A_527 = arith.constant 256 : i32
      %parallel_loop3A_528 = arith.constant 1 : i32
      scf.for %parallel_loop3A_590 = %parallel_loop3A_526 to %parallel_loop3A_527 step %parallel_loop3A_528  : i32 {
        %parallel_loop3A_591 = arith.constant 0 : i32
        %parallel_loop3A_592 = arith.addi %parallel_loop3A_591, %parallel_loop3A_590 : i32
        %parallel_loop3A_593 = arith.constant 16 : i32
        %parallel_loop3A_594 = arith.muli %parallel_loop3A_592, %parallel_loop3A_593 : i32
        %parallel_loop3A_595 = arith.index_cast %parallel_loop3A_594 : i32 to index
        %parallel_loop3A_596 = tpu.vector_load %arg5[%parallel_loop3A_595] {strides = array<i32>} : memref<8192xi32, #tpu.memory_space<vmem>>, vector<16xi32>,
        %parallel_loop3A_597 = arith.constant 16 : i32
        %parallel_loop3A_598 = vector.broadcast %parallel_loop3A_597 : i32 to vector<16xi32>
        %parallel_loop3A_599 = arith.shrsi %parallel_loop3A_596, %parallel_loop3A_598 : vector<16xi32>
        %parallel_loop3A_600 = arith.constant 65535 : i32
        %parallel_loop3A_601 = vector.broadcast %parallel_loop3A_600 : i32 to vector<16xi32>
        %parallel_loop3A_602 = arith.andi %parallel_loop3A_596, %parallel_loop3A_601 : vector<16xi32>
        %parallel_loop3A_603 = arith.constant 3 : i32
        %parallel_loop3A_604 = arith.shrsi %parallel_loop3A_590, %parallel_loop3A_603 : i32
        %parallel_loop3A_605 = arith.constant 7 : i32
        %parallel_loop3A_606 = arith.andi %parallel_loop3A_590, %parallel_loop3A_605 : i32
        %parallel_loop3A_607 = tpu.vector_load_idx %arg7[%parallel_loop3A_599, %broadcast_in_dim3A_13, %broadcast_in_dim3A_5, %parallel_loop3A_602] : memref<64x1x4x128xf32, #tpu.memory_space<vmem>>[vector<16xi32>, vector<16xi32>, vector<16xi32>, vector<16xi32>], vector<16xf32>,
        %parallel_loop3A_608 = arith.constant 16 : i32
        %parallel_loop3A_609 = arith.muli %parallel_loop3A_606, %parallel_loop3A_608 : i32
        %parallel_loop3A_610 = arith.constant 0 : i32
        %parallel_loop3A_611 = arith.constant 0 : i32
        %parallel_loop3A_612 = arith.index_cast %parallel_loop3A_604 : i32 to index
        %parallel_loop3A_613 = arith.index_cast %parallel_loop3A_610 : i32 to index
        %parallel_loop3A_614 = arith.index_cast %parallel_loop3A_611 : i32 to index
        %parallel_loop3A_615 = arith.index_cast %parallel_loop3A_609 : i32 to index
        %parallel_loop3A_616 = tpu.vector_load %arg8[%parallel_loop3A_612, %parallel_loop3A_613, %parallel_loop3A_614, %parallel_loop3A_615] {strides = array<i32>} : memref<32x1x4x128xf32, #tpu.memory_space<vmem>>, vector<16xf32>,
        tpu.vector_store %arg8[%parallel_loop3A_612, %parallel_loop3A_613, %parallel_loop3A_614, %parallel_loop3A_615], %parallel_loop3A_607 {strides = array<i32>} : memref<32x1x4x128xf32, #tpu.memory_space<vmem>>, vector<16xf32>,
        %parallel_loop3A_617 = tpu.vector_load_idx %arg7[%parallel_loop3A_599, %broadcast_in_dim3A_13, %broadcast_in_dim3A_7, %parallel_loop3A_602] : memref<64x1x4x128xf32, #tpu.memory_space<vmem>>[vector<16xi32>, vector<16xi32>, vector<16xi32>, vector<16xi32>], vector<16xf32>,
        %parallel_loop3A_618 = arith.constant 16 : i32
        %parallel_loop3A_619 = arith.muli %parallel_loop3A_606, %parallel_loop3A_618 : i32
        %parallel_loop3A_620 = arith.constant 0 : i32
        %parallel_loop3A_621 = arith.constant 1 : i32
        %parallel_loop3A_622 = arith.index_cast %parallel_loop3A_604 : i32 to index
        %parallel_loop3A_623 = arith.index_cast %parallel_loop3A_620 : i32 to index
        %parallel_loop3A_624 = arith.index_cast %parallel_loop3A_621 : i32 to index
        %parallel_loop3A_625 = arith.index_cast %parallel_loop3A_619 : i32 to index
        %parallel_loop3A_626 = tpu.vector_load %arg8[%parallel_loop3A_622, %parallel_loop3A_623, %parallel_loop3A_624, %parallel_loop3A_625] {strides = array<i32>} : memref<32x1x4x128xf32, #tpu.memory_space<vmem>>, vector<16xf32>,
        tpu.vector_store %arg8[%parallel_loop3A_622, %parallel_loop3A_623, %parallel_loop3A_624, %parallel_loop3A_625], %parallel_loop3A_617 {strides = array<i32>} : memref<32x1x4x128xf32, #tpu.memory_space<vmem>>, vector<16xf32>,
        %parallel_loop3A_627 = tpu.vector_load_idx %arg7[%parallel_loop3A_599, %broadcast_in_dim3A_13, %broadcast_in_dim3A_9, %parallel_loop3A_602] : memref<64x1x4x128xf32, #tpu.memory_space<vmem>>[vector<16xi32>, vector<16xi32>, vector<16xi32>, vector<16xi32>], vector<16xf32>,
        %parallel_loop3A_628 = arith.constant 16 : i32
        %parallel_loop3A_629 = arith.muli %parallel_loop3A_606, %parallel_loop3A_628 : i32
        %parallel_loop3A_630 = arith.constant 0 : i32
        %parallel_loop3A_631 = arith.constant 2 : i32
        %parallel_loop3A_632 = arith.index_cast %parallel_loop3A_604 : i32 to index
        %parallel_loop3A_633 = arith.index_cast %parallel_loop3A_630 : i32 to index
        %parallel_loop3A_634 = arith.index_cast %parallel_loop3A_631 : i32 to index
        %parallel_loop3A_635 = arith.index_cast %parallel_loop3A_629 : i32 to index
        %parallel_loop3A_636 = tpu.vector_load %arg8[%parallel_loop3A_632, %parallel_loop3A_633, %parallel_loop3A_634, %parallel_loop3A_635] {strides = array<i32>} : memref<32x1x4x128xf32, #tpu.memory_space<vmem>>, vector<16xf32>,
        tpu.vector_store %arg8[%parallel_loop3A_632, %parallel_loop3A_633, %parallel_loop3A_634, %parallel_loop3A_635], %parallel_loop3A_627 {strides = array<i32>} : memref<32x1x4x128xf32, #tpu.memory_space<vmem>>, vector<16xf32>,
        %parallel_loop3A_637 = tpu.vector_load_idx %arg7[%parallel_loop3A_599, %broadcast_in_dim3A_13, %broadcast_in_dim3A_11, %parallel_loop3A_602] : memref<64x1x4x128xf32, #tpu.memory_space<vmem>>[vector<16xi32>, vector<16xi32>, vector<16xi32>, vector<16xi32>], vector<16xf32>,
        %parallel_loop3A_638 = arith.constant 16 : i32
        %parallel_loop3A_639 = arith.muli %parallel_loop3A_606, %parallel_loop3A_638 : i32
        %parallel_loop3A_640 = arith.constant 0 : i32
        %parallel_loop3A_641 = arith.constant 3 : i32
        %parallel_loop3A_642 = arith.index_cast %parallel_loop3A_604 : i32 to index
        %parallel_loop3A_643 = arith.index_cast %parallel_loop3A_640 : i32 to index
        %parallel_loop3A_644 = arith.index_cast %parallel_loop3A_641 : i32 to index
        %parallel_loop3A_645 = arith.index_cast %parallel_loop3A_639 : i32 to index
        %parallel_loop3A_646 = tpu.vector_load %arg8[%parallel_loop3A_642, %parallel_loop3A_643, %parallel_loop3A_644, %parallel_loop3A_645] {strides = array<i32>} : memref<32x1x4x128xf32, #tpu.memory_space<vmem>>, vector<16xf32>,
        tpu.vector_store %arg8[%parallel_loop3A_642, %parallel_loop3A_643, %parallel_loop3A_644, %parallel_loop3A_645], %parallel_loop3A_637 {strides = array<i32>} : memref<32x1x4x128xf32, #tpu.memory_space<vmem>>, vector<16xf32>,
      } {sc.loop_unroll_factor = 4 : i64, sc.parallel_access}
      %shift_right_arithmetic3A_529 = arith.constant 1 : i32
      %shift_right_arithmetic3A_530 = arith.shrsi %add3A_497, %shift_right_arithmetic3A_529 : i32
      %and3A_531 = arith.constant 1 : i32
      %and3A_532 = arith.andi %add3A_497, %and3A_531 : i32
      %dma_start3A_533 = arith.constant 0 : i32
      %dma_start3A_534 = arith.constant 0 : i32
      %dma_start3A_535 = arith.constant 0 : i32
      %dma_start3A_536 = tpu.memref_slice %arg4[%shift_right_arithmetic3A_530, %dma_start3A_533, %and3A_532, %dma_start3A_534, %dma_start3A_535] : memref<512x64x2x4x128xf32, #tpu.memory_space<hbm>> -> memref<1x32x1x4x128xf32, #tpu.memory_space<hbm>>
      %dma_start3A_537 = tpu.memref_squeeze %dma_start3A_536 : memref<1x32x1x4x128xf32, #tpu.memory_space<hbm>> -> memref<32x1x4x128xf32, #tpu.memory_space<hbm>>
      %dma_start3A_538 = arith.constant 0 : i32
      %dma_start3A_539 = arith.constant 0 : i32
      %dma_start3A_540 = arith.constant 0 : i32
      %dma_start3A_541 = tpu.memref_slice %arg4[%shift_right_arithmetic3A_530, %dma_start3A_538, %and3A_532, %dma_start3A_539, %dma_start3A_540] : memref<512x64x2x4x128xf32, #tpu.memory_space<hbm>> -> memref<1x32x1x4x128xf32, #tpu.memory_space<hbm>>
      %dma_start3A_542 = tpu.memref_squeeze %dma_start3A_541 : memref<1x32x1x4x128xf32, #tpu.memory_space<hbm>> -> memref<32x1x4x128xf32, #tpu.memory_space<hbm>>
      tpu.enqueue_dma source(%arg8 : memref<32x1x4x128xf32, #tpu.memory_space<vmem>>) target(%dma_start3A_542 : memref<32x1x4x128xf32, #tpu.memory_space<hbm>>) target_semaphore(%arg12 : memref<!tpu.dma_semaphore, #tpu.memory_space<semaphore_mem>>)
      %shift_right_arithmetic3A_543 = arith.constant 1 : i32
      %shift_right_arithmetic3A_544 = arith.shrsi %add3A_497, %shift_right_arithmetic3A_543 : i32
      %and3A_545 = arith.constant 1 : i32
      %and3A_546 = arith.andi %add3A_497, %and3A_545 : i32
      %dma_wait3A_547 = arith.constant 32 : i32
      %dma_wait3A_548 = arith.constant 0 : i32
      %dma_wait3A_549 = arith.constant 0 : i32
      %dma_wait3A_550 = tpu.memref_slice %arg4[%shift_right_arithmetic3A_544, %dma_wait3A_547, %and3A_546, %dma_wait3A_548, %dma_wait3A_549] : memref<512x64x2x4x128xf32, #tpu.memory_space<hbm>> -> memref<1x32x1x4x128xf32, #tpu.memory_space<hbm>>
      %dma_wait3A_551 = tpu.memref_squeeze %dma_wait3A_550 : memref<1x32x1x4x128xf32, #tpu.memory_space<hbm>> -> memref<32x1x4x128xf32, #tpu.memory_space<hbm>>
      %dma_wait3A_552 = arith.constant 32 : i32
      %dma_wait3A_553 = arith.constant 0 : i32
      %dma_wait3A_554 = arith.constant 0 : i32
      %dma_wait3A_555 = tpu.memref_slice %arg4[%shift_right_arithmetic3A_544, %dma_wait3A_552, %and3A_546, %dma_wait3A_553, %dma_wait3A_554] : memref<512x64x2x4x128xf32, #tpu.memory_space<hbm>> -> memref<1x32x1x4x128xf32, #tpu.memory_space<hbm>>
      %dma_wait3A_556 = tpu.memref_squeeze %dma_wait3A_555 : memref<1x32x1x4x128xf32, #tpu.memory_space<hbm>> -> memref<32x1x4x128xf32, #tpu.memory_space<hbm>>
      tpu.wait_dma2 semaphore(%arg13 : memref<!tpu.dma_semaphore, #tpu.memory_space<semaphore_mem>>) src(%arg9 : memref<32x1x4x128xf32, #tpu.memory_space<vmem>>) dst(%dma_wait3A_556 : memref<32x1x4x128xf32, #tpu.memory_space<hbm>>)
      %parallel_loop3A_557 = arith.constant 0 : i32
      %parallel_loop3A_558 = arith.constant 256 : i32
      %parallel_loop3A_559 = arith.constant 1 : i32
      scf.for %parallel_loop3A_590 = %parallel_loop3A_557 to %parallel_loop3A_558 step %parallel_loop3A_559  : i32 {
        %parallel_loop3A_591 = arith.constant 256 : i32
        %parallel_loop3A_592 = arith.addi %parallel_loop3A_591, %parallel_loop3A_590 : i32
        %parallel_loop3A_593 = arith.constant 16 : i32
        %parallel_loop3A_594 = arith.muli %parallel_loop3A_592, %parallel_loop3A_593 : i32
        %parallel_loop3A_595 = arith.index_cast %parallel_loop3A_594 : i32 to index
        %parallel_loop3A_596 = tpu.vector_load %arg5[%parallel_loop3A_595] {strides = array<i32>} : memref<8192xi32, #tpu.memory_space<vmem>>, vector<16xi32>,
        %parallel_loop3A_597 = arith.constant 16 : i32
        %parallel_loop3A_598 = vector.broadcast %parallel_loop3A_597 : i32 to vector<16xi32>
        %parallel_loop3A_599 = arith.shrsi %parallel_loop3A_596, %parallel_loop3A_598 : vector<16xi32>
        %parallel_loop3A_600 = arith.constant 65535 : i32
        %parallel_loop3A_601 = vector.broadcast %parallel_loop3A_600 : i32 to vector<16xi32>
        %parallel_loop3A_602 = arith.andi %parallel_loop3A_596, %parallel_loop3A_601 : vector<16xi32>
        %parallel_loop3A_603 = arith.constant 3 : i32
        %parallel_loop3A_604 = arith.shrsi %parallel_loop3A_590, %parallel_loop3A_603 : i32
        %parallel_loop3A_605 = arith.constant 7 : i32
        %parallel_loop3A_606 = arith.andi %parallel_loop3A_590, %parallel_loop3A_605 : i32
        %parallel_loop3A_607 = tpu.vector_load_idx %arg7[%parallel_loop3A_599, %broadcast_in_dim3A_13, %broadcast_in_dim3A_5, %parallel_loop3A_602] : memref<64x1x4x128xf32, #tpu.memory_space<vmem>>[vector<16xi32>, vector<16xi32>, vector<16xi32>, vector<16xi32>], vector<16xf32>,
        %parallel_loop3A_608 = arith.constant 16 : i32
        %parallel_loop3A_609 = arith.muli %parallel_loop3A_606, %parallel_loop3A_608 : i32
        %parallel_loop3A_610 = arith.constant 0 : i32
        %parallel_loop3A_611 = arith.constant 0 : i32
        %parallel_loop3A_612 = arith.index_cast %parallel_loop3A_604 : i32 to index
        %parallel_loop3A_613 = arith.index_cast %parallel_loop3A_610 : i32 to index
        %parallel_loop3A_614 = arith.index_cast %parallel_loop3A_611 : i32 to index
        %parallel_loop3A_615 = arith.index_cast %parallel_loop3A_609 : i32 to index
        %parallel_loop3A_616 = tpu.vector_load %arg9[%parallel_loop3A_612, %parallel_loop3A_613, %parallel_loop3A_614, %parallel_loop3A_615] {strides = array<i32>} : memref<32x1x4x128xf32, #tpu.memory_space<vmem>>, vector<16xf32>,
        tpu.vector_store %arg9[%parallel_loop3A_612, %parallel_loop3A_613, %parallel_loop3A_614, %parallel_loop3A_615], %parallel_loop3A_607 {strides = array<i32>} : memref<32x1x4x128xf32, #tpu.memory_space<vmem>>, vector<16xf32>,
        %parallel_loop3A_617 = tpu.vector_load_idx %arg7[%parallel_loop3A_599, %broadcast_in_dim3A_13, %broadcast_in_dim3A_7, %parallel_loop3A_602] : memref<64x1x4x128xf32, #tpu.memory_space<vmem>>[vector<16xi32>, vector<16xi32>, vector<16xi32>, vector<16xi32>], vector<16xf32>,
        %parallel_loop3A_618 = arith.constant 16 : i32
        %parallel_loop3A_619 = arith.muli %parallel_loop3A_606, %parallel_loop3A_618 : i32
        %parallel_loop3A_620 = arith.constant 0 : i32
        %parallel_loop3A_621 = arith.constant 1 : i32
        %parallel_loop3A_622 = arith.index_cast %parallel_loop3A_604 : i32 to index
        %parallel_loop3A_623 = arith.index_cast %parallel_loop3A_620 : i32 to index
        %parallel_loop3A_624 = arith.index_cast %parallel_loop3A_621 : i32 to index
        %parallel_loop3A_625 = arith.index_cast %parallel_loop3A_619 : i32 to index
        %parallel_loop3A_626 = tpu.vector_load %arg9[%parallel_loop3A_622, %parallel_loop3A_623, %parallel_loop3A_624, %parallel_loop3A_625] {strides = array<i32>} : memref<32x1x4x128xf32, #tpu.memory_space<vmem>>, vector<16xf32>,
        tpu.vector_store %arg9[%parallel_loop3A_622, %parallel_loop3A_623, %parallel_loop3A_624, %parallel_loop3A_625], %parallel_loop3A_617 {strides = array<i32>} : memref<32x1x4x128xf32, #tpu.memory_space<vmem>>, vector<16xf32>,
        %parallel_loop3A_627 = tpu.vector_load_idx %arg7[%parallel_loop3A_599, %broadcast_in_dim3A_13, %broadcast_in_dim3A_9, %parallel_loop3A_602] : memref<64x1x4x128xf32, #tpu.memory_space<vmem>>[vector<16xi32>, vector<16xi32>, vector<16xi32>, vector<16xi32>], vector<16xf32>,
        %parallel_loop3A_628 = arith.constant 16 : i32
        %parallel_loop3A_629 = arith.muli %parallel_loop3A_606, %parallel_loop3A_628 : i32
        %parallel_loop3A_630 = arith.constant 0 : i32
        %parallel_loop3A_631 = arith.constant 2 : i32
        %parallel_loop3A_632 = arith.index_cast %parallel_loop3A_604 : i32 to index
        %parallel_loop3A_633 = arith.index_cast %parallel_loop3A_630 : i32 to index
        %parallel_loop3A_634 = arith.index_cast %parallel_loop3A_631 : i32 to index
        %parallel_loop3A_635 = arith.index_cast %parallel_loop3A_629 : i32 to index
        %parallel_loop3A_636 = tpu.vector_load %arg9[%parallel_loop3A_632, %parallel_loop3A_633, %parallel_loop3A_634, %parallel_loop3A_635] {strides = array<i32>} : memref<32x1x4x128xf32, #tpu.memory_space<vmem>>, vector<16xf32>,
        tpu.vector_store %arg9[%parallel_loop3A_632, %parallel_loop3A_633, %parallel_loop3A_634, %parallel_loop3A_635], %parallel_loop3A_627 {strides = array<i32>} : memref<32x1x4x128xf32, #tpu.memory_space<vmem>>, vector<16xf32>,
        %parallel_loop3A_637 = tpu.vector_load_idx %arg7[%parallel_loop3A_599, %broadcast_in_dim3A_13, %broadcast_in_dim3A_11, %parallel_loop3A_602] : memref<64x1x4x128xf32, #tpu.memory_space<vmem>>[vector<16xi32>, vector<16xi32>, vector<16xi32>, vector<16xi32>], vector<16xf32>,
        %parallel_loop3A_638 = arith.constant 16 : i32
        %parallel_loop3A_639 = arith.muli %parallel_loop3A_606, %parallel_loop3A_638 : i32
        %parallel_loop3A_640 = arith.constant 0 : i32
        %parallel_loop3A_641 = arith.constant 3 : i32
        %parallel_loop3A_642 = arith.index_cast %parallel_loop3A_604 : i32 to index
        %parallel_loop3A_643 = arith.index_cast %parallel_loop3A_640 : i32 to index
        %parallel_loop3A_644 = arith.index_cast %parallel_loop3A_641 : i32 to index
        %parallel_loop3A_645 = arith.index_cast %parallel_loop3A_639 : i32 to index
        %parallel_loop3A_646 = tpu.vector_load %arg9[%parallel_loop3A_642, %parallel_loop3A_643, %parallel_loop3A_644, %parallel_loop3A_645] {strides = array<i32>} : memref<32x1x4x128xf32, #tpu.memory_space<vmem>>, vector<16xf32>,
        tpu.vector_store %arg9[%parallel_loop3A_642, %parallel_loop3A_643, %parallel_loop3A_644, %parallel_loop3A_645], %parallel_loop3A_637 {strides = array<i32>} : memref<32x1x4x128xf32, #tpu.memory_space<vmem>>, vector<16xf32>,
      } {sc.loop_unroll_factor = 4 : i64, sc.parallel_access}
      %shift_right_arithmetic3A_560 = arith.constant 1 : i32
      %shift_right_arithmetic3A_561 = arith.shrsi %add3A_497, %shift_right_arithmetic3A_560 : i32
      %and3A_562 = arith.constant 1 : i32
      %and3A_563 = arith.andi %add3A_497, %and3A_562 : i32
      %dma_start3A_564 = arith.constant 32 : i32
      %dma_start3A_565 = arith.constant 0 : i32
      %dma_start3A_566 = arith.constant 0 : i32
      %dma_start3A_567 = tpu.memref_slice %arg4[%shift_right_arithmetic3A_561, %dma_start3A_564, %and3A_563, %dma_start3A_565, %dma_start3A_566] : memref<512x64x2x4x128xf32, #tpu.memory_space<hbm>> -> memref<1x32x1x4x128xf32, #tpu.memory_space<hbm>>
      %dma_start3A_568 = tpu.memref_squeeze %dma_start3A_567 : memref<1x32x1x4x128xf32, #tpu.memory_space<hbm>> -> memref<32x1x4x128xf32, #tpu.memory_space<hbm>>
      %dma_start3A_569 = arith.constant 32 : i32
      %dma_start3A_570 = arith.constant 0 : i32
      %dma_start3A_571 = arith.constant 0 : i32
      %dma_start3A_572 = tpu.memref_slice %arg4[%shift_right_arithmetic3A_561, %dma_start3A_569, %and3A_563, %dma_start3A_570, %dma_start3A_571] : memref<512x64x2x4x128xf32, #tpu.memory_space<hbm>> -> memref<1x32x1x4x128xf32, #tpu.memory_space<hbm>>
      %dma_start3A_573 = tpu.memref_squeeze %dma_start3A_572 : memref<1x32x1x4x128xf32, #tpu.memory_space<hbm>> -> memref<32x1x4x128xf32, #tpu.memory_space<hbm>>
      tpu.enqueue_dma source(%arg9 : memref<32x1x4x128xf32, #tpu.memory_space<vmem>>) target(%dma_start3A_573 : memref<32x1x4x128xf32, #tpu.memory_space<hbm>>) target_semaphore(%arg13 : memref<!tpu.dma_semaphore, #tpu.memory_space<semaphore_mem>>)
      %add3A_574 = arith.constant 2 : i32
      %add3A_575 = arith.addi %add3A_497, %add3A_574 : i32
      %shift_right_arithmetic3A_576 = arith.constant 1 : i32
      %shift_right_arithmetic3A_577 = arith.shrsi %add3A_575, %shift_right_arithmetic3A_576 : i32
      %and3A_578 = arith.constant 1 : i32
      %and3A_579 = arith.andi %add3A_575, %and3A_578 : i32
      %dma_start3A_580 = arith.constant 0 : i32
      %dma_start3A_581 = arith.constant 0 : i32
      %dma_start3A_582 = arith.constant 0 : i32
      %dma_start3A_583 = tpu.memref_slice %arg2[%shift_right_arithmetic3A_577, %dma_start3A_580, %and3A_579, %dma_start3A_581, %dma_start3A_582] : memref<512x64x2x4x128xf32, #tpu.memory_space<hbm>> -> memref<1x64x1x4x128xf32, #tpu.memory_space<hbm>>
      %dma_start3A_584 = tpu.memref_squeeze %dma_start3A_583 : memref<1x64x1x4x128xf32, #tpu.memory_space<hbm>> -> memref<64x1x4x128xf32, #tpu.memory_space<hbm>>
      %dma_start3A_585 = arith.constant 0 : i32
      %dma_start3A_586 = arith.constant 0 : i32
      %dma_start3A_587 = arith.constant 0 : i32
      %dma_start3A_588 = tpu.memref_slice %arg2[%shift_right_arithmetic3A_577, %dma_start3A_585, %and3A_579, %dma_start3A_586, %dma_start3A_587] : memref<512x64x2x4x128xf32, #tpu.memory_space<hbm>> -> memref<1x64x1x4x128xf32, #tpu.memory_space<hbm>>
      %dma_start3A_589 = tpu.memref_squeeze %dma_start3A_588 : memref<1x64x1x4x128xf32, #tpu.memory_space<hbm>> -> memref<64x1x4x128xf32, #tpu.memory_space<hbm>>
      tpu.enqueue_dma source(%dma_start3A_589 : memref<64x1x4x128xf32, #tpu.memory_space<hbm>>) target(%arg7 : memref<64x1x4x128xf32, #tpu.memory_space<vmem>>) target_semaphore(%arg11 : memref<!tpu.dma_semaphore, #tpu.memory_space<semaphore_mem>>)
    }
    %scan3A_203 = arith.constant 14 : i32
    %add3A_204 = arith.constant 30 : i32
    %add3A_205 = arith.addi %mul3A_2, %add3A_204 : i32
    %shift_right_arithmetic3A_206 = arith.constant 1 : i32
    %shift_right_arithmetic3A_207 = arith.shrsi %add3A_205, %shift_right_arithmetic3A_206 : i32
    %and3A_208 = arith.constant 1 : i32
    %and3A_209 = arith.andi %add3A_205, %and3A_208 : i32
    %dma_wait3A_210 = arith.constant 0 : i32
    %dma_wait3A_211 = arith.constant 0 : i32
    %dma_wait3A_212 = arith.constant 0 : i32
    %dma_wait3A_213 = tpu.memref_slice %arg2[%shift_right_arithmetic3A_207, %dma_wait3A_210, %and3A_209, %dma_wait3A_211, %dma_wait3A_212] : memref<512x64x2x4x128xf32, #tpu.memory_space<hbm>> -> memref<1x64x1x4x128xf32, #tpu.memory_space<hbm>>
    %dma_wait3A_214 = tpu.memref_squeeze %dma_wait3A_213 : memref<1x64x1x4x128xf32, #tpu.memory_space<hbm>> -> memref<64x1x4x128xf32, #tpu.memory_space<hbm>>
    %dma_wait3A_215 = arith.constant 0 : i32
    %dma_wait3A_216 = arith.constant 0 : i32
    %dma_wait3A_217 = arith.constant 0 : i32
    %dma_wait3A_218 = tpu.memref_slice %arg2[%shift_right_arithmetic3A_207, %dma_wait3A_215, %and3A_209, %dma_wait3A_216, %dma_wait3A_217] : memref<512x64x2x4x128xf32, #tpu.memory_space<hbm>> -> memref<1x64x1x4x128xf32, #tpu.memory_space<hbm>>
    %dma_wait3A_219 = tpu.memref_squeeze %dma_wait3A_218 : memref<1x64x1x4x128xf32, #tpu.memory_space<hbm>> -> memref<64x1x4x128xf32, #tpu.memory_space<hbm>>
    tpu.wait_dma2 semaphore(%arg10 : memref<!tpu.dma_semaphore, #tpu.memory_space<semaphore_mem>>) src(%dma_wait3A_219 : memref<64x1x4x128xf32, #tpu.memory_space<hbm>>) dst(%arg6 : memref<64x1x4x128xf32, #tpu.memory_space<vmem>>)
    %shift_right_arithmetic3A_220 = arith.constant 1 : i32
    %shift_right_arithmetic3A_221 = arith.shrsi %add3A_205, %shift_right_arithmetic3A_220 : i32
    %and3A_222 = arith.constant 1 : i32
    %and3A_223 = arith.andi %add3A_205, %and3A_222 : i32
    %dma_wait3A_224 = arith.constant 0 : i32
    %dma_wait3A_225 = arith.constant 0 : i32
    %dma_wait3A_226 = arith.constant 0 : i32
    %dma_wait3A_227 = tpu.memref_slice %arg4[%shift_right_arithmetic3A_221, %dma_wait3A_224, %and3A_223, %dma_wait3A_225, %dma_wait3A_226] : memref<512x64x2x4x128xf32, #tpu.memory_space<hbm>> -> memref<1x32x1x4x128xf32, #tpu.memory_space<hbm>>
    %dma_wait3A_228 = tpu.memref_squeeze %dma_wait3A_227 : memref<1x32x1x4x128xf32, #tpu.memory_space<hbm>> -> memref<32x1x4x128xf32, #tpu.memory_space<hbm>>
    %dma_wait3A_229 = arith.constant 0 : i32
    %dma_wait3A_230 = arith.constant 0 : i32
    %dma_wait3A_231 = arith.constant 0 : i32
    %dma_wait3A_232 = tpu.memref_slice %arg4[%shift_right_arithmetic3A_221, %dma_wait3A_229, %and3A_223, %dma_wait3A_230, %dma_wait3A_231] : memref<512x64x2x4x128xf32, #tpu.memory_space<hbm>> -> memref<1x32x1x4x128xf32, #tpu.memory_space<hbm>>
    %dma_wait3A_233 = tpu.memref_squeeze %dma_wait3A_232 : memref<1x32x1x4x128xf32, #tpu.memory_space<hbm>> -> memref<32x1x4x128xf32, #tpu.memory_space<hbm>>
    tpu.wait_dma2 semaphore(%arg12 : memref<!tpu.dma_semaphore, #tpu.memory_space<semaphore_mem>>) src(%arg8 : memref<32x1x4x128xf32, #tpu.memory_space<vmem>>) dst(%dma_wait3A_233 : memref<32x1x4x128xf32, #tpu.memory_space<hbm>>)
    %parallel_loop3A_234 = arith.constant 0 : i32
    %parallel_loop3A_235 = arith.constant 256 : i32
    %parallel_loop3A_236 = arith.constant 1 : i32
    scf.for %parallel_loop3A_395 = %parallel_loop3A_234 to %parallel_loop3A_235 step %parallel_loop3A_236  : i32 {
      %parallel_loop3A_396 = arith.constant 0 : i32
      %parallel_loop3A_397 = arith.addi %parallel_loop3A_396, %parallel_loop3A_395 : i32
      %parallel_loop3A_398 = arith.constant 16 : i32
      %parallel_loop3A_399 = arith.muli %parallel_loop3A_397, %parallel_loop3A_398 : i32
      %parallel_loop3A_400 = arith.index_cast %parallel_loop3A_399 : i32 to index
      %parallel_loop3A_401 = tpu.vector_load %arg5[%parallel_loop3A_400] {strides = array<i32>} : memref<8192xi32, #tpu.memory_space<vmem>>, vector<16xi32>,
      %parallel_loop3A_402 = arith.constant 16 : i32
      %parallel_loop3A_403 = vector.broadcast %parallel_loop3A_402 : i32 to vector<16xi32>
      %parallel_loop3A_404 = arith.shrsi %parallel_loop3A_401, %parallel_loop3A_403 : vector<16xi32>
      %parallel_loop3A_405 = arith.constant 65535 : i32
      %parallel_loop3A_406 = vector.broadcast %parallel_loop3A_405 : i32 to vector<16xi32>
      %parallel_loop3A_407 = arith.andi %parallel_loop3A_401, %parallel_loop3A_406 : vector<16xi32>
      %parallel_loop3A_408 = arith.constant 3 : i32
      %parallel_loop3A_409 = arith.shrsi %parallel_loop3A_395, %parallel_loop3A_408 : i32
      %parallel_loop3A_410 = arith.constant 7 : i32
      %parallel_loop3A_411 = arith.andi %parallel_loop3A_395, %parallel_loop3A_410 : i32
      %parallel_loop3A_412 = tpu.vector_load_idx %arg6[%parallel_loop3A_404, %broadcast_in_dim3A_13, %broadcast_in_dim3A_5, %parallel_loop3A_407] : memref<64x1x4x128xf32, #tpu.memory_space<vmem>>[vector<16xi32>, vector<16xi32>, vector<16xi32>, vector<16xi32>], vector<16xf32>,
      %parallel_loop3A_413 = arith.constant 16 : i32
      %parallel_loop3A_414 = arith.muli %parallel_loop3A_411, %parallel_loop3A_413 : i32
      %parallel_loop3A_415 = arith.constant 0 : i32
      %parallel_loop3A_416 = arith.constant 0 : i32
      %parallel_loop3A_417 = arith.index_cast %parallel_loop3A_409 : i32 to index
      %parallel_loop3A_418 = arith.index_cast %parallel_loop3A_415 : i32 to index
      %parallel_loop3A_419 = arith.index_cast %parallel_loop3A_416 : i32 to index
      %parallel_loop3A_420 = arith.index_cast %parallel_loop3A_414 : i32 to index
      %parallel_loop3A_421 = tpu.vector_load %arg8[%parallel_loop3A_417, %parallel_loop3A_418, %parallel_loop3A_419, %parallel_loop3A_420] {strides = array<i32>} : memref<32x1x4x128xf32, #tpu.memory_space<vmem>>, vector<16xf32>,
      tpu.vector_store %arg8[%parallel_loop3A_417, %parallel_loop3A_418, %parallel_loop3A_419, %parallel_loop3A_420], %parallel_loop3A_412 {strides = array<i32>} : memref<32x1x4x128xf32, #tpu.memory_space<vmem>>, vector<16xf32>,
      %parallel_loop3A_422 = tpu.vector_load_idx %arg6[%parallel_loop3A_404, %broadcast_in_dim3A_13, %broadcast_in_dim3A_7, %parallel_loop3A_407] : memref<64x1x4x128xf32, #tpu.memory_space<vmem>>[vector<16xi32>, vector<16xi32>, vector<16xi32>, vector<16xi32>], vector<16xf32>,
      %parallel_loop3A_423 = arith.constant 16 : i32
      %parallel_loop3A_424 = arith.muli %parallel_loop3A_411, %parallel_loop3A_423 : i32
      %parallel_loop3A_425 = arith.constant 0 : i32
      %parallel_loop3A_426 = arith.constant 1 : i32
      %parallel_loop3A_427 = arith.index_cast %parallel_loop3A_409 : i32 to index
      %parallel_loop3A_428 = arith.index_cast %parallel_loop3A_425 : i32 to index
      %parallel_loop3A_429 = arith.index_cast %parallel_loop3A_426 : i32 to index
      %parallel_loop3A_430 = arith.index_cast %parallel_loop3A_424 : i32 to index
      %parallel_loop3A_431 = tpu.vector_load %arg8[%parallel_loop3A_427, %parallel_loop3A_428, %parallel_loop3A_429, %parallel_loop3A_430] {strides = array<i32>} : memref<32x1x4x128xf32, #tpu.memory_space<vmem>>, vector<16xf32>,
      tpu.vector_store %arg8[%parallel_loop3A_427, %parallel_loop3A_428, %parallel_loop3A_429, %parallel_loop3A_430], %parallel_loop3A_422 {strides = array<i32>} : memref<32x1x4x128xf32, #tpu.memory_space<vmem>>, vector<16xf32>,
      %parallel_loop3A_432 = tpu.vector_load_idx %arg6[%parallel_loop3A_404, %broadcast_in_dim3A_13, %broadcast_in_dim3A_9, %parallel_loop3A_407] : memref<64x1x4x128xf32, #tpu.memory_space<vmem>>[vector<16xi32>, vector<16xi32>, vector<16xi32>, vector<16xi32>], vector<16xf32>,
      %parallel_loop3A_433 = arith.constant 16 : i32
      %parallel_loop3A_434 = arith.muli %parallel_loop3A_411, %parallel_loop3A_433 : i32
      %parallel_loop3A_435 = arith.constant 0 : i32
      %parallel_loop3A_436 = arith.constant 2 : i32
      %parallel_loop3A_437 = arith.index_cast %parallel_loop3A_409 : i32 to index
      %parallel_loop3A_438 = arith.index_cast %parallel_loop3A_435 : i32 to index
      %parallel_loop3A_439 = arith.index_cast %parallel_loop3A_436 : i32 to index
      %parallel_loop3A_440 = arith.index_cast %parallel_loop3A_434 : i32 to index
      %parallel_loop3A_441 = tpu.vector_load %arg8[%parallel_loop3A_437, %parallel_loop3A_438, %parallel_loop3A_439, %parallel_loop3A_440] {strides = array<i32>} : memref<32x1x4x128xf32, #tpu.memory_space<vmem>>, vector<16xf32>,
      tpu.vector_store %arg8[%parallel_loop3A_437, %parallel_loop3A_438, %parallel_loop3A_439, %parallel_loop3A_440], %parallel_loop3A_432 {strides = array<i32>} : memref<32x1x4x128xf32, #tpu.memory_space<vmem>>, vector<16xf32>,
      %parallel_loop3A_442 = tpu.vector_load_idx %arg6[%parallel_loop3A_404, %broadcast_in_dim3A_13, %broadcast_in_dim3A_11, %parallel_loop3A_407] : memref<64x1x4x128xf32, #tpu.memory_space<vmem>>[vector<16xi32>, vector<16xi32>, vector<16xi32>, vector<16xi32>], vector<16xf32>,
      %parallel_loop3A_443 = arith.constant 16 : i32
      %parallel_loop3A_444 = arith.muli %parallel_loop3A_411, %parallel_loop3A_443 : i32
      %parallel_loop3A_445 = arith.constant 0 : i32
      %parallel_loop3A_446 = arith.constant 3 : i32
      %parallel_loop3A_447 = arith.index_cast %parallel_loop3A_409 : i32 to index
      %parallel_loop3A_448 = arith.index_cast %parallel_loop3A_445 : i32 to index
      %parallel_loop3A_449 = arith.index_cast %parallel_loop3A_446 : i32 to index
      %parallel_loop3A_450 = arith.index_cast %parallel_loop3A_444 : i32 to index
      %parallel_loop3A_451 = tpu.vector_load %arg8[%parallel_loop3A_447, %parallel_loop3A_448, %parallel_loop3A_449, %parallel_loop3A_450] {strides = array<i32>} : memref<32x1x4x128xf32, #tpu.memory_space<vmem>>, vector<16xf32>,
      tpu.vector_store %arg8[%parallel_loop3A_447, %parallel_loop3A_448, %parallel_loop3A_449, %parallel_loop3A_450], %parallel_loop3A_442 {strides = array<i32>} : memref<32x1x4x128xf32, #tpu.memory_space<vmem>>, vector<16xf32>,
    } {sc.loop_unroll_factor = 4 : i64, sc.parallel_access}
    %shift_right_arithmetic3A_237 = arith.constant 1 : i32
    %shift_right_arithmetic3A_238 = arith.shrsi %add3A_205, %shift_right_arithmetic3A_237 : i32
    %and3A_239 = arith.constant 1 : i32
    %and3A_240 = arith.andi %add3A_205, %and3A_239 : i32
    %dma_start3A_241 = arith.constant 0 : i32
    %dma_start3A_242 = arith.constant 0 : i32
    %dma_start3A_243 = arith.constant 0 : i32
    %dma_start3A_244 = tpu.memref_slice %arg4[%shift_right_arithmetic3A_238, %dma_start3A_241, %and3A_240, %dma_start3A_242, %dma_start3A_243] : memref<512x64x2x4x128xf32, #tpu.memory_space<hbm>> -> memref<1x32x1x4x128xf32, #tpu.memory_space<hbm>>
    %dma_start3A_245 = tpu.memref_squeeze %dma_start3A_244 : memref<1x32x1x4x128xf32, #tpu.memory_space<hbm>> -> memref<32x1x4x128xf32, #tpu.memory_space<hbm>>
    %dma_start3A_246 = arith.constant 0 : i32
    %dma_start3A_247 = arith.constant 0 : i32
    %dma_start3A_248 = arith.constant 0 : i32
    %dma_start3A_249 = tpu.memref_slice %arg4[%shift_right_arithmetic3A_238, %dma_start3A_246, %and3A_240, %dma_start3A_247, %dma_start3A_248] : memref<512x64x2x4x128xf32, #tpu.memory_space<hbm>> -> memref<1x32x1x4x128xf32, #tpu.memory_space<hbm>>
    %dma_start3A_250 = tpu.memref_squeeze %dma_start3A_249 : memref<1x32x1x4x128xf32, #tpu.memory_space<hbm>> -> memref<32x1x4x128xf32, #tpu.memory_space<hbm>>
    tpu.enqueue_dma source(%arg8 : memref<32x1x4x128xf32, #tpu.memory_space<vmem>>) target(%dma_start3A_250 : memref<32x1x4x128xf32, #tpu.memory_space<hbm>>) target_semaphore(%arg12 : memref<!tpu.dma_semaphore, #tpu.memory_space<semaphore_mem>>)
    %shift_right_arithmetic3A_251 = arith.constant 1 : i32
    %shift_right_arithmetic3A_252 = arith.shrsi %add3A_205, %shift_right_arithmetic3A_251 : i32
    %and3A_253 = arith.constant 1 : i32
    %and3A_254 = arith.andi %add3A_205, %and3A_253 : i32
    %dma_wait3A_255 = arith.constant 32 : i32
    %dma_wait3A_256 = arith.constant 0 : i32
    %dma_wait3A_257 = arith.constant 0 : i32
    %dma_wait3A_258 = tpu.memref_slice %arg4[%shift_right_arithmetic3A_252, %dma_wait3A_255, %and3A_254, %dma_wait3A_256, %dma_wait3A_257] : memref<512x64x2x4x128xf32, #tpu.memory_space<hbm>> -> memref<1x32x1x4x128xf32, #tpu.memory_space<hbm>>
    %dma_wait3A_259 = tpu.memref_squeeze %dma_wait3A_258 : memref<1x32x1x4x128xf32, #tpu.memory_space<hbm>> -> memref<32x1x4x128xf32, #tpu.memory_space<hbm>>
    %dma_wait3A_260 = arith.constant 32 : i32
    %dma_wait3A_261 = arith.constant 0 : i32
    %dma_wait3A_262 = arith.constant 0 : i32
    %dma_wait3A_263 = tpu.memref_slice %arg4[%shift_right_arithmetic3A_252, %dma_wait3A_260, %and3A_254, %dma_wait3A_261, %dma_wait3A_262] : memref<512x64x2x4x128xf32, #tpu.memory_space<hbm>> -> memref<1x32x1x4x128xf32, #tpu.memory_space<hbm>>
    %dma_wait3A_264 = tpu.memref_squeeze %dma_wait3A_263 : memref<1x32x1x4x128xf32, #tpu.memory_space<hbm>> -> memref<32x1x4x128xf32, #tpu.memory_space<hbm>>
    tpu.wait_dma2 semaphore(%arg13 : memref<!tpu.dma_semaphore, #tpu.memory_space<semaphore_mem>>) src(%arg9 : memref<32x1x4x128xf32, #tpu.memory_space<vmem>>) dst(%dma_wait3A_264 : memref<32x1x4x128xf32, #tpu.memory_space<hbm>>)
    %parallel_loop3A_265 = arith.constant 0 : i32
    %parallel_loop3A_266 = arith.constant 256 : i32
    %parallel_loop3A_267 = arith.constant 1 : i32
    scf.for %parallel_loop3A_395 = %parallel_loop3A_265 to %parallel_loop3A_266 step %parallel_loop3A_267  : i32 {
      %parallel_loop3A_396 = arith.constant 256 : i32
      %parallel_loop3A_397 = arith.addi %parallel_loop3A_396, %parallel_loop3A_395 : i32
      %parallel_loop3A_398 = arith.constant 16 : i32
      %parallel_loop3A_399 = arith.muli %parallel_loop3A_397, %parallel_loop3A_398 : i32
      %parallel_loop3A_400 = arith.index_cast %parallel_loop3A_399 : i32 to index
      %parallel_loop3A_401 = tpu.vector_load %arg5[%parallel_loop3A_400] {strides = array<i32>} : memref<8192xi32, #tpu.memory_space<vmem>>, vector<16xi32>,
      %parallel_loop3A_402 = arith.constant 16 : i32
      %parallel_loop3A_403 = vector.broadcast %parallel_loop3A_402 : i32 to vector<16xi32>
      %parallel_loop3A_404 = arith.shrsi %parallel_loop3A_401, %parallel_loop3A_403 : vector<16xi32>
      %parallel_loop3A_405 = arith.constant 65535 : i32
      %parallel_loop3A_406 = vector.broadcast %parallel_loop3A_405 : i32 to vector<16xi32>
      %parallel_loop3A_407 = arith.andi %parallel_loop3A_401, %parallel_loop3A_406 : vector<16xi32>
      %parallel_loop3A_408 = arith.constant 3 : i32
      %parallel_loop3A_409 = arith.shrsi %parallel_loop3A_395, %parallel_loop3A_408 : i32
      %parallel_loop3A_410 = arith.constant 7 : i32
      %parallel_loop3A_411 = arith.andi %parallel_loop3A_395, %parallel_loop3A_410 : i32
      %parallel_loop3A_412 = tpu.vector_load_idx %arg6[%parallel_loop3A_404, %broadcast_in_dim3A_13, %broadcast_in_dim3A_5, %parallel_loop3A_407] : memref<64x1x4x128xf32, #tpu.memory_space<vmem>>[vector<16xi32>, vector<16xi32>, vector<16xi32>, vector<16xi32>], vector<16xf32>,
      %parallel_loop3A_413 = arith.constant 16 : i32
      %parallel_loop3A_414 = arith.muli %parallel_loop3A_411, %parallel_loop3A_413 : i32
      %parallel_loop3A_415 = arith.constant 0 : i32
      %parallel_loop3A_416 = arith.constant 0 : i32
      %parallel_loop3A_417 = arith.index_cast %parallel_loop3A_409 : i32 to index
      %parallel_loop3A_418 = arith.index_cast %parallel_loop3A_415 : i32 to index
      %parallel_loop3A_419 = arith.index_cast %parallel_loop3A_416 : i32 to index
      %parallel_loop3A_420 = arith.index_cast %parallel_loop3A_414 : i32 to index
      %parallel_loop3A_421 = tpu.vector_load %arg9[%parallel_loop3A_417, %parallel_loop3A_418, %parallel_loop3A_419, %parallel_loop3A_420] {strides = array<i32>} : memref<32x1x4x128xf32, #tpu.memory_space<vmem>>, vector<16xf32>,
      tpu.vector_store %arg9[%parallel_loop3A_417, %parallel_loop3A_418, %parallel_loop3A_419, %parallel_loop3A_420], %parallel_loop3A_412 {strides = array<i32>} : memref<32x1x4x128xf32, #tpu.memory_space<vmem>>, vector<16xf32>,
      %parallel_loop3A_422 = tpu.vector_load_idx %arg6[%parallel_loop3A_404, %broadcast_in_dim3A_13, %broadcast_in_dim3A_7, %parallel_loop3A_407] : memref<64x1x4x128xf32, #tpu.memory_space<vmem>>[vector<16xi32>, vector<16xi32>, vector<16xi32>, vector<16xi32>], vector<16xf32>,
      %parallel_loop3A_423 = arith.constant 16 : i32
      %parallel_loop3A_424 = arith.muli %parallel_loop3A_411, %parallel_loop3A_423 : i32
      %parallel_loop3A_425 = arith.constant 0 : i32
      %parallel_loop3A_426 = arith.constant 1 : i32
      %parallel_loop3A_427 = arith.index_cast %parallel_loop3A_409 : i32 to index
      %parallel_loop3A_428 = arith.index_cast %parallel_loop3A_425 : i32 to index
      %parallel_loop3A_429 = arith.index_cast %parallel_loop3A_426 : i32 to index
      %parallel_loop3A_430 = arith.index_cast %parallel_loop3A_424 : i32 to index
      %parallel_loop3A_431 = tpu.vector_load %arg9[%parallel_loop3A_427, %parallel_loop3A_428, %parallel_loop3A_429, %parallel_loop3A_430] {strides = array<i32>} : memref<32x1x4x128xf32, #tpu.memory_space<vmem>>, vector<16xf32>,
      tpu.vector_store %arg9[%parallel_loop3A_427, %parallel_loop3A_428, %parallel_loop3A_429, %parallel_loop3A_430], %parallel_loop3A_422 {strides = array<i32>} : memref<32x1x4x128xf32, #tpu.memory_space<vmem>>, vector<16xf32>,
      %parallel_loop3A_432 = tpu.vector_load_idx %arg6[%parallel_loop3A_404, %broadcast_in_dim3A_13, %broadcast_in_dim3A_9, %parallel_loop3A_407] : memref<64x1x4x128xf32, #tpu.memory_space<vmem>>[vector<16xi32>, vector<16xi32>, vector<16xi32>, vector<16xi32>], vector<16xf32>,
      %parallel_loop3A_433 = arith.constant 16 : i32
      %parallel_loop3A_434 = arith.muli %parallel_loop3A_411, %parallel_loop3A_433 : i32
      %parallel_loop3A_435 = arith.constant 0 : i32
      %parallel_loop3A_436 = arith.constant 2 : i32
      %parallel_loop3A_437 = arith.index_cast %parallel_loop3A_409 : i32 to index
      %parallel_loop3A_438 = arith.index_cast %parallel_loop3A_435 : i32 to index
      %parallel_loop3A_439 = arith.index_cast %parallel_loop3A_436 : i32 to index
      %parallel_loop3A_440 = arith.index_cast %parallel_loop3A_434 : i32 to index
      %parallel_loop3A_441 = tpu.vector_load %arg9[%parallel_loop3A_437, %parallel_loop3A_438, %parallel_loop3A_439, %parallel_loop3A_440] {strides = array<i32>} : memref<32x1x4x128xf32, #tpu.memory_space<vmem>>, vector<16xf32>,
      tpu.vector_store %arg9[%parallel_loop3A_437, %parallel_loop3A_438, %parallel_loop3A_439, %parallel_loop3A_440], %parallel_loop3A_432 {strides = array<i32>} : memref<32x1x4x128xf32, #tpu.memory_space<vmem>>, vector<16xf32>,
      %parallel_loop3A_442 = tpu.vector_load_idx %arg6[%parallel_loop3A_404, %broadcast_in_dim3A_13, %broadcast_in_dim3A_11, %parallel_loop3A_407] : memref<64x1x4x128xf32, #tpu.memory_space<vmem>>[vector<16xi32>, vector<16xi32>, vector<16xi32>, vector<16xi32>], vector<16xf32>,
      %parallel_loop3A_443 = arith.constant 16 : i32
      %parallel_loop3A_444 = arith.muli %parallel_loop3A_411, %parallel_loop3A_443 : i32
      %parallel_loop3A_445 = arith.constant 0 : i32
      %parallel_loop3A_446 = arith.constant 3 : i32
      %parallel_loop3A_447 = arith.index_cast %parallel_loop3A_409 : i32 to index
      %parallel_loop3A_448 = arith.index_cast %parallel_loop3A_445 : i32 to index
      %parallel_loop3A_449 = arith.index_cast %parallel_loop3A_446 : i32 to index
      %parallel_loop3A_450 = arith.index_cast %parallel_loop3A_444 : i32 to index
      %parallel_loop3A_451 = tpu.vector_load %arg9[%parallel_loop3A_447, %parallel_loop3A_448, %parallel_loop3A_449, %parallel_loop3A_450] {strides = array<i32>} : memref<32x1x4x128xf32, #tpu.memory_space<vmem>>, vector<16xf32>,
      tpu.vector_store %arg9[%parallel_loop3A_447, %parallel_loop3A_448, %parallel_loop3A_449, %parallel_loop3A_450], %parallel_loop3A_442 {strides = array<i32>} : memref<32x1x4x128xf32, #tpu.memory_space<vmem>>, vector<16xf32>,
    } {sc.loop_unroll_factor = 4 : i64, sc.parallel_access}
    %shift_right_arithmetic3A_268 = arith.constant 1 : i32
    %shift_right_arithmetic3A_269 = arith.shrsi %add3A_205, %shift_right_arithmetic3A_268 : i32
    %and3A_270 = arith.constant 1 : i32
    %and3A_271 = arith.andi %add3A_205, %and3A_270 : i32
    %dma_start3A_272 = arith.constant 32 : i32
    %dma_start3A_273 = arith.constant 0 : i32
    %dma_start3A_274 = arith.constant 0 : i32
    %dma_start3A_275 = tpu.memref_slice %arg4[%shift_right_arithmetic3A_269, %dma_start3A_272, %and3A_271, %dma_start3A_273, %dma_start3A_274] : memref<512x64x2x4x128xf32, #tpu.memory_space<hbm>> -> memref<1x32x1x4x128xf32, #tpu.memory_space<hbm>>
    %dma_start3A_276 = tpu.memref_squeeze %dma_start3A_275 : memref<1x32x1x4x128xf32, #tpu.memory_space<hbm>> -> memref<32x1x4x128xf32, #tpu.memory_space<hbm>>
    %dma_start3A_277 = arith.constant 32 : i32
    %dma_start3A_278 = arith.constant 0 : i32
    %dma_start3A_279 = arith.constant 0 : i32
    %dma_start3A_280 = tpu.memref_slice %arg4[%shift_right_arithmetic3A_269, %dma_start3A_277, %and3A_271, %dma_start3A_278, %dma_start3A_279] : memref<512x64x2x4x128xf32, #tpu.memory_space<hbm>> -> memref<1x32x1x4x128xf32, #tpu.memory_space<hbm>>
    %dma_start3A_281 = tpu.memref_squeeze %dma_start3A_280 : memref<1x32x1x4x128xf32, #tpu.memory_space<hbm>> -> memref<32x1x4x128xf32, #tpu.memory_space<hbm>>
    tpu.enqueue_dma source(%arg9 : memref<32x1x4x128xf32, #tpu.memory_space<vmem>>) target(%dma_start3A_281 : memref<32x1x4x128xf32, #tpu.memory_space<hbm>>) target_semaphore(%arg13 : memref<!tpu.dma_semaphore, #tpu.memory_space<semaphore_mem>>)
    %add3A_282 = arith.constant 31 : i32
    %add3A_283 = arith.addi %mul3A_2, %add3A_282 : i32
    %shift_right_arithmetic3A_284 = arith.constant 1 : i32
    %shift_right_arithmetic3A_285 = arith.shrsi %add3A_283, %shift_right_arithmetic3A_284 : i32
    %and3A_286 = arith.constant 1 : i32
    %and3A_287 = arith.andi %add3A_283, %and3A_286 : i32
    %dma_wait3A_288 = arith.constant 0 : i32
    %dma_wait3A_289 = arith.constant 0 : i32
    %dma_wait3A_290 = arith.constant 0 : i32
    %dma_wait3A_291 = tpu.memref_slice %arg2[%shift_right_arithmetic3A_285, %dma_wait3A_288, %and3A_287, %dma_wait3A_289, %dma_wait3A_290] : memref<512x64x2x4x128xf32, #tpu.memory_space<hbm>> -> memref<1x64x1x4x128xf32, #tpu.memory_space<hbm>>
    %dma_wait3A_292 = tpu.memref_squeeze %dma_wait3A_291 : memref<1x64x1x4x128xf32, #tpu.memory_space<hbm>> -> memref<64x1x4x128xf32, #tpu.memory_space<hbm>>
    %dma_wait3A_293 = arith.constant 0 : i32
    %dma_wait3A_294 = arith.constant 0 : i32
    %dma_wait3A_295 = arith.constant 0 : i32
    %dma_wait3A_296 = tpu.memref_slice %arg2[%shift_right_arithmetic3A_285, %dma_wait3A_293, %and3A_287, %dma_wait3A_294, %dma_wait3A_295] : memref<512x64x2x4x128xf32, #tpu.memory_space<hbm>> -> memref<1x64x1x4x128xf32, #tpu.memory_space<hbm>>
    %dma_wait3A_297 = tpu.memref_squeeze %dma_wait3A_296 : memref<1x64x1x4x128xf32, #tpu.memory_space<hbm>> -> memref<64x1x4x128xf32, #tpu.memory_space<hbm>>
    tpu.wait_dma2 semaphore(%arg11 : memref<!tpu.dma_semaphore, #tpu.memory_space<semaphore_mem>>) src(%dma_wait3A_297 : memref<64x1x4x128xf32, #tpu.memory_space<hbm>>) dst(%arg7 : memref<64x1x4x128xf32, #tpu.memory_space<vmem>>)
    %shift_right_arithmetic3A_298 = arith.constant 1 : i32
    %shift_right_arithmetic3A_299 = arith.shrsi %add3A_283, %shift_right_arithmetic3A_298 : i32
    %and3A_300 = arith.constant 1 : i32
    %and3A_301 = arith.andi %add3A_283, %and3A_300 : i32
    %dma_wait3A_302 = arith.constant 0 : i32
    %dma_wait3A_303 = arith.constant 0 : i32
    %dma_wait3A_304 = arith.constant 0 : i32
    %dma_wait3A_305 = tpu.memref_slice %arg4[%shift_right_arithmetic3A_299, %dma_wait3A_302, %and3A_301, %dma_wait3A_303, %dma_wait3A_304] : memref<512x64x2x4x128xf32, #tpu.memory_space<hbm>> -> memref<1x32x1x4x128xf32, #tpu.memory_space<hbm>>
    %dma_wait3A_306 = tpu.memref_squeeze %dma_wait3A_305 : memref<1x32x1x4x128xf32, #tpu.memory_space<hbm>> -> memref<32x1x4x128xf32, #tpu.memory_space<hbm>>
    %dma_wait3A_307 = arith.constant 0 : i32
    %dma_wait3A_308 = arith.constant 0 : i32
    %dma_wait3A_309 = arith.constant 0 : i32
    %dma_wait3A_310 = tpu.memref_slice %arg4[%shift_right_arithmetic3A_299, %dma_wait3A_307, %and3A_301, %dma_wait3A_308, %dma_wait3A_309] : memref<512x64x2x4x128xf32, #tpu.memory_space<hbm>> -> memref<1x32x1x4x128xf32, #tpu.memory_space<hbm>>
    %dma_wait3A_311 = tpu.memref_squeeze %dma_wait3A_310 : memref<1x32x1x4x128xf32, #tpu.memory_space<hbm>> -> memref<32x1x4x128xf32, #tpu.memory_space<hbm>>
    tpu.wait_dma2 semaphore(%arg12 : memref<!tpu.dma_semaphore, #tpu.memory_space<semaphore_mem>>) src(%arg8 : memref<32x1x4x128xf32, #tpu.memory_space<vmem>>) dst(%dma_wait3A_311 : memref<32x1x4x128xf32, #tpu.memory_space<hbm>>)
    %parallel_loop3A_312 = arith.constant 0 : i32
    %parallel_loop3A_313 = arith.constant 256 : i32
    %parallel_loop3A_314 = arith.constant 1 : i32
    scf.for %parallel_loop3A_395 = %parallel_loop3A_312 to %parallel_loop3A_313 step %parallel_loop3A_314  : i32 {
      %parallel_loop3A_396 = arith.constant 0 : i32
      %parallel_loop3A_397 = arith.addi %parallel_loop3A_396, %parallel_loop3A_395 : i32
      %parallel_loop3A_398 = arith.constant 16 : i32
      %parallel_loop3A_399 = arith.muli %parallel_loop3A_397, %parallel_loop3A_398 : i32
      %parallel_loop3A_400 = arith.index_cast %parallel_loop3A_399 : i32 to index
      %parallel_loop3A_401 = tpu.vector_load %arg5[%parallel_loop3A_400] {strides = array<i32>} : memref<8192xi32, #tpu.memory_space<vmem>>, vector<16xi32>,
      %parallel_loop3A_402 = arith.constant 16 : i32
      %parallel_loop3A_403 = vector.broadcast %parallel_loop3A_402 : i32 to vector<16xi32>
      %parallel_loop3A_404 = arith.shrsi %parallel_loop3A_401, %parallel_loop3A_403 : vector<16xi32>
      %parallel_loop3A_405 = arith.constant 65535 : i32
      %parallel_loop3A_406 = vector.broadcast %parallel_loop3A_405 : i32 to vector<16xi32>
      %parallel_loop3A_407 = arith.andi %parallel_loop3A_401, %parallel_loop3A_406 : vector<16xi32>
      %parallel_loop3A_408 = arith.constant 3 : i32
      %parallel_loop3A_409 = arith.shrsi %parallel_loop3A_395, %parallel_loop3A_408 : i32
      %parallel_loop3A_410 = arith.constant 7 : i32
      %parallel_loop3A_411 = arith.andi %parallel_loop3A_395, %parallel_loop3A_410 : i32
      %parallel_loop3A_412 = tpu.vector_load_idx %arg7[%parallel_loop3A_404, %broadcast_in_dim3A_13, %broadcast_in_dim3A_5, %parallel_loop3A_407] : memref<64x1x4x128xf32, #tpu.memory_space<vmem>>[vector<16xi32>, vector<16xi32>, vector<16xi32>, vector<16xi32>], vector<16xf32>,
      %parallel_loop3A_413 = arith.constant 16 : i32
      %parallel_loop3A_414 = arith.muli %parallel_loop3A_411, %parallel_loop3A_413 : i32
      %parallel_loop3A_415 = arith.constant 0 : i32
      %parallel_loop3A_416 = arith.constant 0 : i32
      %parallel_loop3A_417 = arith.index_cast %parallel_loop3A_409 : i32 to index
      %parallel_loop3A_418 = arith.index_cast %parallel_loop3A_415 : i32 to index
      %parallel_loop3A_419 = arith.index_cast %parallel_loop3A_416 : i32 to index
      %parallel_loop3A_420 = arith.index_cast %parallel_loop3A_414 : i32 to index
      %parallel_loop3A_421 = tpu.vector_load %arg8[%parallel_loop3A_417, %parallel_loop3A_418, %parallel_loop3A_419, %parallel_loop3A_420] {strides = array<i32>} : memref<32x1x4x128xf32, #tpu.memory_space<vmem>>, vector<16xf32>,
      tpu.vector_store %arg8[%parallel_loop3A_417, %parallel_loop3A_418, %parallel_loop3A_419, %parallel_loop3A_420], %parallel_loop3A_412 {strides = array<i32>} : memref<32x1x4x128xf32, #tpu.memory_space<vmem>>, vector<16xf32>,
      %parallel_loop3A_422 = tpu.vector_load_idx %arg7[%parallel_loop3A_404, %broadcast_in_dim3A_13, %broadcast_in_dim3A_7, %parallel_loop3A_407] : memref<64x1x4x128xf32, #tpu.memory_space<vmem>>[vector<16xi32>, vector<16xi32>, vector<16xi32>, vector<16xi32>], vector<16xf32>,
      %parallel_loop3A_423 = arith.constant 16 : i32
      %parallel_loop3A_424 = arith.muli %parallel_loop3A_411, %parallel_loop3A_423 : i32
      %parallel_loop3A_425 = arith.constant 0 : i32
      %parallel_loop3A_426 = arith.constant 1 : i32
      %parallel_loop3A_427 = arith.index_cast %parallel_loop3A_409 : i32 to index
      %parallel_loop3A_428 = arith.index_cast %parallel_loop3A_425 : i32 to index
      %parallel_loop3A_429 = arith.index_cast %parallel_loop3A_426 : i32 to index
      %parallel_loop3A_430 = arith.index_cast %parallel_loop3A_424 : i32 to index
      %parallel_loop3A_431 = tpu.vector_load %arg8[%parallel_loop3A_427, %parallel_loop3A_428, %parallel_loop3A_429, %parallel_loop3A_430] {strides = array<i32>} : memref<32x1x4x128xf32, #tpu.memory_space<vmem>>, vector<16xf32>,
      tpu.vector_store %arg8[%parallel_loop3A_427, %parallel_loop3A_428, %parallel_loop3A_429, %parallel_loop3A_430], %parallel_loop3A_422 {strides = array<i32>} : memref<32x1x4x128xf32, #tpu.memory_space<vmem>>, vector<16xf32>,
      %parallel_loop3A_432 = tpu.vector_load_idx %arg7[%parallel_loop3A_404, %broadcast_in_dim3A_13, %broadcast_in_dim3A_9, %parallel_loop3A_407] : memref<64x1x4x128xf32, #tpu.memory_space<vmem>>[vector<16xi32>, vector<16xi32>, vector<16xi32>, vector<16xi32>], vector<16xf32>,
      %parallel_loop3A_433 = arith.constant 16 : i32
      %parallel_loop3A_434 = arith.muli %parallel_loop3A_411, %parallel_loop3A_433 : i32
      %parallel_loop3A_435 = arith.constant 0 : i32
      %parallel_loop3A_436 = arith.constant 2 : i32
      %parallel_loop3A_437 = arith.index_cast %parallel_loop3A_409 : i32 to index
      %parallel_loop3A_438 = arith.index_cast %parallel_loop3A_435 : i32 to index
      %parallel_loop3A_439 = arith.index_cast %parallel_loop3A_436 : i32 to index
      %parallel_loop3A_440 = arith.index_cast %parallel_loop3A_434 : i32 to index
      %parallel_loop3A_441 = tpu.vector_load %arg8[%parallel_loop3A_437, %parallel_loop3A_438, %parallel_loop3A_439, %parallel_loop3A_440] {strides = array<i32>} : memref<32x1x4x128xf32, #tpu.memory_space<vmem>>, vector<16xf32>,
      tpu.vector_store %arg8[%parallel_loop3A_437, %parallel_loop3A_438, %parallel_loop3A_439, %parallel_loop3A_440], %parallel_loop3A_432 {strides = array<i32>} : memref<32x1x4x128xf32, #tpu.memory_space<vmem>>, vector<16xf32>,
      %parallel_loop3A_442 = tpu.vector_load_idx %arg7[%parallel_loop3A_404, %broadcast_in_dim3A_13, %broadcast_in_dim3A_11, %parallel_loop3A_407] : memref<64x1x4x128xf32, #tpu.memory_space<vmem>>[vector<16xi32>, vector<16xi32>, vector<16xi32>, vector<16xi32>], vector<16xf32>,
      %parallel_loop3A_443 = arith.constant 16 : i32
      %parallel_loop3A_444 = arith.muli %parallel_loop3A_411, %parallel_loop3A_443 : i32
      %parallel_loop3A_445 = arith.constant 0 : i32
      %parallel_loop3A_446 = arith.constant 3 : i32
      %parallel_loop3A_447 = arith.index_cast %parallel_loop3A_409 : i32 to index
      %parallel_loop3A_448 = arith.index_cast %parallel_loop3A_445 : i32 to index
      %parallel_loop3A_449 = arith.index_cast %parallel_loop3A_446 : i32 to index
      %parallel_loop3A_450 = arith.index_cast %parallel_loop3A_444 : i32 to index
      %parallel_loop3A_451 = tpu.vector_load %arg8[%parallel_loop3A_447, %parallel_loop3A_448, %parallel_loop3A_449, %parallel_loop3A_450] {strides = array<i32>} : memref<32x1x4x128xf32, #tpu.memory_space<vmem>>, vector<16xf32>,
      tpu.vector_store %arg8[%parallel_loop3A_447, %parallel_loop3A_448, %parallel_loop3A_449, %parallel_loop3A_450], %parallel_loop3A_442 {strides = array<i32>} : memref<32x1x4x128xf32, #tpu.memory_space<vmem>>, vector<16xf32>,
    } {sc.loop_unroll_factor = 4 : i64, sc.parallel_access}
    %shift_right_arithmetic3A_315 = arith.constant 1 : i32
    %shift_right_arithmetic3A_316 = arith.shrsi %add3A_283, %shift_right_arithmetic3A_315 : i32
    %and3A_317 = arith.constant 1 : i32
    %and3A_318 = arith.andi %add3A_283, %and3A_317 : i32
    %dma_start3A_319 = arith.constant 0 : i32
    %dma_start3A_320 = arith.constant 0 : i32
    %dma_start3A_321 = arith.constant 0 : i32
    %dma_start3A_322 = tpu.memref_slice %arg4[%shift_right_arithmetic3A_316, %dma_start3A_319, %and3A_318, %dma_start3A_320, %dma_start3A_321] : memref<512x64x2x4x128xf32, #tpu.memory_space<hbm>> -> memref<1x32x1x4x128xf32, #tpu.memory_space<hbm>>
    %dma_start3A_323 = tpu.memref_squeeze %dma_start3A_322 : memref<1x32x1x4x128xf32, #tpu.memory_space<hbm>> -> memref<32x1x4x128xf32, #tpu.memory_space<hbm>>
    %dma_start3A_324 = arith.constant 0 : i32
    %dma_start3A_325 = arith.constant 0 : i32
    %dma_start3A_326 = arith.constant 0 : i32
    %dma_start3A_327 = tpu.memref_slice %arg4[%shift_right_arithmetic3A_316, %dma_start3A_324, %and3A_318, %dma_start3A_325, %dma_start3A_326] : memref<512x64x2x4x128xf32, #tpu.memory_space<hbm>> -> memref<1x32x1x4x128xf32, #tpu.memory_space<hbm>>
    %dma_start3A_328 = tpu.memref_squeeze %dma_start3A_327 : memref<1x32x1x4x128xf32, #tpu.memory_space<hbm>> -> memref<32x1x4x128xf32, #tpu.memory_space<hbm>>
    tpu.enqueue_dma source(%arg8 : memref<32x1x4x128xf32, #tpu.memory_space<vmem>>) target(%dma_start3A_328 : memref<32x1x4x128xf32, #tpu.memory_space<hbm>>) target_semaphore(%arg12 : memref<!tpu.dma_semaphore, #tpu.memory_space<semaphore_mem>>)
    %shift_right_arithmetic3A_329 = arith.constant 1 : i32
    %shift_right_arithmetic3A_330 = arith.shrsi %add3A_283, %shift_right_arithmetic3A_329 : i32
    %and3A_331 = arith.constant 1 : i32
    %and3A_332 = arith.andi %add3A_283, %and3A_331 : i32
    %dma_wait3A_333 = arith.constant 32 : i32
    %dma_wait3A_334 = arith.constant 0 : i32
    %dma_wait3A_335 = arith.constant 0 : i32
    %dma_wait3A_336 = tpu.memref_slice %arg4[%shift_right_arithmetic3A_330, %dma_wait3A_333, %and3A_332, %dma_wait3A_334, %dma_wait3A_335] : memref<512x64x2x4x128xf32, #tpu.memory_space<hbm>> -> memref<1x32x1x4x128xf32, #tpu.memory_space<hbm>>
    %dma_wait3A_337 = tpu.memref_squeeze %dma_wait3A_336 : memref<1x32x1x4x128xf32, #tpu.memory_space<hbm>> -> memref<32x1x4x128xf32, #tpu.memory_space<hbm>>
    %dma_wait3A_338 = arith.constant 32 : i32
    %dma_wait3A_339 = arith.constant 0 : i32
    %dma_wait3A_340 = arith.constant 0 : i32
    %dma_wait3A_341 = tpu.memref_slice %arg4[%shift_right_arithmetic3A_330, %dma_wait3A_338, %and3A_332, %dma_wait3A_339, %dma_wait3A_340] : memref<512x64x2x4x128xf32, #tpu.memory_space<hbm>> -> memref<1x32x1x4x128xf32, #tpu.memory_space<hbm>>
    %dma_wait3A_342 = tpu.memref_squeeze %dma_wait3A_341 : memref<1x32x1x4x128xf32, #tpu.memory_space<hbm>> -> memref<32x1x4x128xf32, #tpu.memory_space<hbm>>
    tpu.wait_dma2 semaphore(%arg13 : memref<!tpu.dma_semaphore, #tpu.memory_space<semaphore_mem>>) src(%arg9 : memref<32x1x4x128xf32, #tpu.memory_space<vmem>>) dst(%dma_wait3A_342 : memref<32x1x4x128xf32, #tpu.memory_space<hbm>>)
    %parallel_loop3A_343 = arith.constant 0 : i32
    %parallel_loop3A_344 = arith.constant 256 : i32
    %parallel_loop3A_345 = arith.constant 1 : i32
    scf.for %parallel_loop3A_395 = %parallel_loop3A_343 to %parallel_loop3A_344 step %parallel_loop3A_345  : i32 {
      %parallel_loop3A_396 = arith.constant 256 : i32
      %parallel_loop3A_397 = arith.addi %parallel_loop3A_396, %parallel_loop3A_395 : i32
      %parallel_loop3A_398 = arith.constant 16 : i32
      %parallel_loop3A_399 = arith.muli %parallel_loop3A_397, %parallel_loop3A_398 : i32
      %parallel_loop3A_400 = arith.index_cast %parallel_loop3A_399 : i32 to index
      %parallel_loop3A_401 = tpu.vector_load %arg5[%parallel_loop3A_400] {strides = array<i32>} : memref<8192xi32, #tpu.memory_space<vmem>>, vector<16xi32>,
      %parallel_loop3A_402 = arith.constant 16 : i32
      %parallel_loop3A_403 = vector.broadcast %parallel_loop3A_402 : i32 to vector<16xi32>
      %parallel_loop3A_404 = arith.shrsi %parallel_loop3A_401, %parallel_loop3A_403 : vector<16xi32>
      %parallel_loop3A_405 = arith.constant 65535 : i32
      %parallel_loop3A_406 = vector.broadcast %parallel_loop3A_405 : i32 to vector<16xi32>
      %parallel_loop3A_407 = arith.andi %parallel_loop3A_401, %parallel_loop3A_406 : vector<16xi32>
      %parallel_loop3A_408 = arith.constant 3 : i32
      %parallel_loop3A_409 = arith.shrsi %parallel_loop3A_395, %parallel_loop3A_408 : i32
      %parallel_loop3A_410 = arith.constant 7 : i32
      %parallel_loop3A_411 = arith.andi %parallel_loop3A_395, %parallel_loop3A_410 : i32
      %parallel_loop3A_412 = tpu.vector_load_idx %arg7[%parallel_loop3A_404, %broadcast_in_dim3A_13, %broadcast_in_dim3A_5, %parallel_loop3A_407] : memref<64x1x4x128xf32, #tpu.memory_space<vmem>>[vector<16xi32>, vector<16xi32>, vector<16xi32>, vector<16xi32>], vector<16xf32>,
      %parallel_loop3A_413 = arith.constant 16 : i32
      %parallel_loop3A_414 = arith.muli %parallel_loop3A_411, %parallel_loop3A_413 : i32
      %parallel_loop3A_415 = arith.constant 0 : i32
      %parallel_loop3A_416 = arith.constant 0 : i32
      %parallel_loop3A_417 = arith.index_cast %parallel_loop3A_409 : i32 to index
      %parallel_loop3A_418 = arith.index_cast %parallel_loop3A_415 : i32 to index
      %parallel_loop3A_419 = arith.index_cast %parallel_loop3A_416 : i32 to index
      %parallel_loop3A_420 = arith.index_cast %parallel_loop3A_414 : i32 to index
      %parallel_loop3A_421 = tpu.vector_load %arg9[%parallel_loop3A_417, %parallel_loop3A_418, %parallel_loop3A_419, %parallel_loop3A_420] {strides = array<i32>} : memref<32x1x4x128xf32, #tpu.memory_space<vmem>>, vector<16xf32>,
      tpu.vector_store %arg9[%parallel_loop3A_417, %parallel_loop3A_418, %parallel_loop3A_419, %parallel_loop3A_420], %parallel_loop3A_412 {strides = array<i32>} : memref<32x1x4x128xf32, #tpu.memory_space<vmem>>, vector<16xf32>,
      %parallel_loop3A_422 = tpu.vector_load_idx %arg7[%parallel_loop3A_404, %broadcast_in_dim3A_13, %broadcast_in_dim3A_7, %parallel_loop3A_407] : memref<64x1x4x128xf32, #tpu.memory_space<vmem>>[vector<16xi32>, vector<16xi32>, vector<16xi32>, vector<16xi32>], vector<16xf32>,
      %parallel_loop3A_423 = arith.constant 16 : i32
      %parallel_loop3A_424 = arith.muli %parallel_loop3A_411, %parallel_loop3A_423 : i32
      %parallel_loop3A_425 = arith.constant 0 : i32
      %parallel_loop3A_426 = arith.constant 1 : i32
      %parallel_loop3A_427 = arith.index_cast %parallel_loop3A_409 : i32 to index
      %parallel_loop3A_428 = arith.index_cast %parallel_loop3A_425 : i32 to index
      %parallel_loop3A_429 = arith.index_cast %parallel_loop3A_426 : i32 to index
      %parallel_loop3A_430 = arith.index_cast %parallel_loop3A_424 : i32 to index
      %parallel_loop3A_431 = tpu.vector_load %arg9[%parallel_loop3A_427, %parallel_loop3A_428, %parallel_loop3A_429, %parallel_loop3A_430] {strides = array<i32>} : memref<32x1x4x128xf32, #tpu.memory_space<vmem>>, vector<16xf32>,
      tpu.vector_store %arg9[%parallel_loop3A_427, %parallel_loop3A_428, %parallel_loop3A_429, %parallel_loop3A_430], %parallel_loop3A_422 {strides = array<i32>} : memref<32x1x4x128xf32, #tpu.memory_space<vmem>>, vector<16xf32>,
      %parallel_loop3A_432 = tpu.vector_load_idx %arg7[%parallel_loop3A_404, %broadcast_in_dim3A_13, %broadcast_in_dim3A_9, %parallel_loop3A_407] : memref<64x1x4x128xf32, #tpu.memory_space<vmem>>[vector<16xi32>, vector<16xi32>, vector<16xi32>, vector<16xi32>], vector<16xf32>,
      %parallel_loop3A_433 = arith.constant 16 : i32
      %parallel_loop3A_434 = arith.muli %parallel_loop3A_411, %parallel_loop3A_433 : i32
      %parallel_loop3A_435 = arith.constant 0 : i32
      %parallel_loop3A_436 = arith.constant 2 : i32
      %parallel_loop3A_437 = arith.index_cast %parallel_loop3A_409 : i32 to index
      %parallel_loop3A_438 = arith.index_cast %parallel_loop3A_435 : i32 to index
      %parallel_loop3A_439 = arith.index_cast %parallel_loop3A_436 : i32 to index
      %parallel_loop3A_440 = arith.index_cast %parallel_loop3A_434 : i32 to index
      %parallel_loop3A_441 = tpu.vector_load %arg9[%parallel_loop3A_437, %parallel_loop3A_438, %parallel_loop3A_439, %parallel_loop3A_440] {strides = array<i32>} : memref<32x1x4x128xf32, #tpu.memory_space<vmem>>, vector<16xf32>,
      tpu.vector_store %arg9[%parallel_loop3A_437, %parallel_loop3A_438, %parallel_loop3A_439, %parallel_loop3A_440], %parallel_loop3A_432 {strides = array<i32>} : memref<32x1x4x128xf32, #tpu.memory_space<vmem>>, vector<16xf32>,
      %parallel_loop3A_442 = tpu.vector_load_idx %arg7[%parallel_loop3A_404, %broadcast_in_dim3A_13, %broadcast_in_dim3A_11, %parallel_loop3A_407] : memref<64x1x4x128xf32, #tpu.memory_space<vmem>>[vector<16xi32>, vector<16xi32>, vector<16xi32>, vector<16xi32>], vector<16xf32>,
      %parallel_loop3A_443 = arith.constant 16 : i32
      %parallel_loop3A_444 = arith.muli %parallel_loop3A_411, %parallel_loop3A_443 : i32
      %parallel_loop3A_445 = arith.constant 0 : i32
      %parallel_loop3A_446 = arith.constant 3 : i32
      %parallel_loop3A_447 = arith.index_cast %parallel_loop3A_409 : i32 to index
      %parallel_loop3A_448 = arith.index_cast %parallel_loop3A_445 : i32 to index
      %parallel_loop3A_449 = arith.index_cast %parallel_loop3A_446 : i32 to index
      %parallel_loop3A_450 = arith.index_cast %parallel_loop3A_444 : i32 to index
      %parallel_loop3A_451 = tpu.vector_load %arg9[%parallel_loop3A_447, %parallel_loop3A_448, %parallel_loop3A_449, %parallel_loop3A_450] {strides = array<i32>} : memref<32x1x4x128xf32, #tpu.memory_space<vmem>>, vector<16xf32>,
      tpu.vector_store %arg9[%parallel_loop3A_447, %parallel_loop3A_448, %parallel_loop3A_449, %parallel_loop3A_450], %parallel_loop3A_442 {strides = array<i32>} : memref<32x1x4x128xf32, #tpu.memory_space<vmem>>, vector<16xf32>,
    } {sc.loop_unroll_factor = 4 : i64, sc.parallel_access}
    %shift_right_arithmetic3A_346 = arith.constant 1 : i32
    %shift_right_arithmetic3A_347 = arith.shrsi %add3A_283, %shift_right_arithmetic3A_346 : i32
    %and3A_348 = arith.constant 1 : i32
    %and3A_349 = arith.andi %add3A_283, %and3A_348 : i32
    %dma_start3A_350 = arith.constant 32 : i32
    %dma_start3A_351 = arith.constant 0 : i32
    %dma_start3A_352 = arith.constant 0 : i32
    %dma_start3A_353 = tpu.memref_slice %arg4[%shift_right_arithmetic3A_347, %dma_start3A_350, %and3A_349, %dma_start3A_351, %dma_start3A_352] : memref<512x64x2x4x128xf32, #tpu.memory_space<hbm>> -> memref<1x32x1x4x128xf32, #tpu.memory_space<hbm>>
    %dma_start3A_354 = tpu.memref_squeeze %dma_start3A_353 : memref<1x32x1x4x128xf32, #tpu.memory_space<hbm>> -> memref<32x1x4x128xf32, #tpu.memory_space<hbm>>
    %dma_start3A_355 = arith.constant 32 : i32
    %dma_start3A_356 = arith.constant 0 : i32
    %dma_start3A_357 = arith.constant 0 : i32
    %dma_start3A_358 = tpu.memref_slice %arg4[%shift_right_arithmetic3A_347, %dma_start3A_355, %and3A_349, %dma_start3A_356, %dma_start3A_357] : memref<512x64x2x4x128xf32, #tpu.memory_space<hbm>> -> memref<1x32x1x4x128xf32, #tpu.memory_space<hbm>>
    %dma_start3A_359 = tpu.memref_squeeze %dma_start3A_358 : memref<1x32x1x4x128xf32, #tpu.memory_space<hbm>> -> memref<32x1x4x128xf32, #tpu.memory_space<hbm>>
    tpu.enqueue_dma source(%arg9 : memref<32x1x4x128xf32, #tpu.memory_space<vmem>>) target(%dma_start3A_359 : memref<32x1x4x128xf32, #tpu.memory_space<hbm>>) target_semaphore(%arg13 : memref<!tpu.dma_semaphore, #tpu.memory_space<semaphore_mem>>)
    %add3A_360 = arith.constant 32 : i32
    %add3A_361 = arith.addi %mul3A_2, %add3A_360 : i32
    %sub3A = arith.constant 1 : i32
    %sub3A_362 = arith.subi %add3A_361, %sub3A : i32
    %shift_right_arithmetic3A_363 = arith.constant 1 : i32
    %shift_right_arithmetic3A_364 = arith.shrsi %sub3A_362, %shift_right_arithmetic3A_363 : i32
    %and3A_365 = arith.constant 1 : i32
    %and3A_366 = arith.andi %sub3A_362, %and3A_365 : i32
    %dma_wait3A_367 = arith.constant 0 : i32
    %dma_wait3A_368 = arith.constant 0 : i32
    %dma_wait3A_369 = arith.constant 0 : i32
    %dma_wait3A_370 = tpu.memref_slice %arg4[%shift_right_arithmetic3A_364, %dma_wait3A_367, %and3A_366, %dma_wait3A_368, %dma_wait3A_369] : memref<512x64x2x4x128xf32, #tpu.memory_space<hbm>> -> memref<1x32x1x4x128xf32, #tpu.memory_space<hbm>>
    %dma_wait3A_371 = tpu.memref_squeeze %dma_wait3A_370 : memref<1x32x1x4x128xf32, #tpu.memory_space<hbm>> -> memref<32x1x4x128xf32, #tpu.memory_space<hbm>>
    %dma_wait3A_372 = arith.constant 0 : i32
    %dma_wait3A_373 = arith.constant 0 : i32
    %dma_wait3A_374 = arith.constant 0 : i32
    %dma_wait3A_375 = tpu.memref_slice %arg4[%shift_right_arithmetic3A_364, %dma_wait3A_372, %and3A_366, %dma_wait3A_373, %dma_wait3A_374] : memref<512x64x2x4x128xf32, #tpu.memory_space<hbm>> -> memref<1x32x1x4x128xf32, #tpu.memory_space<hbm>>
    %dma_wait3A_376 = tpu.memref_squeeze %dma_wait3A_375 : memref<1x32x1x4x128xf32, #tpu.memory_space<hbm>> -> memref<32x1x4x128xf32, #tpu.memory_space<hbm>>
    tpu.wait_dma2 semaphore(%arg12 : memref<!tpu.dma_semaphore, #tpu.memory_space<semaphore_mem>>) src(%arg8 : memref<32x1x4x128xf32, #tpu.memory_space<vmem>>) dst(%dma_wait3A_376 : memref<32x1x4x128xf32, #tpu.memory_space<hbm>>)
    %add3A_377 = arith.constant 32 : i32
    %add3A_378 = arith.addi %mul3A_2, %add3A_377 : i32
    %sub3A_379 = arith.constant 1 : i32
    %sub3A_380 = arith.subi %add3A_378, %sub3A_379 : i32
    %shift_right_arithmetic3A_381 = arith.constant 1 : i32
    %shift_right_arithmetic3A_382 = arith.shrsi %sub3A_380, %shift_right_arithmetic3A_381 : i32
    %and3A_383 = arith.constant 1 : i32
    %and3A_384 = arith.andi %sub3A_380, %and3A_383 : i32
    %dma_wait3A_385 = arith.constant 32 : i32
    %dma_wait3A_386 = arith.constant 0 : i32
    %dma_wait3A_387 = arith.constant 0 : i32
    %dma_wait3A_388 = tpu.memref_slice %arg4[%shift_right_arithmetic3A_382, %dma_wait3A_385, %and3A_384, %dma_wait3A_386, %dma_wait3A_387] : memref<512x64x2x4x128xf32, #tpu.memory_space<hbm>> -> memref<1x32x1x4x128xf32, #tpu.memory_space<hbm>>
    %dma_wait3A_389 = tpu.memref_squeeze %dma_wait3A_388 : memref<1x32x1x4x128xf32, #tpu.memory_space<hbm>> -> memref<32x1x4x128xf32, #tpu.memory_space<hbm>>
    %dma_wait3A_390 = arith.constant 32 : i32
    %dma_wait3A_391 = arith.constant 0 : i32
    %dma_wait3A_392 = arith.constant 0 : i32
    %dma_wait3A_393 = tpu.memref_slice %arg4[%shift_right_arithmetic3A_382, %dma_wait3A_390, %and3A_384, %dma_wait3A_391, %dma_wait3A_392] : memref<512x64x2x4x128xf32, #tpu.memory_space<hbm>> -> memref<1x32x1x4x128xf32, #tpu.memory_space<hbm>>
    %dma_wait3A_394 = tpu.memref_squeeze %dma_wait3A_393 : memref<1x32x1x4x128xf32, #tpu.memory_space<hbm>> -> memref<32x1x4x128xf32, #tpu.memory_space<hbm>>
    tpu.wait_dma2 semaphore(%arg13 : memref<!tpu.dma_semaphore, #tpu.memory_space<semaphore_mem>>) src(%arg9 : memref<32x1x4x128xf32, #tpu.memory_space<vmem>>) dst(%dma_wait3A_394 : memref<32x1x4x128xf32, #tpu.memory_space<hbm>>)
    return
  }
}

</mosaic_0001>

<sc_bundles>
// kernel: kernel.3.cloned.1.call-start
scs
__scs_entry_jumppad:
0x0: {  	(pc) =	sbr.rel $0x88, $3  }
0x1: {  	(tag) =	ssettag $0x0;
	lr =	simm.s32 $0x1  }
0x2: {  	[smem:$0x3F9F] =	sst lr;
	_ =	strace $0xD0000000  }
0x3: {  	_ = 	snop  }
0x4: {  	_ = 	snop  }
0x5: {  	_ = 	snop  }
0x6: {  	_ = 	snop  }
0x7: {  	_ = 	snop  }
__scs_overlays_trampoline_lowered:
0x8: {  	[smem:$0x3FAE] =	sst s0  }
0x9: {  	[smem:$0x3FAF] =	sst s1  }
0xa: {  	[smem:$0x3FB0] =	sst s2  }
0xb: {  	[smem:$0x3FB1] =	sst s3  }
0xc: {  	[smem:$0x3FB2] =	sst s4  }
0xd: {  	[smem:$0x3FB3] =	sst s5  }
0xe: {  	[smem:$0x3FB4] =	sst s6  }
0xf: {  	[smem:$0x3FB5] =	sst s7  }
0x10: {  	[smem:$0x3FB6] =	sst s8  }
0x11: {  	[smem:$0x3FB7] =	sst s9;
	s0 =	simm.s32 @!p0 $0x0  }
0x12: {  	s1 =	sld [smem:$0x3F9D];
	s0 =	simm.s32 @p0 $0x1  }
0x13: {  	[smem:$0x3FB8] =	sst s0;
	s0 =	simm.s32 @!p1 $0x0  }
0x14: {  	s2 =	sld [smem:$0x3F9C];
	s0 =	simm.s32 @p1 $0x1  }
0x15: {  	[smem:$0x3FB9] =	sst s0;
	s0 =	simm.s32 @!p2 $0x0  }
0x16: {  	s3 =	sld [smem:$0x3FDB];
	s0 =	simm.s32 @p2 $0x1  }
0x17: {  	s4 =	simm.s32 $0x1BF5;
	[smem:$0x3FBB] =	sst s0  }
0x18: {  	s0 =	sld [smem:$0x3F9E];
	_ =	swait.ge [sflag:s4], $0x0  }
0x19: {  	s7 =	sld [smem:$0x3F9F]  }
0x1a: {  	s8 =	sadd.s32 $0xFFFFE003, lr  }
0x1b: {  	s9 =	sadd.s32 $0xFFFFFEF7, lr;
	s5 =	simm.s32 $0xFFFFFFFF;
	p2 =	slt.u32 s8, $0xFFFFF086  }
0x1c: {  	p1 =	slt.u32 s9, $0xF7A;
	s5 =	simm.s32 @!p2 $0x0  }
0x1d: {  	s5 =	simm.s32 @p1 $0x1;
	p0 =	seq.s32 s7, s2  }
0x1e: {  	s7 =	smul.u32 @!p0 $0xF7A, s2;
	p2 =	seq.s32 @!p0 s5, $0x0  }
0x1f: {  	s9 =	smul.u32 $0xF7A, s1;
	s8 =	simm.s32 @!p0 $0x1BF5;
	p2 =	por !p2, p0  }
0x20: {  	[sflag:s8] =	ssyncset.s32 @!p0 $0xFFFFF086;
	s6 =	sadd.s32 @!p0 s3, s7;
	s7 =	simm.s32 @!p0 $0x108  }
0x21: {  	s3 =	sadd.s32 s3, s9;
	s6 =	sadd.s32 @!p0 $0x88, s6;
	s7 =	simm.s32 @p2 $0x1082  }
0x22: {  	[simem:s7], [sflag:s8] =	dma.local @!p0 [hbm:s6], $0xF7A  }
0x23: {  	s9 =	sor.u32 $0xD0000000, s2;
	s6 =	simm.s32 $0x108;
	_ =	swait.ge @!p0 [sflag:s8], $0x0  }
0x24: {  	s3 =	sadd.s32 $0x88, s3;
	s6 =	simm.s32 @!p1 $0x1082;
	[sflag:s4] =	ssyncset.s32 $0xFFFFF086  }
0x25: {  	[simem:s6], [sflag:s4] =	dma.local [hbm:s3], $0xF7A  }
0x26: {  	[smem:$0x3F9F] =	sst s1;
	(tag) =	ssettag s2;
	_ =	strace s9  }
0x27: {  	s1 =	sld [smem:$0x3FAF]  }
0x28: {  	s2 =	sld [smem:$0x3FB0]  }
0x29: {  	s4 =	sld [smem:$0x3FB2]  }
0x2a: {  	p0 =	seq.s32 s5, $0x0;
	s5 =	sld [smem:$0x3FB3]  }
0x2b: {  	s6 =	sld [smem:$0x3FB4]  }
0x2c: {  	s7 =	sld [smem:$0x3FB5]  }
0x2d: {  	s3 =	simm.s32 $0x108;
	s8 =	sld [smem:$0x3FB6]  }
0x2e: {  	s3 =	simm.s32 @!p0 $0x1082;
	s9 =	sld [smem:$0x3FB7]  }
0x2f: {  	lr =	sadd.s32 s0, s3;
	s0 =	sld [smem:$0x3FAE]  }
0x30: {  	s3 =	sld [smem:$0x3FB1]  }
0x31: {  	[smem:$0x3FBA] =	sst s10  }
0x32: {  	s10 =	sld [smem:$0x3FB8];
	_ =	sdelay $0x3  }
0x33: {  	p0 =	seq.s32 s10, $0x1;
	s10 =	sld [smem:$0x3FBA];
	_ =	sdelay $0x3  }
0x34: {  	[smem:$0x3FBA] =	sst s10  }
0x35: {  	s10 =	sld [smem:$0x3FB9];
	_ =	sdelay $0x3  }
0x36: {  	p1 =	seq.s32 s10, $0x1;
	s10 =	sld [smem:$0x3FBA];
	_ =	sdelay $0x3  }
0x37: {  	[smem:$0x3FBA] =	sst s10  }
0x38: {  	s10 =	sld [smem:$0x3FBB]  }
0x39: {  	_ = 	snop;
	(pc) =	sbr.ind lr, $3  }
0x3a: {  	_ = 	snop  }
0x3b: {  	_ = 	snop  }
0x3c: {  	p2 =	seq.s32 s10, $0x1;
	s10 =	sld [smem:$0x3FBA]  }
0x3d: {  	_ =	shalt  }
0x3e: {  	_ =	shalt  }
0x3f: {  	_ =	shalt  }
0x40: {  	_ =	shalt  }
0x41: {  	_ =	shalt  }
0x42: {  	_ =	shalt  }
0x43: {  	_ =	shalt  }
0x44: {  	_ =	shalt  }
0x45: {  	_ =	shalt  }
0x46: {  	_ =	shalt  }
0x47: {  	_ =	shalt  }
0x48: {  	_ =	shalt  }
0x49: {  	_ =	shalt  }
0x4a: {  	_ =	shalt  }
0x4b: {  	_ =	shalt  }
0x4c: {  	_ =	shalt  }
0x4d: {  	_ =	shalt  }
0x4e: {  	_ =	shalt  }
0x4f: {  	_ =	shalt  }
0x50: {  	_ =	shalt  }
0x51: {  	_ =	shalt  }
0x52: {  	_ =	shalt  }
0x53: {  	_ =	shalt  }
0x54: {  	_ =	shalt  }
0x55: {  	_ =	shalt  }
0x56: {  	_ =	shalt  }
0x57: {  	_ =	shalt  }
0x58: {  	_ =	shalt  }
0x59: {  	_ =	shalt  }
0x5a: {  	_ =	shalt  }
0x5b: {  	_ =	shalt  }
0x5c: {  	_ =	shalt  }
0x5d: {  	_ =	shalt  }
0x5e: {  	_ =	shalt  }
0x5f: {  	_ =	shalt  }
0x60: {  	_ =	shalt  }
0x61: {  	_ =	shalt  }
0x62: {  	_ =	shalt  }
0x63: {  	_ =	shalt  }
0x64: {  	_ =	shalt  }
0x65: {  	_ =	shalt  }
0x66: {  	_ =	shalt  }
0x67: {  	_ =	shalt  }
0x68: {  	_ =	shalt  }
0x69: {  	_ =	shalt  }
0x6a: {  	_ =	shalt  }
0x6b: {  	_ =	shalt  }
0x6c: {  	_ =	shalt  }
0x6d: {  	_ =	shalt  }
0x6e: {  	_ =	shalt  }
0x6f: {  	_ =	shalt  }
0x70: {  	_ =	shalt  }
0x71: {  	_ =	shalt  }
0x72: {  	_ =	shalt  }
0x73: {  	_ =	shalt  }
0x74: {  	_ =	shalt  }
0x75: {  	_ =	shalt  }
0x76: {  	_ =	shalt  }
0x77: {  	_ =	shalt  }
0x78: {  	_ =	shalt  }
0x79: {  	_ =	shalt  }
0x7a: {  	_ =	shalt  }
0x7b: {  	_ =	shalt  }
0x7c: {  	_ =	shalt  }
0x7d: {  	_ =	shalt  }
0x7e: {  	_ =	shalt  }
0x7f: {  	_ =	shalt  }
0x80: {  	_ =	shalt  }
0x81: {  	_ =	shalt  }
0x82: {  	_ =	shalt  }
0x83: {  	_ =	shalt  }
0x84: {  	_ =	shalt  }
0x85: {  	_ =	shalt  }
0x86: {  	_ =	shalt  }
0x87: {  	_ =	shalt  }
.Lfunc_end0:
.L_simem_size_0:
called_computation_lowered:
.L_overlay_start_0:
0x88: {  	s2 =	sld [smem:$0x3FD9]  }
0x89: {  	s3 =	sld [smem:$0x3FFE];
	_ =	sdelay $0x1  }
0x8a: {  	s1 =	srdreg.scid  }
0x8b: {  	s0 =	sand.u32 $0x1, s1  }
0x8c: {  	s18 =	sshll.u32 s0, $0xA;
	s2 =	sadd.s32 s3, s2  }
0x8d: {  	s2 =	sadd.s32 s2, s18  }
0x8e: {  	[smem:$0x3FC6] =	sst s2  }
0x8f: {  	_ = 	snop  }
0x90: {  	s2 =	sld [smem:$0x3FC9]  }
0x91: {  	s19 =	sld [smem:$0x3FC8]  }
0x92: {  	s4 =	sld [smem:$0x3FD0];
	(tm) =	ssettm $0x1  }
0x93: {  	s5 =	sld [smem:$0x3FFB];
	_ =	sdelay $0x3  }
0x94: {  	_ =	strace s5  }
0x95: {  	s5 =	sld [smem:$0x3FFC];
	_ =	sdelay $0x3  }
0x96: {  	_ =	strace s5  }
0x97: {  	s5 =	sld [smem:$0x3FFD];
	_ =	sdelay $0x3  }
0x98: {  	_ =	strace s5  }
0x99: {  	_ =	strace $0x8FFFFFFF  }
0x9a: {  	s20 =	sld [smem:$0x3FDB];
	_ =	sdelay $0x1  }
0x9b: {  	s6 =	simm.s32 $_scs_section_size  }
0x9c: {  	s7 =	simm.s32 $_size__tile_overlayer_lowered;
	s8 =	simm.s32 $_tile_overlayer_lowered  }
0x9d: {  	s23 =	simm.s32 $0x1BFF;
	s22 =	sshll.u32 s8, $0x1;
	s5 =	sadd.s32 s6, s20  }
0x9e: {  	s9 =	simm.s32 $0x0;
	s21 =	sshll.u32 s7, $0x1;
	s7 =	sadd.s32 s22, s5  }
0x9f: {  	[timem:s9], [sflag:s23] =	dma.local [hbm:s7], s21  }
0xa0: {  	_ =	swait.ge [sflag:s23], s21  }
0xa1: {  	s6 =	ssub.s32 $0x0, s21;
	[sflag:s23] =	ssyncset.done $0x0  }
0xa2: {  	[sflag:s23] =	ssyncadd.s32 s6;
	_ =	sdelay $0x1  }
0xa3: {  	s24 =	simm.s32 $0x1B8B  }
0xa4: {  	_ =	swait.ge [sflag:s24], $0x1  }
0xa5: {  	[sflag:s24] =	ssyncset.done $0x0  }
0xa6: {  	s25 =	simm.s32 $0x1B8E;
	[sflag:s24] =	ssyncadd.s32 $0xFFFFFFFF  }
0xa7: {  	s26 =	simm.s32 $execute0_lowered;
	[smem:$0x3FD2] =	sst s25  }
0xa8: {  	s6 =	sshll.u32 s26, $0x1;
	_ =	strace $0x80000046;
	[dreg:$0x1] =	wrdreg $0xFFFFFFFF  }
0xa9: {  	s28 =	simm.s32 $_size_execute0_lowered;
	s5 =	sadd.s32 s5, s6;
	[dreg:$0x0] =	wrdreg $0x0  }
0xaa: {  	s6 =	sshll.u32 s28, $0x1;
	[dreg:$0x2] =	wrdreg s5  }
0xab: {  	[dreg:$0x3] =	wrdreg s6  }
0xac: {  	[dreg:$0x4] =	wrdreg $0xC0  }
0xad: {  	_ =	task [dreg:s9], $0x5FFFF  }
0xae: {  	[dreg:$0x1] =	wrdreg $0xFFFFFFFF  }
0xaf: {  	[dreg:$0x0] =	wrdreg $0x60  }
0xb0: {  	[dreg:$0x2] =	wrdreg s2  }
0xb1: {  	[dreg:$0x3] =	wrdreg s19  }
0xb2: {  	[dreg:$0x4] =	wrdreg s4  }
0xb3: {  	[dreg:$0x5] =	wrdreg $0x9  }
0xb4: {  	_ =	task.clear_ibuf [dreg:s9], $0x6FFFF;
	_ =	strace $0x90000046  }
0xb5: {  	s29 =	simm.s32 $0x9;
	_ =	strace $0x80000048  }
0xb6: {  	_ =	swait.ge [sflag:s29], $0x1  }
0xb7: {  	[sflag:s29] =	ssyncadd.s32 $0xFFFFFFFF  }
0xb8: {  	_ =	strace $0x90000048  }
0xb9: {  	_ =	sfence  }
0xba: {  	s30 =	sld [smem:$0x0];
	_ =	sdelay $0x2  }
0xbb: {  	s31 =	sshll.u32 s1, $0xD;
	s1 =	sshrl.u32 s1, $0x2  }
0xbc: {  	s3 =	sand.u32 $0x4000, s31;
	s1 =	sadd.s32 s1, s30  }
0xbd: {  	s0 =	sor.u32 s3, s0;
	s1 =	sshll.u32 s1, $0x11  }
0xbe: {  	s0 =	sor.u32 s1, s0  }
0xbf: {  	s0 =	sadd.s32 $0x8F2B, s0  }
0xc0: {  	[sflag:s0] =	ssyncadd.remote.s32 $0x1  }
0xc1: {  	_ =	sfence.sel $0xFFFF  }
0xc2: {  	[dreg:$0x0] =	wrdreg $0xFFFFFFFF;
	(pc) =	sbr.abs _section_cstart, $3  }
0xc3: {  	[dreg:$0x1] =	wrdreg $0xFFFFFFFF  }
0xc4: {  	_ =	task.clear_ibuf [dreg:s9], $0x2FFFF;
	_ =	strace $0x9FFFFFFF  }
0xc5: {  	(tm) =	ssettm $0x7FFFFFFF  }
tec
execute0_lowered:
.L_overlay_start_1:
0x0: {  	(tag) =	ssettag $0x1  }
0x1: {  	s0 =	rddreg [dreg:$0x0]  }
0x2: {  	s30 =	rddreg [dreg:$0x2]  }
0x3: {  	s1 =	srdreg.scid;
	s2 =	stileid.u32  }
0x4: {  	s4 =	simm.s32 $0x0;
	s1 =	sand.u32 $0x1, s1;
	s2 =	sshll.u32 s2, $0x6  }
0x5: {  	[smem:$0x7FF] =	sst s4;
	s17 =	sadd.s32 $0x1000, s30;
	s6 =	sadd.s32 $0x2000, s0  }
0x6: {  	s3 =	sshll.u32 s1, $0x5;
	_ =	strace $0x80000047;
	[dreg:$0x6] =	wrdreg s17  }
0x7: {  	s22 =	sadd.s32 $0x40, s30;
	[dreg:$0x7] =	wrdreg s6;
	s2 =	sor.u32 s3, s2  }
0x8: {  	[dreg:$0x11] =	wrdreg s22;
	s20 =	sor.u32 $0x2, s2  }
0x9: {  	s14 =	sshll.u32 s2, $0xC;
	s21 =	sor.u32 $0x3, s2;
	[dreg:$0xf] =	wrdreg s20  }
0xa: {  	s1 =	ssub.s32 $0x2, s1;
	s15 =	sadd.s32 s0, s14;
	[dreg:$0x10] =	wrdreg s21  }
0xb: {  	s13 =	sshrl.u32 s1, $0x1;
	s18 =	sadd.s32 s14, s6;
	[dreg:$0x4] =	wrdreg s15  }
0xc: {  	s1 =	ssub.s32 s1, s13;
	s7 =	sadd.s32 s30, s14;
	[dreg:$0xa] =	wrdreg s18  }
0xd: {  	s16 =	sor.u32 $0x40, s14;
	s31 =	smax.u32 s1, $0x1;
	[dreg:$0x8] =	wrdreg s7  }
0xe: {  	s5 =	sadd.s32 s0, s16;
	[dreg:$0x16] =	wrdreg s31  }
0xf: {  	s3 =	sadd.s32 s30, s16;
	[dreg:$0x5] =	wrdreg s5  }
0x10: {  	s19 =	sadd.s32 $0x1040, s7;
	[dreg:$0xb] =	wrdreg s3  }
0x11: {  	s0 =	sadd.s32 $0x2040, s0;
	[dreg:$0xc] =	wrdreg s19  }
0x12: {  	s23 =	sadd.s32 $0x1E000, s7;
	[dreg:$0xd] =	wrdreg s0  }
0x13: {  	s24 =	sadd.s32 $0x1F000, s7;
	[dreg:$0x12] =	wrdreg s23  }
0x14: {  	s25 =	sadd.s32 $0x1E040, s7;
	[dreg:$0x13] =	wrdreg s24  }
0x15: {  	s26 =	sadd.s32 $0x1F040, s7;
	[dreg:$0x14] =	wrdreg s25  }
0x16: {  	s28 =	simm.s32 $0x2000;
	s5 =	sadd.s32 s14, s17;
	[dreg:$0x15] =	wrdreg s26  }
0x17: {  	s29 =	simm.s32 $0xA000;
	s0 =	sadd.s32 s14, s0;
	[dreg:$0x9] =	wrdreg s5  }
0x18: {  	s4 =	simm.s32 $0x4;
	s1 =	simm.s32 $0x0;
	[dreg:$0xe] =	wrdreg s0  }
.LBB2_1:
0x19: {  	[dreg:$0x17] =	wrdreg s1  }
0x1a: {  	s0 =	rddreg [dreg:$0x1];
	s26 =	simm.s32 $0x0;
	s31 =	simm.s32 $0x5  }
0x1b: {  	[tilespmem:s26], [sflag:$0x5] =	stream.linear.gather [hbm4b:s0+s26], $0x2000, $0x38;
	[tilespmem:$0x1A000] =	vst v63  }
0x1c: {  	_ =	swait.ge [sflag:s31], $0x2000  }
0x1d: {  	[sflag:s31] =	ssyncset.done $0x0  }
0x1e: {  	s5 =	simm.s32 $0x20;
	[sflag:s31] =	ssyncadd.s32 $0xFFFFE000  }
0x1f: {  	v1 =	vld [tilespmem:s5+$0x10]  }
0x20: {  	v3 =	vld [tilespmem:s5+$0xFFFFFFF0]  }
0x21: {  	v2 =	vld [tilespmem:s5+$0xFFFFFFE0]  }
0x22: {  	v4 =	vld [tilespmem:s5+$0x0];
	_ =	sdelay $0x1  }
0x23: {  	s3 =	simm.s32 $0x60  }
0x24: {  	v0 =	vld [tilespmem:s3+$0xFFFFFFF0];
	v5 =	vshll.u32 v1, $0x9  }
0x25: {  	v7 =	vshll.u32 v3, $0x9;
	v1 =	vand.u32 $0x7F, v1;
	v8 =	vshll.u32 v2, $0x9  }
0x26: {  	v10 =	vand.u32 $0x7F, v4;
	v6 =	vand.u32 $0xFFFF0000, v5;
	v5 =	vand.u32 $0x7F, v2;
	v2 =	vld [tilespmem:s3+$0x10]  }
0x27: {  	v9 =	vor.u32 v1, v6;
	v6 =	vand.u32 $0xFFFF0000, v8;
	v8 =	vshll.u32 v4, $0x9;
	v1 =	vld [tilespmem:s3+$0x0]  }
0x28: {  	v11 =	vand.u32 $0x7F, v3;
	v7 =	vand.u32 $0xFFFF0000, v7;
	v4 =	vld [tilespmem:s3+$0xFFFFFFE0];
	v12 =	vand.u32 $0xFFFF0000, v8  }
0x29: {  	s6 =	simm.s32 $0x4;
	s7 =	simm.s32 $0xA0;
	v3 =	vshll.u32 v0, $0x9;
	[tilespmem:s5+$0x10] =	vst v9;
	v8 =	vor.u32 v11, v7;
	v7 =	vor.u32 v10, v12  }
.LBB2_2:
0x2a: {  	s6 =	sadd.s32 $0x4, s6  }
0x2b: {  	v9 =	vld [tilespmem:s7+$0xFFFFFFF0];
	v11 =	vshll.u32 v2, $0x9;
	v5 =	vor.u32 v5, v6;
	[tilespmem:s5+$0xFFFFFFF0] =	vst v8;
	p0 =	slt.u32 s6, $0x1FC  }
.Ltmp0:
0x2c: {  	v8 =	vand.u32 $0x7F, v2;
	v6 =	vand.u32 $0xFFFF0000, v11;
	v2 =	vld [tilespmem:s7+$0x10];
	[tilespmem:s5+$0xFFFFFFE0] =	vst v5;
	v10 =	vmov v1;
	(pc) =	sbr.rel @p0 .LBB2_2-.Ltmp0, $4  }
0x2d: {  	v1 =	vld [tilespmem:s7+$0x0];
	v11 =	vshll.u32 v4, $0x9;
	v5 =	vand.u32 $0x7F, v4;
	v8 =	vor.u32 v8, v6;
	[tilespmem:s5+$0x0] =	vst v7;
	s5 =	smov.u32 s3;
	s3 =	smov.u32 s7  }
0x2e: {  	v7 =	vshll.u32 v10, $0x9;
	v10 =	vand.u32 $0x7F, v10;
	v4 =	vld [tilespmem:s7+$0xFFFFFFE0];
	v6 =	vand.u32 $0xFFFF0000, v11;
	[tilespmem:s5+$0x10] =	vst v8  }
0x2f: {  	v8 =	vand.u32 $0xFFFF0000, v3;
	v11 =	vand.u32 $0x7F, v0;
	v7 =	vand.u32 $0xFFFF0000, v7  }
0x30: {  	s7 =	sadd.s32 $0x40, s7;
	v8 =	vor.u32 v11, v8;
	v7 =	vor.u32 v10, v7;
	v3 =	vshll.u32 v9, $0x9;
	v0 =	vmovc v9  }
0x31: {  	v9 =	vshll.u32 v2, $0x9;
	v5 =	vor.u32 v5, v6;
	[tilespmem:s5+$0xFFFFFFF0] =	vst v8;
	v2 =	vand.u32 $0x7F, v2  }
0x32: {  	[tilespmem:s5+$0x0] =	vst v7;
	v3 =	vand.u32 $0xFFFF0000, v3;
	v0 =	vand.u32 $0x7F, v0;
	v6 =	vand.u32 $0xFFFF0000, v9  }
0x33: {  	[tilespmem:s5+$0xFFFFFFE0] =	vst v5;
	v0 =	vor.u32 v0, v3;
	v5 =	vshll.u32 v4, $0x9;
	v4 =	vand.u32 $0x7F, v4  }
0x34: {  	v2 =	vor.u32 v2, v6;
	v6 =	vshll.u32 v1, $0x9;
	[tilespmem:s3+$0xFFFFFFF0] =	vst v0;
	v5 =	vand.u32 $0xFFFF0000, v5  }
0x35: {  	v1 =	vand.u32 $0x7F, v1;
	[tilespmem:s3+$0x10] =	vst v2;
	v2 =	vand.u32 $0xFFFF0000, v6;
	v3 =	vor.u32 v4, v5  }
0x36: {  	v0 =	vor.u32 v1, v2;
	[tilespmem:s3+$0xFFFFFFE0] =	vst v3  }
0x37: {  	[tilespmem:s3+$0x0] =	vst v0  }
0x38: {  	s22 =	simm.s32 $0x200;
	s23 =	simm.s32 $0x400;
	s0 =	rddreg [dreg:$0x4]  }
0x39: {  	[tilespmem:s28], [sflag:$0x1] =	stream.strided.gather [hbm4b:s0+s22], $0x8000, s23, s22, $0x38;
	[tilespmem:$0x1A000] =	vst v63  }
0x3a: {  	s25 =	simm.s32 $0x1;
	s24 =	rddreg [dreg:$0x5]  }
0x3b: {  	[tilespmem:s29], [sflag:$0x2] =	stream.strided.gather [hbm4b:s24+s22], $0x8000, s23, s22, $0x38;
	[tilespmem:$0x1A000] =	vst v63  }
0x3c: {  	_ =	swait.ge [sflag:s25], $0x8000  }
0x3d: {  	[sflag:s25] =	ssyncset.done $0x0  }
0x3e: {  	s26 =	simm.s32 $0x0;
	[sflag:s25] =	ssyncadd.s32 $0xFFFF8000  }
0x3f: {  	v0 =	vld [tilespmem:s26+$0x10]  }
0x40: {  	v1 =	vld [tilespmem:s26+$0x30]  }
0x41: {  	v2 =	vld [tilespmem:s26+$0x20];
	_ =	sdelay $0x1  }
0x42: {  	v5 =	vld [tilespmem:s26+$0x0];
	_ =	sdelay $0x1  }
0x43: {  	v3 =	vand.u32 $0xFF80, v0;
	v4 =	vshra.s32 v0, $0x7;
	v0 =	vand.u32 $0x7F, v0  }
0x44: {  	v6 =	vshra.s32 v1, $0x7;
	v7 =	vshra.s32 v2, $0x7;
	v8 =	vand.u32 $0xFF80, v1  }
0x45: {  	v1 =	vand.u32 $0x7F, v1;
	v11 =	vand.u32 $0xFF80, v2;
	v2 =	vand.u32 $0x7F, v2  }
0x46: {  	v12 =	vshra.s32 v5, $0x7;
	v14 =	vand.u32 $0xFF80, v5;
	v4 =	vand.u32 $0xFFFFFE00, v4  }
0x47: {  	s31 =	simm.s32 $0x40;
	s0 =	simm.s32 $0x0;
	v5 =	vand.u32 $0x7F, v5;
	v6 =	vand.u32 $0xFFFFFE00, v6;
	v10 =	vadd.s32 v3, v4  }
0x48: {  	s9 =	simm.s32 $0x20;
	s10 =	simm.s32 $0x0;
	s6 =	sand.u32 $0x3E00, s0;
	v12 =	vand.u32 $0xFFFFFE00, v12;
	v9 =	vadd.s32 v8, v6;
	v10 =	vor.u32 v0, v10  }
0x49: {  	s9 =	sand.u32 $0x60, s9;
	s10 =	sand.u32 $0x40, s10;
	s6 =	sadd.s32 $0x12000, s6;
	v7 =	vand.u32 $0xFFFFFE00, v7;
	v16 =	vadd.s32 v14, v12;
	v9 =	vor.u32 v1, v9  }
0x4a: {  	s12 =	sor.u32 s9, s6;
	s9 =	sor.u32 s10, s6;
	s10 =	simm.s32 $0x80;
	v15 =	vld [tilespmem:s31+$0x10];
	v13 =	vadd.s32 v11, v7;
	v0 =	vor.u32 v0, v3;
	v3 =	vor.u32 v5, v16  }
0x4b: {  	v22 =	vld [tilespmem:s10+$0x30];
	v13 =	vor.u32 v2, v13;
	v1 =	vor.u32 v1, v8  }
0x4c: {  	v1 =	vadd.s32 v6, v1;
	v6 =	vld [tilespmem:s31+$0x30]  }
0x4d: {  	v0 =	vadd.s32 v4, v0;
	v4 =	vld.idx.msk [tilespmem:v10+s28+$0x0], $0xffff  }
0x4e: {  	v2 =	vor.u32 v2, v11;
	v8 =	vadd.s32 $0x80, v0;
	v9 =	vld.idx.msk [tilespmem:v9+s28+$0x0], $0xffff  }
0x4f: {  	s7 =	simm.s32 $0x10;
	v5 =	vor.u32 v5, v14;
	v7 =	vadd.s32 v7, v2;
	v3 =	vld.idx.msk [tilespmem:v3+s28+$0x0], $0xffff  }
0x50: {  	s8 =	simm.s32 $0x30;
	s7 =	sand.u32 $0x50, s7;
	v11 =	vadd.s32 v12, v5;
	v5 =	vshra.s32 v15, $0x7;
	v10 =	vadd.s32 $0x80, v1;
	v2 =	vld.idx.msk [tilespmem:v13+s28+$0x0], $0xffff  }
0x51: {  	s8 =	sand.u32 $0x70, s8;
	s7 =	sor.u32 s7, s6;
	v25 =	vld [tilespmem:s10+$0x20];
	v12 =	vand.u32 $0xFF80, v15;
	v5 =	vand.u32 $0xFFFFFE00, v5  }
0x52: {  	s8 =	sor.u32 s8, s6;
	v14 =	vld [tilespmem:s31+$0x20];
	v15 =	vand.u32 $0x7F, v15;
	v16 =	vadd.s32 v12, v5;
	[tilespmem:s7+$0x0] =	vst v4;
	v4 =	vadd.s32 $0x80, v11  }
0x53: {  	v16 =	vor.u32 v15, v16;
	v18 =	vshra.s32 v6, $0x7;
	[tilespmem:s8+$0x0] =	vst v9;
	v8 =	vld.idx.msk [tilespmem:v8+s28+$0x0], $0xffff  }
0x54: {  	v13 =	vadd.s32 $0x80, v7;
	v9 =	vld [tilespmem:s31+$0x0];
	[tilespmem:s9+$0x0] =	vst v3;
	v3 =	vand.u32 $0xFFFFFE00, v18;
	v18 =	vand.u32 $0xFF80, v6  }
0x55: {  	v17 =	vadd.s32 $0x100, v0;
	[tilespmem:s12+$0x0] =	vst v2;
	v6 =	vand.u32 $0x7F, v6;
	v2 =	vld.idx.msk [tilespmem:v10+s28+$0x0], $0xffff;
	v20 =	vadd.s32 v18, v3  }
0x56: {  	v10 =	vadd.s32 $0x100, v1;
	v20 =	vor.u32 v6, v20;
	v6 =	vor.u32 v6, v18;
	v18 =	vld [tilespmem:s10+$0x10]  }
0x57: {  	v19 =	vshra.s32 v14, $0x7;
	v4 =	vld.idx.msk [tilespmem:v4+s28+$0x0], $0xffff  }
0x58: {  	v23 =	vadd.s32 $0x100, v11;
	v19 =	vand.u32 $0xFFFFFE00, v19;
	[tilespmem:s7+$0x80] =	vst v8;
	v8 =	vld.idx.msk [tilespmem:v16+s28+$0x0], $0xffff;
	v16 =	vand.u32 $0xFF80, v14  }
0x59: {  	s15 =	sand.u32 $0x7, s0;
	s6 =	simm.s32 $0x100;
	v26 =	vadd.s32 $0x180, v0;
	v13 =	vld.idx.msk [tilespmem:v13+s28+$0x0], $0xffff;
	v14 =	vand.u32 $0x7F, v14;
	v21 =	vadd.s32 v16, v19  }
0x5a: {  	s16 =	sand.u32 $0x3E00, s6;
	[tilespmem:s8+$0x80] =	vst v2;
	v2 =	vor.u32 v15, v12;
	v15 =	vshra.s32 v9, $0x7;
	s7 =	sshll.u32 s15, $0x4;
	v17 =	vld.idx.msk [tilespmem:v17+s28+$0x0], $0xffff;
	v12 =	vor.u32 v14, v21  }
0x5b: {  	s20 =	simm.s32 $0x50;
	s17 =	sadd.s32 $0x12000, s16;
	v24 =	vand.u32 $0xFF80, v9;
	v10 =	vld.idx.msk [tilespmem:v10+s28+$0x0], $0xffff;
	v15 =	vand.u32 $0xFFFFFE00, v15;
	s7 =	sadd.s32 $0x0, s7;
	v21 =	vadd.s32 $0x100, v7  }
0x5c: {  	v0 =	vand.u32 $0x7F, v9;
	v9 =	vadd.s32 $0x180, v1;
	v1 =	vadd.s32 v24, v15;
	s18 =	sadd.s32 $0x10, s7;
	s11 =	sadd.s32 $0x30, s7;
	s7 =	sand.u32 $0x50, s20;
	[tilespmem:s9+$0x80] =	vst v4;
	v4 =	vld.idx.msk [tilespmem:v20+s28+$0x0], $0xffff  }
0x5d: {  	s14 =	sor.u32 s7, s17;
	v20 =	vor.u32 v0, v1;
	v1 =	vor.u32 v14, v16;
	v14 =	vshra.s32 v18, $0x7;
	v23 =	vld.idx.msk [tilespmem:v23+s28+$0x0], $0xffff  }
0x5e: {  	p0 =	por $0x0, $0x0;
	v62 =	vshra.s32 v25, $0x7;
	v2 =	vadd.s32 v5, v2;
	[tilespmem:s14+$0x0] =	vst v8;
	v8 =	vand.u32 $0xFFFFFE00, v14;
	v14 =	vld [tilespmem:s10+$0x0]  }
0x5f: {  	s13 =	simm.s32 $0x70;
	v3 =	vadd.s32 v3, v6;
	[tilespmem:s12+$0x80] =	vst v13;
	s8 =	simm.s32 $0x1;
	v13 =	vadd.s32 $0x80, v2;
	s19 =	sor.u32 $0x100, s18;
	v0 =	vor.u32 v0, v24;
	v12 =	vld.idx.msk [tilespmem:v12+s28+$0x0], $0xffff  }
0x60: {  	s13 =	sand.u32 $0x70, s13;
	s8 =	simm.s32 @!p0 $0x0;
	s21 =	sor.u32 $0x100, s11;
	v16 =	vadd.s32 $0x80, v3;
	v1 =	vadd.s32 v19, v1;
	v0 =	vadd.s32 v15, v0;
	[tilespmem:s19+$0x12000] =	vst v17;
	v15 =	vld.idx.msk [tilespmem:v21+s28+$0x0], $0xffff  }
0x61: {  	s3 =	sand.u32 $0x3, s0;
	s22 =	simm.s32 $0x60;
	v5 =	vadd.s32 $0x100, v3;
	s24 =	sshll.u32 s8, $0x6;
	[tilespmem:s21+$0x12000] =	vst v10;
	v10 =	vadd.s32 $0x180, v11;
	v11 =	vadd.s32 $0x80, v1;
	v21 =	vld.idx.msk [tilespmem:v26+s28+$0x0], $0xffff  }
0x62: {  	s3 =	sshll.u32 s3, $0x5;
	v6 =	vadd.s32 $0x100, v2;
	s7 =	sor.u32 s13, s17;
	s16 =	sadd.s32 $0x0, s24;
	v19 =	vand.u32 $0x7F, v18;
	v17 =	vadd.s32 $0x180, v7;
	v9 =	vld.idx.msk [tilespmem:v9+s28+$0x0], $0xffff  }
0x63: {  	s23 =	sand.u32 $0x60, s22;
	s3 =	sadd.s32 $0x0, s3;
	s12 =	sor.u32 $0x100, s16;
	v7 =	vand.u32 $0xFF80, v18;
	v18 =	vshra.s32 v22, $0x7;
	v27 =	vadd.s32 $0x80, v0;
	v20 =	vld.idx.msk [tilespmem:v20+s28+$0x0], $0xffff;
	[tilespmem:s7+$0x0] =	vst v4  }
0x64: {  	s15 =	sor.u32 s23, s17;
	s8 =	sadd.s32 $0x20, s3;
	v18 =	vand.u32 $0xFFFFFE00, v18;
	v63 =	vld.idx.msk [tilespmem:v13+s28+$0x0], $0xffff;
	v4 =	vor.u32 v19, v7;
	v7 =	vadd.s32 v7, v8;
	[tilespmem:s12+$0x12000] =	vst v23  }
0x65: {  	s25 =	simm.s32 $0x40;
	s3 =	sor.u32 $0x100, s8;
	v13 =	vand.u32 $0x7F, v22;
	v16 =	vld.idx.msk [tilespmem:v16+s28+$0x0], $0xffff;
	[tilespmem:s15+$0x0] =	vst v12;
	v12 =	vand.u32 $0xFF80, v22;
	v22 =	vor.u32 v19, v7  }
0x66: {  	s26 =	sand.u32 $0x40, s25;
	s11 =	sor.u32 $0x180, s11;
	v23 =	vand.u32 $0xFFFFFE00, v62;
	[tilespmem:s3+$0x12000] =	vst v15;
	v7 =	vadd.s32 v12, v18;
	v19 =	vor.u32 v13, v12;
	v12 =	vld.idx.msk [tilespmem:v11+s28+$0x0], $0xffff  }
0x67: {  	s1 =	simm.s32 $0x200;
	s2 =	simm.s32 $0x400;
	s9 =	sor.u32 s26, s17;
	v15 =	vand.u32 $0xFF80, v25;
	[tilespmem:s11+$0x12000] =	vst v9;
	v11 =	vor.u32 v13, v7;
	v7 =	vadd.s32 v18, v19;
	v18 =	vld.idx.msk [tilespmem:v17+s28+$0x0], $0xffff  }
0x68: {  	s5 =	simm.s32 $0x300;
	p0 =	por !p0, !p0;
	s31 =	sor.u32 $0x180, s18;
	v8 =	vadd.s32 v8, v4;
	v9 =	vand.u32 $0x7F, v25;
	v13 =	vadd.s32 v15, v23;
	[tilespmem:s9+$0x0] =	vst v20;
	v19 =	vld.idx.msk [tilespmem:v10+s28+$0x0], $0xffff  }
0x69: {  	s13 =	simm.s32 $0xB0;
	s10 =	simm.s32 $0x200;
	s19 =	simm.s32 $0x8;
	[tilespmem:s14+$0x80] =	vst v63;
	v20 =	vshra.s32 v14, $0x7;
	v13 =	vor.u32 v9, v13;
	v9 =	vor.u32 v9, v15;
	v17 =	vld.idx.msk [tilespmem:v27+s28+$0x0], $0xffff  }
0x6a: {  	s12 =	simm.s32 $0x4;
	s11 =	simm.s32 $0x2;
	[tilespmem:s31+$0x12000] =	vst v21;
	s3 =	simm.s32 $0x2;
	v4 =	vadd.s32 $0x80, v7;
	v15 =	vand.u32 $0x7F, v14;
	v9 =	vadd.s32 v23, v9;
	v10 =	vld.idx.msk [tilespmem:v22+s28+$0x0], $0xffff  }
.LBB2_4:
0x6b: {  	s17 =	sshra.s32 s5, $0x2;
	s14 =	sadd.s32 $0xFFFFFFD0, s13;
	s18 =	sand.u32 $0x3E00, s10;
	v21 =	vld.idx.msk [tilespmem:v6+s28+$0x0], $0xffff;
	[tilespmem:s7+$0x80] =	vst v16  }
0x6c: {  	v6 =	vadd.s32 $0x100, v0;
	s8 =	sor.u32 $0x180, s8;
	v16 =	vld [tilespmem:s17+$0x30];
	s7 =	sand.u32 $0x40, s14;
	s18 =	sadd.s32 $0x12000, s18  }
0x6d: {  	s16 =	sor.u32 $0x180, s16;
	s14 =	sand.u32 $0x7, s12;
	s7 =	sor.u32 s7, s18;
	v22 =	vld.idx.msk [tilespmem:v5+s28+$0x0], $0xffff;
	[tilespmem:s8+$0x12000] =	vst v18  }
0x6e: {  	s19 =	sadd.s32 $0x4, s19;
	v23 =	vadd.s32 $0x180, v3;
	v3 =	vmovc v7;
	v5 =	vand.u32 $0xFF80, v14;
	s8 =	sshll.u32 s14, $0x4;
	v14 =	vadd.s32 $0x100, v1;
	v18 =	vld [tilespmem:s17+$0x10];
	[tilespmem:s16+$0x12000] =	vst v19  }
0x6f: {  	v7 =	vand.u32 $0xFFFFFE00, v20;
	p1 =	slt.u32 s19, $0xFC;
	v20 =	vor.u32 v15, v5;
	s8 =	sadd.s32 s6, s8;
	v19 =	vld [tilespmem:s17+$0x20];
	[tilespmem:s9+$0x80] =	vst v17;
	v17 =	vadd.s32 $0x180, v2;
	v2 =	vmovc v8;
	s9 =	smov.u32 s7  }
0x70: {  	v8 =	vadd.s32 v5, v7;
	v7 =	vadd.s32 v7, v20;
	v5 =	vadd.s32 $0x100, v3;
	s14 =	sadd.s32 $0x30, s8;
	s20 =	sadd.s32 $0x10, s8;
	v11 =	vld.idx.msk [tilespmem:v11+s28+$0x0], $0xffff  }
0x71: {  	v20 =	vadd.s32 $0x180, v1;
	v1 =	vmov v9;
	v8 =	vor.u32 v15, v8;
	s7 =	sor.u32 $0x100, s20;
	v15 =	vld.idx.msk [tilespmem:v6+s28+$0x0], $0xffff;
	[tilespmem:s15+$0x80] =	vst v12  }
0x72: {  	v24 =	vadd.s32 $0x180, v0;
	s11 =	sadd.s32 $0x2, s11;
	s12 =	sadd.s32 $0x4, s12;
	s8 =	simm.s32 $0x1;
	v9 =	vadd.s32 $0x80, v2;
	v0 =	vmovc v7;
	v6 =	vadd.s32 $0x100, v2;
	v12 =	vld.idx.msk [tilespmem:v13+s28+$0x0], $0xffff;
	[tilespmem:s7+$0x12000] =	vst v21  }
0x73: {  	s8 =	simm.s32 @!p0 $0x0;
	s15 =	sor.u32 $0x100, s14;
	s7 =	sadd.s32 $0xFFFFFFE0, s13;
	v7 =	vand.u32 $0xFF80, v18;
	v13 =	vand.u32 $0x7F, v18;
	v18 =	vshra.s32 v18, $0x7;
	v21 =	vld.idx.msk [tilespmem:v14+s28+$0x0], $0xffff  }
0x74: {  	s3 =	sand.u32 $0x3, s3;
	s16 =	sand.u32 $0x70, s13;
	v14 =	vshra.s32 v16, $0x7;
	s7 =	sand.u32 $0x50, s7;
	v18 =	vand.u32 $0xFFFFFE00, v18;
	v25 =	vshra.s32 v19, $0x7;
	v26 =	vld.idx.msk [tilespmem:v17+s28+$0x0], $0xffff;
	[tilespmem:s15+$0x12000] =	vst v22  }
0x75: {  	s3 =	sshll.u32 s3, $0x5;
	v27 =	vadd.s32 $0x80, v1;
	v17 =	vand.u32 $0xFF80, v19;
	v22 =	vand.u32 $0xFFFFFE00, v14;
	s21 =	sor.u32 s7, s18;
	s7 =	sadd.s32 $0xFFFFFFF0, s13;
	v23 =	vld.idx.msk [tilespmem:v23+s28+$0x0], $0xffff  }
0x76: {  	s3 =	sadd.s32 s6, s3;
	v28 =	vor.u32 v13, v7;
	v14 =	vand.u32 $0xFF80, v16;
	v16 =	vand.u32 $0x7F, v16;
	s15 =	sand.u32 $0x60, s7;
	s7 =	sor.u32 s16, s18;
	v29 =	vld.idx.msk [tilespmem:v8+s28+$0x0], $0xffff;
	[tilespmem:s21+$0x0] =	vst v10  }
0x77: {  	v30 =	vadd.s32 $0x80, v0;
	s16 =	sshll.u32 s8, $0x6;
	s8 =	sadd.s32 $0x20, s3;
	v8 =	vadd.s32 v14, v22;
	v10 =	vor.u32 v16, v14;
	s15 =	sor.u32 s15, s18;
	v31 =	vld.idx.msk [tilespmem:v9+s28+$0x0], $0xffff;
	[tilespmem:s7+$0x0] =	vst v11  }
0x78: {  	s3 =	smov.u32 s11;
	s16 =	sadd.s32 s16, s6;
	s6 =	sor.u32 $0x100, s8;
	v9 =	vadd.s32 v7, v18;
	v11 =	vor.u32 v16, v8;
	v7 =	vadd.s32 v22, v10;
	v14 =	vld [tilespmem:s17+$0x0];
	[tilespmem:s15+$0x0] =	vst v12  }
0x79: {  	v10 =	vor.u32 v13, v9;
	v9 =	vand.u32 $0xFFFFFE00, v25;
	s17 =	sor.u32 $0x100, s16;
	v16 =	vld.idx.msk [tilespmem:v4+s28+$0x0], $0xffff;
	v4 =	vadd.s32 $0x80, v7;
	[tilespmem:s6+$0x12000] =	vst v21;
	s6 =	smov.u32 s10;
	s10 =	smov.u32 s5  }
.Ltmp1:
0x7a: {  	s14 =	sor.u32 $0x180, s14;
	v8 =	vadd.s32 v18, v28;
	v18 =	vand.u32 $0x7F, v19;
	v13 =	vadd.s32 v17, v9;
	v12 =	vld.idx.msk [tilespmem:v27+s28+$0x0], $0xffff;
	[tilespmem:s17+$0x12000] =	vst v15;
	(pc) =	sbr.rel @p1 .LBB2_4-.Ltmp1, $4  }
0x7b: {  	v13 =	vor.u32 v18, v13;
	v15 =	vor.u32 v18, v17;
	v18 =	vld.idx.msk [tilespmem:v20+s28+$0x0], $0xffff;
	[tilespmem:s14+$0x12000] =	vst v23  }
0x7c: {  	v9 =	vadd.s32 v9, v15;
	[tilespmem:s9+$0x0] =	vst v29;
	v19 =	vld.idx.msk [tilespmem:v24+s28+$0x0], $0xffff  }
0x7d: {  	s14 =	sor.u32 $0x180, s20;
	v15 =	vand.u32 $0x7F, v14;
	v20 =	vshra.s32 v14, $0x7;
	v17 =	vld.idx.msk [tilespmem:v30+s28+$0x0], $0xffff;
	[tilespmem:s21+$0x80] =	vst v31  }
0x7e: {  	p0 =	por !p0, !p0;
	s13 =	sadd.s32 $0x40, s13;
	s5 =	sadd.s32 $0x100, s5;
	v10 =	vld.idx.msk [tilespmem:v10+s28+$0x0], $0xffff;
	[tilespmem:s14+$0x12000] =	vst v26  }
0x7f: {  	_ =	sdelay $0x2  }
0x80: {  	v14 =	vand.u32 $0xFF80, v14;
	v20 =	vand.u32 $0xFFFFFE00, v20  }
0x81: {  	v6 =	vld.idx.msk [tilespmem:v6+s28+$0x0], $0xffff;
	[tilespmem:s7+$0x80] =	vst v16;
	s5 =	sor.u32 $0x180, s8;
	s31 =	sand.u32 $0x7, s12;
	v21 =	vadd.s32 v14, v20  }
0x82: {  	s18 =	sand.u32 $0x3E00, s10;
	v11 =	vld.idx.msk [tilespmem:v11+s28+$0x0], $0xffff;
	[tilespmem:s15+$0x80] =	vst v12;
	s21 =	sadd.s32 $0xFFFFFFE0, s13;
	s17 =	sshll.u32 s31, $0x4;
	v16 =	vor.u32 v15, v21  }
0x83: {  	v12 =	vadd.s32 $0x80, v8;
	v5 =	vld.idx.msk [tilespmem:v5+s28+$0x0], $0xffff;
	[tilespmem:s5+$0x12000] =	vst v18;
	s7 =	sadd.s32 $0x12000, s18;
	s15 =	sand.u32 $0x50, s21;
	s5 =	sadd.s32 s6, s17  }
0x84: {  	s15 =	sor.u32 s15, s7;
	s19 =	sadd.s32 $0x30, s5;
	s5 =	sadd.s32 $0x10, s5  }
0x85: {  	v2 =	vadd.s32 $0x180, v2;
	s17 =	sand.u32 $0x70, s13;
	s20 =	sor.u32 $0x100, s5;
	[tilespmem:s15+$0x0] =	vst v10  }
0x86: {  	v13 =	vld.idx.msk [tilespmem:v13+s28+$0x0], $0xffff;
	v18 =	vadd.s32 $0x100, v1;
	v14 =	vor.u32 v15, v14;
	s24 =	sor.u32 s17, s7;
	[tilespmem:s20+$0x12000] =	vst v6  }
0x87: {  	v14 =	vadd.s32 v20, v14;
	s22 =	sor.u32 $0x100, s19;
	v6 =	vadd.s32 $0x80, v9;
	[tilespmem:s24+$0x0] =	vst v11;
	v15 =	vld.idx.msk [tilespmem:v16+s28+$0x0], $0xffff  }
0x88: {  	s14 =	sor.u32 $0x180, s16;
	s23 =	sadd.s32 $0xFFFFFFF0, s13;
	v11 =	vld.idx.msk [tilespmem:v12+s28+$0x0], $0xffff;
	[tilespmem:s22+$0x12000] =	vst v5;
	v5 =	vadd.s32 $0x80, v14  }
0x89: {  	s0 =	sadd.s32 $0xFFFFFFD0, s13;
	v3 =	vadd.s32 $0x180, v3;
	[tilespmem:s14+$0x12000] =	vst v19;
	s13 =	sand.u32 $0x60, s23;
	v4 =	vld.idx.msk [tilespmem:v4+s28+$0x0], $0xffff  }
0x8a: {  	s8 =	sand.u32 $0x40, s0;
	v21 =	vadd.s32 $0x100, v0;
	[tilespmem:s9+$0x80] =	vst v17;
	s13 =	sor.u32 s13, s7;
	v2 =	vld.idx.msk [tilespmem:v2+s28+$0x0], $0xffff  }
0x8b: {  	s3 =	sand.u32 $0x3, s3;
	s7 =	sor.u32 s8, s7;
	v10 =	vadd.s32 $0x100, v7;
	[tilespmem:s13+$0x0] =	vst v13;
	v16 =	vld.idx.msk [tilespmem:v18+s28+$0x0], $0xffff  }
0x8c: {  	s3 =	sshll.u32 s3, $0x5;
	v12 =	vadd.s32 $0x100, v8;
	v6 =	vld.idx.msk [tilespmem:v6+s28+$0x0], $0xffff;
	[tilespmem:s7+$0x0] =	vst v15  }
0x8d: {  	s16 =	simm.s32 $0x1;
	s12 =	sadd.s32 $0x4, s12;
	s3 =	sadd.s32 s6, s3;
	v13 =	vadd.s32 $0x100, v9;
	[tilespmem:s15+$0x80] =	vst v11;
	v5 =	vld.idx.msk [tilespmem:v5+s28+$0x0], $0xffff  }
0x8e: {  	s11 =	sadd.s32 $0x2, s11;
	s3 =	sadd.s32 $0x20, s3;
	s5 =	sor.u32 $0x180, s5;
	v3 =	vld.idx.msk [tilespmem:v3+s28+$0x0], $0xffff;
	[tilespmem:s24+$0x80] =	vst v4;
	v15 =	vadd.s32 $0x100, v14  }
0x8f: {  	s16 =	simm.s32 @!p0 $0x0;
	v1 =	vadd.s32 $0x180, v1;
	p0 =	por !p0, !p0;
	s31 =	sor.u32 $0x100, s3;
	v17 =	vld.idx.msk [tilespmem:v21+s28+$0x0], $0xffff;
	[tilespmem:s5+$0x12000] =	vst v2  }
0x90: {  	s11 =	sand.u32 $0x3, s11;
	s25 =	sshll.u32 s16, $0x6;
	v0 =	vadd.s32 $0x180, v0;
	s8 =	sand.u32 $0x7, s12;
	[tilespmem:s31+$0x12000] =	vst v16;
	v4 =	vld.idx.msk [tilespmem:v10+s28+$0x0], $0xffff  }
0x91: {  	s11 =	sshll.u32 s11, $0x5;
	s26 =	sadd.s32 s25, s6;
	s8 =	sshll.u32 s8, $0x4;
	v7 =	vadd.s32 $0x180, v7;
	v10 =	vld.idx.msk [tilespmem:v12+s28+$0x0], $0xffff;
	[tilespmem:s13+$0x80] =	vst v6  }
0x92: {  	s11 =	sadd.s32 s10, s11;
	s9 =	sor.u32 $0x180, s19;
	s8 =	sadd.s32 s10, s8;
	v6 =	vld.idx.msk [tilespmem:v13+s28+$0x0], $0xffff;
	[tilespmem:s7+$0x80] =	vst v5;
	v5 =	vadd.s32 $0x180, v8  }
0x93: {  	s0 =	sor.u32 $0x100, s26;
	[tilespmem:s9+$0x12000] =	vst v3;
	s9 =	simm.s32 $0x1;
	s13 =	sadd.s32 $0x30, s8;
	v8 =	vadd.s32 $0x180, v9;
	v3 =	vld.idx.msk [tilespmem:v15+s28+$0x0], $0xffff  }
0x94: {  	v2 =	vadd.s32 $0x180, v14;
	[tilespmem:s0+$0x12000] =	vst v17;
	v1 =	vld.idx.msk [tilespmem:v1+s28+$0x0], $0xffff;
	s9 =	simm.s32 @!p0 $0x0;
	s8 =	sadd.s32 $0x10, s8;
	s14 =	sor.u32 $0x100, s13  }
0x95: {  	s17 =	sadd.s32 $0x20, s11;
	v0 =	vld.idx.msk [tilespmem:v0+s28+$0x0], $0xffff;
	s16 =	sshll.u32 s9, $0x6;
	s15 =	sor.u32 $0x100, s8;
	[tilespmem:s14+$0x12000] =	vst v4  }
0x96: {  	s18 =	sor.u32 $0x100, s17;
	s5 =	sadd.s32 s16, s10;
	[tilespmem:s15+$0x12000] =	vst v10;
	v4 =	vld.idx.msk [tilespmem:v7+s28+$0x0], $0xffff  }
0x97: {  	s19 =	sor.u32 $0x100, s5;
	[tilespmem:s18+$0x12000] =	vst v6;
	v5 =	vld.idx.msk [tilespmem:v5+s28+$0x0], $0xffff  }
0x98: {  	s3 =	sor.u32 $0x180, s3;
	[tilespmem:s19+$0x12000] =	vst v3;
	v3 =	vld.idx.msk [tilespmem:v8+s28+$0x0], $0xffff  }
0x99: {  	s6 =	sor.u32 $0x180, s26;
	[tilespmem:s3+$0x12000] =	vst v1;
	v1 =	vld.idx.msk [tilespmem:v2+s28+$0x0], $0xffff  }
0x9a: {  	s20 =	sor.u32 $0x180, s13;
	[tilespmem:s6+$0x12000] =	vst v0  }
0x9b: {  	s21 =	sor.u32 $0x180, s8;
	[tilespmem:s20+$0x12000] =	vst v4  }
0x9c: {  	s22 =	sor.u32 $0x180, s17;
	[tilespmem:s21+$0x12000] =	vst v5  }
0x9d: {  	s5 =	sor.u32 $0x180, s5;
	[tilespmem:s22+$0x12000] =	vst v3  }
0x9e: {  	[tilespmem:s5+$0x12000] =	vst v1  }
0x9f: {  	s23 =	simm.s32 $0x12000;
	s24 =	simm.s32 $0x0;
	s0 =	rddreg [dreg:$0x8]  }
0xa0: {  	[hbm4b:s0+s1] =	stream.strided.scatter [tilespmem:s23], [sflag:$0x3], $0x4000, s2, s1, $0x38;
	[tilespmem:$0x1A000] =	vst v63  }
0xa1: {  	v0 =	vld [tilespmem:s24+$0x1030]  }
0xa2: {  	v1 =	vld [tilespmem:s24+$0x1010];
	_ =	sdelay $0x2  }
0xa3: {  	v2 =	vld [tilespmem:s24+$0x1020]  }
0xa4: {  	v3 =	vshra.s32 v0, $0x7;
	v4 =	vand.u32 $0xFF80, v0  }
0xa5: {  	v0 =	vand.u32 $0x7F, v0;
	v6 =	vshra.s32 v1, $0x7;
	v3 =	vand.u32 $0xFFFFFE00, v3  }
0xa6: {  	v7 =	vand.u32 $0xFF80, v1;
	v6 =	vand.u32 $0xFFFFFE00, v6;
	v5 =	vadd.s32 v4, v3  }
0xa7: {  	v1 =	vand.u32 $0x7F, v1;
	v9 =	vadd.s32 v7, v6;
	v5 =	vor.u32 v0, v5  }
0xa8: {  	v8 =	vshra.s32 v2, $0x7;
	v9 =	vor.u32 v1, v9  }
0xa9: {  	s25 =	simm.s32 $0x0;
	v10 =	vand.u32 $0xFF80, v2;
	v8 =	vand.u32 $0xFFFFFE00, v8  }
0xaa: {  	s26 =	sand.u32 $0xFC0, s25;
	v2 =	vand.u32 $0x7F, v2;
	v11 =	vadd.s32 v10, v8  }
0xab: {  	v0 =	vor.u32 v0, v4;
	v4 =	vor.u32 v2, v11;
	v11 =	vld [tilespmem:s26+$0x1000]  }
0xac: {  	v5 =	vld.idx.msk [tilespmem:v5+s28+$0x0], $0xffff  }
0xad: {  	v1 =	vor.u32 v1, v7;
	v0 =	vadd.s32 v3, v0;
	v7 =	vld.idx.msk [tilespmem:v9+s28+$0x0], $0xffff  }
0xae: {  	s31 =	sand.u32 $0x40, s25;
	s3 =	sand.u32 $0x3E00, s25;
	s1 =	simm.s32 $0x40;
	v3 =	vadd.s32 $0x80, v0  }
0xaf: {  	s0 =	sor.u32 s31, s3;
	v13 =	vld [tilespmem:s1+$0x1020];
	v2 =	vor.u32 v2, v10;
	v1 =	vadd.s32 v6, v1  }
0xb0: {  	s3 =	sadd.s32 $0x16000, s0;
	v2 =	vadd.s32 v8, v2;
	v9 =	vadd.s32 $0x80, v1;
	v8 =	vshra.s32 v11, $0x7  }
0xb1: {  	v6 =	vld [tilespmem:s1+$0x1030];
	v14 =	vand.u32 $0xFF80, v11;
	v8 =	vand.u32 $0xFFFFFE00, v8;
	[tilespmem:s3+$0x30] =	vst v5  }
0xb2: {  	v4 =	vld.idx.msk [tilespmem:v4+s28+$0x0], $0xffff;
	[tilespmem:s3+$0x10] =	vst v7;
	v7 =	vand.u32 $0x7F, v11;
	v11 =	vadd.s32 v14, v8  }
0xb3: {  	v3 =	vld.idx.msk [tilespmem:v3+s28+$0x0], $0xffff;
	v11 =	vor.u32 v7, v11  }
0xb4: {  	v19 =	vshra.s32 v13, $0x7;
	v10 =	vadd.s32 $0x100, v0;
	v5 =	vld [tilespmem:s1+$0x1010]  }
0xb5: {  	s12 =	simm.s32 $0x40;
	v21 =	vand.u32 $0xFF80, v13;
	v13 =	vand.u32 $0x7F, v13;
	v12 =	vadd.s32 $0x80, v2;
	v9 =	vld.idx.msk [tilespmem:v9+s28+$0x0], $0xffff  }
0xb6: {  	s14 =	sand.u32 $0xFC0, s12;
	v19 =	vand.u32 $0xFFFFFE00, v19;
	v17 =	vadd.s32 $0x100, v1;
	v15 =	vshra.s32 v6, $0x7  }
0xb7: {  	v16 =	vand.u32 $0xFF80, v6;
	v15 =	vand.u32 $0xFFFFFE00, v15;
	v7 =	vor.u32 v7, v14;
	v14 =	vld [tilespmem:s14+$0x1000]  }
0xb8: {  	p0 =	por $0x0, $0x0;
	s5 =	simm.s32 $0x1;
	v18 =	vadd.s32 $0x100, v2;
	[tilespmem:s3+$0xB0] =	vst v3;
	v3 =	vand.u32 $0x7F, v6;
	v6 =	vadd.s32 v16, v15;
	v11 =	vld.idx.msk [tilespmem:v11+s28+$0x0], $0xffff  }
0xb9: {  	s5 =	simm.s32 @!p0 $0x0;
	v0 =	vadd.s32 $0x180, v0;
	[tilespmem:s3+$0x20] =	vst v4;
	v20 =	vand.u32 $0xFF80, v5;
	v4 =	vld.idx.msk [tilespmem:v10+s28+$0x0], $0xffff;
	v6 =	vor.u32 v3, v6  }
0xba: {  	s5 =	sshll.u32 s5, $0x6;
	[tilespmem:s3+$0x90] =	vst v9;
	v9 =	vadd.s32 v21, v19;
	v10 =	vld.idx.msk [tilespmem:v12+s28+$0x0], $0xffff;
	v12 =	vshra.s32 v5, $0x7;
	v5 =	vand.u32 $0x7F, v5  }
0xbb: {  	s15 =	simm.s32 $0x80;
	s5 =	sadd.s32 $0x0, s5;
	v17 =	vld.idx.msk [tilespmem:v17+s28+$0x0], $0xffff;
	v9 =	vor.u32 v13, v9;
	v3 =	vor.u32 v3, v16;
	v12 =	vand.u32 $0xFFFFFE00, v12  }
0xbc: {  	s2 =	sadd.s32 $0x30, s5;
	v16 =	vld [tilespmem:s15+$0x1030];
	v3 =	vadd.s32 v15, v3;
	v15 =	vadd.s32 $0x180, v1;
	v22 =	vadd.s32 v20, v12  }
0xbd: {  	s11 =	sor.u32 $0x100, s2;
	v1 =	vadd.s32 v8, v7;
	v22 =	vor.u32 v5, v22;
	v5 =	vor.u32 v5, v20;
	[tilespmem:s0+$0x16000] =	vst v11;
	v11 =	vld [tilespmem:s15+$0x1020]  }
0xbe: {  	v5 =	vadd.s32 v12, v5;
	v12 =	vadd.s32 $0x80, v1;
	v6 =	vld.idx.msk [tilespmem:v6+s28+$0x0], $0xffff;
	[tilespmem:s11+$0x16000] =	vst v4  }
0xbf: {  	s13 =	simm.s32 $0x100;
	v4 =	vld.idx.msk [tilespmem:v0+s28+$0x0], $0xffff;
	v0 =	vadd.s32 $0x80, v3  }
0xc0: {  	s6 =	sand.u32 $0x40, s12;
	s7 =	sand.u32 $0x3E00, s13;
	[tilespmem:s3+$0xA0] =	vst v10;
	v9 =	vld.idx.msk [tilespmem:v9+s28+$0x0], $0xffff  }
0xc1: {  	s7 =	sor.u32 s6, s7;
	v10 =	vld.idx.msk [tilespmem:v18+s28+$0x0], $0xffff  }
0xc2: {  	s6 =	sadd.s32 $0x16000, s7;
	s16 =	sadd.s32 $0x10, s5;
	v2 =	vadd.s32 $0x180, v2;
	v24 =	vand.u32 $0xFF80, v14;
	v8 =	vor.u32 v13, v21;
	v7 =	vld.idx.msk [tilespmem:v22+s28+$0x0], $0xffff  }
0xc3: {  	s19 =	sor.u32 $0x100, s16;
	v21 =	vshra.s32 v14, $0x7;
	v8 =	vadd.s32 v19, v8;
	v13 =	vadd.s32 $0x80, v5;
	v12 =	vld.idx.msk [tilespmem:v12+s28+$0x0], $0xffff;
	[tilespmem:s6+$0x30] =	vst v6  }
0xc4: {  	s17 =	sadd.s32 $0x20, s5;
	v19 =	vadd.s32 $0x100, v1;
	v21 =	vand.u32 $0xFFFFFE00, v21;
	[tilespmem:s19+$0x16000] =	vst v17;
	v6 =	vadd.s32 $0x80, v8;
	v20 =	vld.idx.msk [tilespmem:v0+s28+$0x0], $0xffff  }
0xc5: {  	s20 =	sor.u32 $0x100, s17;
	v18 =	vadd.s32 $0x100, v5;
	[tilespmem:s6+$0x20] =	vst v9;
	v9 =	vshra.s32 v16, $0x7;
	v0 =	vadd.s32 $0x180, v5;
	v5 =	vld [tilespmem:s15+$0x1010]  }
0xc6: {  	v63 =	vand.u32 $0xFF80, v16;
	v22 =	vadd.s32 $0x100, v3;
	v9 =	vand.u32 $0xFFFFFE00, v9;
	[tilespmem:s20+$0x16000] =	vst v10  }
0xc7: {  	v25 =	vadd.s32 $0x180, v3;
	v17 =	vand.u32 $0x7F, v16;
	v16 =	vadd.s32 v63, v9;
	v3 =	vld.idx.msk [tilespmem:v2+s28+$0x0], $0xffff;
	[tilespmem:s6+$0x10] =	vst v7  }
0xc8: {  	v7 =	vand.u32 $0x7F, v14;
	v14 =	vadd.s32 v24, v21;
	v16 =	vor.u32 v17, v16;
	v13 =	vld.idx.msk [tilespmem:v13+s28+$0x0], $0xffff  }
0xc9: {  	v24 =	vor.u32 v7, v24;
	v7 =	vor.u32 v7, v14;
	[tilespmem:s3+$0x80] =	vst v12;
	v6 =	vld.idx.msk [tilespmem:v6+s28+$0x0], $0xffff  }
0xca: {  	s9 =	sor.u32 $0x180, s2;
	v10 =	vshra.s32 v11, $0x7;
	v28 =	vld.idx.msk [tilespmem:v19+s28+$0x0], $0xffff;
	[tilespmem:s6+$0xB0] =	vst v20;
	v14 =	vshra.s32 v5, $0x7  }
0xcb: {  	p0 =	por !p0, !p0;
	s11 =	simm.s32 $0x1;
	[tilespmem:s9+$0x16000] =	vst v4;
	v4 =	vand.u32 $0xFFFFFE00, v10;
	v10 =	vand.u32 $0xFF80, v5;
	v20 =	vld.idx.msk [tilespmem:v22+s28+$0x0], $0xffff;
	v14 =	vand.u32 $0xFFFFFE00, v14  }
0xcc: {  	v23 =	vadd.s32 $0x100, v8;
	s11 =	simm.s32 @!p0 $0x0;
	v5 =	vand.u32 $0x7F, v5;
	v22 =	vld.idx.msk [tilespmem:v15+s28+$0x0], $0xffff;
	v12 =	vadd.s32 v10, v14  }
0xcd: {  	s13 =	simm.s32 $0x200;
	s22 =	sor.u32 $0x100, s5;
	s21 =	sshll.u32 s11, $0x6;
	v2 =	vand.u32 $0xFF80, v11;
	v21 =	vadd.s32 v21, v24;
	v16 =	vld.idx.msk [tilespmem:v16+s28+$0x0], $0xffff;
	v27 =	vor.u32 v5, v12  }
0xce: {  	s10 =	sor.u32 $0x180, s5;
	s18 =	sor.u32 $0x180, s16;
	s23 =	sadd.s32 $0x100, s21;
	v26 =	vld.idx.msk [tilespmem:v7+s28+$0x0], $0xffff;
	[tilespmem:s6+$0x90] =	vst v13;
	v5 =	vor.u32 v5, v10;
	v7 =	vand.u32 $0x7F, v11;
	v10 =	vadd.s32 v2, v4  }
0xcf: {  	s11 =	sor.u32 $0x180, s17;
	s8 =	sadd.s32 $0x30, s23;
	s3 =	simm.s32 $0x80;
	v12 =	vadd.s32 $0x80, v21;
	v29 =	vadd.s32 v14, v5;
	v5 =	vor.u32 v7, v2;
	v14 =	vld.idx.msk [tilespmem:v18+s28+$0x0], $0xffff  }
0xd0: {  	s25 =	sadd.s32 $0x10, s23;
	s24 =	sor.u32 $0x100, s8;
	s31 =	sand.u32 $0xFC0, s3;
	v15 =	vor.u32 v7, v10;
	[tilespmem:s6+$0xA0] =	vst v6;
	v30 =	vadd.s32 v4, v5;
	v4 =	vor.u32 v17, v63  }
0xd1: {  	s21 =	sand.u32 $0x3E00, s13;
	s12 =	sor.u32 $0x100, s23;
	s17 =	sor.u32 $0x100, s25;
	v6 =	vadd.s32 $0x100, v21;
	v10 =	vadd.s32 $0x180, v21;
	v21 =	vld [tilespmem:s31+$0x1000];
	[tilespmem:s24+$0x16000] =	vst v20;
	v7 =	vadd.s32 v9, v4  }
0xd2: {  	v1 =	vadd.s32 $0x180, v1;
	s19 =	sor.u32 $0x180, s25;
	s9 =	simm.s32 $0x8;
	s20 =	sadd.s32 $0x20, s23;
	v2 =	vadd.s32 $0x180, v8;
	[tilespmem:s22+$0x16000] =	vst v28;
	v17 =	vld.idx.msk [tilespmem:v25+s28+$0x0], $0xffff;
	v20 =	vadd.s32 $0x80, v7  }
0xd3: {  	s15 =	sor.u32 $0x180, s23;
	s16 =	sor.u32 $0x100, s20;
	s26 =	sand.u32 $0x40, s3;
	v13 =	vadd.s32 $0x80, v29;
	v5 =	vadd.s32 $0x100, v29;
	v18 =	vld.idx.msk [tilespmem:v23+s28+$0x0], $0xffff;
	v8 =	vadd.s32 $0x180, v29;
	[tilespmem:s18+$0x16000] =	vst v22  }
0xd4: {  	s5 =	sor.u32 $0x180, s20;
	s20 =	sor.u32 s26, s21;
	v11 =	vadd.s32 $0x80, v30;
	v4 =	vadd.s32 $0x100, v30;
	v9 =	vadd.s32 $0x180, v30;
	v19 =	vld.idx.msk [tilespmem:v27+s28+$0x0], $0xffff;
	[tilespmem:s7+$0x16000] =	vst v26;
	s7 =	simm.s32 $0x300  }
.LBB2_6:
0xd5: {  	s18 =	sshra.s32 s7, $0x2;
	s14 =	sadd.s32 $0x16000, s20;
	v15 =	vld.idx.msk [tilespmem:v15+s28+$0x0], $0xffff;
	[tilespmem:s17+$0x16000] =	vst v14  }
0xd6: {  	s9 =	sadd.s32 $0x4, s9;
	s8 =	sor.u32 $0x180, s8;
	v14 =	vld [tilespmem:s18+$0x1030];
	[tilespmem:s14+$0x30] =	vst v16  }
0xd7: {  	p1 =	slt.u32 s9, $0xFC;
	v16 =	vld.idx.msk [tilespmem:v20+s28+$0x0], $0xffff;
	[tilespmem:s8+$0x16000] =	vst v17  }
0xd8: {  	v17 =	vld [tilespmem:s18+$0x1010];
	[tilespmem:s16+$0x16000] =	vst v18  }
0xd9: {  	v18 =	vld [tilespmem:s18+$0x1020];
	v20 =	vand.u32 $0xFF80, v21;
	v22 =	vshra.s32 v21, $0x7;
	[tilespmem:s14+$0x10] =	vst v19;
	v19 =	vadd.s32 $0x100, v7  }
0xda: {  	v21 =	vand.u32 $0x7F, v21;
	v22 =	vand.u32 $0xFFFFFE00, v22;
	v12 =	vld.idx.msk [tilespmem:v12+s28+$0x0], $0xffff;
	[tilespmem:s11+$0x16000] =	vst v3;
	s11 =	smov.u32 s5  }
0xdb: {  	v3 =	vadd.s32 v20, v22;
	v20 =	vor.u32 v21, v20;
	v13 =	vld.idx.msk [tilespmem:v13+s28+$0x0], $0xffff;
	[tilespmem:s14+$0x20] =	vst v15  }
0xdc: {  	v15 =	vshra.s32 v14, $0x7;
	v21 =	vor.u32 v21, v3;
	v22 =	vadd.s32 v22, v20;
	v11 =	vld.idx.msk [tilespmem:v11+s28+$0x0], $0xffff  }
0xdd: {  	p0 =	por !p0, !p0;
	s5 =	simm.s32 $0x1;
	v20 =	vand.u32 $0xFF80, v14;
	v23 =	vand.u32 $0xFFFFFE00, v15;
	v3 =	vshra.s32 v17, $0x7;
	[tilespmem:s14+$0xB0] =	vst v16;
	v24 =	vld.idx.msk [tilespmem:v1+s28+$0x0], $0xffff;
	v1 =	vmovc v10  }
0xde: {  	v25 =	vand.u32 $0x7F, v14;
	s5 =	simm.s32 @!p0 $0x0;
	v14 =	vadd.s32 v20, v23;
	v10 =	vshra.s32 v18, $0x7;
	v19 =	vld.idx.msk [tilespmem:v19+s28+$0x0], $0xffff  }
0xdf: {  	s5 =	sshll.u32 s5, $0x6;
	v15 =	vand.u32 $0xFFFFFE00, v3;
	v16 =	vor.u32 v25, v14;
	v10 =	vand.u32 $0xFFFFFE00, v10;
	v26 =	vld.idx.msk [tilespmem:v0+s28+$0x0], $0xffff;
	v0 =	vmovc v8  }
0xe0: {  	v27 =	vadd.s32 $0x180, v7;
	v14 =	vand.u32 $0xFF80, v18;
	v8 =	vand.u32 $0xFF80, v17;
	[tilespmem:s6+$0x80] =	vst v12;
	v3 =	vld.idx.msk [tilespmem:v2+s28+$0x0], $0xffff;
	v2 =	vmovc v9;
	s6 =	smov.u32 s14;
	s14 =	sadd.s32 s5, s13  }
0xe1: {  	v7 =	vand.u32 $0x7F, v17;
	v9 =	vadd.s32 v8, v15;
	v12 =	vadd.s32 v14, v10;
	s13 =	smov.u32 s7;
	v21 =	vld.idx.msk [tilespmem:v21+s28+$0x0], $0xffff;
	[tilespmem:s6+$0x90] =	vst v13;
	s5 =	sadd.s32 $0x10, s14  }
0xe2: {  	v9 =	vor.u32 v7, v9;
	v7 =	vor.u32 v7, v8;
	v8 =	vand.u32 $0x7F, v18;
	s18 =	sadd.s32 $0x20, s14;
	s8 =	sadd.s32 $0x30, s14;
	s22 =	sor.u32 $0x100, s14;
	[tilespmem:s6+$0xA0] =	vst v11;
	v28 =	vld.idx.msk [tilespmem:v6+s28+$0x0], $0xffff  }
0xe3: {  	v29 =	vadd.s32 v15, v7;
	v15 =	vor.u32 v8, v12;
	v6 =	vor.u32 v8, v14;
	s17 =	sor.u32 $0x100, s5;
	s16 =	sor.u32 $0x100, s18;
	s21 =	sor.u32 $0x100, s8;
	v14 =	vld.idx.msk [tilespmem:v5+s28+$0x0], $0xffff  }
.Ltmp2:
0xe4: {  	v12 =	vadd.s32 $0x80, v22;
	s23 =	sor.u32 $0x180, s5;
	s5 =	sor.u32 $0x180, s18;
	v30 =	vadd.s32 v10, v6;
	v5 =	vor.u32 v25, v20;
	v16 =	vld.idx.msk [tilespmem:v16+s28+$0x0], $0xffff;
	[tilespmem:s21+$0x16000] =	vst v19;
	(pc) =	sbr.rel @p1 .LBB2_6-.Ltmp2, $4  }
0xe5: {  	v13 =	vadd.s32 $0x80, v29;
	v11 =	vadd.s32 $0x80, v30;
	v7 =	vadd.s32 v23, v5;
	v17 =	vld.idx.msk [tilespmem:v27+s28+$0x0], $0xffff;
	[tilespmem:s10+$0x16000] =	vst v24;
	s10 =	smov.u32 s15;
	s15 =	sor.u32 $0x180, s14  }
0xe6: {  	s3 =	sadd.s32 $0x40, s3;
	v6 =	vadd.s32 $0x100, v22;
	v5 =	vadd.s32 $0x100, v29;
	v20 =	vadd.s32 $0x80, v7;
	v18 =	vld.idx.msk [tilespmem:v4+s28+$0x0], $0xffff;
	[tilespmem:s19+$0x16000] =	vst v26;
	s19 =	smov.u32 s23  }
0xe7: {  	s18 =	sand.u32 $0xFC0, s3;
	v8 =	vadd.s32 $0x180, v29;
	v10 =	vadd.s32 $0x180, v22;
	s21 =	sand.u32 $0x3E00, s7;
	s14 =	sand.u32 $0x40, s3;
	v4 =	vadd.s32 $0x100, v30;
	v19 =	vld.idx.msk [tilespmem:v9+s28+$0x0], $0xffff;
	[tilespmem:s20+$0x16000] =	vst v21  }
0xe8: {  	s7 =	sadd.s32 $0x100, s7;
	s20 =	sor.u32 s14, s21;
	v9 =	vadd.s32 $0x180, v30;
	v21 =	vld [tilespmem:s18+$0x1000];
	[tilespmem:s12+$0x16000] =	vst v28;
	s12 =	smov.u32 s22  }
0xe9: {  	_ =	sdelay $0x3  }
0xea: {  	v22 =	vshra.s32 v21, $0x7  }
0xeb: {  	v23 =	vand.u32 $0xFF80, v21;
	v22 =	vand.u32 $0xFFFFFE00, v22  }
0xec: {  	v21 =	vand.u32 $0x7F, v21;
	v24 =	vadd.s32 v23, v22  }
0xed: {  	v24 =	vor.u32 v21, v24;
	_ =	sdelay $0x1  }
0xee: {  	s3 =	sadd.s32 $0x16000, s20;
	v15 =	vld.idx.msk [tilespmem:v15+s28+$0x0], $0xffff;
	[tilespmem:s17+$0x16000] =	vst v14  }
0xef: {  	v12 =	vld.idx.msk [tilespmem:v12+s28+$0x0], $0xffff;
	[tilespmem:s3+$0x30] =	vst v16  }
0xf0: {  	s7 =	sor.u32 $0x180, s8;
	[tilespmem:s11+$0x16000] =	vst v3;
	v14 =	vld.idx.msk [tilespmem:v20+s28+$0x0], $0xffff;
	v16 =	vor.u32 v21, v23  }
0xf1: {  	[tilespmem:s7+$0x16000] =	vst v17;
	v16 =	vadd.s32 v22, v16;
	v20 =	vld.idx.msk [tilespmem:v24+s28+$0x0], $0xffff  }
0xf2: {  	v1 =	vld.idx.msk [tilespmem:v1+s28+$0x0], $0xffff;
	[tilespmem:s16+$0x16000] =	vst v18;
	v18 =	vadd.s32 $0x80, v16  }
0xf3: {  	[tilespmem:s3+$0x10] =	vst v19  }
0xf4: {  	v17 =	vadd.s32 $0x100, v7;
	v13 =	vld.idx.msk [tilespmem:v13+s28+$0x0], $0xffff;
	[tilespmem:s3+$0x20] =	vst v15  }
0xf5: {  	[tilespmem:s6+$0x80] =	vst v12;
	v11 =	vld.idx.msk [tilespmem:v11+s28+$0x0], $0xffff  }
0xf6: {  	v0 =	vld.idx.msk [tilespmem:v0+s28+$0x0], $0xffff;
	[tilespmem:s20+$0x16000] =	vst v20  }
0xf7: {  	[tilespmem:s10+$0x16000] =	vst v1;
	v3 =	vld.idx.msk [tilespmem:v18+s28+$0x0], $0xffff  }
0xf8: {  	p0 =	por !p0, !p0;
	s7 =	simm.s32 $0x1;
	v6 =	vld.idx.msk [tilespmem:v6+s28+$0x0], $0xffff;
	[tilespmem:s3+$0xB0] =	vst v14;
	v12 =	vadd.s32 $0x100, v16  }
0xf9: {  	s7 =	simm.s32 @!p0 $0x0;
	v14 =	vld.idx.msk [tilespmem:v17+s28+$0x0], $0xffff;
	[tilespmem:s3+$0x90] =	vst v13  }
0xfa: {  	s7 =	sshll.u32 s7, $0x6;
	v5 =	vld.idx.msk [tilespmem:v5+s28+$0x0], $0xffff;
	[tilespmem:s3+$0xA0] =	vst v11  }
0xfb: {  	s25 =	sadd.s32 s7, s13;
	[tilespmem:s19+$0x16000] =	vst v0;
	v4 =	vld.idx.msk [tilespmem:v4+s28+$0x0], $0xffff  }
0xfc: {  	v7 =	vadd.s32 $0x180, v7;
	s7 =	sadd.s32 $0x30, s25;
	[tilespmem:s3+$0x80] =	vst v3  }
0xfd: {  	s31 =	sadd.s32 $0x10, s25;
	s26 =	sor.u32 $0x100, s7;
	[tilespmem:s12+$0x16000] =	vst v6;
	v1 =	vld.idx.msk [tilespmem:v12+s28+$0x0], $0xffff  }
0xfe: {  	v2 =	vld.idx.msk [tilespmem:v2+s28+$0x0], $0xffff;
	s0 =	sadd.s32 $0x20, s25;
	s9 =	sor.u32 $0x100, s31;
	v0 =	vadd.s32 $0x180, v16;
	[tilespmem:s26+$0x16000] =	vst v14  }
0xff: {  	s1 =	sor.u32 $0x100, s0;
	[tilespmem:s9+$0x16000] =	vst v5;
	v5 =	vld.idx.msk [tilespmem:v10+s28+$0x0], $0xffff  }
0x100: {  	[tilespmem:s1+$0x16000] =	vst v4;
	v4 =	vld.idx.msk [tilespmem:v8+s28+$0x0], $0xffff  }
0x101: {  	s2 =	sor.u32 $0x100, s25;
	v3 =	vld.idx.msk [tilespmem:v7+s28+$0x0], $0xffff  }
0x102: {  	v6 =	vld.idx.msk [tilespmem:v9+s28+$0x0], $0xffff;
	[tilespmem:s2+$0x16000] =	vst v1  }
0x103: {  	[tilespmem:s5+$0x16000] =	vst v2;
	v0 =	vld.idx.msk [tilespmem:v0+s28+$0x0], $0xffff  }
0x104: {  	[tilespmem:s15+$0x16000] =	vst v5;
	s3 =	sor.u32 $0x180, s31  }
0x105: {  	s7 =	sor.u32 $0x180, s7;
	[tilespmem:s3+$0x16000] =	vst v4  }
0x106: {  	[tilespmem:s7+$0x16000] =	vst v3;
	s7 =	sor.u32 $0x180, s0  }
0x107: {  	s8 =	sor.u32 $0x180, s25;
	[tilespmem:s7+$0x16000] =	vst v6  }
0x108: {  	s10 =	simm.s32 $0x400;
	[tilespmem:s8+$0x16000] =	vst v0  }
0x109: {  	s9 =	simm.s32 $0x200;
	s1 =	simm.s32 $0x16000;
	s0 =	rddreg [dreg:$0x9]  }
0x10a: {  	[hbm4b:s0+s9] =	stream.strided.scatter [tilespmem:s1], [sflag:$0x4], $0x4000, s10, s9, $0x38;
	[tilespmem:$0x1A000] =	vst v63  }
0x10b: {  	s12 =	simm.s32 $0x2;
	s11 =	rddreg [dreg:$0xa]  }
0x10c: {  	[tilespmem:s28], [sflag:$0x1] =	stream.strided.gather [hbm4b:s11+s9], $0x8000, s10, s9, $0x38;
	[tilespmem:$0x1A000] =	vst v63  }
0x10d: {  	_ =	swait.ge [sflag:s12], $0x8000  }
0x10e: {  	[sflag:s12] =	ssyncset.done $0x0  }
0x10f: {  	s13 =	simm.s32 $0x3;
	[sflag:s12] =	ssyncadd.s32 $0xFFFF8000  }
0x110: {  	_ =	swait.ge [sflag:s13], $0x4000  }
0x111: {  	[sflag:s13] =	ssyncset.done $0x0  }
0x112: {  	s14 =	simm.s32 $0x0;
	[sflag:s13] =	ssyncadd.s32 $0xFFFFC000  }
0x113: {  	v0 =	vld [tilespmem:s14+$0x10]  }
0x114: {  	v1 =	vld [tilespmem:s14+$0x30]  }
0x115: {  	v2 =	vld [tilespmem:s14+$0x20];
	_ =	sdelay $0x1  }
0x116: {  	v5 =	vld [tilespmem:s14+$0x0];
	_ =	sdelay $0x1  }
0x117: {  	v3 =	vand.u32 $0xFF80, v0;
	v4 =	vshra.s32 v0, $0x7;
	v0 =	vand.u32 $0x7F, v0  }
0x118: {  	v6 =	vshra.s32 v1, $0x7;
	v7 =	vshra.s32 v2, $0x7;
	v8 =	vand.u32 $0xFF80, v1  }
0x119: {  	v1 =	vand.u32 $0x7F, v1;
	v11 =	vand.u32 $0xFF80, v2;
	v2 =	vand.u32 $0x7F, v2  }
0x11a: {  	v12 =	vshra.s32 v5, $0x7;
	v14 =	vand.u32 $0xFF80, v5;
	v4 =	vand.u32 $0xFFFFFE00, v4  }
0x11b: {  	v5 =	vand.u32 $0x7F, v5;
	v6 =	vand.u32 $0xFFFFFE00, v6;
	v10 =	vadd.s32 v3, v4  }
0x11c: {  	v12 =	vand.u32 $0xFFFFFE00, v12;
	v9 =	vadd.s32 v8, v6;
	v10 =	vor.u32 v0, v10  }
0x11d: {  	s15 =	simm.s32 $0x40;
	v7 =	vand.u32 $0xFFFFFE00, v7;
	v16 =	vadd.s32 v14, v12;
	v9 =	vor.u32 v1, v9  }
0x11e: {  	s25 =	simm.s32 $0x80;
	v15 =	vld [tilespmem:s15+$0x10];
	v13 =	vadd.s32 v11, v7;
	v0 =	vor.u32 v0, v3;
	v3 =	vor.u32 v5, v16  }
0x11f: {  	v22 =	vld [tilespmem:s25+$0x30];
	v13 =	vor.u32 v2, v13;
	v1 =	vor.u32 v1, v8  }
0x120: {  	v1 =	vadd.s32 v6, v1;
	v6 =	vld [tilespmem:s15+$0x30]  }
0x121: {  	v0 =	vadd.s32 v4, v0;
	v4 =	vld.idx.msk [tilespmem:v10+s29+$0x0], $0xffff  }
0x122: {  	s16 =	simm.s32 $0x0;
	v2 =	vor.u32 v2, v11;
	v8 =	vadd.s32 $0x80, v0;
	v9 =	vld.idx.msk [tilespmem:v9+s29+$0x0], $0xffff  }
0x123: {  	s18 =	sand.u32 $0x3E00, s16;
	s19 =	simm.s32 $0x10;
	v5 =	vor.u32 v5, v14;
	v7 =	vadd.s32 v7, v2;
	v3 =	vld.idx.msk [tilespmem:v3+s29+$0x0], $0xffff  }
0x124: {  	s6 =	sadd.s32 $0x12000, s18;
	s20 =	simm.s32 $0x30;
	s7 =	sand.u32 $0x50, s19;
	v11 =	vadd.s32 v12, v5;
	v5 =	vshra.s32 v15, $0x7;
	v10 =	vadd.s32 $0x80, v1;
	v2 =	vld.idx.msk [tilespmem:v13+s29+$0x0], $0xffff  }
0x125: {  	s22 =	simm.s32 $0x0;
	s7 =	sor.u32 s7, s6;
	s8 =	sand.u32 $0x70, s20;
	v25 =	vld [tilespmem:s25+$0x20];
	v12 =	vand.u32 $0xFF80, v15;
	v5 =	vand.u32 $0xFFFFFE00, v5  }
0x126: {  	s21 =	simm.s32 $0x20;
	s8 =	sor.u32 s8, s6;
	s10 =	sand.u32 $0x40, s22;
	v14 =	vld [tilespmem:s15+$0x20];
	v15 =	vand.u32 $0x7F, v15;
	v16 =	vadd.s32 v12, v5;
	[tilespmem:s7+$0x0] =	vst v4;
	v4 =	vadd.s32 $0x80, v11  }
0x127: {  	s9 =	sand.u32 $0x60, s21;
	s24 =	sor.u32 s10, s6;
	v16 =	vor.u32 v15, v16;
	v18 =	vshra.s32 v6, $0x7;
	[tilespmem:s8+$0x0] =	vst v9;
	v8 =	vld.idx.msk [tilespmem:v8+s29+$0x0], $0xffff  }
0x128: {  	s23 =	sor.u32 s9, s6;
	v13 =	vadd.s32 $0x80, v7;
	v9 =	vld [tilespmem:s15+$0x0];
	[tilespmem:s24+$0x0] =	vst v3;
	v3 =	vand.u32 $0xFFFFFE00, v18;
	v18 =	vand.u32 $0xFF80, v6  }
0x129: {  	v17 =	vadd.s32 $0x100, v0;
	[tilespmem:s23+$0x0] =	vst v2;
	v6 =	vand.u32 $0x7F, v6;
	v2 =	vld.idx.msk [tilespmem:v10+s29+$0x0], $0xffff;
	v20 =	vadd.s32 v18, v3  }
0x12a: {  	v10 =	vadd.s32 $0x100, v1;
	v20 =	vor.u32 v6, v20;
	v6 =	vor.u32 v6, v18;
	v18 =	vld [tilespmem:s25+$0x10]  }
0x12b: {  	v19 =	vshra.s32 v14, $0x7;
	v4 =	vld.idx.msk [tilespmem:v4+s29+$0x0], $0xffff  }
0x12c: {  	v23 =	vadd.s32 $0x100, v11;
	v19 =	vand.u32 $0xFFFFFE00, v19;
	[tilespmem:s7+$0x80] =	vst v8;
	v8 =	vld.idx.msk [tilespmem:v16+s29+$0x0], $0xffff;
	v16 =	vand.u32 $0xFF80, v14  }
0x12d: {  	s26 =	sand.u32 $0x7, s16;
	s6 =	simm.s32 $0x100;
	v26 =	vadd.s32 $0x180, v0;
	v13 =	vld.idx.msk [tilespmem:v13+s29+$0x0], $0xffff;
	v14 =	vand.u32 $0x7F, v14;
	v21 =	vadd.s32 v16, v19  }
0x12e: {  	s31 =	sand.u32 $0x3E00, s6;
	[tilespmem:s8+$0x80] =	vst v2;
	v2 =	vor.u32 v15, v12;
	v15 =	vshra.s32 v9, $0x7;
	s7 =	sshll.u32 s26, $0x4;
	v17 =	vld.idx.msk [tilespmem:v17+s29+$0x0], $0xffff;
	v12 =	vor.u32 v14, v21  }
0x12f: {  	s20 =	simm.s32 $0x50;
	s5 =	sadd.s32 $0x12000, s31;
	v61 =	vand.u32 $0xFF80, v9;
	v10 =	vld.idx.msk [tilespmem:v10+s29+$0x0], $0xffff;
	v15 =	vand.u32 $0xFFFFFE00, v15;
	s7 =	sadd.s32 $0x0, s7;
	v21 =	vadd.s32 $0x100, v7  }
0x130: {  	v0 =	vand.u32 $0x7F, v9;
	v9 =	vadd.s32 $0x180, v1;
	v1 =	vadd.s32 v61, v15;
	s17 =	sadd.s32 $0x10, s7;
	s18 =	sadd.s32 $0x30, s7;
	s7 =	sand.u32 $0x50, s20;
	[tilespmem:s24+$0x80] =	vst v4;
	v4 =	vld.idx.msk [tilespmem:v20+s29+$0x0], $0xffff  }
0x131: {  	s14 =	sor.u32 s7, s5;
	v20 =	vor.u32 v0, v1;
	v1 =	vor.u32 v14, v16;
	v14 =	vshra.s32 v18, $0x7;
	v23 =	vld.idx.msk [tilespmem:v23+s29+$0x0], $0xffff  }
0x132: {  	p0 =	por $0x0, $0x0;
	v62 =	vshra.s32 v25, $0x7;
	v2 =	vadd.s32 v5, v2;
	[tilespmem:s14+$0x0] =	vst v8;
	v8 =	vand.u32 $0xFFFFFE00, v14;
	v14 =	vld [tilespmem:s25+$0x0]  }
0x133: {  	s3 =	sand.u32 $0x3, s16;
	v3 =	vadd.s32 v3, v6;
	[tilespmem:s23+$0x80] =	vst v13;
	s8 =	simm.s32 $0x1;
	v13 =	vadd.s32 $0x80, v2;
	s19 =	sor.u32 $0x100, s17;
	v0 =	vor.u32 v0, v61;
	v12 =	vld.idx.msk [tilespmem:v12+s29+$0x0], $0xffff  }
0x134: {  	s0 =	simm.s32 $0x70;
	s8 =	simm.s32 @!p0 $0x0;
	s21 =	sor.u32 $0x100, s18;
	v16 =	vadd.s32 $0x80, v3;
	v1 =	vadd.s32 v19, v1;
	v0 =	vadd.s32 v15, v0;
	[tilespmem:s19+$0x12000] =	vst v17;
	v15 =	vld.idx.msk [tilespmem:v21+s29+$0x0], $0xffff  }
0x135: {  	s3 =	sshll.u32 s3, $0x5;
	s13 =	sand.u32 $0x70, s0;
	v5 =	vadd.s32 $0x100, v3;
	s24 =	sshll.u32 s8, $0x6;
	[tilespmem:s21+$0x12000] =	vst v10;
	v10 =	vadd.s32 $0x180, v11;
	v11 =	vadd.s32 $0x80, v1;
	v21 =	vld.idx.msk [tilespmem:v26+s29+$0x0], $0xffff  }
0x136: {  	s22 =	simm.s32 $0x60;
	v6 =	vadd.s32 $0x100, v2;
	s7 =	sor.u32 s13, s5;
	v19 =	vand.u32 $0x7F, v18;
	s16 =	sadd.s32 $0x0, s24;
	v17 =	vadd.s32 $0x180, v7;
	v9 =	vld.idx.msk [tilespmem:v9+s29+$0x0], $0xffff  }
0x137: {  	s3 =	sadd.s32 $0x0, s3;
	s23 =	sand.u32 $0x60, s22;
	v7 =	vand.u32 $0xFF80, v18;
	v18 =	vshra.s32 v22, $0x7;
	v27 =	vadd.s32 $0x80, v0;
	s12 =	sor.u32 $0x100, s16;
	v20 =	vld.idx.msk [tilespmem:v20+s29+$0x0], $0xffff;
	[tilespmem:s7+$0x0] =	vst v4  }
0x138: {  	s15 =	sor.u32 s23, s5;
	s8 =	sadd.s32 $0x20, s3;
	v18 =	vand.u32 $0xFFFFFE00, v18;
	v63 =	vld.idx.msk [tilespmem:v13+s29+$0x0], $0xffff;
	v4 =	vor.u32 v19, v7;
	v7 =	vadd.s32 v7, v8;
	[tilespmem:s12+$0x12000] =	vst v23  }
0x139: {  	s3 =	sor.u32 $0x100, s8;
	s25 =	simm.s32 $0x40;
	v13 =	vand.u32 $0x7F, v22;
	v16 =	vld.idx.msk [tilespmem:v16+s29+$0x0], $0xffff;
	[tilespmem:s15+$0x0] =	vst v12;
	v12 =	vand.u32 $0xFF80, v22;
	v22 =	vor.u32 v19, v7  }
0x13a: {  	s11 =	sor.u32 $0x180, s18;
	s26 =	sand.u32 $0x40, s25;
	v23 =	vand.u32 $0xFFFFFE00, v62;
	[tilespmem:s3+$0x12000] =	vst v15;
	v7 =	vadd.s32 v12, v18;
	v19 =	vor.u32 v13, v12;
	v12 =	vld.idx.msk [tilespmem:v11+s29+$0x0], $0xffff  }
0x13b: {  	s2 =	simm.s32 $0x400;
	s1 =	simm.s32 $0x200;
	s9 =	sor.u32 s26, s5;
	v15 =	vand.u32 $0xFF80, v25;
	[tilespmem:s11+$0x12000] =	vst v9;
	v11 =	vor.u32 v13, v7;
	v7 =	vadd.s32 v18, v19;
	v18 =	vld.idx.msk [tilespmem:v17+s29+$0x0], $0xffff  }
0x13c: {  	s10 =	simm.s32 $0x200;
	p0 =	por !p0, !p0;
	s31 =	sor.u32 $0x180, s17;
	v8 =	vadd.s32 v8, v4;
	v9 =	vand.u32 $0x7F, v25;
	v13 =	vadd.s32 v15, v23;
	[tilespmem:s9+$0x0] =	vst v20;
	v19 =	vld.idx.msk [tilespmem:v10+s29+$0x0], $0xffff  }
0x13d: {  	s13 =	simm.s32 $0xB0;
	s19 =	simm.s32 $0x8;
	s5 =	simm.s32 $0x300;
	[tilespmem:s14+$0x80] =	vst v63;
	v20 =	vshra.s32 v14, $0x7;
	v13 =	vor.u32 v9, v13;
	v9 =	vor.u32 v9, v15;
	v17 =	vld.idx.msk [tilespmem:v27+s29+$0x0], $0xffff  }
0x13e: {  	s12 =	simm.s32 $0x4;
	s11 =	simm.s32 $0x2;
	[tilespmem:s31+$0x12000] =	vst v21;
	s3 =	simm.s32 $0x2;
	v4 =	vadd.s32 $0x80, v7;
	v15 =	vand.u32 $0x7F, v14;
	v9 =	vadd.s32 v23, v9;
	v10 =	vld.idx.msk [tilespmem:v22+s29+$0x0], $0xffff  }
.LBB2_8:
0x13f: {  	s17 =	sshra.s32 s5, $0x2;
	s14 =	sadd.s32 $0xFFFFFFD0, s13;
	s18 =	sand.u32 $0x3E00, s10;
	v21 =	vld.idx.msk [tilespmem:v6+s29+$0x0], $0xffff;
	[tilespmem:s7+$0x80] =	vst v16  }
0x140: {  	v6 =	vadd.s32 $0x100, v0;
	s8 =	sor.u32 $0x180, s8;
	v16 =	vld [tilespmem:s17+$0x30];
	s7 =	sand.u32 $0x40, s14;
	s18 =	sadd.s32 $0x12000, s18  }
0x141: {  	s16 =	sor.u32 $0x180, s16;
	s14 =	sand.u32 $0x7, s12;
	s7 =	sor.u32 s7, s18;
	v22 =	vld.idx.msk [tilespmem:v5+s29+$0x0], $0xffff;
	[tilespmem:s8+$0x12000] =	vst v18  }
0x142: {  	s19 =	sadd.s32 $0x4, s19;
	v23 =	vadd.s32 $0x180, v3;
	v3 =	vmovc v7;
	v5 =	vand.u32 $0xFF80, v14;
	s8 =	sshll.u32 s14, $0x4;
	v14 =	vadd.s32 $0x100, v1;
	v18 =	vld [tilespmem:s17+$0x10];
	[tilespmem:s16+$0x12000] =	vst v19  }
0x143: {  	v7 =	vand.u32 $0xFFFFFE00, v20;
	p1 =	slt.u32 s19, $0xFC;
	v20 =	vor.u32 v15, v5;
	s8 =	sadd.s32 s6, s8;
	v19 =	vld [tilespmem:s17+$0x20];
	[tilespmem:s9+$0x80] =	vst v17;
	v17 =	vadd.s32 $0x180, v2;
	v2 =	vmovc v8;
	s9 =	smov.u32 s7  }
0x144: {  	v8 =	vadd.s32 v5, v7;
	v7 =	vadd.s32 v7, v20;
	v5 =	vadd.s32 $0x100, v3;
	s14 =	sadd.s32 $0x30, s8;
	s20 =	sadd.s32 $0x10, s8;
	v11 =	vld.idx.msk [tilespmem:v11+s29+$0x0], $0xffff  }
0x145: {  	v20 =	vadd.s32 $0x180, v1;
	v1 =	vmov v9;
	v8 =	vor.u32 v15, v8;
	s7 =	sor.u32 $0x100, s20;
	v15 =	vld.idx.msk [tilespmem:v6+s29+$0x0], $0xffff;
	[tilespmem:s15+$0x80] =	vst v12  }
0x146: {  	v24 =	vadd.s32 $0x180, v0;
	s11 =	sadd.s32 $0x2, s11;
	s12 =	sadd.s32 $0x4, s12;
	s8 =	simm.s32 $0x1;
	v9 =	vadd.s32 $0x80, v2;
	v0 =	vmovc v7;
	v6 =	vadd.s32 $0x100, v2;
	v12 =	vld.idx.msk [tilespmem:v13+s29+$0x0], $0xffff;
	[tilespmem:s7+$0x12000] =	vst v21  }
0x147: {  	s8 =	simm.s32 @!p0 $0x0;
	s15 =	sor.u32 $0x100, s14;
	s7 =	sadd.s32 $0xFFFFFFE0, s13;
	v7 =	vand.u32 $0xFF80, v18;
	v13 =	vand.u32 $0x7F, v18;
	v18 =	vshra.s32 v18, $0x7;
	v21 =	vld.idx.msk [tilespmem:v14+s29+$0x0], $0xffff  }
0x148: {  	s3 =	sand.u32 $0x3, s3;
	s16 =	sand.u32 $0x70, s13;
	v14 =	vshra.s32 v16, $0x7;
	s7 =	sand.u32 $0x50, s7;
	v18 =	vand.u32 $0xFFFFFE00, v18;
	v25 =	vshra.s32 v19, $0x7;
	v26 =	vld.idx.msk [tilespmem:v17+s29+$0x0], $0xffff;
	[tilespmem:s15+$0x12000] =	vst v22  }
0x149: {  	s3 =	sshll.u32 s3, $0x5;
	v27 =	vadd.s32 $0x80, v1;
	v17 =	vand.u32 $0xFF80, v19;
	v22 =	vand.u32 $0xFFFFFE00, v14;
	s21 =	sor.u32 s7, s18;
	s7 =	sadd.s32 $0xFFFFFFF0, s13;
	v23 =	vld.idx.msk [tilespmem:v23+s29+$0x0], $0xffff  }
0x14a: {  	s3 =	sadd.s32 s6, s3;
	v28 =	vor.u32 v13, v7;
	v14 =	vand.u32 $0xFF80, v16;
	v16 =	vand.u32 $0x7F, v16;
	s15 =	sand.u32 $0x60, s7;
	s7 =	sor.u32 s16, s18;
	v29 =	vld.idx.msk [tilespmem:v8+s29+$0x0], $0xffff;
	[tilespmem:s21+$0x0] =	vst v10  }
0x14b: {  	v30 =	vadd.s32 $0x80, v0;
	s16 =	sshll.u32 s8, $0x6;
	s8 =	sadd.s32 $0x20, s3;
	v8 =	vadd.s32 v14, v22;
	v10 =	vor.u32 v16, v14;
	s15 =	sor.u32 s15, s18;
	v31 =	vld.idx.msk [tilespmem:v9+s29+$0x0], $0xffff;
	[tilespmem:s7+$0x0] =	vst v11  }
0x14c: {  	s3 =	smov.u32 s11;
	s16 =	sadd.s32 s16, s6;
	s6 =	sor.u32 $0x100, s8;
	v9 =	vadd.s32 v7, v18;
	v11 =	vor.u32 v16, v8;
	v7 =	vadd.s32 v22, v10;
	v14 =	vld [tilespmem:s17+$0x0];
	[tilespmem:s15+$0x0] =	vst v12  }
0x14d: {  	v10 =	vor.u32 v13, v9;
	v9 =	vand.u32 $0xFFFFFE00, v25;
	s17 =	sor.u32 $0x100, s16;
	v16 =	vld.idx.msk [tilespmem:v4+s29+$0x0], $0xffff;
	v4 =	vadd.s32 $0x80, v7;
	[tilespmem:s6+$0x12000] =	vst v21;
	s6 =	smov.u32 s10;
	s10 =	smov.u32 s5  }
.Ltmp3:
0x14e: {  	s14 =	sor.u32 $0x180, s14;
	v8 =	vadd.s32 v18, v28;
	v18 =	vand.u32 $0x7F, v19;
	v13 =	vadd.s32 v17, v9;
	v12 =	vld.idx.msk [tilespmem:v27+s29+$0x0], $0xffff;
	[tilespmem:s17+$0x12000] =	vst v15;
	(pc) =	sbr.rel @p1 .LBB2_8-.Ltmp3, $4  }
0x14f: {  	v13 =	vor.u32 v18, v13;
	v15 =	vor.u32 v18, v17;
	v18 =	vld.idx.msk [tilespmem:v20+s29+$0x0], $0xffff;
	[tilespmem:s14+$0x12000] =	vst v23  }
0x150: {  	v9 =	vadd.s32 v9, v15;
	[tilespmem:s9+$0x0] =	vst v29;
	v19 =	vld.idx.msk [tilespmem:v24+s29+$0x0], $0xffff  }
0x151: {  	s14 =	sor.u32 $0x180, s20;
	v15 =	vand.u32 $0x7F, v14;
	v20 =	vshra.s32 v14, $0x7;
	v17 =	vld.idx.msk [tilespmem:v30+s29+$0x0], $0xffff;
	[tilespmem:s21+$0x80] =	vst v31  }
0x152: {  	p0 =	por !p0, !p0;
	s13 =	sadd.s32 $0x40, s13;
	s5 =	sadd.s32 $0x100, s5;
	v10 =	vld.idx.msk [tilespmem:v10+s29+$0x0], $0xffff;
	[tilespmem:s14+$0x12000] =	vst v26  }
0x153: {  	_ =	sdelay $0x2  }
0x154: {  	v14 =	vand.u32 $0xFF80, v14;
	v20 =	vand.u32 $0xFFFFFE00, v20  }
0x155: {  	v6 =	vld.idx.msk [tilespmem:v6+s29+$0x0], $0xffff;
	[tilespmem:s7+$0x80] =	vst v16;
	s5 =	sor.u32 $0x180, s8;
	s31 =	sand.u32 $0x7, s12;
	v21 =	vadd.s32 v14, v20  }
0x156: {  	s18 =	sand.u32 $0x3E00, s10;
	v11 =	vld.idx.msk [tilespmem:v11+s29+$0x0], $0xffff;
	[tilespmem:s15+$0x80] =	vst v12;
	s21 =	sadd.s32 $0xFFFFFFE0, s13;
	s17 =	sshll.u32 s31, $0x4;
	v16 =	vor.u32 v15, v21  }
0x157: {  	v12 =	vadd.s32 $0x80, v8;
	v5 =	vld.idx.msk [tilespmem:v5+s29+$0x0], $0xffff;
	[tilespmem:s5+$0x12000] =	vst v18;
	s7 =	sadd.s32 $0x12000, s18;
	s15 =	sand.u32 $0x50, s21;
	s5 =	sadd.s32 s6, s17  }
0x158: {  	s15 =	sor.u32 s15, s7;
	s19 =	sadd.s32 $0x30, s5;
	s5 =	sadd.s32 $0x10, s5  }
0x159: {  	v2 =	vadd.s32 $0x180, v2;
	s17 =	sand.u32 $0x70, s13;
	s20 =	sor.u32 $0x100, s5;
	[tilespmem:s15+$0x0] =	vst v10  }
0x15a: {  	v13 =	vld.idx.msk [tilespmem:v13+s29+$0x0], $0xffff;
	v18 =	vadd.s32 $0x100, v1;
	v14 =	vor.u32 v15, v14;
	s24 =	sor.u32 s17, s7;
	[tilespmem:s20+$0x12000] =	vst v6  }
0x15b: {  	v14 =	vadd.s32 v20, v14;
	s22 =	sor.u32 $0x100, s19;
	v6 =	vadd.s32 $0x80, v9;
	[tilespmem:s24+$0x0] =	vst v11;
	v15 =	vld.idx.msk [tilespmem:v16+s29+$0x0], $0xffff  }
0x15c: {  	s14 =	sor.u32 $0x180, s16;
	s23 =	sadd.s32 $0xFFFFFFF0, s13;
	v11 =	vld.idx.msk [tilespmem:v12+s29+$0x0], $0xffff;
	[tilespmem:s22+$0x12000] =	vst v5;
	v5 =	vadd.s32 $0x80, v14  }
0x15d: {  	s0 =	sadd.s32 $0xFFFFFFD0, s13;
	v3 =	vadd.s32 $0x180, v3;
	[tilespmem:s14+$0x12000] =	vst v19;
	s13 =	sand.u32 $0x60, s23;
	v4 =	vld.idx.msk [tilespmem:v4+s29+$0x0], $0xffff  }
0x15e: {  	s8 =	sand.u32 $0x40, s0;
	v21 =	vadd.s32 $0x100, v0;
	[tilespmem:s9+$0x80] =	vst v17;
	s13 =	sor.u32 s13, s7;
	v2 =	vld.idx.msk [tilespmem:v2+s29+$0x0], $0xffff  }
0x15f: {  	s3 =	sand.u32 $0x3, s3;
	s7 =	sor.u32 s8, s7;
	v10 =	vadd.s32 $0x100, v7;
	[tilespmem:s13+$0x0] =	vst v13;
	v16 =	vld.idx.msk [tilespmem:v18+s29+$0x0], $0xffff  }
0x160: {  	s3 =	sshll.u32 s3, $0x5;
	v12 =	vadd.s32 $0x100, v8;
	v6 =	vld.idx.msk [tilespmem:v6+s29+$0x0], $0xffff;
	[tilespmem:s7+$0x0] =	vst v15  }
0x161: {  	s16 =	simm.s32 $0x1;
	s12 =	sadd.s32 $0x4, s12;
	s3 =	sadd.s32 s6, s3;
	v13 =	vadd.s32 $0x100, v9;
	[tilespmem:s15+$0x80] =	vst v11;
	v5 =	vld.idx.msk [tilespmem:v5+s29+$0x0], $0xffff  }
0x162: {  	s11 =	sadd.s32 $0x2, s11;
	s3 =	sadd.s32 $0x20, s3;
	s5 =	sor.u32 $0x180, s5;
	v3 =	vld.idx.msk [tilespmem:v3+s29+$0x0], $0xffff;
	[tilespmem:s24+$0x80] =	vst v4;
	v15 =	vadd.s32 $0x100, v14  }
0x163: {  	s16 =	simm.s32 @!p0 $0x0;
	v1 =	vadd.s32 $0x180, v1;
	p0 =	por !p0, !p0;
	s31 =	sor.u32 $0x100, s3;
	v17 =	vld.idx.msk [tilespmem:v21+s29+$0x0], $0xffff;
	[tilespmem:s5+$0x12000] =	vst v2  }
0x164: {  	s11 =	sand.u32 $0x3, s11;
	s25 =	sshll.u32 s16, $0x6;
	v0 =	vadd.s32 $0x180, v0;
	s8 =	sand.u32 $0x7, s12;
	[tilespmem:s31+$0x12000] =	vst v16;
	v4 =	vld.idx.msk [tilespmem:v10+s29+$0x0], $0xffff  }
0x165: {  	s11 =	sshll.u32 s11, $0x5;
	s26 =	sadd.s32 s25, s6;
	s8 =	sshll.u32 s8, $0x4;
	v7 =	vadd.s32 $0x180, v7;
	v10 =	vld.idx.msk [tilespmem:v12+s29+$0x0], $0xffff;
	[tilespmem:s13+$0x80] =	vst v6  }
0x166: {  	s11 =	sadd.s32 s10, s11;
	s9 =	sor.u32 $0x180, s19;
	s8 =	sadd.s32 s10, s8;
	v6 =	vld.idx.msk [tilespmem:v13+s29+$0x0], $0xffff;
	[tilespmem:s7+$0x80] =	vst v5;
	v5 =	vadd.s32 $0x180, v8  }
0x167: {  	s0 =	sor.u32 $0x100, s26;
	[tilespmem:s9+$0x12000] =	vst v3;
	s9 =	simm.s32 $0x1;
	s13 =	sadd.s32 $0x30, s8;
	v8 =	vadd.s32 $0x180, v9;
	v3 =	vld.idx.msk [tilespmem:v15+s29+$0x0], $0xffff  }
0x168: {  	v2 =	vadd.s32 $0x180, v14;
	[tilespmem:s0+$0x12000] =	vst v17;
	v1 =	vld.idx.msk [tilespmem:v1+s29+$0x0], $0xffff;
	s9 =	simm.s32 @!p0 $0x0;
	s8 =	sadd.s32 $0x10, s8;
	s14 =	sor.u32 $0x100, s13  }
0x169: {  	s17 =	sadd.s32 $0x20, s11;
	v0 =	vld.idx.msk [tilespmem:v0+s29+$0x0], $0xffff;
	s16 =	sshll.u32 s9, $0x6;
	s15 =	sor.u32 $0x100, s8;
	[tilespmem:s14+$0x12000] =	vst v4  }
0x16a: {  	s18 =	sor.u32 $0x100, s17;
	s5 =	sadd.s32 s16, s10;
	[tilespmem:s15+$0x12000] =	vst v10;
	v4 =	vld.idx.msk [tilespmem:v7+s29+$0x0], $0xffff  }
0x16b: {  	s19 =	sor.u32 $0x100, s5;
	[tilespmem:s18+$0x12000] =	vst v6;
	v5 =	vld.idx.msk [tilespmem:v5+s29+$0x0], $0xffff  }
0x16c: {  	s3 =	sor.u32 $0x180, s3;
	[tilespmem:s19+$0x12000] =	vst v3;
	v3 =	vld.idx.msk [tilespmem:v8+s29+$0x0], $0xffff  }
0x16d: {  	s6 =	sor.u32 $0x180, s26;
	[tilespmem:s3+$0x12000] =	vst v1;
	v1 =	vld.idx.msk [tilespmem:v2+s29+$0x0], $0xffff  }
0x16e: {  	s20 =	sor.u32 $0x180, s13;
	[tilespmem:s6+$0x12000] =	vst v0  }
0x16f: {  	s21 =	sor.u32 $0x180, s8;
	[tilespmem:s20+$0x12000] =	vst v4  }
0x170: {  	s22 =	sor.u32 $0x180, s17;
	[tilespmem:s21+$0x12000] =	vst v5  }
0x171: {  	s5 =	sor.u32 $0x180, s5;
	[tilespmem:s22+$0x12000] =	vst v3  }
0x172: {  	[tilespmem:s5+$0x12000] =	vst v1  }
0x173: {  	s23 =	simm.s32 $0x12000;
	s0 =	rddreg [dreg:$0xb]  }
0x174: {  	[hbm4b:s0+s1] =	stream.strided.scatter [tilespmem:s23], [sflag:$0x3], $0x4000, s2, s1, $0x38;
	[tilespmem:$0x1A000] =	vst v63  }
0x175: {  	_ =	swait.ge [sflag:s4], $0x4000  }
0x176: {  	[sflag:s4] =	ssyncset.done $0x0  }
0x177: {  	s24 =	simm.s32 $0x0;
	[sflag:s4] =	ssyncadd.s32 $0xFFFFC000  }
0x178: {  	v0 =	vld [tilespmem:s24+$0x1030]  }
0x179: {  	v1 =	vld [tilespmem:s24+$0x1010];
	_ =	sdelay $0x2  }
0x17a: {  	v2 =	vld [tilespmem:s24+$0x1020]  }
0x17b: {  	v3 =	vshra.s32 v0, $0x7;
	v4 =	vand.u32 $0xFF80, v0  }
0x17c: {  	v0 =	vand.u32 $0x7F, v0;
	v6 =	vshra.s32 v1, $0x7;
	v3 =	vand.u32 $0xFFFFFE00, v3  }
0x17d: {  	v7 =	vand.u32 $0xFF80, v1;
	v6 =	vand.u32 $0xFFFFFE00, v6;
	v5 =	vadd.s32 v4, v3  }
0x17e: {  	v1 =	vand.u32 $0x7F, v1;
	v9 =	vadd.s32 v7, v6;
	v5 =	vor.u32 v0, v5  }
0x17f: {  	v8 =	vshra.s32 v2, $0x7;
	v9 =	vor.u32 v1, v9  }
0x180: {  	s25 =	simm.s32 $0x0;
	v10 =	vand.u32 $0xFF80, v2;
	v8 =	vand.u32 $0xFFFFFE00, v8  }
0x181: {  	s26 =	sand.u32 $0xFC0, s25;
	v2 =	vand.u32 $0x7F, v2;
	v11 =	vadd.s32 v10, v8  }
0x182: {  	v0 =	vor.u32 v0, v4;
	v4 =	vor.u32 v2, v11;
	v11 =	vld [tilespmem:s26+$0x1000]  }
0x183: {  	v5 =	vld.idx.msk [tilespmem:v5+s29+$0x0], $0xffff  }
0x184: {  	v1 =	vor.u32 v1, v7;
	v0 =	vadd.s32 v3, v0;
	v7 =	vld.idx.msk [tilespmem:v9+s29+$0x0], $0xffff  }
0x185: {  	s31 =	sand.u32 $0x40, s25;
	s3 =	sand.u32 $0x3E00, s25;
	s1 =	simm.s32 $0x40;
	v3 =	vadd.s32 $0x80, v0  }
0x186: {  	s0 =	sor.u32 s31, s3;
	v13 =	vld [tilespmem:s1+$0x1020];
	v2 =	vor.u32 v2, v10;
	v1 =	vadd.s32 v6, v1  }
0x187: {  	s3 =	sadd.s32 $0x16000, s0;
	v2 =	vadd.s32 v8, v2;
	v9 =	vadd.s32 $0x80, v1;
	v8 =	vshra.s32 v11, $0x7  }
0x188: {  	v6 =	vld [tilespmem:s1+$0x1030];
	v14 =	vand.u32 $0xFF80, v11;
	v8 =	vand.u32 $0xFFFFFE00, v8;
	[tilespmem:s3+$0x30] =	vst v5  }
0x189: {  	v4 =	vld.idx.msk [tilespmem:v4+s29+$0x0], $0xffff;
	[tilespmem:s3+$0x10] =	vst v7;
	v7 =	vand.u32 $0x7F, v11;
	v11 =	vadd.s32 v14, v8  }
0x18a: {  	v3 =	vld.idx.msk [tilespmem:v3+s29+$0x0], $0xffff;
	v11 =	vor.u32 v7, v11  }
0x18b: {  	v19 =	vshra.s32 v13, $0x7;
	v10 =	vadd.s32 $0x100, v0;
	v5 =	vld [tilespmem:s1+$0x1010]  }
0x18c: {  	s12 =	simm.s32 $0x40;
	v21 =	vand.u32 $0xFF80, v13;
	v13 =	vand.u32 $0x7F, v13;
	v12 =	vadd.s32 $0x80, v2;
	v9 =	vld.idx.msk [tilespmem:v9+s29+$0x0], $0xffff  }
0x18d: {  	s14 =	sand.u32 $0xFC0, s12;
	v19 =	vand.u32 $0xFFFFFE00, v19;
	v17 =	vadd.s32 $0x100, v1;
	v15 =	vshra.s32 v6, $0x7  }
0x18e: {  	v16 =	vand.u32 $0xFF80, v6;
	v15 =	vand.u32 $0xFFFFFE00, v15;
	v7 =	vor.u32 v7, v14;
	v14 =	vld [tilespmem:s14+$0x1000]  }
0x18f: {  	p0 =	por $0x0, $0x0;
	s5 =	simm.s32 $0x1;
	v18 =	vadd.s32 $0x100, v2;
	[tilespmem:s3+$0xB0] =	vst v3;
	v3 =	vand.u32 $0x7F, v6;
	v6 =	vadd.s32 v16, v15;
	v11 =	vld.idx.msk [tilespmem:v11+s29+$0x0], $0xffff  }
0x190: {  	s5 =	simm.s32 @!p0 $0x0;
	v0 =	vadd.s32 $0x180, v0;
	[tilespmem:s3+$0x20] =	vst v4;
	v20 =	vand.u32 $0xFF80, v5;
	v4 =	vld.idx.msk [tilespmem:v10+s29+$0x0], $0xffff;
	v6 =	vor.u32 v3, v6  }
0x191: {  	s5 =	sshll.u32 s5, $0x6;
	[tilespmem:s3+$0x90] =	vst v9;
	v9 =	vadd.s32 v21, v19;
	v10 =	vld.idx.msk [tilespmem:v12+s29+$0x0], $0xffff;
	v12 =	vshra.s32 v5, $0x7;
	v5 =	vand.u32 $0x7F, v5  }
0x192: {  	s15 =	simm.s32 $0x80;
	s5 =	sadd.s32 $0x0, s5;
	v17 =	vld.idx.msk [tilespmem:v17+s29+$0x0], $0xffff;
	v9 =	vor.u32 v13, v9;
	v3 =	vor.u32 v3, v16;
	v12 =	vand.u32 $0xFFFFFE00, v12  }
0x193: {  	s2 =	sadd.s32 $0x30, s5;
	v16 =	vld [tilespmem:s15+$0x1030];
	v3 =	vadd.s32 v15, v3;
	v15 =	vadd.s32 $0x180, v1;
	v22 =	vadd.s32 v20, v12  }
0x194: {  	s11 =	sor.u32 $0x100, s2;
	v1 =	vadd.s32 v8, v7;
	v22 =	vor.u32 v5, v22;
	v5 =	vor.u32 v5, v20;
	[tilespmem:s0+$0x16000] =	vst v11;
	v11 =	vld [tilespmem:s15+$0x1020]  }
0x195: {  	v5 =	vadd.s32 v12, v5;
	v12 =	vadd.s32 $0x80, v1;
	v6 =	vld.idx.msk [tilespmem:v6+s29+$0x0], $0xffff;
	[tilespmem:s11+$0x16000] =	vst v4  }
0x196: {  	s13 =	simm.s32 $0x100;
	v4 =	vld.idx.msk [tilespmem:v0+s29+$0x0], $0xffff;
	v0 =	vadd.s32 $0x80, v3  }
0x197: {  	s6 =	sand.u32 $0x40, s12;
	s7 =	sand.u32 $0x3E00, s13;
	[tilespmem:s3+$0xA0] =	vst v10;
	v9 =	vld.idx.msk [tilespmem:v9+s29+$0x0], $0xffff  }
0x198: {  	s7 =	sor.u32 s6, s7;
	v10 =	vld.idx.msk [tilespmem:v18+s29+$0x0], $0xffff  }
0x199: {  	s6 =	sadd.s32 $0x16000, s7;
	s16 =	sadd.s32 $0x10, s5;
	v2 =	vadd.s32 $0x180, v2;
	v24 =	vand.u32 $0xFF80, v14;
	v8 =	vor.u32 v13, v21;
	v7 =	vld.idx.msk [tilespmem:v22+s29+$0x0], $0xffff  }
0x19a: {  	s19 =	sor.u32 $0x100, s16;
	v21 =	vshra.s32 v14, $0x7;
	v8 =	vadd.s32 v19, v8;
	v13 =	vadd.s32 $0x80, v5;
	v12 =	vld.idx.msk [tilespmem:v12+s29+$0x0], $0xffff;
	[tilespmem:s6+$0x30] =	vst v6  }
0x19b: {  	s17 =	sadd.s32 $0x20, s5;
	v19 =	vadd.s32 $0x100, v1;
	v21 =	vand.u32 $0xFFFFFE00, v21;
	[tilespmem:s19+$0x16000] =	vst v17;
	v6 =	vadd.s32 $0x80, v8;
	v20 =	vld.idx.msk [tilespmem:v0+s29+$0x0], $0xffff  }
0x19c: {  	s20 =	sor.u32 $0x100, s17;
	v18 =	vadd.s32 $0x100, v5;
	[tilespmem:s6+$0x20] =	vst v9;
	v9 =	vshra.s32 v16, $0x7;
	v0 =	vadd.s32 $0x180, v5;
	v5 =	vld [tilespmem:s15+$0x1010]  }
0x19d: {  	v63 =	vand.u32 $0xFF80, v16;
	v22 =	vadd.s32 $0x100, v3;
	v9 =	vand.u32 $0xFFFFFE00, v9;
	[tilespmem:s20+$0x16000] =	vst v10  }
0x19e: {  	v25 =	vadd.s32 $0x180, v3;
	v17 =	vand.u32 $0x7F, v16;
	v16 =	vadd.s32 v63, v9;
	v3 =	vld.idx.msk [tilespmem:v2+s29+$0x0], $0xffff;
	[tilespmem:s6+$0x10] =	vst v7  }
0x19f: {  	v7 =	vand.u32 $0x7F, v14;
	v14 =	vadd.s32 v24, v21;
	v16 =	vor.u32 v17, v16;
	v13 =	vld.idx.msk [tilespmem:v13+s29+$0x0], $0xffff  }
0x1a0: {  	v24 =	vor.u32 v7, v24;
	v7 =	vor.u32 v7, v14;
	[tilespmem:s3+$0x80] =	vst v12;
	v6 =	vld.idx.msk [tilespmem:v6+s29+$0x0], $0xffff  }
0x1a1: {  	s9 =	sor.u32 $0x180, s2;
	v10 =	vshra.s32 v11, $0x7;
	v28 =	vld.idx.msk [tilespmem:v19+s29+$0x0], $0xffff;
	[tilespmem:s6+$0xB0] =	vst v20;
	v14 =	vshra.s32 v5, $0x7  }
0x1a2: {  	p0 =	por !p0, !p0;
	s11 =	simm.s32 $0x1;
	[tilespmem:s9+$0x16000] =	vst v4;
	v4 =	vand.u32 $0xFFFFFE00, v10;
	v10 =	vand.u32 $0xFF80, v5;
	v20 =	vld.idx.msk [tilespmem:v22+s29+$0x0], $0xffff;
	v14 =	vand.u32 $0xFFFFFE00, v14  }
0x1a3: {  	v23 =	vadd.s32 $0x100, v8;
	s11 =	simm.s32 @!p0 $0x0;
	v5 =	vand.u32 $0x7F, v5;
	v22 =	vld.idx.msk [tilespmem:v15+s29+$0x0], $0xffff;
	v12 =	vadd.s32 v10, v14  }
0x1a4: {  	s13 =	simm.s32 $0x200;
	s22 =	sor.u32 $0x100, s5;
	s21 =	sshll.u32 s11, $0x6;
	v2 =	vand.u32 $0xFF80, v11;
	v21 =	vadd.s32 v21, v24;
	v16 =	vld.idx.msk [tilespmem:v16+s29+$0x0], $0xffff;
	v27 =	vor.u32 v5, v12  }
0x1a5: {  	s10 =	sor.u32 $0x180, s5;
	s18 =	sor.u32 $0x180, s16;
	s23 =	sadd.s32 $0x100, s21;
	v26 =	vld.idx.msk [tilespmem:v7+s29+$0x0], $0xffff;
	[tilespmem:s6+$0x90] =	vst v13;
	v5 =	vor.u32 v5, v10;
	v7 =	vand.u32 $0x7F, v11;
	v10 =	vadd.s32 v2, v4  }
0x1a6: {  	s11 =	sor.u32 $0x180, s17;
	s8 =	sadd.s32 $0x30, s23;
	s3 =	simm.s32 $0x80;
	v12 =	vadd.s32 $0x80, v21;
	v29 =	vadd.s32 v14, v5;
	v5 =	vor.u32 v7, v2;
	v14 =	vld.idx.msk [tilespmem:v18+s29+$0x0], $0xffff  }
0x1a7: {  	s25 =	sadd.s32 $0x10, s23;
	s24 =	sor.u32 $0x100, s8;
	s31 =	sand.u32 $0xFC0, s3;
	v15 =	vor.u32 v7, v10;
	[tilespmem:s6+$0xA0] =	vst v6;
	v30 =	vadd.s32 v4, v5;
	v4 =	vor.u32 v17, v63  }
0x1a8: {  	s21 =	sand.u32 $0x3E00, s13;
	s12 =	sor.u32 $0x100, s23;
	s17 =	sor.u32 $0x100, s25;
	v6 =	vadd.s32 $0x100, v21;
	v10 =	vadd.s32 $0x180, v21;
	v21 =	vld [tilespmem:s31+$0x1000];
	[tilespmem:s24+$0x16000] =	vst v20;
	v7 =	vadd.s32 v9, v4  }
0x1a9: {  	v1 =	vadd.s32 $0x180, v1;
	s19 =	sor.u32 $0x180, s25;
	s9 =	simm.s32 $0x8;
	s20 =	sadd.s32 $0x20, s23;
	v2 =	vadd.s32 $0x180, v8;
	[tilespmem:s22+$0x16000] =	vst v28;
	v17 =	vld.idx.msk [tilespmem:v25+s29+$0x0], $0xffff;
	v20 =	vadd.s32 $0x80, v7  }
0x1aa: {  	s15 =	sor.u32 $0x180, s23;
	s16 =	sor.u32 $0x100, s20;
	s26 =	sand.u32 $0x40, s3;
	v13 =	vadd.s32 $0x80, v29;
	v5 =	vadd.s32 $0x100, v29;
	v18 =	vld.idx.msk [tilespmem:v23+s29+$0x0], $0xffff;
	v8 =	vadd.s32 $0x180, v29;
	[tilespmem:s18+$0x16000] =	vst v22  }
0x1ab: {  	s5 =	sor.u32 $0x180, s20;
	s20 =	sor.u32 s26, s21;
	v11 =	vadd.s32 $0x80, v30;
	v4 =	vadd.s32 $0x100, v30;
	v9 =	vadd.s32 $0x180, v30;
	v19 =	vld.idx.msk [tilespmem:v27+s29+$0x0], $0xffff;
	[tilespmem:s7+$0x16000] =	vst v26;
	s7 =	simm.s32 $0x300  }
.LBB2_10:
0x1ac: {  	s18 =	sshra.s32 s7, $0x2;
	s14 =	sadd.s32 $0x16000, s20;
	v15 =	vld.idx.msk [tilespmem:v15+s29+$0x0], $0xffff;
	[tilespmem:s17+$0x16000] =	vst v14  }
0x1ad: {  	s9 =	sadd.s32 $0x4, s9;
	s8 =	sor.u32 $0x180, s8;
	v14 =	vld [tilespmem:s18+$0x1030];
	[tilespmem:s14+$0x30] =	vst v16  }
0x1ae: {  	p1 =	slt.u32 s9, $0xFC;
	v16 =	vld.idx.msk [tilespmem:v20+s29+$0x0], $0xffff;
	[tilespmem:s8+$0x16000] =	vst v17  }
0x1af: {  	v17 =	vld [tilespmem:s18+$0x1010];
	[tilespmem:s16+$0x16000] =	vst v18  }
0x1b0: {  	v18 =	vld [tilespmem:s18+$0x1020];
	v20 =	vand.u32 $0xFF80, v21;
	v22 =	vshra.s32 v21, $0x7;
	[tilespmem:s14+$0x10] =	vst v19;
	v19 =	vadd.s32 $0x100, v7  }
0x1b1: {  	v21 =	vand.u32 $0x7F, v21;
	v22 =	vand.u32 $0xFFFFFE00, v22;
	v12 =	vld.idx.msk [tilespmem:v12+s29+$0x0], $0xffff;
	[tilespmem:s11+$0x16000] =	vst v3;
	s11 =	smov.u32 s5  }
0x1b2: {  	v3 =	vadd.s32 v20, v22;
	v20 =	vor.u32 v21, v20;
	v13 =	vld.idx.msk [tilespmem:v13+s29+$0x0], $0xffff;
	[tilespmem:s14+$0x20] =	vst v15  }
0x1b3: {  	v15 =	vshra.s32 v14, $0x7;
	v21 =	vor.u32 v21, v3;
	v22 =	vadd.s32 v22, v20;
	v11 =	vld.idx.msk [tilespmem:v11+s29+$0x0], $0xffff  }
0x1b4: {  	p0 =	por !p0, !p0;
	s5 =	simm.s32 $0x1;
	v20 =	vand.u32 $0xFF80, v14;
	v23 =	vand.u32 $0xFFFFFE00, v15;
	v3 =	vshra.s32 v17, $0x7;
	[tilespmem:s14+$0xB0] =	vst v16;
	v24 =	vld.idx.msk [tilespmem:v1+s29+$0x0], $0xffff;
	v1 =	vmovc v10  }
0x1b5: {  	v25 =	vand.u32 $0x7F, v14;
	s5 =	simm.s32 @!p0 $0x0;
	v14 =	vadd.s32 v20, v23;
	v10 =	vshra.s32 v18, $0x7;
	v19 =	vld.idx.msk [tilespmem:v19+s29+$0x0], $0xffff  }
0x1b6: {  	s5 =	sshll.u32 s5, $0x6;
	v15 =	vand.u32 $0xFFFFFE00, v3;
	v16 =	vor.u32 v25, v14;
	v10 =	vand.u32 $0xFFFFFE00, v10;
	v26 =	vld.idx.msk [tilespmem:v0+s29+$0x0], $0xffff;
	v0 =	vmovc v8  }
0x1b7: {  	v27 =	vadd.s32 $0x180, v7;
	v14 =	vand.u32 $0xFF80, v18;
	v8 =	vand.u32 $0xFF80, v17;
	[tilespmem:s6+$0x80] =	vst v12;
	v3 =	vld.idx.msk [tilespmem:v2+s29+$0x0], $0xffff;
	v2 =	vmovc v9;
	s6 =	smov.u32 s14;
	s14 =	sadd.s32 s5, s13  }
0x1b8: {  	v7 =	vand.u32 $0x7F, v17;
	v9 =	vadd.s32 v8, v15;
	v12 =	vadd.s32 v14, v10;
	s13 =	smov.u32 s7;
	v21 =	vld.idx.msk [tilespmem:v21+s29+$0x0], $0xffff;
	[tilespmem:s6+$0x90] =	vst v13;
	s5 =	sadd.s32 $0x10, s14  }
0x1b9: {  	v9 =	vor.u32 v7, v9;
	v7 =	vor.u32 v7, v8;
	v8 =	vand.u32 $0x7F, v18;
	s18 =	sadd.s32 $0x20, s14;
	s8 =	sadd.s32 $0x30, s14;
	s22 =	sor.u32 $0x100, s14;
	[tilespmem:s6+$0xA0] =	vst v11;
	v28 =	vld.idx.msk [tilespmem:v6+s29+$0x0], $0xffff  }
0x1ba: {  	v29 =	vadd.s32 v15, v7;
	v15 =	vor.u32 v8, v12;
	v6 =	vor.u32 v8, v14;
	s17 =	sor.u32 $0x100, s5;
	s16 =	sor.u32 $0x100, s18;
	s21 =	sor.u32 $0x100, s8;
	v14 =	vld.idx.msk [tilespmem:v5+s29+$0x0], $0xffff  }
.Ltmp4:
0x1bb: {  	v12 =	vadd.s32 $0x80, v22;
	s23 =	sor.u32 $0x180, s5;
	s5 =	sor.u32 $0x180, s18;
	v30 =	vadd.s32 v10, v6;
	v5 =	vor.u32 v25, v20;
	v16 =	vld.idx.msk [tilespmem:v16+s29+$0x0], $0xffff;
	[tilespmem:s21+$0x16000] =	vst v19;
	(pc) =	sbr.rel @p1 .LBB2_10-.Ltmp4, $4  }
0x1bc: {  	v13 =	vadd.s32 $0x80, v29;
	v11 =	vadd.s32 $0x80, v30;
	v7 =	vadd.s32 v23, v5;
	v17 =	vld.idx.msk [tilespmem:v27+s29+$0x0], $0xffff;
	[tilespmem:s10+$0x16000] =	vst v24;
	s10 =	smov.u32 s15;
	s15 =	sor.u32 $0x180, s14  }
0x1bd: {  	s3 =	sadd.s32 $0x40, s3;
	v6 =	vadd.s32 $0x100, v22;
	v5 =	vadd.s32 $0x100, v29;
	v20 =	vadd.s32 $0x80, v7;
	v18 =	vld.idx.msk [tilespmem:v4+s29+$0x0], $0xffff;
	[tilespmem:s19+$0x16000] =	vst v26;
	s19 =	smov.u32 s23  }
0x1be: {  	s18 =	sand.u32 $0xFC0, s3;
	v8 =	vadd.s32 $0x180, v29;
	v10 =	vadd.s32 $0x180, v22;
	s21 =	sand.u32 $0x3E00, s7;
	s14 =	sand.u32 $0x40, s3;
	v4 =	vadd.s32 $0x100, v30;
	v19 =	vld.idx.msk [tilespmem:v9+s29+$0x0], $0xffff;
	[tilespmem:s20+$0x16000] =	vst v21  }
0x1bf: {  	s7 =	sadd.s32 $0x100, s7;
	s20 =	sor.u32 s14, s21;
	v9 =	vadd.s32 $0x180, v30;
	v21 =	vld [tilespmem:s18+$0x1000];
	[tilespmem:s12+$0x16000] =	vst v28;
	s12 =	smov.u32 s22  }
0x1c0: {  	_ =	sdelay $0x3  }
0x1c1: {  	v22 =	vshra.s32 v21, $0x7  }
0x1c2: {  	v23 =	vand.u32 $0xFF80, v21;
	v22 =	vand.u32 $0xFFFFFE00, v22  }
0x1c3: {  	v49 =	vand.u32 $0x7F, v21;
	v24 =	vadd.s32 v23, v22  }
0x1c4: {  	v24 =	vor.u32 v49, v24;
	_ =	sdelay $0x2  }
0x1c5: {  	[tilespmem:s17+$0x16000] =	vst v14  }
0x1c6: {  	s3 =	sadd.s32 $0x16000, s20;
	v15 =	vld.idx.msk [tilespmem:v15+s29+$0x0], $0xffff;
	[tilespmem:s11+$0x16000] =	vst v3;
	v50 =	vor.u32 v49, v23  }
0x1c7: {  	s7 =	sor.u32 $0x180, s8;
	[tilespmem:s3+$0x30] =	vst v16;
	v14 =	vadd.s32 v22, v50;
	v52 =	vld.idx.msk [tilespmem:v24+s29+$0x0], $0xffff  }
0x1c8: {  	v12 =	vld.idx.msk [tilespmem:v12+s29+$0x0], $0xffff;
	[tilespmem:s7+$0x16000] =	vst v17;
	v53 =	vadd.s32 $0x80, v14  }
0x1c9: {  	v1 =	vld.idx.msk [tilespmem:v1+s29+$0x0], $0xffff;
	[tilespmem:s16+$0x16000] =	vst v18  }
0x1ca: {  	v16 =	vld.idx.msk [tilespmem:v20+s29+$0x0], $0xffff;
	[tilespmem:s3+$0x10] =	vst v19  }
0x1cb: {  	v51 =	vadd.s32 $0x100, v7;
	v13 =	vld.idx.msk [tilespmem:v13+s29+$0x0], $0xffff;
	[tilespmem:s3+$0x20] =	vst v15  }
0x1cc: {  	v11 =	vld.idx.msk [tilespmem:v11+s29+$0x0], $0xffff;
	[tilespmem:s20+$0x16000] =	vst v52  }
0x1cd: {  	[tilespmem:s6+$0x80] =	vst v12;
	v55 =	vld.idx.msk [tilespmem:v53+s29+$0x0], $0xffff  }
0x1ce: {  	v0 =	vld.idx.msk [tilespmem:v0+s29+$0x0], $0xffff;
	[tilespmem:s10+$0x16000] =	vst v1;
	v56 =	vadd.s32 $0x100, v14  }
0x1cf: {  	p0 =	por !p0, !p0;
	s7 =	simm.s32 $0x1;
	v6 =	vld.idx.msk [tilespmem:v6+s29+$0x0], $0xffff;
	[tilespmem:s3+$0xB0] =	vst v16  }
0x1d0: {  	s7 =	simm.s32 @!p0 $0x0;
	v54 =	vld.idx.msk [tilespmem:v51+s29+$0x0], $0xffff;
	[tilespmem:s3+$0x90] =	vst v13  }
0x1d1: {  	v57 =	vadd.s32 $0x180, v7;
	s7 =	sshll.u32 s7, $0x6;
	v5 =	vld.idx.msk [tilespmem:v5+s29+$0x0], $0xffff;
	[tilespmem:s3+$0xA0] =	vst v11  }
0x1d2: {  	s16 =	sadd.s32 s7, s13;
	v4 =	vld.idx.msk [tilespmem:v4+s29+$0x0], $0xffff;
	[tilespmem:s3+$0x80] =	vst v55  }
0x1d3: {  	s7 =	sadd.s32 $0x30, s16;
	[tilespmem:s19+$0x16000] =	vst v0;
	v58 =	vld.idx.msk [tilespmem:v56+s29+$0x0], $0xffff  }
0x1d4: {  	v2 =	vld.idx.msk [tilespmem:v2+s29+$0x0], $0xffff;
	s18 =	sadd.s32 $0x10, s16;
	s17 =	sor.u32 $0x100, s7;
	v60 =	vadd.s32 $0x180, v14;
	[tilespmem:s12+$0x16000] =	vst v6  }
0x1d5: {  	s9 =	sor.u32 $0x100, s18;
	v61 =	vld.idx.msk [tilespmem:v10+s29+$0x0], $0xffff;
	[tilespmem:s17+$0x16000] =	vst v54;
	s20 =	sadd.s32 $0x20, s16  }
0x1d6: {  	v59 =	vld.idx.msk [tilespmem:v57+s29+$0x0], $0xffff;
	[tilespmem:s9+$0x16000] =	vst v5;
	s21 =	sor.u32 $0x100, s20  }
0x1d7: {  	s22 =	sor.u32 $0x100, s16;
	v62 =	vld.idx.msk [tilespmem:v8+s29+$0x0], $0xffff;
	[tilespmem:s21+$0x16000] =	vst v4  }
0x1d8: {  	v63 =	vld.idx.msk [tilespmem:v9+s29+$0x0], $0xffff;
	[tilespmem:s22+$0x16000] =	vst v58  }
0x1d9: {  	[tilespmem:s5+$0x16000] =	vst v2;
	v0 =	vld.idx.msk [tilespmem:v60+s29+$0x0], $0xffff  }
0x1da: {  	s7 =	sor.u32 $0x180, s7;
	[tilespmem:s15+$0x16000] =	vst v61  }
0x1db: {  	[tilespmem:s7+$0x16000] =	vst v59;
	s3 =	sor.u32 $0x180, s18  }
0x1dc: {  	s23 =	sor.u32 $0x180, s20;
	[tilespmem:s3+$0x16000] =	vst v62  }
0x1dd: {  	s24 =	sor.u32 $0x180, s16;
	[tilespmem:s23+$0x16000] =	vst v63  }
0x1de: {  	s1 =	simm.s32 $0x200;
	s25 =	simm.s32 $0x400;
	s2 =	simm.s32 $0x16000;
	[tilespmem:s24+$0x16000] =	vst v0  }
0x1df: {  	s26 =	simm.s32 $0x200;
	s6 =	simm.s32 $0x0;
	s0 =	rddreg [dreg:$0xc]  }
0x1e0: {  	[hbm4b:s0+s1] =	stream.strided.scatter [tilespmem:s2], [sflag:$0x4], $0x4000, s25, s1, $0x38;
	[tilespmem:$0x1A000] =	vst v63  }
0x1e1: {  	s10 =	simm.s32 $0x0;
	s31 =	rddreg [dreg:$0xe];
	s2 =	simm.s32 $0x400  }
0x1e2: {  	[tilespmem:s29], [sflag:$0x2] =	stream.strided.gather [hbm4b:s31+s1], $0x8000, s25, s1, $0x38;
	[tilespmem:$0x1A000] =	vst v63  }
.LBB2_12:
0x1e3: {  	s0 =	simm.s32 $0x1  }
0x1e4: {  	_ =	swait.ge [sflag:s0], $0x8000  }
0x1e5: {  	[sflag:s0] =	ssyncset.done $0x0  }
0x1e6: {  	s19 =	simm.s32 $0x3;
	[sflag:s0] =	ssyncadd.s32 $0xFFFF8000  }
0x1e7: {  	_ =	swait.ge [sflag:s19], $0x4000  }
0x1e8: {  	[sflag:s19] =	ssyncset.done $0x0  }
0x1e9: {  	s3 =	simm.s32 $0x0;
	[sflag:s19] =	ssyncadd.s32 $0xFFFFC000  }
0x1ea: {  	v0 =	vld [tilespmem:s3+$0x10]  }
0x1eb: {  	v1 =	vld [tilespmem:s3+$0x30]  }
0x1ec: {  	v2 =	vld [tilespmem:s3+$0x20];
	_ =	sdelay $0x2  }
0x1ed: {  	v5 =	vld [tilespmem:s3+$0x0]  }
0x1ee: {  	v3 =	vand.u32 $0xFF80, v0;
	v4 =	vshra.s32 v0, $0x7  }
0x1ef: {  	v0 =	vand.u32 $0x7F, v0;
	v6 =	vshra.s32 v1, $0x7;
	v7 =	vshra.s32 v2, $0x7  }
0x1f0: {  	v8 =	vand.u32 $0xFF80, v1;
	v1 =	vand.u32 $0x7F, v1;
	v4 =	vand.u32 $0xFFFFFE00, v4  }
0x1f1: {  	v11 =	vand.u32 $0xFF80, v2;
	v2 =	vand.u32 $0x7F, v2;
	v10 =	vadd.s32 v3, v4  }
0x1f2: {  	v12 =	vshra.s32 v5, $0x7;
	v6 =	vand.u32 $0xFFFFFE00, v6;
	v10 =	vor.u32 v0, v10  }
0x1f3: {  	v14 =	vand.u32 $0xFF80, v5;
	v7 =	vand.u32 $0xFFFFFE00, v7;
	v9 =	vadd.s32 v8, v6  }
0x1f4: {  	s20 =	simm.s32 $0x40;
	v12 =	vand.u32 $0xFFFFFE00, v12;
	v13 =	vadd.s32 v11, v7;
	v9 =	vor.u32 v1, v9  }
0x1f5: {  	v15 =	vld [tilespmem:s20+$0x10];
	v5 =	vand.u32 $0x7F, v5;
	v16 =	vadd.s32 v14, v12;
	v13 =	vor.u32 v2, v13  }
0x1f6: {  	v0 =	vor.u32 v0, v3;
	v3 =	vor.u32 v5, v16;
	v5 =	vor.u32 v5, v14;
	v14 =	vld [tilespmem:s20+$0x20]  }
0x1f7: {  	v1 =	vor.u32 v1, v8;
	v0 =	vadd.s32 v4, v0;
	v4 =	vld.idx.msk [tilespmem:v10+s28+$0x0], $0xffff  }
0x1f8: {  	v1 =	vadd.s32 v6, v1;
	v6 =	vld [tilespmem:s20+$0x30];
	v8 =	vadd.s32 $0x80, v0  }
0x1f9: {  	s5 =	sand.u32 $0x3E00, s6;
	s7 =	simm.s32 $0x10;
	v2 =	vor.u32 v2, v11;
	v9 =	vld.idx.msk [tilespmem:v9+s28+$0x0], $0xffff  }
0x1fa: {  	s5 =	sadd.s32 $0x12000, s5;
	s7 =	sand.u32 $0x50, s7;
	v11 =	vshra.s32 v15, $0x7;
	v7 =	vadd.s32 v7, v2;
	v10 =	vadd.s32 $0x80, v1;
	v2 =	vld.idx.msk [tilespmem:v13+s28+$0x0], $0xffff  }
0x1fb: {  	s8 =	simm.s32 $0x30;
	s22 =	simm.s32 $0x80;
	s7 =	sor.u32 s7, s5;
	v5 =	vadd.s32 v12, v5;
	v12 =	vand.u32 $0xFF80, v15;
	v11 =	vand.u32 $0xFFFFFE00, v11;
	v3 =	vld.idx.msk [tilespmem:v3+s28+$0x0], $0xffff  }
0x1fc: {  	s9 =	simm.s32 $0x20;
	s8 =	sand.u32 $0x70, s8;
	v22 =	vld [tilespmem:s22+$0x30];
	v15 =	vand.u32 $0x7F, v15;
	v16 =	vadd.s32 v12, v11;
	[tilespmem:s7+$0x0] =	vst v4;
	v4 =	vadd.s32 $0x80, v5  }
0x1fd: {  	s11 =	simm.s32 $0x0;
	s9 =	sand.u32 $0x60, s9;
	s8 =	sor.u32 s8, s5;
	v16 =	vor.u32 v15, v16;
	v8 =	vld.idx.msk [tilespmem:v8+s28+$0x0], $0xffff  }
0x1fe: {  	s11 =	sand.u32 $0x40, s11;
	s12 =	sor.u32 s9, s5;
	v25 =	vld [tilespmem:s22+$0x20];
	v13 =	vadd.s32 $0x80, v7;
	[tilespmem:s8+$0x0] =	vst v9  }
0x1ff: {  	s21 =	sor.u32 s11, s5;
	v17 =	vadd.s32 $0x100, v0;
	v18 =	vshra.s32 v6, $0x7;
	[tilespmem:s12+$0x0] =	vst v2;
	v2 =	vld.idx.msk [tilespmem:v10+s28+$0x0], $0xffff  }
0x200: {  	v19 =	vshra.s32 v14, $0x7;
	v9 =	vld [tilespmem:s20+$0x0];
	[tilespmem:s21+$0x0] =	vst v3;
	v3 =	vand.u32 $0xFFFFFE00, v18;
	v18 =	vand.u32 $0xFF80, v6  }
0x201: {  	v6 =	vand.u32 $0x7F, v6;
	v10 =	vadd.s32 $0x100, v1;
	v20 =	vadd.s32 v18, v3;
	v4 =	vld.idx.msk [tilespmem:v4+s28+$0x0], $0xffff  }
0x202: {  	v19 =	vand.u32 $0xFFFFFE00, v19;
	v20 =	vor.u32 v6, v20;
	[tilespmem:s7+$0x80] =	vst v8;
	v8 =	vld.idx.msk [tilespmem:v16+s28+$0x0], $0xffff;
	v16 =	vand.u32 $0xFF80, v14  }
0x203: {  	v23 =	vadd.s32 $0x100, v5;
	v13 =	vld.idx.msk [tilespmem:v13+s28+$0x0], $0xffff;
	v14 =	vand.u32 $0x7F, v14;
	v21 =	vadd.s32 v16, v19  }
0x204: {  	v6 =	vor.u32 v6, v18;
	v18 =	vld [tilespmem:s22+$0x10];
	[tilespmem:s8+$0x80] =	vst v2;
	v2 =	vor.u32 v15, v12;
	v12 =	vor.u32 v14, v21  }
0x205: {  	s23 =	sand.u32 $0x7, s6;
	v26 =	vadd.s32 $0x180, v0;
	v17 =	vld.idx.msk [tilespmem:v17+s28+$0x0], $0xffff;
	v21 =	vadd.s32 $0x100, v7  }
0x206: {  	s13 =	simm.s32 $0x100;
	p0 =	por $0x0, $0x0;
	v24 =	vand.u32 $0xFF80, v9;
	v0 =	vand.u32 $0x7F, v9;
	v15 =	vshra.s32 v9, $0x7;
	s7 =	sshll.u32 s23, $0x4;
	v10 =	vld.idx.msk [tilespmem:v10+s28+$0x0], $0xffff  }
0x207: {  	s25 =	simm.s32 $0x70;
	s15 =	sand.u32 $0x3, s6;
	v9 =	vadd.s32 $0x180, v1;
	v15 =	vand.u32 $0xFFFFFE00, v15;
	s7 =	sadd.s32 $0x0, s7;
	v20 =	vld.idx.msk [tilespmem:v20+s28+$0x0], $0xffff;
	v2 =	vadd.s32 v11, v2;
	[tilespmem:s21+$0x80] =	vst v4  }
0x208: {  	s24 =	sand.u32 $0x3E00, s13;
	s16 =	sshll.u32 s15, $0x5;
	v5 =	vadd.s32 $0x180, v5;
	[tilespmem:s12+$0x80] =	vst v13;
	v1 =	vadd.s32 v24, v15;
	s3 =	sadd.s32 $0x10, s7;
	v13 =	vadd.s32 $0x80, v2;
	v23 =	vld.idx.msk [tilespmem:v23+s28+$0x0], $0xffff  }
0x209: {  	s0 =	simm.s32 $0x50;
	v3 =	vadd.s32 v3, v6;
	s14 =	sadd.s32 $0x30, s7;
	v11 =	vor.u32 v0, v1;
	v0 =	vor.u32 v0, v24;
	s31 =	sor.u32 $0x100, s3;
	v12 =	vld.idx.msk [tilespmem:v12+s28+$0x0], $0xffff  }
0x20a: {  	s9 =	sadd.s32 $0x12000, s24;
	v6 =	vadd.s32 $0x100, v2;
	s7 =	sand.u32 $0x50, s0;
	v1 =	vor.u32 v14, v16;
	s1 =	sor.u32 $0x100, s14;
	v0 =	vadd.s32 v15, v0;
	[tilespmem:s31+$0x12000] =	vst v17;
	v15 =	vld.idx.msk [tilespmem:v21+s28+$0x0], $0xffff  }
0x20b: {  	s11 =	sand.u32 $0x70, s25;
	s25 =	simm.s32 $0x40;
	v14 =	vadd.s32 $0x80, v3;
	s17 =	sor.u32 s7, s9;
	v16 =	vand.u32 $0x7F, v18;
	v1 =	vadd.s32 v19, v1;
	[tilespmem:s1+$0x12000] =	vst v10;
	v21 =	vld.idx.msk [tilespmem:v26+s28+$0x0], $0xffff  }
0x20c: {  	s19 =	sadd.s32 $0x0, s16;
	s8 =	simm.s32 $0x1;
	s12 =	simm.s32 $0x60;
	v4 =	vadd.s32 $0x100, v3;
	v19 =	vshra.s32 v22, $0x7;
	[tilespmem:s17+$0x0] =	vst v8;
	v10 =	vadd.s32 $0x80, v1;
	v9 =	vld.idx.msk [tilespmem:v9+s28+$0x0], $0xffff  }
0x20d: {  	s8 =	simm.s32 @!p0 $0x0;
	s18 =	sand.u32 $0x60, s12;
	s7 =	sor.u32 s11, s9;
	v17 =	vadd.s32 $0x180, v7;
	v7 =	vand.u32 $0xFF80, v18;
	v18 =	vshra.s32 v18, $0x7;
	v63 =	vld.idx.msk [tilespmem:v13+s28+$0x0], $0xffff  }
0x20e: {  	s23 =	sor.u32 s18, s9;
	s20 =	sshll.u32 s8, $0x6;
	s8 =	sadd.s32 $0x20, s19;
	v19 =	vand.u32 $0xFFFFFE00, v19;
	v27 =	vadd.s32 $0x80, v0;
	[tilespmem:s7+$0x0] =	vst v20;
	v8 =	vand.u32 $0xFFFFFE00, v18;
	v62 =	vld.idx.msk [tilespmem:v11+s28+$0x0], $0xffff  }
0x20f: {  	s5 =	simm.s32 $0x300;
	s16 =	sadd.s32 $0x0, s20;
	s21 =	sor.u32 $0x100, s8;
	v20 =	vor.u32 v16, v7;
	v13 =	vld [tilespmem:s22+$0x0];
	v7 =	vadd.s32 v7, v8;
	v11 =	vand.u32 $0xFF80, v22;
	[tilespmem:s23+$0x0] =	vst v12  }
0x210: {  	p0 =	por !p0, !p0;
	s18 =	sor.u32 $0x100, s16;
	v8 =	vadd.s32 v8, v20;
	v12 =	vand.u32 $0x7F, v22;
	v22 =	vor.u32 v16, v7;
	v16 =	vld.idx.msk [tilespmem:v14+s28+$0x0], $0xffff;
	s22 =	rddreg [dreg:$0xf];
	[tilespmem:s21+$0x12000] =	vst v15  }
0x211: {  	s19 =	simm.s32 $0x200;
	s14 =	sor.u32 $0x180, s14;
	s31 =	sand.u32 $0x40, s25;
	v18 =	vshra.s32 v25, $0x7;
	v7 =	vadd.s32 v11, v19;
	v14 =	vor.u32 v12, v11;
	v11 =	vld.idx.msk [tilespmem:v10+s28+$0x0], $0xffff;
	[tilespmem:s18+$0x12000] =	vst v23  }
0x212: {  	s11 =	sshll.u32 s10, $0x1;
	s20 =	simm.s32 $0x2;
	s9 =	sor.u32 s31, s9;
	v15 =	vand.u32 $0xFF80, v25;
	v12 =	vor.u32 v12, v7;
	v10 =	vand.u32 $0xFFFFFE00, v18;
	[tilespmem:s14+$0x12000] =	vst v9;
	v18 =	vld.idx.msk [tilespmem:v17+s28+$0x0], $0xffff  }
0x213: {  	s3 =	sor.u32 $0x180, s3;
	s25 =	smov.u32 s30;
	v9 =	vand.u32 $0x7F, v25;
	[tilespmem:s9+$0x0] =	vst v62;
	s24 =	sadd.s32 s11, s22;
	v7 =	vadd.s32 v19, v14;
	v14 =	vadd.s32 v15, v10;
	v19 =	vld.idx.msk [tilespmem:v5+s28+$0x0], $0xffff  }
0x214: {  	v20 =	vshra.s32 v13, $0x7;
	s21 =	simm.s32 $0x4;
	[tilespmem:s3+$0x12000] =	vst v21;
	s3 =	simm.s32 $0x2;
	v17 =	vld.idx.msk [tilespmem:v27+s28+$0x0], $0xffff;
	s12 =	sshll.u32 s24, $0xC;
	v14 =	vor.u32 v9, v14;
	v9 =	vor.u32 v9, v15  }
0x215: {  	[tilespmem:s17+$0x80] =	vst v63;
	s22 =	simm.s32 $0xB0;
	s24 =	simm.s32 $0x8;
	v5 =	vadd.s32 $0x80, v7;
	v15 =	vand.u32 $0x7F, v13;
	s15 =	sadd.s32 s30, s12;
	v9 =	vadd.s32 v10, v9;
	v10 =	vld.idx.msk [tilespmem:v22+s28+$0x0], $0xffff  }
.LBB2_13:
0x216: {  	s17 =	sshra.s32 s5, $0x2;
	s14 =	sadd.s32 $0xFFFFFFD0, s22;
	s18 =	sand.u32 $0x3E00, s19;
	v21 =	vld.idx.msk [tilespmem:v6+s28+$0x0], $0xffff;
	[tilespmem:s7+$0x80] =	vst v16  }
0x217: {  	v6 =	vadd.s32 $0x100, v0;
	s8 =	sor.u32 $0x180, s8;
	v16 =	vld [tilespmem:s17+$0x30];
	s7 =	sand.u32 $0x40, s14;
	s14 =	sadd.s32 $0x12000, s18  }
0x218: {  	s16 =	sor.u32 $0x180, s16;
	s18 =	sand.u32 $0x7, s21;
	s7 =	sor.u32 s7, s14;
	v22 =	vld.idx.msk [tilespmem:v4+s28+$0x0], $0xffff;
	[tilespmem:s8+$0x12000] =	vst v18  }
0x219: {  	s24 =	sadd.s32 $0x4, s24;
	v23 =	vadd.s32 $0x180, v3;
	v3 =	vmovc v7;
	v4 =	vand.u32 $0xFF80, v13;
	s8 =	sshll.u32 s18, $0x4;
	v13 =	vadd.s32 $0x100, v1;
	v18 =	vld [tilespmem:s17+$0x10];
	[tilespmem:s16+$0x12000] =	vst v19  }
0x21a: {  	v7 =	vand.u32 $0xFFFFFE00, v20;
	p1 =	slt.u32 s24, $0xFC;
	v20 =	vor.u32 v15, v4;
	s8 =	sadd.s32 s13, s8;
	v19 =	vld [tilespmem:s17+$0x20];
	[tilespmem:s9+$0x80] =	vst v17;
	v17 =	vadd.s32 $0x180, v2;
	v2 =	vmovc v8;
	s9 =	smov.u32 s7  }
0x21b: {  	v8 =	vadd.s32 v4, v7;
	v7 =	vadd.s32 v7, v20;
	v4 =	vadd.s32 $0x100, v3;
	s31 =	sadd.s32 $0x30, s8;
	s18 =	sadd.s32 $0x10, s8;
	v12 =	vld.idx.msk [tilespmem:v12+s28+$0x0], $0xffff  }
0x21c: {  	v20 =	vadd.s32 $0x180, v1;
	v1 =	vmov v9;
	v8 =	vor.u32 v15, v8;
	s7 =	sor.u32 $0x100, s18;
	v15 =	vld.idx.msk [tilespmem:v6+s28+$0x0], $0xffff;
	[tilespmem:s23+$0x80] =	vst v11  }
0x21d: {  	v24 =	vadd.s32 $0x180, v0;
	s20 =	sadd.s32 $0x2, s20;
	s21 =	sadd.s32 $0x4, s21;
	s8 =	simm.s32 $0x1;
	v9 =	vadd.s32 $0x80, v2;
	v0 =	vmovc v7;
	v6 =	vadd.s32 $0x100, v2;
	v11 =	vld.idx.msk [tilespmem:v14+s28+$0x0], $0xffff;
	[tilespmem:s7+$0x12000] =	vst v21  }
0x21e: {  	s8 =	simm.s32 @!p0 $0x0;
	s16 =	sor.u32 $0x100, s31;
	s7 =	sadd.s32 $0xFFFFFFE0, s22;
	v7 =	vand.u32 $0xFF80, v18;
	v14 =	vand.u32 $0x7F, v18;
	v18 =	vshra.s32 v18, $0x7;
	v21 =	vld.idx.msk [tilespmem:v13+s28+$0x0], $0xffff  }
0x21f: {  	s3 =	sand.u32 $0x3, s3;
	s23 =	sand.u32 $0x70, s22;
	v13 =	vshra.s32 v16, $0x7;
	s7 =	sand.u32 $0x50, s7;
	v18 =	vand.u32 $0xFFFFFE00, v18;
	v25 =	vshra.s32 v19, $0x7;
	v26 =	vld.idx.msk [tilespmem:v17+s28+$0x0], $0xffff;
	[tilespmem:s16+$0x12000] =	vst v22  }
0x220: {  	s3 =	sshll.u32 s3, $0x5;
	v27 =	vadd.s32 $0x80, v1;
	v17 =	vand.u32 $0xFF80, v19;
	v22 =	vand.u32 $0xFFFFFE00, v13;
	s0 =	sor.u32 s7, s14;
	s7 =	sadd.s32 $0xFFFFFFF0, s22;
	v23 =	vld.idx.msk [tilespmem:v23+s28+$0x0], $0xffff  }
0x221: {  	s3 =	sadd.s32 s13, s3;
	v28 =	vor.u32 v14, v7;
	v13 =	vand.u32 $0xFF80, v16;
	v16 =	vand.u32 $0x7F, v16;
	s16 =	sand.u32 $0x60, s7;
	s7 =	sor.u32 s23, s14;
	v29 =	vld.idx.msk [tilespmem:v8+s28+$0x0], $0xffff;
	[tilespmem:s0+$0x0] =	vst v10  }
0x222: {  	v30 =	vadd.s32 $0x80, v0;
	v8 =	vadd.s32 v13, v22;
	v10 =	vor.u32 v16, v13;
	s23 =	sor.u32 s16, s14;
	s14 =	sshll.u32 s8, $0x6;
	s8 =	sadd.s32 $0x20, s3;
	v31 =	vld.idx.msk [tilespmem:v9+s28+$0x0], $0xffff;
	[tilespmem:s7+$0x0] =	vst v12  }
0x223: {  	s3 =	smov.u32 s20;
	v9 =	vadd.s32 v7, v18;
	v12 =	vor.u32 v16, v8;
	v7 =	vadd.s32 v22, v10;
	s16 =	sadd.s32 s14, s13;
	s13 =	sor.u32 $0x100, s8;
	v13 =	vld [tilespmem:s17+$0x0];
	[tilespmem:s23+$0x0] =	vst v11  }
0x224: {  	v10 =	vor.u32 v14, v9;
	v9 =	vand.u32 $0xFFFFFE00, v25;
	s14 =	sor.u32 $0x100, s16;
	v16 =	vld.idx.msk [tilespmem:v5+s28+$0x0], $0xffff;
	v5 =	vadd.s32 $0x80, v7;
	[tilespmem:s13+$0x12000] =	vst v21;
	s13 =	smov.u32 s19;
	s19 =	smov.u32 s5  }
.Ltmp5:
0x225: {  	v8 =	vadd.s32 v18, v28;
	v18 =	vand.u32 $0x7F, v19;
	v14 =	vadd.s32 v17, v9;
	v11 =	vld.idx.msk [tilespmem:v27+s28+$0x0], $0xffff;
	[tilespmem:s14+$0x12000] =	vst v15;
	s14 =	sor.u32 $0x180, s31;
	(pc) =	sbr.rel @p1 .LBB2_13-.Ltmp5, $4  }
0x226: {  	v14 =	vor.u32 v18, v14;
	v15 =	vor.u32 v18, v17;
	v18 =	vld.idx.msk [tilespmem:v20+s28+$0x0], $0xffff;
	[tilespmem:s14+$0x12000] =	vst v23  }
0x227: {  	v9 =	vadd.s32 v9, v15;
	[tilespmem:s9+$0x0] =	vst v29;
	v19 =	vld.idx.msk [tilespmem:v24+s28+$0x0], $0xffff  }
0x228: {  	v15 =	vand.u32 $0x7F, v13;
	v20 =	vshra.s32 v13, $0x7;
	v17 =	vld.idx.msk [tilespmem:v30+s28+$0x0], $0xffff;
	[tilespmem:s0+$0x80] =	vst v31;
	s0 =	sor.u32 $0x180, s18  }
0x229: {  	p0 =	por !p0, !p0;
	s22 =	sadd.s32 $0x40, s22;
	s5 =	sadd.s32 $0x100, s5;
	v10 =	vld.idx.msk [tilespmem:v10+s28+$0x0], $0xffff;
	[tilespmem:s0+$0x12000] =	vst v26  }
0x22a: {  	_ =	sdelay $0x2  }
0x22b: {  	v13 =	vand.u32 $0xFF80, v13;
	v20 =	vand.u32 $0xFFFFFE00, v20;
	s0 =	sor.u32 $0x180, s8  }
0x22c: {  	v6 =	vld.idx.msk [tilespmem:v6+s28+$0x0], $0xffff;
	[tilespmem:s7+$0x80] =	vst v16;
	s5 =	sand.u32 $0x7, s21;
	s14 =	sadd.s32 $0xFFFFFFD0, s22;
	s18 =	sand.u32 $0x3E00, s19;
	v21 =	vadd.s32 v13, v20  }
0x22d: {  	v12 =	vld.idx.msk [tilespmem:v12+s28+$0x0], $0xffff;
	[tilespmem:s23+$0x80] =	vst v11;
	s17 =	sshll.u32 s5, $0x4;
	s7 =	sand.u32 $0x40, s14;
	s14 =	sadd.s32 $0xFFFFFFE0, s22;
	v16 =	vor.u32 v15, v21  }
0x22e: {  	v11 =	vadd.s32 $0x80, v8;
	v4 =	vld.idx.msk [tilespmem:v4+s28+$0x0], $0xffff;
	[tilespmem:s0+$0x12000] =	vst v18;
	s5 =	sadd.s32 $0x12000, s18;
	s0 =	sadd.s32 s13, s17;
	s14 =	sand.u32 $0x50, s14  }
0x22f: {  	s8 =	sadd.s32 $0x30, s0;
	s0 =	sadd.s32 $0x10, s0;
	s14 =	sor.u32 s14, s5  }
0x230: {  	v2 =	vadd.s32 $0x180, v2;
	s17 =	sand.u32 $0x70, s22;
	s24 =	sor.u32 $0x100, s0;
	[tilespmem:s14+$0x0] =	vst v10  }
0x231: {  	v14 =	vld.idx.msk [tilespmem:v14+s28+$0x0], $0xffff;
	v18 =	vadd.s32 $0x100, v1;
	v13 =	vor.u32 v15, v13;
	s17 =	sor.u32 s17, s5;
	[tilespmem:s24+$0x12000] =	vst v6  }
0x232: {  	v13 =	vadd.s32 v20, v13;
	s30 =	sor.u32 $0x100, s8;
	v6 =	vadd.s32 $0x80, v9;
	[tilespmem:s17+$0x0] =	vst v12;
	v15 =	vld.idx.msk [tilespmem:v16+s28+$0x0], $0xffff  }
0x233: {  	s31 =	sadd.s32 $0xFFFFFFF0, s22;
	v11 =	vld.idx.msk [tilespmem:v11+s28+$0x0], $0xffff;
	[tilespmem:s30+$0x12000] =	vst v4;
	v4 =	vadd.s32 $0x80, v13  }
0x234: {  	s16 =	sor.u32 $0x180, s16;
	v3 =	vadd.s32 $0x180, v3;
	[tilespmem:s9+$0x80] =	vst v17;
	s9 =	sand.u32 $0x60, s31;
	v5 =	vld.idx.msk [tilespmem:v5+s28+$0x0], $0xffff  }
0x235: {  	v21 =	vadd.s32 $0x100, v0;
	[tilespmem:s16+$0x12000] =	vst v19;
	s9 =	sor.u32 s9, s5;
	v2 =	vld.idx.msk [tilespmem:v2+s28+$0x0], $0xffff  }
0x236: {  	s3 =	sand.u32 $0x3, s3;
	s5 =	sor.u32 s7, s5;
	v10 =	vadd.s32 $0x100, v7;
	[tilespmem:s9+$0x0] =	vst v14;
	v16 =	vld.idx.msk [tilespmem:v18+s28+$0x0], $0xffff  }
0x237: {  	s3 =	sshll.u32 s3, $0x5;
	s16 =	simm.s32 $0x1;
	v12 =	vadd.s32 $0x100, v8;
	v6 =	vld.idx.msk [tilespmem:v6+s28+$0x0], $0xffff;
	[tilespmem:s5+$0x0] =	vst v15  }
0x238: {  	s21 =	sadd.s32 $0x4, s21;
	s3 =	sadd.s32 s13, s3;
	s16 =	simm.s32 @!p0 $0x0;
	v14 =	vadd.s32 $0x100, v9;
	[tilespmem:s14+$0x80] =	vst v11;
	v4 =	vld.idx.msk [tilespmem:v4+s28+$0x0], $0xffff  }
0x239: {  	s3 =	sadd.s32 $0x20, s3;
	s1 =	sshll.u32 s16, $0x6;
	s0 =	sor.u32 $0x180, s0;
	v3 =	vld.idx.msk [tilespmem:v3+s28+$0x0], $0xffff;
	[tilespmem:s17+$0x80] =	vst v5;
	v15 =	vadd.s32 $0x100, v13  }
0x23a: {  	v1 =	vadd.s32 $0x180, v1;
	s16 =	sor.u32 $0x100, s3;
	s7 =	sadd.s32 s1, s13;
	s13 =	sand.u32 $0x7, s21;
	v17 =	vld.idx.msk [tilespmem:v21+s28+$0x0], $0xffff;
	[tilespmem:s0+$0x12000] =	vst v2  }
0x23b: {  	v0 =	vadd.s32 $0x180, v0;
	s22 =	sadd.s32 $0x2, s20;
	s13 =	sshll.u32 s13, $0x4;
	[tilespmem:s16+$0x12000] =	vst v16;
	v5 =	vld.idx.msk [tilespmem:v10+s28+$0x0], $0xffff  }
0x23c: {  	p0 =	por !p0, !p0;
	s8 =	sor.u32 $0x180, s8;
	v7 =	vadd.s32 $0x180, v7;
	s13 =	sadd.s32 s19, s13;
	v10 =	vld.idx.msk [tilespmem:v12+s28+$0x0], $0xffff;
	[tilespmem:s9+$0x80] =	vst v6  }
0x23d: {  	s24 =	sand.u32 $0x3, s22;
	s18 =	sor.u32 $0x100, s7;
	s23 =	sadd.s32 $0x30, s13;
	v6 =	vld.idx.msk [tilespmem:v14+s28+$0x0], $0xffff;
	[tilespmem:s5+$0x80] =	vst v4;
	v4 =	vadd.s32 $0x180, v8  }
0x23e: {  	s30 =	sadd.s32 $0x10, s13;
	s13 =	simm.s32 $0x1;
	[tilespmem:s8+$0x12000] =	vst v3;
	s9 =	sshll.u32 s24, $0x5;
	v8 =	vadd.s32 $0x180, v9;
	v3 =	vld.idx.msk [tilespmem:v15+s28+$0x0], $0xffff  }
0x23f: {  	s13 =	simm.s32 @!p0 $0x0;
	s31 =	sor.u32 $0x100, s23;
	v2 =	vadd.s32 $0x180, v13;
	[tilespmem:s18+$0x12000] =	vst v17;
	v1 =	vld.idx.msk [tilespmem:v1+s28+$0x0], $0xffff;
	s9 =	sadd.s32 s19, s9  }
0x240: {  	s1 =	sor.u32 $0x100, s30;
	s13 =	sshll.u32 s13, $0x6;
	v0 =	vld.idx.msk [tilespmem:v0+s28+$0x0], $0xffff;
	[tilespmem:s31+$0x12000] =	vst v5;
	s9 =	sadd.s32 $0x20, s9  }
0x241: {  	s0 =	sadd.s32 s13, s19;
	[tilespmem:s1+$0x12000] =	vst v10;
	v5 =	vld.idx.msk [tilespmem:v7+s28+$0x0], $0xffff;
	s14 =	sor.u32 $0x100, s9  }
0x242: {  	s16 =	sor.u32 $0x100, s0;
	[tilespmem:s14+$0x12000] =	vst v6;
	v4 =	vld.idx.msk [tilespmem:v4+s28+$0x0], $0xffff  }
0x243: {  	s3 =	sor.u32 $0x180, s3;
	[tilespmem:s16+$0x12000] =	vst v3;
	v3 =	vld.idx.msk [tilespmem:v8+s28+$0x0], $0xffff  }
0x244: {  	s7 =	sor.u32 $0x180, s7;
	[tilespmem:s3+$0x12000] =	vst v1;
	v1 =	vld.idx.msk [tilespmem:v2+s28+$0x0], $0xffff  }
0x245: {  	s17 =	sor.u32 $0x180, s23;
	[tilespmem:s7+$0x12000] =	vst v0  }
0x246: {  	s18 =	sor.u32 $0x180, s30;
	[tilespmem:s17+$0x12000] =	vst v5  }
0x247: {  	s19 =	sor.u32 $0x180, s9;
	[tilespmem:s18+$0x12000] =	vst v4  }
0x248: {  	s0 =	sor.u32 $0x180, s0;
	[tilespmem:s19+$0x12000] =	vst v3  }
0x249: {  	s20 =	simm.s32 $0x12000;
	[tilespmem:s0+$0x12000] =	vst v1  }
0x24a: {  	[hbm4b:s15+s26] =	stream.strided.scatter [tilespmem:s20], [sflag:$0x3], $0x4000, s2, s26, $0x38;
	[tilespmem:$0x1A000] =	vst v63  }
0x24b: {  	_ =	swait.ge [sflag:s4], $0x4000  }
0x24c: {  	[sflag:s4] =	ssyncset.done $0x0  }
0x24d: {  	s21 =	simm.s32 $0x0;
	[sflag:s4] =	ssyncadd.s32 $0xFFFFC000  }
0x24e: {  	v0 =	vld [tilespmem:s21+$0x1030];
	_ =	sdelay $0x1  }
0x24f: {  	v1 =	vld [tilespmem:s21+$0x1010];
	_ =	sdelay $0x2  }
0x250: {  	v2 =	vld [tilespmem:s21+$0x1020];
	v3 =	vshra.s32 v0, $0x7  }
0x251: {  	v4 =	vand.u32 $0xFF80, v0;
	v3 =	vand.u32 $0xFFFFFE00, v3  }
0x252: {  	v0 =	vand.u32 $0x7F, v0;
	v6 =	vshra.s32 v1, $0x7;
	v5 =	vadd.s32 v4, v3  }
0x253: {  	v7 =	vand.u32 $0xFF80, v1;
	v6 =	vand.u32 $0xFFFFFE00, v6;
	v5 =	vor.u32 v0, v5  }
0x254: {  	v1 =	vand.u32 $0x7F, v1;
	v9 =	vadd.s32 v7, v6  }
0x255: {  	v8 =	vshra.s32 v2, $0x7;
	v9 =	vor.u32 v1, v9  }
0x256: {  	s30 =	simm.s32 $0x40;
	v10 =	vand.u32 $0xFF80, v2;
	v8 =	vand.u32 $0xFFFFFE00, v8  }
0x257: {  	s22 =	simm.s32 $0x0;
	v13 =	vld [tilespmem:s30+$0x1020];
	v2 =	vand.u32 $0x7F, v2;
	v11 =	vadd.s32 v10, v8;
	v0 =	vor.u32 v0, v4  }
0x258: {  	s23 =	sand.u32 $0xFC0, s22;
	v4 =	vor.u32 v2, v11;
	v0 =	vadd.s32 v3, v0;
	v5 =	vld.idx.msk [tilespmem:v5+s28+$0x0], $0xffff  }
0x259: {  	v11 =	vld [tilespmem:s23+$0x1000];
	v1 =	vor.u32 v1, v7;
	v3 =	vadd.s32 $0x80, v0  }
0x25a: {  	s24 =	sand.u32 $0x40, s22;
	s0 =	sand.u32 $0x3E00, s22;
	v1 =	vadd.s32 v6, v1;
	v7 =	vld.idx.msk [tilespmem:v9+s28+$0x0], $0xffff  }
0x25b: {  	s26 =	sor.u32 s24, s0;
	v9 =	vadd.s32 $0x80, v1  }
0x25c: {  	s31 =	sadd.s32 $0x16000, s26;
	v6 =	vld [tilespmem:s30+$0x1030]  }
0x25d: {  	v2 =	vor.u32 v2, v10;
	v4 =	vld.idx.msk [tilespmem:v4+s28+$0x0], $0xffff;
	[tilespmem:s31+$0x30] =	vst v5  }
0x25e: {  	v19 =	vshra.s32 v13, $0x7;
	v2 =	vadd.s32 v8, v2;
	v8 =	vshra.s32 v11, $0x7;
	v3 =	vld.idx.msk [tilespmem:v3+s28+$0x0], $0xffff  }
0x25f: {  	v10 =	vadd.s32 $0x100, v0;
	v14 =	vand.u32 $0xFF80, v11;
	v8 =	vand.u32 $0xFFFFFE00, v8;
	v5 =	vld [tilespmem:s30+$0x1010];
	[tilespmem:s31+$0x10] =	vst v7  }
0x260: {  	v12 =	vadd.s32 $0x80, v2;
	v7 =	vand.u32 $0x7F, v11;
	v11 =	vadd.s32 v14, v8;
	v9 =	vld.idx.msk [tilespmem:v9+s28+$0x0], $0xffff  }
0x261: {  	s17 =	simm.s32 $0x40;
	v21 =	vand.u32 $0xFF80, v13;
	v15 =	vshra.s32 v6, $0x7;
	v11 =	vor.u32 v7, v11  }
0x262: {  	s19 =	sand.u32 $0xFC0, s17;
	v17 =	vadd.s32 $0x100, v1;
	v16 =	vand.u32 $0xFF80, v6;
	v15 =	vand.u32 $0xFFFFFE00, v15  }
0x263: {  	p0 =	por $0x0, $0x0;
	s0 =	simm.s32 $0x1;
	v7 =	vor.u32 v7, v14;
	v14 =	vld [tilespmem:s19+$0x1000];
	[tilespmem:s31+$0xB0] =	vst v3;
	v3 =	vand.u32 $0x7F, v6;
	v6 =	vadd.s32 v16, v15  }
0x264: {  	s0 =	simm.s32 @!p0 $0x0;
	v13 =	vand.u32 $0x7F, v13;
	v19 =	vand.u32 $0xFFFFFE00, v19;
	[tilespmem:s31+$0x20] =	vst v4;
	v4 =	vld.idx.msk [tilespmem:v10+s28+$0x0], $0xffff;
	v6 =	vor.u32 v3, v6  }
0x265: {  	s0 =	sshll.u32 s0, $0x6;
	v0 =	vadd.s32 $0x180, v0;
	[tilespmem:s31+$0x90] =	vst v9;
	v9 =	vadd.s32 v21, v19;
	v10 =	vld.idx.msk [tilespmem:v12+s28+$0x0], $0xffff;
	v12 =	vshra.s32 v5, $0x7  }
0x266: {  	s2 =	sadd.s32 $0x0, s0;
	v20 =	vand.u32 $0xFF80, v5;
	v11 =	vld.idx.msk [tilespmem:v11+s28+$0x0], $0xffff;
	v9 =	vor.u32 v13, v9;
	v12 =	vand.u32 $0xFFFFFE00, v12  }
0x267: {  	s20 =	simm.s32 $0x80;
	s15 =	sadd.s32 $0x30, s2;
	v18 =	vadd.s32 $0x100, v2;
	v5 =	vand.u32 $0x7F, v5;
	v17 =	vld.idx.msk [tilespmem:v17+s28+$0x0], $0xffff;
	v22 =	vadd.s32 v20, v12  }
0x268: {  	s16 =	sor.u32 $0x100, s15;
	v3 =	vor.u32 v3, v16;
	v16 =	vld [tilespmem:s20+$0x1030];
	v22 =	vor.u32 v5, v22  }
0x269: {  	v3 =	vadd.s32 v15, v3;
	v6 =	vld.idx.msk [tilespmem:v6+s28+$0x0], $0xffff;
	[tilespmem:s16+$0x16000] =	vst v4  }
0x26a: {  	s18 =	simm.s32 $0x100;
	v4 =	vld.idx.msk [tilespmem:v0+s28+$0x0], $0xffff;
	v0 =	vadd.s32 $0x80, v3  }
0x26b: {  	s5 =	sand.u32 $0x3E00, s18;
	s0 =	sand.u32 $0x40, s17;
	v15 =	vadd.s32 $0x180, v1;
	v1 =	vadd.s32 v8, v7;
	v5 =	vor.u32 v5, v20;
	[tilespmem:s31+$0xA0] =	vst v10;
	v9 =	vld.idx.msk [tilespmem:v9+s28+$0x0], $0xffff  }
0x26c: {  	s5 =	sor.u32 s0, s5;
	v5 =	vadd.s32 v12, v5;
	v12 =	vadd.s32 $0x80, v1;
	v10 =	vld.idx.msk [tilespmem:v18+s28+$0x0], $0xffff  }
0x26d: {  	s21 =	sadd.s32 $0x10, s2;
	s13 =	sadd.s32 $0x16000, s5;
	v2 =	vadd.s32 $0x180, v2;
	v24 =	vand.u32 $0xFF80, v14;
	v8 =	vor.u32 v13, v21;
	[tilespmem:s26+$0x16000] =	vst v11;
	v7 =	vld.idx.msk [tilespmem:v22+s28+$0x0], $0xffff  }
0x26e: {  	s24 =	sor.u32 $0x100, s21;
	v21 =	vshra.s32 v14, $0x7;
	v8 =	vadd.s32 v19, v8;
	v11 =	vld [tilespmem:s20+$0x1020];
	v13 =	vadd.s32 $0x80, v5;
	[tilespmem:s13+$0x30] =	vst v6  }
0x26f: {  	s22 =	sadd.s32 $0x20, s2;
	v19 =	vadd.s32 $0x100, v1;
	[tilespmem:s24+$0x16000] =	vst v17;
	v18 =	vadd.s32 $0x100, v5;
	v6 =	vadd.s32 $0x80, v8;
	v20 =	vld.idx.msk [tilespmem:v0+s28+$0x0], $0xffff  }
0x270: {  	s26 =	sor.u32 $0x100, s22;
	v22 =	vadd.s32 $0x100, v3;
	[tilespmem:s13+$0x20] =	vst v9;
	v9 =	vshra.s32 v16, $0x7;
	v0 =	vadd.s32 $0x180, v5;
	v5 =	vld [tilespmem:s20+$0x1010]  }
0x271: {  	v21 =	vand.u32 $0xFFFFFE00, v21;
	v63 =	vand.u32 $0xFF80, v16;
	v12 =	vld.idx.msk [tilespmem:v12+s28+$0x0], $0xffff;
	v9 =	vand.u32 $0xFFFFFE00, v9;
	[tilespmem:s26+$0x16000] =	vst v10  }
0x272: {  	v25 =	vadd.s32 $0x180, v3;
	v17 =	vand.u32 $0x7F, v16;
	v16 =	vadd.s32 v63, v9;
	v3 =	vld.idx.msk [tilespmem:v2+s28+$0x0], $0xffff;
	[tilespmem:s13+$0x10] =	vst v7  }
0x273: {  	v7 =	vand.u32 $0x7F, v14;
	v14 =	vadd.s32 v24, v21;
	v16 =	vor.u32 v17, v16;
	v13 =	vld.idx.msk [tilespmem:v13+s28+$0x0], $0xffff  }
0x274: {  	s9 =	sor.u32 $0x180, s15;
	v24 =	vor.u32 v7, v24;
	v7 =	vor.u32 v7, v14;
	v6 =	vld.idx.msk [tilespmem:v6+s28+$0x0], $0xffff;
	[tilespmem:s13+$0xB0] =	vst v20  }
0x275: {  	v10 =	vshra.s32 v11, $0x7;
	[tilespmem:s9+$0x16000] =	vst v4;
	v14 =	vshra.s32 v5, $0x7;
	v20 =	vld.idx.msk [tilespmem:v22+s28+$0x0], $0xffff  }
0x276: {  	s14 =	simm.s32 $0x1;
	p0 =	por !p0, !p0;
	v4 =	vand.u32 $0xFFFFFE00, v10;
	v10 =	vand.u32 $0xFF80, v5;
	v14 =	vand.u32 $0xFFFFFE00, v14;
	v22 =	vld.idx.msk [tilespmem:v15+s28+$0x0], $0xffff;
	s1 =	rddreg [dreg:$0x6];
	[tilespmem:s31+$0x80] =	vst v12  }
0x277: {  	s8 =	simm.s32 $0x300;
	s14 =	simm.s32 @!p0 $0x0;
	v23 =	vadd.s32 $0x100, v8;
	v5 =	vand.u32 $0x7F, v5;
	v12 =	vadd.s32 v10, v14;
	v28 =	vld.idx.msk [tilespmem:v19+s28+$0x0], $0xffff  }
0x278: {  	s7 =	simm.s32 $0x80;
	s0 =	sor.u32 $0x180, s21;
	s30 =	sshll.u32 s14, $0x6;
	v2 =	vand.u32 $0xFF80, v11;
	v21 =	vadd.s32 v21, v24;
	v16 =	vld.idx.msk [tilespmem:v16+s28+$0x0], $0xffff;
	v27 =	vor.u32 v5, v12  }
0x279: {  	s14 =	sor.u32 $0x100, s2;
	s23 =	sadd.s32 $0x100, s30;
	s19 =	sor.u32 $0x180, s2;
	v26 =	vld.idx.msk [tilespmem:v7+s28+$0x0], $0xffff;
	[tilespmem:s13+$0x90] =	vst v13;
	v5 =	vor.u32 v5, v10;
	v7 =	vand.u32 $0x7F, v11;
	v10 =	vadd.s32 v2, v4  }
0x27a: {  	s30 =	sand.u32 $0xFC0, s7;
	s2 =	sadd.s32 $0x20, s23;
	s16 =	sadd.s32 $0x30, s23;
	v12 =	vadd.s32 $0x80, v21;
	v29 =	vadd.s32 v14, v5;
	v5 =	vor.u32 v7, v2;
	v14 =	vld.idx.msk [tilespmem:v18+s28+$0x0], $0xffff  }
0x27b: {  	s21 =	sor.u32 $0x100, s23;
	s17 =	sor.u32 $0x100, s2;
	s31 =	sor.u32 $0x100, s16;
	v15 =	vor.u32 v7, v10;
	[tilespmem:s13+$0xA0] =	vst v6;
	v30 =	vadd.s32 v4, v5;
	v4 =	vor.u32 v17, v63  }
0x27c: {  	s3 =	sor.u32 $0x180, s2;
	s24 =	simm.s32 $0x8;
	s20 =	sor.u32 $0x180, s22;
	v6 =	vadd.s32 $0x100, v21;
	v10 =	vadd.s32 $0x180, v21;
	v21 =	vld [tilespmem:s30+$0x1000];
	[tilespmem:s31+$0x16000] =	vst v20;
	v7 =	vadd.s32 v9, v4  }
0x27d: {  	v1 =	vadd.s32 $0x180, v1;
	s22 =	simm.s32 $0x200;
	s26 =	sand.u32 $0x40, s7;
	s15 =	sadd.s32 s12, s1;
	v2 =	vadd.s32 $0x180, v8;
	[tilespmem:s0+$0x16000] =	vst v22;
	v17 =	vld.idx.msk [tilespmem:v25+s28+$0x0], $0xffff;
	v20 =	vadd.s32 $0x80, v7  }
0x27e: {  	s1 =	sadd.s32 $0x10, s23;
	s23 =	sor.u32 $0x180, s23;
	v13 =	vadd.s32 $0x80, v29;
	v5 =	vadd.s32 $0x100, v29;
	v18 =	vld.idx.msk [tilespmem:v23+s28+$0x0], $0xffff;
	v8 =	vadd.s32 $0x180, v29;
	s31 =	sand.u32 $0x3E00, s22;
	[tilespmem:s14+$0x16000] =	vst v28  }
0x27f: {  	s18 =	sor.u32 $0x100, s1;
	s9 =	sor.u32 $0x180, s1;
	v11 =	vadd.s32 $0x80, v30;
	v4 =	vadd.s32 $0x100, v30;
	v9 =	vadd.s32 $0x180, v30;
	v19 =	vld.idx.msk [tilespmem:v27+s28+$0x0], $0xffff;
	[tilespmem:s5+$0x16000] =	vst v26;
	s5 =	sor.u32 s26, s31  }
.LBB2_15:
0x280: {  	s0 =	sshra.s32 s8, $0x2;
	s14 =	sadd.s32 $0x16000, s5;
	v15 =	vld.idx.msk [tilespmem:v15+s28+$0x0], $0xffff;
	[tilespmem:s18+$0x16000] =	vst v14  }
0x281: {  	s24 =	sadd.s32 $0x4, s24;
	s16 =	sor.u32 $0x180, s16;
	v14 =	vld [tilespmem:s0+$0x1030];
	[tilespmem:s14+$0x30] =	vst v16  }
0x282: {  	p1 =	slt.u32 s24, $0xFC;
	v16 =	vld.idx.msk [tilespmem:v20+s28+$0x0], $0xffff;
	[tilespmem:s16+$0x16000] =	vst v17  }
0x283: {  	v17 =	vld [tilespmem:s0+$0x1010];
	[tilespmem:s17+$0x16000] =	vst v18  }
0x284: {  	v18 =	vld [tilespmem:s0+$0x1020];
	v20 =	vand.u32 $0xFF80, v21;
	v22 =	vshra.s32 v21, $0x7;
	[tilespmem:s14+$0x10] =	vst v19;
	v19 =	vadd.s32 $0x100, v7  }
0x285: {  	v21 =	vand.u32 $0x7F, v21;
	v22 =	vand.u32 $0xFFFFFE00, v22;
	v12 =	vld.idx.msk [tilespmem:v12+s28+$0x0], $0xffff;
	[tilespmem:s20+$0x16000] =	vst v3;
	s20 =	smov.u32 s3  }
0x286: {  	v3 =	vadd.s32 v20, v22;
	v20 =	vor.u32 v21, v20;
	v13 =	vld.idx.msk [tilespmem:v13+s28+$0x0], $0xffff;
	[tilespmem:s14+$0x20] =	vst v15  }
0x287: {  	v15 =	vshra.s32 v14, $0x7;
	v21 =	vor.u32 v21, v3;
	v22 =	vadd.s32 v22, v20;
	v11 =	vld.idx.msk [tilespmem:v11+s28+$0x0], $0xffff  }
0x288: {  	p0 =	por !p0, !p0;
	s0 =	simm.s32 $0x1;
	v20 =	vand.u32 $0xFF80, v14;
	v23 =	vand.u32 $0xFFFFFE00, v15;
	v3 =	vshra.s32 v17, $0x7;
	[tilespmem:s14+$0xB0] =	vst v16;
	v24 =	vld.idx.msk [tilespmem:v1+s28+$0x0], $0xffff;
	v1 =	vmovc v10  }
0x289: {  	s0 =	simm.s32 @!p0 $0x0;
	v25 =	vand.u32 $0x7F, v14;
	v14 =	vadd.s32 v20, v23;
	v10 =	vshra.s32 v18, $0x7;
	v19 =	vld.idx.msk [tilespmem:v19+s28+$0x0], $0xffff  }
0x28a: {  	s0 =	sshll.u32 s0, $0x6;
	v15 =	vand.u32 $0xFFFFFE00, v3;
	v16 =	vor.u32 v25, v14;
	v10 =	vand.u32 $0xFFFFFE00, v10;
	v26 =	vld.idx.msk [tilespmem:v0+s28+$0x0], $0xffff;
	v0 =	vmovc v8  }
0x28b: {  	v27 =	vadd.s32 $0x180, v7;
	s0 =	sadd.s32 s0, s22;
	v14 =	vand.u32 $0xFF80, v18;
	v8 =	vand.u32 $0xFF80, v17;
	[tilespmem:s13+$0x80] =	vst v12;
	v3 =	vld.idx.msk [tilespmem:v2+s28+$0x0], $0xffff;
	v2 =	vmovc v9;
	s13 =	smov.u32 s14  }
0x28c: {  	s22 =	smov.u32 s8;
	v7 =	vand.u32 $0x7F, v17;
	s3 =	sadd.s32 $0x10, s0;
	v9 =	vadd.s32 v8, v15;
	v12 =	vadd.s32 v14, v10;
	v21 =	vld.idx.msk [tilespmem:v21+s28+$0x0], $0xffff;
	[tilespmem:s13+$0x90] =	vst v13  }
0x28d: {  	s16 =	sadd.s32 $0x30, s0;
	s30 =	sor.u32 $0x100, s0;
	s14 =	sadd.s32 $0x20, s0;
	v9 =	vor.u32 v7, v9;
	v7 =	vor.u32 v7, v8;
	v8 =	vand.u32 $0x7F, v18;
	[tilespmem:s13+$0xA0] =	vst v11;
	v28 =	vld.idx.msk [tilespmem:v6+s28+$0x0], $0xffff  }
0x28e: {  	s18 =	sor.u32 $0x100, s3;
	s31 =	sor.u32 $0x100, s16;
	s17 =	sor.u32 $0x100, s14;
	v29 =	vadd.s32 v15, v7;
	v15 =	vor.u32 v8, v12;
	v6 =	vor.u32 v8, v14;
	v14 =	vld.idx.msk [tilespmem:v5+s28+$0x0], $0xffff  }
.Ltmp6:
0x28f: {  	s1 =	sor.u32 $0x180, s3;
	s3 =	sor.u32 $0x180, s14;
	v12 =	vadd.s32 $0x80, v22;
	v30 =	vadd.s32 v10, v6;
	v5 =	vor.u32 v25, v20;
	v16 =	vld.idx.msk [tilespmem:v16+s28+$0x0], $0xffff;
	[tilespmem:s31+$0x16000] =	vst v19;
	(pc) =	sbr.rel @p1 .LBB2_15-.Ltmp6, $4  }
0x290: {  	v13 =	vadd.s32 $0x80, v29;
	v11 =	vadd.s32 $0x80, v30;
	v7 =	vadd.s32 v23, v5;
	v17 =	vld.idx.msk [tilespmem:v27+s28+$0x0], $0xffff;
	[tilespmem:s19+$0x16000] =	vst v24;
	s19 =	smov.u32 s23;
	s23 =	sor.u32 $0x180, s0  }
0x291: {  	s7 =	sadd.s32 $0x40, s7;
	v6 =	vadd.s32 $0x100, v22;
	v5 =	vadd.s32 $0x100, v29;
	v20 =	vadd.s32 $0x80, v7;
	v18 =	vld.idx.msk [tilespmem:v4+s28+$0x0], $0xffff;
	[tilespmem:s9+$0x16000] =	vst v26;
	s9 =	smov.u32 s1  }
0x292: {  	s14 =	sand.u32 $0x3E00, s8;
	v8 =	vadd.s32 $0x180, v29;
	v10 =	vadd.s32 $0x180, v22;
	s0 =	sand.u32 $0x40, s7;
	s1 =	sand.u32 $0xFC0, s7;
	v4 =	vadd.s32 $0x100, v30;
	v19 =	vld.idx.msk [tilespmem:v9+s28+$0x0], $0xffff;
	[tilespmem:s5+$0x16000] =	vst v21  }
0x293: {  	s8 =	sadd.s32 $0x100, s8;
	s5 =	sor.u32 s0, s14;
	v9 =	vadd.s32 $0x180, v30;
	v21 =	vld [tilespmem:s1+$0x1000];
	[tilespmem:s21+$0x16000] =	vst v28;
	s21 =	smov.u32 s30  }
0x294: {  	_ =	sdelay $0x3  }
0x295: {  	v22 =	vshra.s32 v21, $0x7  }
0x296: {  	v23 =	vand.u32 $0xFF80, v21;
	v22 =	vand.u32 $0xFFFFFE00, v22  }
0x297: {  	v21 =	vand.u32 $0x7F, v21;
	v24 =	vadd.s32 v23, v22  }
0x298: {  	v24 =	vor.u32 v21, v24;
	_ =	sdelay $0x1  }
0x299: {  	s0 =	sadd.s32 $0x16000, s5;
	v15 =	vld.idx.msk [tilespmem:v15+s28+$0x0], $0xffff;
	[tilespmem:s18+$0x16000] =	vst v14  }
0x29a: {  	v12 =	vld.idx.msk [tilespmem:v12+s28+$0x0], $0xffff;
	[tilespmem:s0+$0x30] =	vst v16  }
0x29b: {  	[tilespmem:s20+$0x16000] =	vst v3;
	v14 =	vld.idx.msk [tilespmem:v20+s28+$0x0], $0xffff;
	v16 =	vor.u32 v21, v23  }
0x29c: {  	[tilespmem:s17+$0x16000] =	vst v18;
	v16 =	vadd.s32 v22, v16;
	v20 =	vld.idx.msk [tilespmem:v24+s28+$0x0], $0xffff  }
0x29d: {  	v1 =	vld.idx.msk [tilespmem:v1+s28+$0x0], $0xffff;
	[tilespmem:s0+$0x10] =	vst v19;
	v18 =	vadd.s32 $0x80, v16  }
0x29e: {  	s1 =	sor.u32 $0x180, s16;
	v13 =	vld.idx.msk [tilespmem:v13+s28+$0x0], $0xffff;
	[tilespmem:s0+$0x20] =	vst v15  }
0x29f: {  	[tilespmem:s1+$0x16000] =	vst v17;
	v11 =	vld.idx.msk [tilespmem:v11+s28+$0x0], $0xffff  }
0x2a0: {  	v0 =	vld.idx.msk [tilespmem:v0+s28+$0x0], $0xffff;
	[tilespmem:s13+$0x80] =	vst v12  }
0x2a1: {  	[tilespmem:s5+$0x16000] =	vst v20  }
0x2a2: {  	v17 =	vadd.s32 $0x100, v7;
	[tilespmem:s19+$0x16000] =	vst v1;
	v3 =	vld.idx.msk [tilespmem:v18+s28+$0x0], $0xffff  }
0x2a3: {  	p0 =	por !p0, !p0;
	s1 =	simm.s32 $0x1;
	v6 =	vld.idx.msk [tilespmem:v6+s28+$0x0], $0xffff;
	v12 =	vadd.s32 $0x100, v16;
	[tilespmem:s0+$0x90] =	vst v13  }
0x2a4: {  	s1 =	simm.s32 @!p0 $0x0;
	v5 =	vld.idx.msk [tilespmem:v5+s28+$0x0], $0xffff;
	[tilespmem:s0+$0xA0] =	vst v11  }
0x2a5: {  	s1 =	sshll.u32 s1, $0x6;
	[tilespmem:s9+$0x16000] =	vst v0;
	v4 =	vld.idx.msk [tilespmem:v4+s28+$0x0], $0xffff  }
0x2a6: {  	s1 =	sadd.s32 s1, s22;
	[tilespmem:s0+$0xB0] =	vst v14  }
0x2a7: {  	s31 =	sadd.s32 $0x10, s1;
	v14 =	vld.idx.msk [tilespmem:v17+s28+$0x0], $0xffff;
	[tilespmem:s0+$0x80] =	vst v3  }
0x2a8: {  	v7 =	vadd.s32 $0x180, v7;
	s2 =	sadd.s32 $0x20, s1;
	s8 =	sor.u32 $0x100, s31;
	[tilespmem:s21+$0x16000] =	vst v6;
	v1 =	vld.idx.msk [tilespmem:v12+s28+$0x0], $0xffff  }
0x2a9: {  	v2 =	vld.idx.msk [tilespmem:v2+s28+$0x0], $0xffff;
	s13 =	sor.u32 $0x100, s2;
	v0 =	vadd.s32 $0x180, v16;
	[tilespmem:s8+$0x16000] =	vst v5  }
0x2aa: {  	s30 =	sadd.s32 $0x30, s1;
	v5 =	vld.idx.msk [tilespmem:v10+s28+$0x0], $0xffff;
	[tilespmem:s13+$0x16000] =	vst v4  }
0x2ab: {  	s7 =	sor.u32 $0x100, s30;
	v6 =	vld.idx.msk [tilespmem:v9+s28+$0x0], $0xffff  }
0x2ac: {  	s14 =	sor.u32 $0x100, s1;
	[tilespmem:s7+$0x16000] =	vst v14;
	v4 =	vld.idx.msk [tilespmem:v8+s28+$0x0], $0xffff  }
0x2ad: {  	v3 =	vld.idx.msk [tilespmem:v7+s28+$0x0], $0xffff;
	[tilespmem:s14+$0x16000] =	vst v1  }
0x2ae: {  	[tilespmem:s3+$0x16000] =	vst v2;
	v0 =	vld.idx.msk [tilespmem:v0+s28+$0x0], $0xffff  }
0x2af: {  	s16 =	sor.u32 $0x180, s2;
	[tilespmem:s23+$0x16000] =	vst v5  }
0x2b0: {  	s0 =	sor.u32 $0x180, s31;
	[tilespmem:s16+$0x16000] =	vst v6  }
0x2b1: {  	s5 =	sor.u32 $0x180, s30;
	[tilespmem:s0+$0x16000] =	vst v4  }
0x2b2: {  	s17 =	sor.u32 $0x180, s1;
	[tilespmem:s5+$0x16000] =	vst v3  }
0x2b3: {  	s18 =	simm.s32 $0x200;
	s20 =	simm.s32 $0x16000;
	s19 =	simm.s32 $0x400;
	[tilespmem:s17+$0x16000] =	vst v0  }
0x2b4: {  	[hbm4b:s15+s18] =	stream.strided.scatter [tilespmem:s20], [sflag:$0x4], $0x4000, s19, s18, $0x38;
	[tilespmem:$0x1A000] =	vst v63  }
0x2b5: {  	s21 =	rddreg [dreg:$0x7]  }
0x2b6: {  	s22 =	simm.s32 $0x2;
	s0 =	sadd.s32 s12, s21  }
0x2b7: {  	[tilespmem:s28], [sflag:$0x1] =	stream.strided.gather [hbm4b:s0+s18], $0x8000, s19, s18, $0x38;
	[tilespmem:$0x1A000] =	vst v63  }
0x2b8: {  	_ =	swait.ge [sflag:s22], $0x8000  }
0x2b9: {  	[sflag:s22] =	ssyncset.done $0x0  }
0x2ba: {  	s23 =	simm.s32 $0x3;
	[sflag:s22] =	ssyncadd.s32 $0xFFFF8000  }
0x2bb: {  	_ =	swait.ge [sflag:s23], $0x4000  }
0x2bc: {  	[sflag:s23] =	ssyncset.done $0x0  }
0x2bd: {  	s24 =	simm.s32 $0x0;
	[sflag:s23] =	ssyncadd.s32 $0xFFFFC000  }
0x2be: {  	v0 =	vld [tilespmem:s24+$0x10]  }
0x2bf: {  	v1 =	vld [tilespmem:s24+$0x30]  }
0x2c0: {  	v2 =	vld [tilespmem:s24+$0x20];
	_ =	sdelay $0x2  }
0x2c1: {  	v5 =	vld [tilespmem:s24+$0x0]  }
0x2c2: {  	v3 =	vand.u32 $0xFF80, v0;
	v4 =	vshra.s32 v0, $0x7  }
0x2c3: {  	v0 =	vand.u32 $0x7F, v0;
	v6 =	vshra.s32 v1, $0x7;
	v7 =	vshra.s32 v2, $0x7  }
0x2c4: {  	v8 =	vand.u32 $0xFF80, v1;
	v1 =	vand.u32 $0x7F, v1;
	v4 =	vand.u32 $0xFFFFFE00, v4  }
0x2c5: {  	v11 =	vand.u32 $0xFF80, v2;
	v2 =	vand.u32 $0x7F, v2;
	v10 =	vadd.s32 v3, v4  }
0x2c6: {  	v12 =	vshra.s32 v5, $0x7;
	v6 =	vand.u32 $0xFFFFFE00, v6;
	v10 =	vor.u32 v0, v10  }
0x2c7: {  	s30 =	simm.s32 $0x40;
	v14 =	vand.u32 $0xFF80, v5;
	v7 =	vand.u32 $0xFFFFFE00, v7;
	v9 =	vadd.s32 v8, v6  }
0x2c8: {  	v15 =	vld [tilespmem:s30+$0x10];
	v12 =	vand.u32 $0xFFFFFE00, v12;
	v13 =	vadd.s32 v11, v7;
	v9 =	vor.u32 v1, v9  }
0x2c9: {  	v5 =	vand.u32 $0x7F, v5;
	v16 =	vadd.s32 v14, v12;
	v13 =	vor.u32 v2, v13  }
0x2ca: {  	v0 =	vor.u32 v0, v3;
	v3 =	vor.u32 v5, v16;
	v5 =	vor.u32 v5, v14;
	v14 =	vld [tilespmem:s30+$0x20]  }
0x2cb: {  	v1 =	vor.u32 v1, v8;
	v0 =	vadd.s32 v4, v0;
	v4 =	vld.idx.msk [tilespmem:v10+s29+$0x0], $0xffff  }
0x2cc: {  	s31 =	simm.s32 $0x0;
	v1 =	vadd.s32 v6, v1;
	v6 =	vld [tilespmem:s30+$0x30];
	v8 =	vadd.s32 $0x80, v0  }
0x2cd: {  	s9 =	simm.s32 $0x10;
	s8 =	sand.u32 $0x3E00, s31;
	v2 =	vor.u32 v2, v11;
	v11 =	vshra.s32 v15, $0x7;
	v9 =	vld.idx.msk [tilespmem:v9+s29+$0x0], $0xffff  }
0x2ce: {  	s1 =	sadd.s32 $0x12000, s8;
	s5 =	sand.u32 $0x50, s9;
	v7 =	vadd.s32 v7, v2;
	v5 =	vadd.s32 v12, v5;
	v10 =	vadd.s32 $0x80, v1;
	v2 =	vld.idx.msk [tilespmem:v13+s29+$0x0], $0xffff  }
0x2cf: {  	s16 =	simm.s32 $0x80;
	s5 =	sor.u32 s5, s1;
	s12 =	simm.s32 $0x30;
	v12 =	vand.u32 $0xFF80, v15;
	v11 =	vand.u32 $0xFFFFFE00, v11;
	v13 =	vadd.s32 $0x80, v7;
	v3 =	vld.idx.msk [tilespmem:v3+s29+$0x0], $0xffff  }
0x2d0: {  	s13 =	simm.s32 $0x20;
	s7 =	sand.u32 $0x70, s12;
	v22 =	vld [tilespmem:s16+$0x30];
	v15 =	vand.u32 $0x7F, v15;
	v16 =	vadd.s32 v12, v11;
	[tilespmem:s5+$0x0] =	vst v4;
	v4 =	vadd.s32 $0x80, v5  }
0x2d1: {  	s8 =	sand.u32 $0x60, s13;
	s14 =	simm.s32 $0x0;
	s7 =	sor.u32 s7, s1;
	v16 =	vor.u32 v15, v16;
	v8 =	vld.idx.msk [tilespmem:v8+s29+$0x0], $0xffff  }
0x2d2: {  	s8 =	sor.u32 s8, s1;
	s9 =	sand.u32 $0x40, s14;
	[tilespmem:s7+$0x0] =	vst v9;
	v9 =	vld [tilespmem:s30+$0x0]  }
0x2d3: {  	s15 =	sor.u32 s9, s1;
	v17 =	vadd.s32 $0x100, v0;
	v18 =	vshra.s32 v6, $0x7;
	[tilespmem:s8+$0x0] =	vst v2;
	v2 =	vld.idx.msk [tilespmem:v10+s29+$0x0], $0xffff  }
0x2d4: {  	v19 =	vshra.s32 v14, $0x7;
	[tilespmem:s15+$0x0] =	vst v3;
	v3 =	vand.u32 $0xFFFFFE00, v18;
	v18 =	vand.u32 $0xFF80, v6;
	v13 =	vld.idx.msk [tilespmem:v13+s29+$0x0], $0xffff  }
0x2d5: {  	v6 =	vand.u32 $0x7F, v6;
	v10 =	vadd.s32 $0x100, v1;
	v20 =	vadd.s32 v18, v3;
	v4 =	vld.idx.msk [tilespmem:v4+s29+$0x0], $0xffff  }
0x2d6: {  	v19 =	vand.u32 $0xFFFFFE00, v19;
	v20 =	vor.u32 v6, v20;
	[tilespmem:s5+$0x80] =	vst v8;
	v8 =	vld.idx.msk [tilespmem:v16+s29+$0x0], $0xffff;
	v16 =	vand.u32 $0xFF80, v14  }
0x2d7: {  	v25 =	vld [tilespmem:s16+$0x20];
	v23 =	vadd.s32 $0x100, v5;
	v14 =	vand.u32 $0x7F, v14;
	v21 =	vadd.s32 v16, v19  }
0x2d8: {  	v6 =	vor.u32 v6, v18;
	v18 =	vld [tilespmem:s16+$0x10];
	[tilespmem:s7+$0x80] =	vst v2;
	v2 =	vor.u32 v15, v12;
	v12 =	vor.u32 v14, v21  }
0x2d9: {  	p0 =	por $0x0, $0x0;
	s13 =	simm.s32 $0x100;
	s19 =	sand.u32 $0x7, s31;
	v17 =	vld.idx.msk [tilespmem:v17+s29+$0x0], $0xffff;
	v2 =	vadd.s32 v11, v2;
	v21 =	vadd.s32 $0x100, v7  }
0x2da: {  	s17 =	simm.s32 $0x60;
	s20 =	sand.u32 $0x3E00, s13;
	s1 =	sshll.u32 s19, $0x4;
	v26 =	vadd.s32 $0x180, v0;
	v15 =	vshra.s32 v9, $0x7;
	[tilespmem:s8+$0x80] =	vst v13;
	v10 =	vld.idx.msk [tilespmem:v10+s29+$0x0], $0xffff;
	v13 =	vadd.s32 $0x80, v2  }
0x2db: {  	s14 =	sadd.s32 $0x12000, s20;
	s1 =	sadd.s32 $0x0, s1;
	s23 =	simm.s32 $0x50;
	v5 =	vadd.s32 $0x180, v5;
	v61 =	vand.u32 $0xFF80, v9;
	v15 =	vand.u32 $0xFFFFFE00, v15;
	v20 =	vld.idx.msk [tilespmem:v20+s29+$0x0], $0xffff;
	[tilespmem:s15+$0x80] =	vst v4  }
0x2dc: {  	v0 =	vand.u32 $0x7F, v9;
	v9 =	vadd.s32 $0x180, v1;
	s5 =	sadd.s32 $0x10, s1;
	v1 =	vadd.s32 v61, v15;
	s15 =	sadd.s32 $0x30, s1;
	s1 =	sand.u32 $0x50, s23;
	v23 =	vld.idx.msk [tilespmem:v23+s29+$0x0], $0xffff  }
0x2dd: {  	s30 =	sand.u32 $0x3, s31;
	v3 =	vadd.s32 v3, v6;
	s8 =	simm.s32 $0x1;
	v11 =	vor.u32 v0, v1;
	v0 =	vor.u32 v0, v61;
	s31 =	sor.u32 s1, s14;
	v12 =	vld.idx.msk [tilespmem:v12+s29+$0x0], $0xffff  }
0x2de: {  	s21 =	simm.s32 $0x70;
	s22 =	sor.u32 $0x100, s5;
	s8 =	simm.s32 @!p0 $0x0;
	v6 =	vadd.s32 $0x100, v2;
	v1 =	vor.u32 v14, v16;
	v0 =	vadd.s32 v15, v0;
	[tilespmem:s31+$0x0] =	vst v8;
	v15 =	vld.idx.msk [tilespmem:v21+s29+$0x0], $0xffff  }
0x2df: {  	s0 =	sand.u32 $0x70, s21;
	s19 =	sshll.u32 s8, $0x6;
	v14 =	vadd.s32 $0x80, v3;
	v16 =	vand.u32 $0x7F, v18;
	v1 =	vadd.s32 v19, v1;
	s24 =	sor.u32 $0x100, s15;
	[tilespmem:s22+$0x12000] =	vst v17;
	v63 =	vld.idx.msk [tilespmem:v13+s29+$0x0], $0xffff  }
0x2e0: {  	s12 =	sshll.u32 s30, $0x5;
	s7 =	sor.u32 s0, s14;
	v4 =	vadd.s32 $0x100, v3;
	v19 =	vshra.s32 v22, $0x7;
	[tilespmem:s24+$0x12000] =	vst v10;
	v10 =	vadd.s32 $0x80, v1;
	v13 =	vld [tilespmem:s16+$0x0];
	s16 =	sadd.s32 $0x0, s19  }
0x2e1: {  	s18 =	sadd.s32 $0x0, s12;
	s1 =	sand.u32 $0x60, s17;
	v17 =	vadd.s32 $0x180, v7;
	v7 =	vand.u32 $0xFF80, v18;
	v18 =	vshra.s32 v18, $0x7;
	[tilespmem:s7+$0x0] =	vst v20;
	v9 =	vld.idx.msk [tilespmem:v9+s29+$0x0], $0xffff;
	s24 =	sor.u32 $0x100, s16  }
0x2e2: {  	s8 =	sadd.s32 $0x20, s18;
	v19 =	vand.u32 $0xFFFFFE00, v19;
	v27 =	vadd.s32 $0x80, v0;
	s23 =	sor.u32 s1, s14;
	v8 =	vand.u32 $0xFFFFFE00, v18;
	s20 =	rddreg [dreg:$0x10];
	v62 =	vld.idx.msk [tilespmem:v11+s29+$0x0], $0xffff;
	[tilespmem:s24+$0x12000] =	vst v23  }
0x2e3: {  	s26 =	simm.s32 $0x200;
	s21 =	sor.u32 $0x100, s8;
	v21 =	vld.idx.msk [tilespmem:v26+s29+$0x0], $0xffff;
	v18 =	vshra.s32 v25, $0x7;
	v20 =	vor.u32 v16, v7;
	s0 =	sadd.s32 s11, s20;
	v7 =	vadd.s32 v7, v8;
	[tilespmem:s23+$0x0] =	vst v12  }
0x2e4: {  	s30 =	sor.u32 $0x180, s15;
	s22 =	simm.s32 $0x40;
	v11 =	vand.u32 $0xFF80, v22;
	s12 =	sshll.u32 s0, $0xC;
	v12 =	vand.u32 $0x7F, v22;
	v22 =	vor.u32 v16, v7;
	v16 =	vld.idx.msk [tilespmem:v14+s29+$0x0], $0xffff;
	[tilespmem:s21+$0x12000] =	vst v15  }
0x2e5: {  	v8 =	vadd.s32 v8, v20;
	s0 =	sand.u32 $0x40, s22;
	s11 =	sand.u32 $0x7FE000, s12;
	v7 =	vadd.s32 v11, v19;
	v14 =	vor.u32 v12, v11;
	v11 =	vld.idx.msk [tilespmem:v10+s29+$0x0], $0xffff;
	s9 =	rddreg [dreg:$0x11]  }
0x2e6: {  	s2 =	simm.s32 $0x400;
	v15 =	vand.u32 $0xFF80, v25;
	v12 =	vor.u32 v12, v7;
	v10 =	vand.u32 $0xFFFFFE00, v18;
	v18 =	vld.idx.msk [tilespmem:v17+s29+$0x0], $0xffff;
	[tilespmem:s30+$0x12000] =	vst v9;
	s15 =	sadd.s32 s11, s9;
	s9 =	sor.u32 s0, s14  }
0x2e7: {  	s3 =	simm.s32 $0x2;
	p0 =	por !p0, !p0;
	s19 =	simm.s32 $0x200;
	v9 =	vand.u32 $0x7F, v25;
	v7 =	vadd.s32 v19, v14;
	v14 =	vadd.s32 v15, v10;
	v19 =	vld.idx.msk [tilespmem:v5+s29+$0x0], $0xffff;
	[tilespmem:s9+$0x0] =	vst v62  }
0x2e8: {  	s20 =	simm.s32 $0x2;
	s22 =	simm.s32 $0xB0;
	v20 =	vshra.s32 v13, $0x7;
	[tilespmem:s31+$0x80] =	vst v63;
	s31 =	sor.u32 $0x180, s5;
	v14 =	vor.u32 v9, v14;
	v9 =	vor.u32 v9, v15;
	v17 =	vld.idx.msk [tilespmem:v27+s29+$0x0], $0xffff  }
0x2e9: {  	s24 =	simm.s32 $0x8;
	s21 =	simm.s32 $0x4;
	s5 =	simm.s32 $0x300;
	[tilespmem:s31+$0x12000] =	vst v21;
	v5 =	vadd.s32 $0x80, v7;
	v15 =	vand.u32 $0x7F, v13;
	v9 =	vadd.s32 v10, v9;
	v10 =	vld.idx.msk [tilespmem:v22+s29+$0x0], $0xffff  }
.LBB2_17:
0x2ea: {  	s17 =	sshra.s32 s5, $0x2;
	s0 =	sadd.s32 $0xFFFFFFD0, s22;
	s1 =	sand.u32 $0x3E00, s19;
	v21 =	vld.idx.msk [tilespmem:v6+s29+$0x0], $0xffff;
	[tilespmem:s7+$0x80] =	vst v16  }
0x2eb: {  	v6 =	vadd.s32 $0x100, v0;
	v16 =	vld [tilespmem:s17+$0x30];
	s0 =	sand.u32 $0x40, s0;
	s14 =	sadd.s32 $0x12000, s1;
	s1 =	sor.u32 $0x180, s8  }
0x2ec: {  	s7 =	sand.u32 $0x7, s21;
	s8 =	sor.u32 $0x180, s16;
	s0 =	sor.u32 s0, s14;
	v22 =	vld.idx.msk [tilespmem:v4+s29+$0x0], $0xffff;
	[tilespmem:s1+$0x12000] =	vst v18  }
0x2ed: {  	s24 =	sadd.s32 $0x4, s24;
	v23 =	vadd.s32 $0x180, v3;
	v3 =	vmovc v7;
	v4 =	vand.u32 $0xFF80, v13;
	s1 =	sshll.u32 s7, $0x4;
	v13 =	vadd.s32 $0x100, v1;
	v18 =	vld [tilespmem:s17+$0x10];
	[tilespmem:s8+$0x12000] =	vst v19  }
0x2ee: {  	v7 =	vand.u32 $0xFFFFFE00, v20;
	p1 =	slt.u32 s24, $0xFC;
	v20 =	vor.u32 v15, v4;
	s1 =	sadd.s32 s13, s1;
	v19 =	vld [tilespmem:s17+$0x20];
	[tilespmem:s9+$0x80] =	vst v17;
	v17 =	vadd.s32 $0x180, v2;
	v2 =	vmovc v8;
	s9 =	smov.u32 s0  }
0x2ef: {  	v8 =	vadd.s32 v4, v7;
	v7 =	vadd.s32 v7, v20;
	v4 =	vadd.s32 $0x100, v3;
	s31 =	sadd.s32 $0x30, s1;
	s18 =	sadd.s32 $0x10, s1;
	v12 =	vld.idx.msk [tilespmem:v12+s29+$0x0], $0xffff  }
0x2f0: {  	v20 =	vadd.s32 $0x180, v1;
	v1 =	vmov v9;
	v8 =	vor.u32 v15, v8;
	s0 =	sor.u32 $0x100, s18;
	v15 =	vld.idx.msk [tilespmem:v6+s29+$0x0], $0xffff;
	[tilespmem:s23+$0x80] =	vst v11  }
0x2f1: {  	v24 =	vadd.s32 $0x180, v0;
	s21 =	sadd.s32 $0x4, s21;
	s20 =	sadd.s32 $0x2, s20;
	s1 =	simm.s32 $0x1;
	v9 =	vadd.s32 $0x80, v2;
	v0 =	vmovc v7;
	v6 =	vadd.s32 $0x100, v2;
	v11 =	vld.idx.msk [tilespmem:v14+s29+$0x0], $0xffff;
	[tilespmem:s0+$0x12000] =	vst v21  }
0x2f2: {  	s1 =	simm.s32 @!p0 $0x0;
	s7 =	sor.u32 $0x100, s31;
	s0 =	sadd.s32 $0xFFFFFFE0, s22;
	v7 =	vand.u32 $0xFF80, v18;
	v14 =	vand.u32 $0x7F, v18;
	v18 =	vshra.s32 v18, $0x7;
	v21 =	vld.idx.msk [tilespmem:v13+s29+$0x0], $0xffff  }
0x2f3: {  	s3 =	sand.u32 $0x3, s3;
	s8 =	sand.u32 $0x70, s22;
	v13 =	vshra.s32 v16, $0x7;
	s0 =	sand.u32 $0x50, s0;
	v18 =	vand.u32 $0xFFFFFE00, v18;
	v25 =	vshra.s32 v19, $0x7;
	v26 =	vld.idx.msk [tilespmem:v17+s29+$0x0], $0xffff;
	[tilespmem:s7+$0x12000] =	vst v22  }
0x2f4: {  	s3 =	sshll.u32 s3, $0x5;
	v27 =	vadd.s32 $0x80, v1;
	v17 =	vand.u32 $0xFF80, v19;
	v22 =	vand.u32 $0xFFFFFE00, v13;
	s0 =	sor.u32 s0, s14;
	s7 =	sadd.s32 $0xFFFFFFF0, s22;
	v23 =	vld.idx.msk [tilespmem:v23+s29+$0x0], $0xffff  }
0x2f5: {  	s3 =	sadd.s32 s13, s3;
	v28 =	vor.u32 v14, v7;
	v13 =	vand.u32 $0xFF80, v16;
	v16 =	vand.u32 $0x7F, v16;
	s16 =	sand.u32 $0x60, s7;
	s7 =	sor.u32 s8, s14;
	v29 =	vld.idx.msk [tilespmem:v8+s29+$0x0], $0xffff;
	[tilespmem:s0+$0x0] =	vst v10  }
0x2f6: {  	v30 =	vadd.s32 $0x80, v0;
	s1 =	sshll.u32 s1, $0x6;
	s8 =	sadd.s32 $0x20, s3;
	v8 =	vadd.s32 v13, v22;
	v10 =	vor.u32 v16, v13;
	s23 =	sor.u32 s16, s14;
	v31 =	vld.idx.msk [tilespmem:v9+s29+$0x0], $0xffff;
	[tilespmem:s7+$0x0] =	vst v12  }
0x2f7: {  	s3 =	smov.u32 s20;
	s16 =	sadd.s32 s1, s13;
	s1 =	sor.u32 $0x100, s8;
	v9 =	vadd.s32 v7, v18;
	v12 =	vor.u32 v16, v8;
	v7 =	vadd.s32 v22, v10;
	v13 =	vld [tilespmem:s17+$0x0];
	[tilespmem:s23+$0x0] =	vst v11  }
0x2f8: {  	s13 =	smov.u32 s19;
	s19 =	smov.u32 s5;
	s14 =	sor.u32 $0x100, s16;
	v10 =	vor.u32 v14, v9;
	v9 =	vand.u32 $0xFFFFFE00, v25;
	v16 =	vld.idx.msk [tilespmem:v5+s29+$0x0], $0xffff;
	v5 =	vadd.s32 $0x80, v7;
	[tilespmem:s1+$0x12000] =	vst v21  }
.Ltmp7:
0x2f9: {  	v8 =	vadd.s32 v18, v28;
	v18 =	vand.u32 $0x7F, v19;
	v14 =	vadd.s32 v17, v9;
	s1 =	sor.u32 $0x180, s31;
	v11 =	vld.idx.msk [tilespmem:v27+s29+$0x0], $0xffff;
	[tilespmem:s14+$0x12000] =	vst v15;
	(pc) =	sbr.rel @p1 .LBB2_17-.Ltmp7, $4  }
0x2fa: {  	v14 =	vor.u32 v18, v14;
	v15 =	vor.u32 v18, v17;
	v18 =	vld.idx.msk [tilespmem:v20+s29+$0x0], $0xffff;
	[tilespmem:s1+$0x12000] =	vst v23  }
0x2fb: {  	v9 =	vadd.s32 v9, v15;
	[tilespmem:s9+$0x0] =	vst v29;
	v19 =	vld.idx.msk [tilespmem:v24+s29+$0x0], $0xffff  }
0x2fc: {  	v15 =	vand.u32 $0x7F, v13;
	v20 =	vshra.s32 v13, $0x7;
	v17 =	vld.idx.msk [tilespmem:v30+s29+$0x0], $0xffff;
	[tilespmem:s0+$0x80] =	vst v31;
	s0 =	sor.u32 $0x180, s18  }
0x2fd: {  	p0 =	por !p0, !p0;
	s22 =	sadd.s32 $0x40, s22;
	s5 =	sadd.s32 $0x100, s5;
	v10 =	vld.idx.msk [tilespmem:v10+s29+$0x0], $0xffff;
	[tilespmem:s0+$0x12000] =	vst v26  }
0x2fe: {  	_ =	sdelay $0x3  }
0x2ff: {  	v13 =	vand.u32 $0xFF80, v13;
	v20 =	vand.u32 $0xFFFFFE00, v20;
	v6 =	vld.idx.msk [tilespmem:v6+s29+$0x0], $0xffff;
	s1 =	sand.u32 $0x7, s21  }
0x300: {  	[tilespmem:s7+$0x80] =	vst v16;
	s0 =	sor.u32 $0x180, s8;
	s14 =	sor.u32 $0x180, s16;
	v12 =	vld.idx.msk [tilespmem:v12+s29+$0x0], $0xffff;
	v21 =	vadd.s32 v13, v20;
	s16 =	sshll.u32 s1, $0x4  }
0x301: {  	s17 =	sand.u32 $0x3E00, s19;
	[tilespmem:s0+$0x12000] =	vst v18;
	v16 =	vor.u32 v15, v21;
	s0 =	sadd.s32 s13, s16  }
0x302: {  	[tilespmem:s23+$0x80] =	vst v11;
	s23 =	sadd.s32 $0xFFFFFFE0, s22;
	v4 =	vld.idx.msk [tilespmem:v4+s29+$0x0], $0xffff;
	s7 =	sadd.s32 $0x30, s0;
	s0 =	sadd.s32 $0x10, s0  }
0x303: {  	v11 =	vadd.s32 $0x80, v8;
	s31 =	sand.u32 $0x70, s22;
	s1 =	sadd.s32 $0x12000, s17;
	[tilespmem:s9+$0x80] =	vst v17;
	s18 =	sor.u32 $0x100, s0  }
0x304: {  	v2 =	vadd.s32 $0x180, v2;
	s16 =	sor.u32 s31, s1;
	s9 =	sand.u32 $0x50, s23;
	[tilespmem:s18+$0x12000] =	vst v6  }
0x305: {  	v14 =	vld.idx.msk [tilespmem:v14+s29+$0x0], $0xffff;
	v18 =	vadd.s32 $0x100, v1;
	v13 =	vor.u32 v15, v13;
	s9 =	sor.u32 s9, s1;
	[tilespmem:s16+$0x0] =	vst v12  }
0x306: {  	v13 =	vadd.s32 v20, v13;
	s24 =	sor.u32 $0x100, s7;
	v6 =	vadd.s32 $0x80, v9;
	[tilespmem:s9+$0x0] =	vst v10;
	v15 =	vld.idx.msk [tilespmem:v16+s29+$0x0], $0xffff  }
0x307: {  	s17 =	sadd.s32 $0xFFFFFFF0, s22;
	[tilespmem:s24+$0x12000] =	vst v4;
	v4 =	vadd.s32 $0x80, v13;
	v5 =	vld.idx.msk [tilespmem:v5+s29+$0x0], $0xffff  }
0x308: {  	s5 =	sadd.s32 $0xFFFFFFD0, s22;
	v3 =	vadd.s32 $0x180, v3;
	s8 =	sand.u32 $0x60, s17;
	v11 =	vld.idx.msk [tilespmem:v11+s29+$0x0], $0xffff  }
0x309: {  	s3 =	sand.u32 $0x3, s3;
	s5 =	sand.u32 $0x40, s5;
	v21 =	vadd.s32 $0x100, v0;
	[tilespmem:s14+$0x12000] =	vst v19;
	s8 =	sor.u32 s8, s1;
	v2 =	vld.idx.msk [tilespmem:v2+s29+$0x0], $0xffff  }
0x30a: {  	s3 =	sshll.u32 s3, $0x5;
	s1 =	sor.u32 s5, s1;
	v10 =	vadd.s32 $0x100, v7;
	[tilespmem:s8+$0x0] =	vst v14;
	v16 =	vld.idx.msk [tilespmem:v18+s29+$0x0], $0xffff  }
0x30b: {  	s14 =	simm.s32 $0x1;
	s3 =	sadd.s32 s13, s3;
	v12 =	vadd.s32 $0x100, v8;
	v6 =	vld.idx.msk [tilespmem:v6+s29+$0x0], $0xffff;
	[tilespmem:s1+$0x0] =	vst v15  }
0x30c: {  	s14 =	simm.s32 @!p0 $0x0;
	s3 =	sadd.s32 $0x20, s3;
	v14 =	vadd.s32 $0x100, v9;
	[tilespmem:s16+$0x80] =	vst v5;
	v4 =	vld.idx.msk [tilespmem:v4+s29+$0x0], $0xffff  }
0x30d: {  	s0 =	sor.u32 $0x180, s0;
	s18 =	sshll.u32 s14, $0x6;
	s24 =	sadd.s32 $0x4, s21;
	v3 =	vld.idx.msk [tilespmem:v3+s29+$0x0], $0xffff;
	[tilespmem:s9+$0x80] =	vst v11;
	v15 =	vadd.s32 $0x100, v13  }
0x30e: {  	v1 =	vadd.s32 $0x180, v1;
	s22 =	sor.u32 $0x100, s3;
	s5 =	sadd.s32 s18, s13;
	v17 =	vld.idx.msk [tilespmem:v21+s29+$0x0], $0xffff;
	s13 =	sand.u32 $0x7, s24;
	[tilespmem:s0+$0x12000] =	vst v2  }
0x30f: {  	v0 =	vadd.s32 $0x180, v0;
	s31 =	sadd.s32 $0x2, s20;
	s13 =	sshll.u32 s13, $0x4;
	[tilespmem:s22+$0x12000] =	vst v16;
	v5 =	vld.idx.msk [tilespmem:v10+s29+$0x0], $0xffff  }
0x310: {  	p0 =	por !p0, !p0;
	s17 =	sand.u32 $0x3, s31;
	v7 =	vadd.s32 $0x180, v7;
	s9 =	sadd.s32 s19, s13;
	v10 =	vld.idx.msk [tilespmem:v12+s29+$0x0], $0xffff;
	[tilespmem:s8+$0x80] =	vst v6  }
0x311: {  	s7 =	sor.u32 $0x180, s7;
	s23 =	sor.u32 $0x100, s5;
	s16 =	sadd.s32 $0x30, s9;
	v6 =	vld.idx.msk [tilespmem:v14+s29+$0x0], $0xffff;
	[tilespmem:s1+$0x80] =	vst v4;
	v4 =	vadd.s32 $0x180, v8  }
0x312: {  	[tilespmem:s7+$0x12000] =	vst v3;
	s18 =	sadd.s32 $0x10, s9;
	s9 =	simm.s32 $0x1;
	s8 =	sshll.u32 s17, $0x5;
	v8 =	vadd.s32 $0x180, v9;
	v3 =	vld.idx.msk [tilespmem:v15+s29+$0x0], $0xffff  }
0x313: {  	v2 =	vadd.s32 $0x180, v13;
	[tilespmem:s23+$0x12000] =	vst v17;
	v1 =	vld.idx.msk [tilespmem:v1+s29+$0x0], $0xffff;
	s9 =	simm.s32 @!p0 $0x0;
	s20 =	sor.u32 $0x100, s16;
	s8 =	sadd.s32 s19, s8  }
0x314: {  	v0 =	vld.idx.msk [tilespmem:v0+s29+$0x0], $0xffff;
	s21 =	sor.u32 $0x100, s18;
	s22 =	sshll.u32 s9, $0x6;
	[tilespmem:s20+$0x12000] =	vst v5;
	s8 =	sadd.s32 $0x20, s8  }
0x315: {  	s0 =	sadd.s32 s22, s19;
	[tilespmem:s21+$0x12000] =	vst v10;
	v5 =	vld.idx.msk [tilespmem:v7+s29+$0x0], $0xffff;
	s23 =	sor.u32 $0x100, s8  }
0x316: {  	s24 =	sor.u32 $0x100, s0;
	[tilespmem:s23+$0x12000] =	vst v6;
	v4 =	vld.idx.msk [tilespmem:v4+s29+$0x0], $0xffff  }
0x317: {  	s3 =	sor.u32 $0x180, s3;
	[tilespmem:s24+$0x12000] =	vst v3;
	v3 =	vld.idx.msk [tilespmem:v8+s29+$0x0], $0xffff  }
0x318: {  	s5 =	sor.u32 $0x180, s5;
	[tilespmem:s3+$0x12000] =	vst v1;
	v1 =	vld.idx.msk [tilespmem:v2+s29+$0x0], $0xffff  }
0x319: {  	[tilespmem:s5+$0x12000] =	vst v0;
	s1 =	sor.u32 $0x180, s16  }
0x31a: {  	s31 =	sor.u32 $0x180, s18;
	[tilespmem:s1+$0x12000] =	vst v5  }
0x31b: {  	s3 =	sor.u32 $0x180, s8;
	[tilespmem:s31+$0x12000] =	vst v4  }
0x31c: {  	s0 =	sor.u32 $0x180, s0;
	[tilespmem:s3+$0x12000] =	vst v3  }
0x31d: {  	s5 =	simm.s32 $0x12000;
	[tilespmem:s0+$0x12000] =	vst v1  }
0x31e: {  	[hbm4b:s15+s26] =	stream.strided.scatter [tilespmem:s5], [sflag:$0x3], $0x4000, s2, s26, $0x38;
	[tilespmem:$0x1A000] =	vst v63  }
0x31f: {  	_ =	swait.ge [sflag:s4], $0x4000  }
0x320: {  	[sflag:s4] =	ssyncset.done $0x0  }
0x321: {  	s7 =	simm.s32 $0x0;
	[sflag:s4] =	ssyncadd.s32 $0xFFFFC000  }
0x322: {  	v0 =	vld [tilespmem:s7+$0x1030]  }
0x323: {  	v1 =	vld [tilespmem:s7+$0x1010];
	_ =	sdelay $0x2  }
0x324: {  	v2 =	vld [tilespmem:s7+$0x1020]  }
0x325: {  	v3 =	vshra.s32 v0, $0x7;
	v4 =	vand.u32 $0xFF80, v0  }
0x326: {  	v0 =	vand.u32 $0x7F, v0;
	v6 =	vshra.s32 v1, $0x7;
	v3 =	vand.u32 $0xFFFFFE00, v3  }
0x327: {  	v7 =	vand.u32 $0xFF80, v1;
	v6 =	vand.u32 $0xFFFFFE00, v6;
	v5 =	vadd.s32 v4, v3  }
0x328: {  	v1 =	vand.u32 $0x7F, v1;
	v9 =	vadd.s32 v7, v6;
	v5 =	vor.u32 v0, v5  }
0x329: {  	v8 =	vshra.s32 v2, $0x7;
	v9 =	vor.u32 v1, v9  }
0x32a: {  	s8 =	simm.s32 $0x0;
	v10 =	vand.u32 $0xFF80, v2;
	v8 =	vand.u32 $0xFFFFFE00, v8  }
0x32b: {  	s9 =	sand.u32 $0xFC0, s8;
	v2 =	vand.u32 $0x7F, v2;
	v11 =	vadd.s32 v10, v8  }
0x32c: {  	v0 =	vor.u32 v0, v4;
	v4 =	vor.u32 v2, v11;
	v11 =	vld [tilespmem:s9+$0x1000]  }
0x32d: {  	v5 =	vld.idx.msk [tilespmem:v5+s29+$0x0], $0xffff  }
0x32e: {  	v1 =	vor.u32 v1, v7;
	v0 =	vadd.s32 v3, v0;
	v7 =	vld.idx.msk [tilespmem:v9+s29+$0x0], $0xffff  }
0x32f: {  	s13 =	sand.u32 $0x40, s8;
	s0 =	sand.u32 $0x3E00, s8;
	s15 =	simm.s32 $0x40;
	v3 =	vadd.s32 $0x80, v0  }
0x330: {  	s14 =	sor.u32 s13, s0;
	v13 =	vld [tilespmem:s15+$0x1020];
	v2 =	vor.u32 v2, v10;
	v1 =	vadd.s32 v6, v1  }
0x331: {  	s3 =	sadd.s32 $0x16000, s14;
	v2 =	vadd.s32 v8, v2;
	v9 =	vadd.s32 $0x80, v1;
	v8 =	vshra.s32 v11, $0x7  }
0x332: {  	v6 =	vld [tilespmem:s15+$0x1030];
	v14 =	vand.u32 $0xFF80, v11;
	v8 =	vand.u32 $0xFFFFFE00, v8;
	[tilespmem:s3+$0x30] =	vst v5  }
0x333: {  	v4 =	vld.idx.msk [tilespmem:v4+s29+$0x0], $0xffff;
	[tilespmem:s3+$0x10] =	vst v7;
	v7 =	vand.u32 $0x7F, v11;
	v11 =	vadd.s32 v14, v8  }
0x334: {  	v3 =	vld.idx.msk [tilespmem:v3+s29+$0x0], $0xffff;
	v11 =	vor.u32 v7, v11  }
0x335: {  	v19 =	vshra.s32 v13, $0x7;
	v10 =	vadd.s32 $0x100, v0;
	v5 =	vld [tilespmem:s15+$0x1010]  }
0x336: {  	s19 =	simm.s32 $0x40;
	v21 =	vand.u32 $0xFF80, v13;
	v13 =	vand.u32 $0x7F, v13;
	v12 =	vadd.s32 $0x80, v2;
	v9 =	vld.idx.msk [tilespmem:v9+s29+$0x0], $0xffff  }
0x337: {  	s21 =	sand.u32 $0xFC0, s19;
	v19 =	vand.u32 $0xFFFFFE00, v19;
	v17 =	vadd.s32 $0x100, v1;
	v15 =	vshra.s32 v6, $0x7  }
0x338: {  	v16 =	vand.u32 $0xFF80, v6;
	v15 =	vand.u32 $0xFFFFFE00, v15;
	v7 =	vor.u32 v7, v14;
	v14 =	vld [tilespmem:s21+$0x1000]  }
0x339: {  	p0 =	por $0x0, $0x0;
	s0 =	simm.s32 $0x1;
	v18 =	vadd.s32 $0x100, v2;
	[tilespmem:s3+$0xB0] =	vst v3;
	v3 =	vand.u32 $0x7F, v6;
	v6 =	vadd.s32 v16, v15;
	v11 =	vld.idx.msk [tilespmem:v11+s29+$0x0], $0xffff  }
0x33a: {  	s0 =	simm.s32 @!p0 $0x0;
	v0 =	vadd.s32 $0x180, v0;
	[tilespmem:s3+$0x20] =	vst v4;
	v20 =	vand.u32 $0xFF80, v5;
	v4 =	vld.idx.msk [tilespmem:v10+s29+$0x0], $0xffff;
	v6 =	vor.u32 v3, v6  }
0x33b: {  	s0 =	sshll.u32 s0, $0x6;
	[tilespmem:s3+$0x90] =	vst v9;
	v9 =	vadd.s32 v21, v19;
	v10 =	vld.idx.msk [tilespmem:v12+s29+$0x0], $0xffff;
	v12 =	vshra.s32 v5, $0x7;
	v5 =	vand.u32 $0x7F, v5  }
0x33c: {  	s22 =	simm.s32 $0x80;
	s16 =	sadd.s32 $0x0, s0;
	v17 =	vld.idx.msk [tilespmem:v17+s29+$0x0], $0xffff;
	v9 =	vor.u32 v13, v9;
	v3 =	vor.u32 v3, v16;
	v12 =	vand.u32 $0xFFFFFE00, v12  }
0x33d: {  	s17 =	sadd.s32 $0x30, s16;
	v16 =	vld [tilespmem:s22+$0x1030];
	v3 =	vadd.s32 v15, v3;
	v15 =	vadd.s32 $0x180, v1;
	v22 =	vadd.s32 v20, v12  }
0x33e: {  	s18 =	sor.u32 $0x100, s17;
	v1 =	vadd.s32 v8, v7;
	v22 =	vor.u32 v5, v22;
	v5 =	vor.u32 v5, v20;
	[tilespmem:s14+$0x16000] =	vst v11;
	v11 =	vld [tilespmem:s22+$0x1020]  }
0x33f: {  	v5 =	vadd.s32 v12, v5;
	v12 =	vadd.s32 $0x80, v1;
	v6 =	vld.idx.msk [tilespmem:v6+s29+$0x0], $0xffff;
	[tilespmem:s18+$0x16000] =	vst v4  }
0x340: {  	s20 =	simm.s32 $0x100;
	v4 =	vld.idx.msk [tilespmem:v0+s29+$0x0], $0xffff;
	v0 =	vadd.s32 $0x80, v3  }
0x341: {  	s1 =	sand.u32 $0x3E00, s20;
	s0 =	sand.u32 $0x40, s19;
	[tilespmem:s3+$0xA0] =	vst v10;
	v9 =	vld.idx.msk [tilespmem:v9+s29+$0x0], $0xffff  }
0x342: {  	s5 =	sor.u32 s0, s1;
	v10 =	vld.idx.msk [tilespmem:v18+s29+$0x0], $0xffff  }
0x343: {  	s23 =	sadd.s32 $0x10, s16;
	s13 =	sadd.s32 $0x16000, s5;
	v2 =	vadd.s32 $0x180, v2;
	v24 =	vand.u32 $0xFF80, v14;
	v8 =	vor.u32 v13, v21;
	v7 =	vld.idx.msk [tilespmem:v22+s29+$0x0], $0xffff  }
0x344: {  	s26 =	sor.u32 $0x100, s23;
	v21 =	vshra.s32 v14, $0x7;
	v8 =	vadd.s32 v19, v8;
	v13 =	vadd.s32 $0x80, v5;
	v12 =	vld.idx.msk [tilespmem:v12+s29+$0x0], $0xffff;
	[tilespmem:s13+$0x30] =	vst v6  }
0x345: {  	s24 =	sadd.s32 $0x20, s16;
	v19 =	vadd.s32 $0x100, v1;
	v21 =	vand.u32 $0xFFFFFE00, v21;
	[tilespmem:s26+$0x16000] =	vst v17;
	v6 =	vadd.s32 $0x80, v8;
	v20 =	vld.idx.msk [tilespmem:v0+s29+$0x0], $0xffff  }
0x346: {  	s31 =	sor.u32 $0x100, s24;
	v18 =	vadd.s32 $0x100, v5;
	[tilespmem:s13+$0x20] =	vst v9;
	v9 =	vshra.s32 v16, $0x7;
	v0 =	vadd.s32 $0x180, v5;
	v5 =	vld [tilespmem:s22+$0x1010]  }
0x347: {  	v63 =	vand.u32 $0xFF80, v16;
	v22 =	vadd.s32 $0x100, v3;
	v9 =	vand.u32 $0xFFFFFE00, v9;
	[tilespmem:s31+$0x16000] =	vst v10  }
0x348: {  	v25 =	vadd.s32 $0x180, v3;
	v17 =	vand.u32 $0x7F, v16;
	v16 =	vadd.s32 v63, v9;
	v3 =	vld.idx.msk [tilespmem:v2+s29+$0x0], $0xffff;
	[tilespmem:s13+$0x10] =	vst v7  }
0x349: {  	v7 =	vand.u32 $0x7F, v14;
	v14 =	vadd.s32 v24, v21;
	v16 =	vor.u32 v17, v16;
	v13 =	vld.idx.msk [tilespmem:v13+s29+$0x0], $0xffff  }
0x34a: {  	v24 =	vor.u32 v7, v24;
	v7 =	vor.u32 v7, v14;
	[tilespmem:s3+$0x80] =	vst v12;
	v6 =	vld.idx.msk [tilespmem:v6+s29+$0x0], $0xffff  }
0x34b: {  	s8 =	simm.s32 $0x1;
	p0 =	por !p0, !p0;
	s9 =	sor.u32 $0x180, s17;
	v10 =	vshra.s32 v11, $0x7;
	v28 =	vld.idx.msk [tilespmem:v19+s29+$0x0], $0xffff;
	[tilespmem:s13+$0xB0] =	vst v20;
	v14 =	vshra.s32 v5, $0x7  }
0x34c: {  	s8 =	simm.s32 @!p0 $0x0;
	[tilespmem:s9+$0x16000] =	vst v4;
	v4 =	vand.u32 $0xFFFFFE00, v10;
	v10 =	vand.u32 $0xFF80, v5;
	v20 =	vld.idx.msk [tilespmem:v22+s29+$0x0], $0xffff;
	v14 =	vand.u32 $0xFFFFFE00, v14  }
0x34d: {  	s12 =	sor.u32 $0x1040, s12;
	s30 =	smov.u32 s25;
	s8 =	sshll.u32 s8, $0x6;
	v23 =	vadd.s32 $0x100, v8;
	v5 =	vand.u32 $0x7F, v5;
	v22 =	vld.idx.msk [tilespmem:v15+s29+$0x0], $0xffff;
	v12 =	vadd.s32 v10, v14  }
0x34e: {  	s12 =	sadd.s32 s25, s12;
	s2 =	sor.u32 $0x100, s16;
	s8 =	sadd.s32 $0x100, s8;
	v2 =	vand.u32 $0xFF80, v11;
	v21 =	vadd.s32 v21, v24;
	v16 =	vld.idx.msk [tilespmem:v16+s29+$0x0], $0xffff;
	v27 =	vor.u32 v5, v12  }
0x34f: {  	s7 =	simm.s32 $0x80;
	s0 =	sor.u32 $0x180, s23;
	s19 =	sor.u32 $0x180, s24;
	v26 =	vld.idx.msk [tilespmem:v7+s29+$0x0], $0xffff;
	[tilespmem:s13+$0x90] =	vst v13;
	v5 =	vor.u32 v5, v10;
	v7 =	vand.u32 $0x7F, v11;
	v10 =	vadd.s32 v2, v4  }
0x350: {  	s24 =	sadd.s32 $0x30, s8;
	s23 =	simm.s32 $0x8;
	s25 =	sadd.s32 $0x20, s8;
	v12 =	vadd.s32 $0x80, v21;
	v29 =	vadd.s32 v14, v5;
	v5 =	vor.u32 v7, v2;
	v14 =	vld.idx.msk [tilespmem:v18+s29+$0x0], $0xffff  }
0x351: {  	s20 =	sor.u32 $0x100, s24;
	s15 =	sor.u32 $0x180, s16;
	s31 =	sand.u32 $0xFC0, s7;
	v15 =	vor.u32 v7, v10;
	[tilespmem:s13+$0xA0] =	vst v6;
	v30 =	vadd.s32 v4, v5;
	v4 =	vor.u32 v17, v63  }
0x352: {  	s16 =	sor.u32 $0x100, s25;
	s21 =	simm.s32 $0x200;
	s22 =	sadd.s32 $0x10, s8;
	v6 =	vadd.s32 $0x100, v21;
	v10 =	vadd.s32 $0x180, v21;
	v21 =	vld [tilespmem:s31+$0x1000];
	[tilespmem:s20+$0x16000] =	vst v20;
	v7 =	vadd.s32 v9, v4  }
0x353: {  	v1 =	vadd.s32 $0x180, v1;
	s26 =	sand.u32 $0x40, s7;
	s18 =	sand.u32 $0x3E00, s21;
	s17 =	sor.u32 $0x100, s22;
	v2 =	vadd.s32 $0x180, v8;
	[tilespmem:s2+$0x16000] =	vst v28;
	v17 =	vld.idx.msk [tilespmem:v25+s29+$0x0], $0xffff;
	v20 =	vadd.s32 $0x80, v7  }
0x354: {  	s9 =	sor.u32 $0x180, s22;
	s22 =	sor.u32 $0x180, s8;
	s3 =	sor.u32 $0x180, s25;
	v13 =	vadd.s32 $0x80, v29;
	v5 =	vadd.s32 $0x100, v29;
	v18 =	vld.idx.msk [tilespmem:v23+s29+$0x0], $0xffff;
	v8 =	vadd.s32 $0x180, v29;
	[tilespmem:s0+$0x16000] =	vst v22  }
0x355: {  	s20 =	sor.u32 $0x100, s8;
	v11 =	vadd.s32 $0x80, v30;
	v4 =	vadd.s32 $0x100, v30;
	v9 =	vadd.s32 $0x180, v30;
	s8 =	simm.s32 $0x300;
	v19 =	vld.idx.msk [tilespmem:v27+s29+$0x0], $0xffff;
	[tilespmem:s5+$0x16000] =	vst v26;
	s5 =	sor.u32 s26, s18  }
.LBB2_19:
0x356: {  	s0 =	sshra.s32 s8, $0x2;
	s14 =	sadd.s32 $0x16000, s5;
	v15 =	vld.idx.msk [tilespmem:v15+s29+$0x0], $0xffff;
	[tilespmem:s17+$0x16000] =	vst v14  }
0x357: {  	s23 =	sadd.s32 $0x4, s23;
	s1 =	sor.u32 $0x180, s24;
	v14 =	vld [tilespmem:s0+$0x1030];
	[tilespmem:s14+$0x30] =	vst v16  }
0x358: {  	p1 =	slt.u32 s23, $0xFC;
	v16 =	vld.idx.msk [tilespmem:v20+s29+$0x0], $0xffff;
	[tilespmem:s1+$0x16000] =	vst v17  }
0x359: {  	v17 =	vld [tilespmem:s0+$0x1010];
	[tilespmem:s16+$0x16000] =	vst v18  }
0x35a: {  	v18 =	vld [tilespmem:s0+$0x1020];
	v20 =	vand.u32 $0xFF80, v21;
	v22 =	vshra.s32 v21, $0x7;
	[tilespmem:s14+$0x10] =	vst v19;
	v19 =	vadd.s32 $0x100, v7  }
0x35b: {  	v21 =	vand.u32 $0x7F, v21;
	v22 =	vand.u32 $0xFFFFFE00, v22;
	v12 =	vld.idx.msk [tilespmem:v12+s29+$0x0], $0xffff;
	[tilespmem:s19+$0x16000] =	vst v3;
	s19 =	smov.u32 s3  }
0x35c: {  	v3 =	vadd.s32 v20, v22;
	v20 =	vor.u32 v21, v20;
	v13 =	vld.idx.msk [tilespmem:v13+s29+$0x0], $0xffff;
	[tilespmem:s14+$0x20] =	vst v15  }
0x35d: {  	v15 =	vshra.s32 v14, $0x7;
	v21 =	vor.u32 v21, v3;
	v22 =	vadd.s32 v22, v20;
	v11 =	vld.idx.msk [tilespmem:v11+s29+$0x0], $0xffff  }
0x35e: {  	p0 =	por !p0, !p0;
	s0 =	simm.s32 $0x1;
	v20 =	vand.u32 $0xFF80, v14;
	v23 =	vand.u32 $0xFFFFFE00, v15;
	v3 =	vshra.s32 v17, $0x7;
	[tilespmem:s14+$0xB0] =	vst v16;
	v24 =	vld.idx.msk [tilespmem:v1+s29+$0x0], $0xffff;
	v1 =	vmovc v10  }
0x35f: {  	s0 =	simm.s32 @!p0 $0x0;
	v25 =	vand.u32 $0x7F, v14;
	v14 =	vadd.s32 v20, v23;
	v10 =	vshra.s32 v18, $0x7;
	v19 =	vld.idx.msk [tilespmem:v19+s29+$0x0], $0xffff  }
0x360: {  	s0 =	sshll.u32 s0, $0x6;
	v15 =	vand.u32 $0xFFFFFE00, v3;
	v16 =	vor.u32 v25, v14;
	v10 =	vand.u32 $0xFFFFFE00, v10;
	v26 =	vld.idx.msk [tilespmem:v0+s29+$0x0], $0xffff;
	v0 =	vmovc v8  }
0x361: {  	v27 =	vadd.s32 $0x180, v7;
	s0 =	sadd.s32 s0, s21;
	v14 =	vand.u32 $0xFF80, v18;
	v8 =	vand.u32 $0xFF80, v17;
	[tilespmem:s13+$0x80] =	vst v12;
	v3 =	vld.idx.msk [tilespmem:v2+s29+$0x0], $0xffff;
	v2 =	vmovc v9;
	s13 =	smov.u32 s14  }
0x362: {  	s21 =	smov.u32 s8;
	v7 =	vand.u32 $0x7F, v17;
	s1 =	sadd.s32 $0x10, s0;
	v9 =	vadd.s32 v8, v15;
	v12 =	vadd.s32 v14, v10;
	v21 =	vld.idx.msk [tilespmem:v21+s29+$0x0], $0xffff;
	[tilespmem:s13+$0x90] =	vst v13  }
0x363: {  	s3 =	sadd.s32 $0x20, s0;
	s24 =	sadd.s32 $0x30, s0;
	s18 =	sor.u32 $0x100, s0;
	v9 =	vor.u32 v7, v9;
	v7 =	vor.u32 v7, v8;
	v8 =	vand.u32 $0x7F, v18;
	[tilespmem:s13+$0xA0] =	vst v11;
	v28 =	vld.idx.msk [tilespmem:v6+s29+$0x0], $0xffff  }
0x364: {  	s17 =	sor.u32 $0x100, s1;
	s16 =	sor.u32 $0x100, s3;
	s14 =	sor.u32 $0x100, s24;
	v29 =	vadd.s32 v15, v7;
	v15 =	vor.u32 v8, v12;
	v6 =	vor.u32 v8, v14;
	v14 =	vld.idx.msk [tilespmem:v5+s29+$0x0], $0xffff  }
.Ltmp8:
0x365: {  	s1 =	sor.u32 $0x180, s1;
	s3 =	sor.u32 $0x180, s3;
	v12 =	vadd.s32 $0x80, v22;
	v30 =	vadd.s32 v10, v6;
	v5 =	vor.u32 v25, v20;
	v16 =	vld.idx.msk [tilespmem:v16+s29+$0x0], $0xffff;
	[tilespmem:s14+$0x16000] =	vst v19;
	(pc) =	sbr.rel @p1 .LBB2_19-.Ltmp8, $4  }
0x366: {  	v13 =	vadd.s32 $0x80, v29;
	v11 =	vadd.s32 $0x80, v30;
	v7 =	vadd.s32 v23, v5;
	v17 =	vld.idx.msk [tilespmem:v27+s29+$0x0], $0xffff;
	[tilespmem:s15+$0x16000] =	vst v24;
	s15 =	smov.u32 s22;
	s22 =	sor.u32 $0x180, s0  }
0x367: {  	s7 =	sadd.s32 $0x40, s7;
	v6 =	vadd.s32 $0x100, v22;
	v5 =	vadd.s32 $0x100, v29;
	v20 =	vadd.s32 $0x80, v7;
	v18 =	vld.idx.msk [tilespmem:v4+s29+$0x0], $0xffff;
	[tilespmem:s9+$0x16000] =	vst v26;
	s9 =	smov.u32 s1  }
0x368: {  	v8 =	vadd.s32 $0x180, v29;
	v10 =	vadd.s32 $0x180, v22;
	s14 =	sand.u32 $0x3E00, s8;
	s0 =	sand.u32 $0x40, s7;
	s1 =	sand.u32 $0xFC0, s7;
	v4 =	vadd.s32 $0x100, v30;
	v19 =	vld.idx.msk [tilespmem:v9+s29+$0x0], $0xffff;
	[tilespmem:s5+$0x16000] =	vst v21  }
0x369: {  	s8 =	sadd.s32 $0x100, s8;
	s5 =	sor.u32 s0, s14;
	v9 =	vadd.s32 $0x180, v30;
	v21 =	vld [tilespmem:s1+$0x1000];
	[tilespmem:s20+$0x16000] =	vst v28;
	s20 =	smov.u32 s18  }
0x36a: {  	_ =	sdelay $0x3  }
0x36b: {  	v22 =	vshra.s32 v21, $0x7  }
0x36c: {  	v23 =	vand.u32 $0xFF80, v21;
	v22 =	vand.u32 $0xFFFFFE00, v22  }
0x36d: {  	v49 =	vand.u32 $0x7F, v21;
	v24 =	vadd.s32 v23, v22  }
0x36e: {  	v24 =	vor.u32 v49, v24;
	_ =	sdelay $0x2  }
0x36f: {  	v15 =	vld.idx.msk [tilespmem:v15+s29+$0x0], $0xffff;
	[tilespmem:s17+$0x16000] =	vst v14  }
0x370: {  	s0 =	sadd.s32 $0x16000, s5;
	[tilespmem:s19+$0x16000] =	vst v3;
	v50 =	vor.u32 v49, v23  }
0x371: {  	s1 =	sor.u32 $0x180, s24;
	[tilespmem:s0+$0x30] =	vst v16;
	v14 =	vadd.s32 v22, v50;
	v52 =	vld.idx.msk [tilespmem:v24+s29+$0x0], $0xffff  }
0x372: {  	v12 =	vld.idx.msk [tilespmem:v12+s29+$0x0], $0xffff;
	[tilespmem:s1+$0x16000] =	vst v17;
	v53 =	vadd.s32 $0x80, v14  }
0x373: {  	v1 =	vld.idx.msk [tilespmem:v1+s29+$0x0], $0xffff;
	[tilespmem:s16+$0x16000] =	vst v18  }
0x374: {  	v16 =	vld.idx.msk [tilespmem:v20+s29+$0x0], $0xffff;
	[tilespmem:s0+$0x20] =	vst v15  }
0x375: {  	v51 =	vadd.s32 $0x100, v7;
	[tilespmem:s0+$0x10] =	vst v19;
	v11 =	vld.idx.msk [tilespmem:v11+s29+$0x0], $0xffff  }
0x376: {  	v13 =	vld.idx.msk [tilespmem:v13+s29+$0x0], $0xffff;
	[tilespmem:s5+$0x16000] =	vst v52  }
0x377: {  	[tilespmem:s13+$0x80] =	vst v12;
	v55 =	vld.idx.msk [tilespmem:v53+s29+$0x0], $0xffff  }
0x378: {  	v0 =	vld.idx.msk [tilespmem:v0+s29+$0x0], $0xffff;
	[tilespmem:s15+$0x16000] =	vst v1;
	v56 =	vadd.s32 $0x100, v14  }
0x379: {  	p0 =	por !p0, !p0;
	s1 =	simm.s32 $0x1;
	v6 =	vld.idx.msk [tilespmem:v6+s29+$0x0], $0xffff;
	[tilespmem:s0+$0xB0] =	vst v16  }
0x37a: {  	s1 =	simm.s32 @!p0 $0x0;
	v54 =	vld.idx.msk [tilespmem:v51+s29+$0x0], $0xffff;
	[tilespmem:s0+$0xA0] =	vst v11  }
0x37b: {  	v57 =	vadd.s32 $0x180, v7;
	s1 =	sshll.u32 s1, $0x6;
	[tilespmem:s0+$0x90] =	vst v13;
	v4 =	vld.idx.msk [tilespmem:v4+s29+$0x0], $0xffff  }
0x37c: {  	s1 =	sadd.s32 s1, s21;
	v5 =	vld.idx.msk [tilespmem:v5+s29+$0x0], $0xffff;
	[tilespmem:s0+$0x80] =	vst v55  }
0x37d: {  	s17 =	sadd.s32 $0x30, s1;
	[tilespmem:s9+$0x16000] =	vst v0;
	v58 =	vld.idx.msk [tilespmem:v56+s29+$0x0], $0xffff  }
0x37e: {  	v2 =	vld.idx.msk [tilespmem:v2+s29+$0x0], $0xffff;
	s19 =	sadd.s32 $0x20, s1;
	s7 =	sor.u32 $0x100, s17;
	v60 =	vadd.s32 $0x180, v14;
	[tilespmem:s20+$0x16000] =	vst v6  }
0x37f: {  	s18 =	sadd.s32 $0x10, s1;
	s20 =	sor.u32 $0x100, s19;
	v61 =	vld.idx.msk [tilespmem:v10+s29+$0x0], $0xffff;
	[tilespmem:s7+$0x16000] =	vst v54  }
0x380: {  	s8 =	sor.u32 $0x100, s18;
	v59 =	vld.idx.msk [tilespmem:v57+s29+$0x0], $0xffff;
	[tilespmem:s20+$0x16000] =	vst v4  }
0x381: {  	s21 =	sor.u32 $0x100, s1;
	[tilespmem:s8+$0x16000] =	vst v5;
	v63 =	vld.idx.msk [tilespmem:v9+s29+$0x0], $0xffff  }
0x382: {  	v62 =	vld.idx.msk [tilespmem:v8+s29+$0x0], $0xffff;
	[tilespmem:s21+$0x16000] =	vst v58  }
0x383: {  	[tilespmem:s3+$0x16000] =	vst v2;
	v0 =	vld.idx.msk [tilespmem:v60+s29+$0x0], $0xffff  }
0x384: {  	s5 =	sor.u32 $0x180, s17;
	[tilespmem:s22+$0x16000] =	vst v61  }
0x385: {  	s22 =	sor.u32 $0x180, s19;
	[tilespmem:s5+$0x16000] =	vst v59  }
0x386: {  	s10 =	sadd.s32 $0x1, s10;
	s0 =	sor.u32 $0x180, s18;
	[tilespmem:s22+$0x16000] =	vst v63  }
0x387: {  	s24 =	simm.s32 $0x200;
	p0 =	sne.s32 s10, $0xE;
	s23 =	sor.u32 $0x180, s1;
	[tilespmem:s0+$0x16000] =	vst v62  }
.Ltmp9:
0x388: {  	s25 =	simm.s32 $0x400;
	s26 =	simm.s32 $0x16000;
	[tilespmem:s23+$0x16000] =	vst v0;
	(pc) =	sbr.rel @p0 .LBB2_12-.Ltmp9, $4  }
0x389: {  	[hbm4b:s12+s24] =	stream.strided.scatter [tilespmem:s26], [sflag:$0x4], $0x4000, s25, s24, $0x38;
	[tilespmem:$0x1A000] =	vst v63  }
0x38a: {  	s31 =	rddreg [dreg:$0xd]  }
0x38b: {  	s2 =	simm.s32 $0x400;
	s26 =	simm.s32 $0x200;
	s0 =	sadd.s32 s11, s31  }
0x38c: {  	[tilespmem:s29], [sflag:$0x2] =	stream.strided.gather [hbm4b:s0+s24], $0x8000, s25, s24, $0x38;
	[tilespmem:$0x1A000] =	vst v63  }
0x38d: {  	s0 =	simm.s32 $0x1  }
0x38e: {  	_ =	swait.ge [sflag:s0], $0x8000  }
0x38f: {  	[sflag:s0] =	ssyncset.done $0x0  }
0x390: {  	s7 =	simm.s32 $0x3;
	[sflag:s0] =	ssyncadd.s32 $0xFFFF8000  }
0x391: {  	_ =	swait.ge [sflag:s7], $0x4000  }
0x392: {  	[sflag:s7] =	ssyncset.done $0x0  }
0x393: {  	s8 =	simm.s32 $0x0;
	[sflag:s7] =	ssyncadd.s32 $0xFFFFC000  }
0x394: {  	v0 =	vld [tilespmem:s8+$0x10]  }
0x395: {  	v1 =	vld [tilespmem:s8+$0x30]  }
0x396: {  	v2 =	vld [tilespmem:s8+$0x20];
	_ =	sdelay $0x3  }
0x397: {  	v5 =	vld [tilespmem:s8+$0x0];
	v3 =	vand.u32 $0xFF80, v0;
	v4 =	vshra.s32 v0, $0x7  }
0x398: {  	v0 =	vand.u32 $0x7F, v0;
	v6 =	vshra.s32 v1, $0x7;
	v7 =	vshra.s32 v2, $0x7  }
0x399: {  	v8 =	vand.u32 $0xFF80, v1;
	v1 =	vand.u32 $0x7F, v1;
	v4 =	vand.u32 $0xFFFFFE00, v4  }
0x39a: {  	v11 =	vand.u32 $0xFF80, v2;
	v6 =	vand.u32 $0xFFFFFE00, v6;
	v10 =	vadd.s32 v3, v4  }
0x39b: {  	v2 =	vand.u32 $0x7F, v2;
	v9 =	vadd.s32 v8, v6;
	v10 =	vor.u32 v0, v10  }
0x39c: {  	v12 =	vshra.s32 v5, $0x7;
	v7 =	vand.u32 $0xFFFFFE00, v7;
	v9 =	vor.u32 v1, v9  }
0x39d: {  	v14 =	vand.u32 $0xFF80, v5;
	v12 =	vand.u32 $0xFFFFFE00, v12;
	v13 =	vadd.s32 v11, v7  }
0x39e: {  	s9 =	simm.s32 $0x40;
	v5 =	vand.u32 $0x7F, v5;
	v16 =	vadd.s32 v14, v12;
	v13 =	vor.u32 v2, v13  }
0x39f: {  	v15 =	vld [tilespmem:s9+$0x10];
	v0 =	vor.u32 v0, v3;
	v3 =	vor.u32 v5, v16  }
0x3a0: {  	v0 =	vadd.s32 v4, v0;
	v4 =	vld.idx.msk [tilespmem:v10+s28+$0x0], $0xffff  }
0x3a1: {  	s3 =	simm.s32 $0x0;
	v1 =	vor.u32 v1, v8;
	v9 =	vld.idx.msk [tilespmem:v9+s28+$0x0], $0xffff  }
0x3a2: {  	s5 =	simm.s32 $0x10;
	s1 =	sand.u32 $0x3E00, s3;
	v2 =	vor.u32 v2, v11;
	v1 =	vadd.s32 v6, v1;
	v6 =	vld [tilespmem:s9+$0x30];
	v8 =	vadd.s32 $0x80, v0  }
0x3a3: {  	s6 =	simm.s32 $0x30;
	s5 =	sand.u32 $0x50, s5;
	s1 =	sadd.s32 $0x12000, s1;
	v7 =	vadd.s32 v7, v2;
	v10 =	vadd.s32 $0x80, v1;
	v2 =	vld.idx.msk [tilespmem:v13+s28+$0x0], $0xffff  }
0x3a4: {  	s6 =	sand.u32 $0x70, s6;
	s5 =	sor.u32 s5, s1;
	v5 =	vor.u32 v5, v14;
	v13 =	vadd.s32 $0x80, v7;
	v3 =	vld.idx.msk [tilespmem:v3+s28+$0x0], $0xffff  }
0x3a5: {  	s6 =	sor.u32 s6, s1;
	s7 =	simm.s32 $0x20;
	v14 =	vld [tilespmem:s9+$0x20];
	v11 =	vadd.s32 v12, v5;
	v5 =	vshra.s32 v15, $0x7;
	[tilespmem:s5+$0x0] =	vst v4  }
0x3a6: {  	s8 =	simm.s32 $0x0;
	s7 =	sand.u32 $0x60, s7;
	v12 =	vand.u32 $0xFF80, v15;
	v5 =	vand.u32 $0xFFFFFE00, v5;
	[tilespmem:s6+$0x0] =	vst v9;
	v9 =	vld [tilespmem:s9+$0x0]  }
0x3a7: {  	s8 =	sand.u32 $0x40, s8;
	s7 =	sor.u32 s7, s1;
	v15 =	vand.u32 $0x7F, v15;
	v16 =	vadd.s32 v12, v5;
	v4 =	vadd.s32 $0x80, v11;
	v8 =	vld.idx.msk [tilespmem:v8+s28+$0x0], $0xffff  }
0x3a8: {  	s10 =	sor.u32 s8, s1;
	v16 =	vor.u32 v15, v16;
	v18 =	vshra.s32 v6, $0x7;
	[tilespmem:s7+$0x0] =	vst v2;
	v2 =	vld.idx.msk [tilespmem:v10+s28+$0x0], $0xffff  }
0x3a9: {  	[tilespmem:s10+$0x0] =	vst v3;
	v3 =	vand.u32 $0xFFFFFE00, v18;
	v18 =	vand.u32 $0xFF80, v6;
	s9 =	simm.s32 $0x80;
	v13 =	vld.idx.msk [tilespmem:v13+s28+$0x0], $0xffff  }
0x3aa: {  	v17 =	vadd.s32 $0x100, v0;
	v6 =	vand.u32 $0x7F, v6;
	v20 =	vadd.s32 v18, v3;
	v22 =	vld [tilespmem:s9+$0x30]  }
0x3ab: {  	v10 =	vadd.s32 $0x100, v1;
	v20 =	vor.u32 v6, v20;
	v6 =	vor.u32 v6, v18;
	v18 =	vld [tilespmem:s9+$0x10]  }
0x3ac: {  	v19 =	vshra.s32 v14, $0x7;
	v4 =	vld.idx.msk [tilespmem:v4+s28+$0x0], $0xffff  }
0x3ad: {  	s11 =	sand.u32 $0x7, s3;
	v23 =	vadd.s32 $0x100, v11;
	v19 =	vand.u32 $0xFFFFFE00, v19;
	[tilespmem:s5+$0x80] =	vst v8;
	v8 =	vld.idx.msk [tilespmem:v16+s28+$0x0], $0xffff;
	v16 =	vand.u32 $0xFF80, v14  }
0x3ae: {  	s1 =	sshll.u32 s11, $0x4;
	v26 =	vadd.s32 $0x180, v0;
	v25 =	vld [tilespmem:s9+$0x20];
	v14 =	vand.u32 $0x7F, v14;
	v21 =	vadd.s32 v16, v19  }
0x3af: {  	s1 =	sadd.s32 $0x0, s1;
	[tilespmem:s6+$0x80] =	vst v2;
	v2 =	vor.u32 v15, v12;
	v15 =	vshra.s32 v9, $0x7;
	s6 =	simm.s32 $0x100;
	v17 =	vld.idx.msk [tilespmem:v17+s28+$0x0], $0xffff;
	v12 =	vor.u32 v14, v21  }
0x3b0: {  	s17 =	simm.s32 $0x50;
	s14 =	sadd.s32 $0x10, s1;
	v24 =	vand.u32 $0xFF80, v9;
	v10 =	vld.idx.msk [tilespmem:v10+s28+$0x0], $0xffff;
	v15 =	vand.u32 $0xFFFFFE00, v15;
	s12 =	sand.u32 $0x3E00, s6;
	v21 =	vadd.s32 $0x100, v7  }
0x3b1: {  	s11 =	sadd.s32 $0x30, s1;
	s1 =	sand.u32 $0x50, s17;
	v0 =	vand.u32 $0x7F, v9;
	v9 =	vadd.s32 $0x180, v1;
	v1 =	vadd.s32 v24, v15;
	[tilespmem:s10+$0x80] =	vst v4;
	v4 =	vld.idx.msk [tilespmem:v20+s28+$0x0], $0xffff;
	s10 =	sadd.s32 $0x12000, s12  }
0x3b2: {  	v20 =	vor.u32 v0, v1;
	v1 =	vor.u32 v14, v16;
	v14 =	vshra.s32 v18, $0x7;
	v23 =	vld.idx.msk [tilespmem:v23+s28+$0x0], $0xffff;
	s1 =	sor.u32 s1, s10  }
0x3b3: {  	p0 =	por $0x0, $0x0;
	v3 =	vadd.s32 v3, v6;
	v2 =	vadd.s32 v5, v2;
	[tilespmem:s1+$0x0] =	vst v8;
	v8 =	vand.u32 $0xFFFFFE00, v14;
	v14 =	vld [tilespmem:s9+$0x0]  }
0x3b4: {  	s13 =	simm.s32 $0x70;
	s8 =	simm.s32 $0x1;
	s16 =	sor.u32 $0x100, s14;
	[tilespmem:s7+$0x80] =	vst v13;
	v62 =	vshra.s32 v25, $0x7;
	v13 =	vadd.s32 $0x80, v2;
	v0 =	vor.u32 v0, v24;
	v12 =	vld.idx.msk [tilespmem:v12+s28+$0x0], $0xffff  }
0x3b5: {  	s19 =	simm.s32 $0x60;
	s8 =	simm.s32 @!p0 $0x0;
	s18 =	sor.u32 $0x100, s11;
	v16 =	vadd.s32 $0x80, v3;
	v1 =	vadd.s32 v19, v1;
	v0 =	vadd.s32 v15, v0;
	[tilespmem:s16+$0x12000] =	vst v17;
	v15 =	vld.idx.msk [tilespmem:v21+s28+$0x0], $0xffff  }
0x3b6: {  	s3 =	sand.u32 $0x3, s3;
	s0 =	sand.u32 $0x70, s13;
	s21 =	sshll.u32 s8, $0x6;
	v5 =	vadd.s32 $0x100, v3;
	[tilespmem:s18+$0x12000] =	vst v10;
	v10 =	vadd.s32 $0x180, v11;
	v11 =	vadd.s32 $0x80, v1;
	v21 =	vld.idx.msk [tilespmem:v26+s28+$0x0], $0xffff  }
0x3b7: {  	s3 =	sshll.u32 s3, $0x5;
	v6 =	vadd.s32 $0x100, v2;
	v19 =	vand.u32 $0x7F, v18;
	s7 =	sor.u32 s0, s10;
	v17 =	vadd.s32 $0x180, v7;
	s16 =	sadd.s32 $0x0, s21;
	v9 =	vld.idx.msk [tilespmem:v9+s28+$0x0], $0xffff  }
0x3b8: {  	s20 =	sadd.s32 $0x0, s3;
	s12 =	sand.u32 $0x60, s19;
	v7 =	vand.u32 $0xFF80, v18;
	v18 =	vshra.s32 v22, $0x7;
	v27 =	vadd.s32 $0x80, v0;
	s23 =	sor.u32 $0x100, s16;
	v20 =	vld.idx.msk [tilespmem:v20+s28+$0x0], $0xffff;
	[tilespmem:s7+$0x0] =	vst v4  }
0x3b9: {  	s8 =	sadd.s32 $0x20, s20;
	s15 =	sor.u32 s12, s10;
	v18 =	vand.u32 $0xFFFFFE00, v18;
	v63 =	vld.idx.msk [tilespmem:v13+s28+$0x0], $0xffff;
	v4 =	vor.u32 v19, v7;
	v7 =	vadd.s32 v7, v8;
	[tilespmem:s23+$0x12000] =	vst v23  }
0x3ba: {  	s22 =	simm.s32 $0x40;
	s0 =	sor.u32 $0x100, s8;
	v13 =	vand.u32 $0x7F, v22;
	v16 =	vld.idx.msk [tilespmem:v16+s28+$0x0], $0xffff;
	[tilespmem:s15+$0x0] =	vst v12;
	v12 =	vand.u32 $0xFF80, v22;
	v22 =	vor.u32 v19, v7  }
0x3bb: {  	s24 =	sand.u32 $0x40, s22;
	s25 =	sor.u32 $0x180, s11;
	v23 =	vand.u32 $0xFFFFFE00, v62;
	[tilespmem:s0+$0x12000] =	vst v15;
	v7 =	vadd.s32 v12, v18;
	v19 =	vor.u32 v13, v12;
	v12 =	vld.idx.msk [tilespmem:v11+s28+$0x0], $0xffff  }
0x3bc: {  	s9 =	sor.u32 s24, s10;
	v15 =	vand.u32 $0xFF80, v25;
	[tilespmem:s25+$0x12000] =	vst v9;
	v11 =	vor.u32 v13, v7;
	v7 =	vadd.s32 v18, v19;
	v18 =	vld.idx.msk [tilespmem:v17+s28+$0x0], $0xffff  }
0x3bd: {  	s13 =	simm.s32 $0xB0;
	s3 =	simm.s32 $0x2;
	p0 =	por !p0, !p0;
	v8 =	vadd.s32 v8, v4;
	v9 =	vand.u32 $0x7F, v25;
	v13 =	vadd.s32 v15, v23;
	[tilespmem:s9+$0x0] =	vst v20;
	v19 =	vld.idx.msk [tilespmem:v10+s28+$0x0], $0xffff  }
0x3be: {  	s11 =	simm.s32 $0x2;
	s31 =	sor.u32 $0x180, s14;
	s5 =	simm.s32 $0x300;
	[tilespmem:s1+$0x80] =	vst v63;
	v20 =	vshra.s32 v14, $0x7;
	v13 =	vor.u32 v9, v13;
	v9 =	vor.u32 v9, v15;
	v17 =	vld.idx.msk [tilespmem:v27+s28+$0x0], $0xffff  }
0x3bf: {  	s19 =	simm.s32 $0x8;
	s12 =	simm.s32 $0x4;
	s10 =	simm.s32 $0x200;
	[tilespmem:s31+$0x12000] =	vst v21;
	v4 =	vadd.s32 $0x80, v7;
	v15 =	vand.u32 $0x7F, v14;
	v9 =	vadd.s32 v23, v9;
	v10 =	vld.idx.msk [tilespmem:v22+s28+$0x0], $0xffff  }
.LBB2_22:
0x3c0: {  	s17 =	sshra.s32 s5, $0x2;
	s0 =	sadd.s32 $0xFFFFFFD0, s13;
	s1 =	sand.u32 $0x3E00, s10;
	v21 =	vld.idx.msk [tilespmem:v6+s28+$0x0], $0xffff;
	[tilespmem:s7+$0x80] =	vst v16  }
0x3c1: {  	v6 =	vadd.s32 $0x100, v0;
	v16 =	vld [tilespmem:s17+$0x30];
	s0 =	sand.u32 $0x40, s0;
	s14 =	sadd.s32 $0x12000, s1;
	s1 =	sor.u32 $0x180, s8  }
0x3c2: {  	s7 =	sand.u32 $0x7, s12;
	s8 =	sor.u32 $0x180, s16;
	s0 =	sor.u32 s0, s14;
	v22 =	vld.idx.msk [tilespmem:v5+s28+$0x0], $0xffff;
	[tilespmem:s1+$0x12000] =	vst v18  }
0x3c3: {  	s19 =	sadd.s32 $0x4, s19;
	v23 =	vadd.s32 $0x180, v3;
	v3 =	vmovc v7;
	v5 =	vand.u32 $0xFF80, v14;
	s1 =	sshll.u32 s7, $0x4;
	v14 =	vadd.s32 $0x100, v1;
	v18 =	vld [tilespmem:s17+$0x10];
	[tilespmem:s8+$0x12000] =	vst v19  }
0x3c4: {  	v7 =	vand.u32 $0xFFFFFE00, v20;
	p1 =	slt.u32 s19, $0xFC;
	v20 =	vor.u32 v15, v5;
	s1 =	sadd.s32 s6, s1;
	v19 =	vld [tilespmem:s17+$0x20];
	[tilespmem:s9+$0x80] =	vst v17;
	v17 =	vadd.s32 $0x180, v2;
	v2 =	vmovc v8;
	s9 =	smov.u32 s0  }
0x3c5: {  	v8 =	vadd.s32 v5, v7;
	v7 =	vadd.s32 v7, v20;
	v5 =	vadd.s32 $0x100, v3;
	s20 =	sadd.s32 $0x30, s1;
	s18 =	sadd.s32 $0x10, s1;
	v11 =	vld.idx.msk [tilespmem:v11+s28+$0x0], $0xffff  }
0x3c6: {  	v20 =	vadd.s32 $0x180, v1;
	v1 =	vmov v9;
	v8 =	vor.u32 v15, v8;
	s0 =	sor.u32 $0x100, s18;
	v15 =	vld.idx.msk [tilespmem:v6+s28+$0x0], $0xffff;
	[tilespmem:s15+$0x80] =	vst v12  }
0x3c7: {  	v24 =	vadd.s32 $0x180, v0;
	s12 =	sadd.s32 $0x4, s12;
	s11 =	sadd.s32 $0x2, s11;
	s1 =	simm.s32 $0x1;
	v9 =	vadd.s32 $0x80, v2;
	v0 =	vmovc v7;
	v6 =	vadd.s32 $0x100, v2;
	v12 =	vld.idx.msk [tilespmem:v13+s28+$0x0], $0xffff;
	[tilespmem:s0+$0x12000] =	vst v21  }
0x3c8: {  	s1 =	simm.s32 @!p0 $0x0;
	s7 =	sor.u32 $0x100, s20;
	s0 =	sadd.s32 $0xFFFFFFE0, s13;
	v7 =	vand.u32 $0xFF80, v18;
	v13 =	vand.u32 $0x7F, v18;
	v18 =	vshra.s32 v18, $0x7;
	v21 =	vld.idx.msk [tilespmem:v14+s28+$0x0], $0xffff  }
0x3c9: {  	s3 =	sand.u32 $0x3, s3;
	s8 =	sand.u32 $0x70, s13;
	v14 =	vshra.s32 v16, $0x7;
	s0 =	sand.u32 $0x50, s0;
	v18 =	vand.u32 $0xFFFFFE00, v18;
	v25 =	vshra.s32 v19, $0x7;
	v26 =	vld.idx.msk [tilespmem:v17+s28+$0x0], $0xffff;
	[tilespmem:s7+$0x12000] =	vst v22  }
0x3ca: {  	s3 =	sshll.u32 s3, $0x5;
	v27 =	vadd.s32 $0x80, v1;
	v17 =	vand.u32 $0xFF80, v19;
	v22 =	vand.u32 $0xFFFFFE00, v14;
	s0 =	sor.u32 s0, s14;
	s7 =	sadd.s32 $0xFFFFFFF0, s13;
	v23 =	vld.idx.msk [tilespmem:v23+s28+$0x0], $0xffff  }
0x3cb: {  	s3 =	sadd.s32 s6, s3;
	v28 =	vor.u32 v13, v7;
	v14 =	vand.u32 $0xFF80, v16;
	v16 =	vand.u32 $0x7F, v16;
	s15 =	sand.u32 $0x60, s7;
	s7 =	sor.u32 s8, s14;
	v29 =	vld.idx.msk [tilespmem:v8+s28+$0x0], $0xffff;
	[tilespmem:s0+$0x0] =	vst v10  }
0x3cc: {  	v30 =	vadd.s32 $0x80, v0;
	s1 =	sshll.u32 s1, $0x6;
	s8 =	sadd.s32 $0x20, s3;
	v8 =	vadd.s32 v14, v22;
	v10 =	vor.u32 v16, v14;
	s15 =	sor.u32 s15, s14;
	v31 =	vld.idx.msk [tilespmem:v9+s28+$0x0], $0xffff;
	[tilespmem:s7+$0x0] =	vst v11  }
0x3cd: {  	s16 =	sadd.s32 s1, s6;
	s3 =	smov.u32 s11;
	s1 =	sor.u32 $0x100, s8;
	v9 =	vadd.s32 v7, v18;
	v11 =	vor.u32 v16, v8;
	v7 =	vadd.s32 v22, v10;
	v14 =	vld [tilespmem:s17+$0x0];
	[tilespmem:s15+$0x0] =	vst v12  }
0x3ce: {  	s6 =	smov.u32 s10;
	s10 =	smov.u32 s5;
	s14 =	sor.u32 $0x100, s16;
	v10 =	vor.u32 v13, v9;
	v9 =	vand.u32 $0xFFFFFE00, v25;
	v16 =	vld.idx.msk [tilespmem:v4+s28+$0x0], $0xffff;
	v4 =	vadd.s32 $0x80, v7;
	[tilespmem:s1+$0x12000] =	vst v21  }
.Ltmp10:
0x3cf: {  	v8 =	vadd.s32 v18, v28;
	v18 =	vand.u32 $0x7F, v19;
	v13 =	vadd.s32 v17, v9;
	s1 =	sor.u32 $0x180, s20;
	v12 =	vld.idx.msk [tilespmem:v27+s28+$0x0], $0xffff;
	[tilespmem:s14+$0x12000] =	vst v15;
	(pc) =	sbr.rel @p1 .LBB2_22-.Ltmp10, $4  }
0x3d0: {  	v13 =	vor.u32 v18, v13;
	v15 =	vor.u32 v18, v17;
	v18 =	vld.idx.msk [tilespmem:v20+s28+$0x0], $0xffff;
	[tilespmem:s1+$0x12000] =	vst v23  }
0x3d1: {  	v9 =	vadd.s32 v9, v15;
	[tilespmem:s9+$0x0] =	vst v29;
	v19 =	vld.idx.msk [tilespmem:v24+s28+$0x0], $0xffff  }
0x3d2: {  	v15 =	vand.u32 $0x7F, v14;
	v20 =	vshra.s32 v14, $0x7;
	v17 =	vld.idx.msk [tilespmem:v30+s28+$0x0], $0xffff;
	[tilespmem:s0+$0x80] =	vst v31;
	s0 =	sor.u32 $0x180, s18  }
0x3d3: {  	p0 =	por !p0, !p0;
	s5 =	sadd.s32 $0x100, s5;
	s13 =	sadd.s32 $0x40, s13;
	v10 =	vld.idx.msk [tilespmem:v10+s28+$0x0], $0xffff;
	[tilespmem:s0+$0x12000] =	vst v26  }
0x3d4: {  	_ =	sdelay $0x3  }
0x3d5: {  	v14 =	vand.u32 $0xFF80, v14;
	v20 =	vand.u32 $0xFFFFFE00, v20;
	v6 =	vld.idx.msk [tilespmem:v6+s28+$0x0], $0xffff;
	s1 =	sand.u32 $0x7, s12  }
0x3d6: {  	[tilespmem:s7+$0x80] =	vst v16;
	s0 =	sor.u32 $0x180, s8;
	v11 =	vld.idx.msk [tilespmem:v11+s28+$0x0], $0xffff;
	v21 =	vadd.s32 v14, v20;
	s24 =	sshll.u32 s1, $0x4  }
0x3d7: {  	s23 =	sor.u32 $0x180, s16;
	s25 =	sand.u32 $0x3E00, s10;
	[tilespmem:s0+$0x12000] =	vst v18;
	v16 =	vor.u32 v15, v21;
	s0 =	sadd.s32 s6, s24  }
0x3d8: {  	[tilespmem:s15+$0x80] =	vst v12;
	s17 =	sadd.s32 $0xFFFFFFE0, s13;
	v5 =	vld.idx.msk [tilespmem:v5+s28+$0x0], $0xffff;
	s31 =	sadd.s32 $0x30, s0;
	s0 =	sadd.s32 $0x10, s0  }
0x3d9: {  	v12 =	vadd.s32 $0x80, v8;
	s19 =	sand.u32 $0x70, s13;
	s1 =	sadd.s32 $0x12000, s25;
	[tilespmem:s9+$0x80] =	vst v17;
	s16 =	sor.u32 $0x100, s0  }
0x3da: {  	v2 =	vadd.s32 $0x180, v2;
	s21 =	sor.u32 s19, s1;
	s9 =	sand.u32 $0x50, s17;
	[tilespmem:s16+$0x12000] =	vst v6  }
0x3db: {  	v13 =	vld.idx.msk [tilespmem:v13+s28+$0x0], $0xffff;
	v18 =	vadd.s32 $0x100, v1;
	v14 =	vor.u32 v15, v14;
	s9 =	sor.u32 s9, s1;
	[tilespmem:s21+$0x0] =	vst v11  }
0x3dc: {  	v14 =	vadd.s32 v20, v14;
	s18 =	sor.u32 $0x100, s31;
	v6 =	vadd.s32 $0x80, v9;
	[tilespmem:s9+$0x0] =	vst v10;
	v15 =	vld.idx.msk [tilespmem:v16+s28+$0x0], $0xffff  }
0x3dd: {  	s20 =	sadd.s32 $0xFFFFFFF0, s13;
	[tilespmem:s18+$0x12000] =	vst v5;
	v5 =	vadd.s32 $0x80, v14;
	v4 =	vld.idx.msk [tilespmem:v4+s28+$0x0], $0xffff  }
0x3de: {  	s5 =	sadd.s32 $0xFFFFFFD0, s13;
	v3 =	vadd.s32 $0x180, v3;
	s8 =	sand.u32 $0x60, s20;
	v11 =	vld.idx.msk [tilespmem:v12+s28+$0x0], $0xffff  }
0x3df: {  	s5 =	sand.u32 $0x40, s5;
	v21 =	vadd.s32 $0x100, v0;
	[tilespmem:s23+$0x12000] =	vst v19;
	s8 =	sor.u32 s8, s1;
	v2 =	vld.idx.msk [tilespmem:v2+s28+$0x0], $0xffff  }
0x3e0: {  	s3 =	sand.u32 $0x3, s3;
	s1 =	sor.u32 s5, s1;
	v10 =	vadd.s32 $0x100, v7;
	[tilespmem:s8+$0x0] =	vst v13;
	v16 =	vld.idx.msk [tilespmem:v18+s28+$0x0], $0xffff  }
0x3e1: {  	s14 =	simm.s32 $0x1;
	s3 =	sshll.u32 s3, $0x5;
	v12 =	vadd.s32 $0x100, v8;
	v6 =	vld.idx.msk [tilespmem:v6+s28+$0x0], $0xffff;
	[tilespmem:s1+$0x0] =	vst v15  }
0x3e2: {  	s14 =	simm.s32 @!p0 $0x0;
	s25 =	sadd.s32 $0x4, s12;
	s3 =	sadd.s32 s6, s3;
	v13 =	vadd.s32 $0x100, v9;
	[tilespmem:s21+$0x80] =	vst v4;
	v5 =	vld.idx.msk [tilespmem:v5+s28+$0x0], $0xffff  }
0x3e3: {  	s22 =	sshll.u32 s14, $0x6;
	s3 =	sadd.s32 $0x20, s3;
	s0 =	sor.u32 $0x180, s0;
	v3 =	vld.idx.msk [tilespmem:v3+s28+$0x0], $0xffff;
	[tilespmem:s9+$0x80] =	vst v11;
	v15 =	vadd.s32 $0x100, v14  }
0x3e4: {  	v1 =	vadd.s32 $0x180, v1;
	s5 =	sadd.s32 s22, s6;
	s23 =	sor.u32 $0x100, s3;
	s6 =	sand.u32 $0x7, s25;
	v17 =	vld.idx.msk [tilespmem:v21+s28+$0x0], $0xffff;
	[tilespmem:s0+$0x12000] =	vst v2  }
0x3e5: {  	s11 =	sadd.s32 $0x2, s11;
	v0 =	vadd.s32 $0x180, v0;
	s6 =	sshll.u32 s6, $0x4;
	[tilespmem:s23+$0x12000] =	vst v16;
	v4 =	vld.idx.msk [tilespmem:v10+s28+$0x0], $0xffff  }
0x3e6: {  	p0 =	por !p0, !p0;
	s11 =	sand.u32 $0x3, s11;
	v7 =	vadd.s32 $0x180, v7;
	s6 =	sadd.s32 s10, s6;
	v10 =	vld.idx.msk [tilespmem:v12+s28+$0x0], $0xffff;
	[tilespmem:s8+$0x80] =	vst v6  }
0x3e7: {  	s7 =	sor.u32 $0x180, s31;
	s24 =	sor.u32 $0x100, s5;
	s31 =	sadd.s32 $0x30, s6;
	v6 =	vld.idx.msk [tilespmem:v13+s28+$0x0], $0xffff;
	[tilespmem:s1+$0x80] =	vst v5;
	v5 =	vadd.s32 $0x180, v8  }
0x3e8: {  	s6 =	sadd.s32 $0x10, s6;
	[tilespmem:s7+$0x12000] =	vst v3;
	s7 =	simm.s32 $0x1;
	s8 =	sshll.u32 s11, $0x5;
	v8 =	vadd.s32 $0x180, v9;
	v3 =	vld.idx.msk [tilespmem:v15+s28+$0x0], $0xffff  }
0x3e9: {  	s12 =	sor.u32 $0x100, s31;
	v2 =	vadd.s32 $0x180, v14;
	[tilespmem:s24+$0x12000] =	vst v17;
	v1 =	vld.idx.msk [tilespmem:v1+s28+$0x0], $0xffff;
	s7 =	simm.s32 @!p0 $0x0;
	s8 =	sadd.s32 s10, s8  }
0x3ea: {  	s13 =	sor.u32 $0x100, s6;
	v0 =	vld.idx.msk [tilespmem:v0+s28+$0x0], $0xffff;
	s14 =	sshll.u32 s7, $0x6;
	[tilespmem:s12+$0x12000] =	vst v4;
	s15 =	sadd.s32 $0x20, s8  }
0x3eb: {  	s0 =	sadd.s32 s14, s10;
	[tilespmem:s13+$0x12000] =	vst v10;
	v4 =	vld.idx.msk [tilespmem:v7+s28+$0x0], $0xffff;
	s8 =	sor.u32 $0x100, s15  }
0x3ec: {  	s16 =	sor.u32 $0x100, s0;
	[tilespmem:s8+$0x12000] =	vst v6;
	v5 =	vld.idx.msk [tilespmem:v5+s28+$0x0], $0xffff  }
0x3ed: {  	s3 =	sor.u32 $0x180, s3;
	[tilespmem:s16+$0x12000] =	vst v3;
	v3 =	vld.idx.msk [tilespmem:v8+s28+$0x0], $0xffff  }
0x3ee: {  	s5 =	sor.u32 $0x180, s5;
	[tilespmem:s3+$0x12000] =	vst v1;
	v1 =	vld.idx.msk [tilespmem:v2+s28+$0x0], $0xffff  }
0x3ef: {  	[tilespmem:s5+$0x12000] =	vst v0;
	s1 =	sor.u32 $0x180, s31  }
0x3f0: {  	s17 =	sor.u32 $0x180, s6;
	[tilespmem:s1+$0x12000] =	vst v4  }
0x3f1: {  	s18 =	sor.u32 $0x180, s15;
	[tilespmem:s17+$0x12000] =	vst v5  }
0x3f2: {  	s0 =	sor.u32 $0x180, s0;
	[tilespmem:s18+$0x12000] =	vst v3  }
0x3f3: {  	[tilespmem:s0+$0x12000] =	vst v1  }
0x3f4: {  	s19 =	simm.s32 $0x12000;
	s0 =	rddreg [dreg:$0x12]  }
0x3f5: {  	[hbm4b:s0+s26] =	stream.strided.scatter [tilespmem:s19], [sflag:$0x3], $0x4000, s2, s26, $0x38;
	[tilespmem:$0x1A000] =	vst v63  }
0x3f6: {  	_ =	swait.ge [sflag:s4], $0x4000  }
0x3f7: {  	[sflag:s4] =	ssyncset.done $0x0  }
0x3f8: {  	s20 =	simm.s32 $0x0;
	[sflag:s4] =	ssyncadd.s32 $0xFFFFC000  }
0x3f9: {  	v0 =	vld [tilespmem:s20+$0x1030]  }
0x3fa: {  	v1 =	vld [tilespmem:s20+$0x1010];
	_ =	sdelay $0x2  }
0x3fb: {  	v2 =	vld [tilespmem:s20+$0x1020]  }
0x3fc: {  	v3 =	vshra.s32 v0, $0x7;
	v4 =	vand.u32 $0xFF80, v0  }
0x3fd: {  	v0 =	vand.u32 $0x7F, v0;
	v6 =	vshra.s32 v1, $0x7;
	v3 =	vand.u32 $0xFFFFFE00, v3  }
0x3fe: {  	v7 =	vand.u32 $0xFF80, v1;
	v6 =	vand.u32 $0xFFFFFE00, v6;
	v5 =	vadd.s32 v4, v3  }
0x3ff: {  	v1 =	vand.u32 $0x7F, v1;
	v9 =	vadd.s32 v7, v6;
	v5 =	vor.u32 v0, v5  }
0x400: {  	v8 =	vshra.s32 v2, $0x7;
	v9 =	vor.u32 v1, v9  }
0x401: {  	s21 =	simm.s32 $0x0;
	v10 =	vand.u32 $0xFF80, v2;
	v8 =	vand.u32 $0xFFFFFE00, v8  }
0x402: {  	s22 =	sand.u32 $0xFC0, s21;
	v2 =	vand.u32 $0x7F, v2;
	v11 =	vadd.s32 v10, v8  }
0x403: {  	v0 =	vor.u32 v0, v4;
	v4 =	vor.u32 v2, v11;
	v11 =	vld [tilespmem:s22+$0x1000]  }
0x404: {  	v5 =	vld.idx.msk [tilespmem:v5+s28+$0x0], $0xffff  }
0x405: {  	v1 =	vor.u32 v1, v7;
	v0 =	vadd.s32 v3, v0;
	v7 =	vld.idx.msk [tilespmem:v9+s28+$0x0], $0xffff  }
0x406: {  	s25 =	simm.s32 $0x40;
	s23 =	sand.u32 $0x40, s21;
	s0 =	sand.u32 $0x3E00, s21;
	v3 =	vadd.s32 $0x80, v0  }
0x407: {  	s24 =	sor.u32 s23, s0;
	v13 =	vld [tilespmem:s25+$0x1020];
	v2 =	vor.u32 v2, v10;
	v1 =	vadd.s32 v6, v1  }
0x408: {  	s3 =	sadd.s32 $0x16000, s24;
	v2 =	vadd.s32 v8, v2;
	v9 =	vadd.s32 $0x80, v1;
	v8 =	vshra.s32 v11, $0x7  }
0x409: {  	v6 =	vld [tilespmem:s25+$0x1030];
	v14 =	vand.u32 $0xFF80, v11;
	v8 =	vand.u32 $0xFFFFFE00, v8;
	[tilespmem:s3+$0x30] =	vst v5  }
0x40a: {  	v4 =	vld.idx.msk [tilespmem:v4+s28+$0x0], $0xffff;
	[tilespmem:s3+$0x10] =	vst v7;
	v7 =	vand.u32 $0x7F, v11;
	v11 =	vadd.s32 v14, v8  }
0x40b: {  	v3 =	vld.idx.msk [tilespmem:v3+s28+$0x0], $0xffff;
	v11 =	vor.u32 v7, v11  }
0x40c: {  	v19 =	vshra.s32 v13, $0x7;
	v10 =	vadd.s32 $0x100, v0;
	v5 =	vld [tilespmem:s25+$0x1010]  }
0x40d: {  	s12 =	simm.s32 $0x40;
	v21 =	vand.u32 $0xFF80, v13;
	v13 =	vand.u32 $0x7F, v13;
	v12 =	vadd.s32 $0x80, v2;
	v9 =	vld.idx.msk [tilespmem:v9+s28+$0x0], $0xffff  }
0x40e: {  	s14 =	sand.u32 $0xFC0, s12;
	v19 =	vand.u32 $0xFFFFFE00, v19;
	v17 =	vadd.s32 $0x100, v1;
	v15 =	vshra.s32 v6, $0x7  }
0x40f: {  	v16 =	vand.u32 $0xFF80, v6;
	v15 =	vand.u32 $0xFFFFFE00, v15;
	v7 =	vor.u32 v7, v14;
	v14 =	vld [tilespmem:s14+$0x1000]  }
0x410: {  	p0 =	por $0x0, $0x0;
	s0 =	simm.s32 $0x1;
	v18 =	vadd.s32 $0x100, v2;
	[tilespmem:s3+$0xB0] =	vst v3;
	v3 =	vand.u32 $0x7F, v6;
	v6 =	vadd.s32 v16, v15;
	v11 =	vld.idx.msk [tilespmem:v11+s28+$0x0], $0xffff  }
0x411: {  	s0 =	simm.s32 @!p0 $0x0;
	v0 =	vadd.s32 $0x180, v0;
	[tilespmem:s3+$0x20] =	vst v4;
	v20 =	vand.u32 $0xFF80, v5;
	v4 =	vld.idx.msk [tilespmem:v10+s28+$0x0], $0xffff;
	v6 =	vor.u32 v3, v6  }
0x412: {  	s0 =	sshll.u32 s0, $0x6;
	[tilespmem:s3+$0x90] =	vst v9;
	v9 =	vadd.s32 v21, v19;
	v10 =	vld.idx.msk [tilespmem:v12+s28+$0x0], $0xffff;
	v12 =	vshra.s32 v5, $0x7;
	v5 =	vand.u32 $0x7F, v5  }
0x413: {  	s16 =	simm.s32 $0x80;
	s31 =	sadd.s32 $0x0, s0;
	v17 =	vld.idx.msk [tilespmem:v17+s28+$0x0], $0xffff;
	v9 =	vor.u32 v13, v9;
	v3 =	vor.u32 v3, v16;
	v12 =	vand.u32 $0xFFFFFE00, v12  }
0x414: {  	s10 =	sadd.s32 $0x30, s31;
	v16 =	vld [tilespmem:s16+$0x1030];
	v3 =	vadd.s32 v15, v3;
	v15 =	vadd.s32 $0x180, v1;
	v22 =	vadd.s32 v20, v12  }
0x415: {  	s11 =	sor.u32 $0x100, s10;
	v1 =	vadd.s32 v8, v7;
	v22 =	vor.u32 v5, v22;
	v5 =	vor.u32 v5, v20;
	[tilespmem:s24+$0x16000] =	vst v11;
	v11 =	vld [tilespmem:s16+$0x1020]  }
0x416: {  	v5 =	vadd.s32 v12, v5;
	v12 =	vadd.s32 $0x80, v1;
	v6 =	vld.idx.msk [tilespmem:v6+s28+$0x0], $0xffff;
	[tilespmem:s11+$0x16000] =	vst v4  }
0x417: {  	s13 =	simm.s32 $0x100;
	v4 =	vld.idx.msk [tilespmem:v0+s28+$0x0], $0xffff;
	v0 =	vadd.s32 $0x80, v3  }
0x418: {  	s1 =	sand.u32 $0x3E00, s13;
	s0 =	sand.u32 $0x40, s12;
	[tilespmem:s3+$0xA0] =	vst v10;
	v9 =	vld.idx.msk [tilespmem:v9+s28+$0x0], $0xffff  }
0x419: {  	s15 =	sor.u32 s0, s1;
	v10 =	vld.idx.msk [tilespmem:v18+s28+$0x0], $0xffff  }
0x41a: {  	s17 =	sadd.s32 $0x10, s31;
	s6 =	sadd.s32 $0x16000, s15;
	v2 =	vadd.s32 $0x180, v2;
	v24 =	vand.u32 $0xFF80, v14;
	v8 =	vor.u32 v13, v21;
	v7 =	vld.idx.msk [tilespmem:v22+s28+$0x0], $0xffff  }
0x41b: {  	s19 =	sor.u32 $0x100, s17;
	v21 =	vshra.s32 v14, $0x7;
	v8 =	vadd.s32 v19, v8;
	v13 =	vadd.s32 $0x80, v5;
	v12 =	vld.idx.msk [tilespmem:v12+s28+$0x0], $0xffff;
	[tilespmem:s6+$0x30] =	vst v6  }
0x41c: {  	s18 =	sadd.s32 $0x20, s31;
	v19 =	vadd.s32 $0x100, v1;
	v21 =	vand.u32 $0xFFFFFE00, v21;
	[tilespmem:s19+$0x16000] =	vst v17;
	v6 =	vadd.s32 $0x80, v8;
	v20 =	vld.idx.msk [tilespmem:v0+s28+$0x0], $0xffff  }
0x41d: {  	s20 =	sor.u32 $0x100, s18;
	v18 =	vadd.s32 $0x100, v5;
	[tilespmem:s6+$0x20] =	vst v9;
	v9 =	vshra.s32 v16, $0x7;
	v0 =	vadd.s32 $0x180, v5;
	v5 =	vld [tilespmem:s16+$0x1010]  }
0x41e: {  	v63 =	vand.u32 $0xFF80, v16;
	v22 =	vadd.s32 $0x100, v3;
	v9 =	vand.u32 $0xFFFFFE00, v9;
	[tilespmem:s20+$0x16000] =	vst v10  }
0x41f: {  	v25 =	vadd.s32 $0x180, v3;
	v17 =	vand.u32 $0x7F, v16;
	v16 =	vadd.s32 v63, v9;
	v3 =	vld.idx.msk [tilespmem:v2+s28+$0x0], $0xffff;
	[tilespmem:s6+$0x10] =	vst v7  }
0x420: {  	v7 =	vand.u32 $0x7F, v14;
	v14 =	vadd.s32 v24, v21;
	v16 =	vor.u32 v17, v16;
	v13 =	vld.idx.msk [tilespmem:v13+s28+$0x0], $0xffff  }
0x421: {  	v24 =	vor.u32 v7, v24;
	v7 =	vor.u32 v7, v14;
	[tilespmem:s3+$0x80] =	vst v12;
	v6 =	vld.idx.msk [tilespmem:v6+s28+$0x0], $0xffff  }
0x422: {  	s9 =	sor.u32 $0x180, s10;
	v10 =	vshra.s32 v11, $0x7;
	v28 =	vld.idx.msk [tilespmem:v19+s28+$0x0], $0xffff;
	[tilespmem:s6+$0xB0] =	vst v20;
	v14 =	vshra.s32 v5, $0x7  }
0x423: {  	s8 =	simm.s32 $0x1;
	p0 =	por !p0, !p0;
	[tilespmem:s9+$0x16000] =	vst v4;
	v4 =	vand.u32 $0xFFFFFE00, v10;
	v10 =	vand.u32 $0xFF80, v5;
	v20 =	vld.idx.msk [tilespmem:v22+s28+$0x0], $0xffff;
	v14 =	vand.u32 $0xFFFFFE00, v14  }
0x424: {  	s8 =	simm.s32 @!p0 $0x0;
	v23 =	vadd.s32 $0x100, v8;
	v5 =	vand.u32 $0x7F, v5;
	v22 =	vld.idx.msk [tilespmem:v15+s28+$0x0], $0xffff;
	v12 =	vadd.s32 v10, v14  }
0x425: {  	s7 =	simm.s32 $0x80;
	s13 =	simm.s32 $0x200;
	s8 =	sshll.u32 s8, $0x6;
	v2 =	vand.u32 $0xFF80, v11;
	v21 =	vadd.s32 v21, v24;
	v16 =	vld.idx.msk [tilespmem:v16+s28+$0x0], $0xffff;
	v27 =	vor.u32 v5, v12  }
0x426: {  	s21 =	sor.u32 $0x100, s31;
	s8 =	sadd.s32 $0x100, s8;
	s0 =	sor.u32 $0x180, s17;
	v26 =	vld.idx.msk [tilespmem:v7+s28+$0x0], $0xffff;
	[tilespmem:s6+$0x90] =	vst v13;
	v5 =	vor.u32 v5, v10;
	v7 =	vand.u32 $0x7F, v11;
	v10 =	vadd.s32 v2, v4  }
0x427: {  	s10 =	sor.u32 $0x180, s31;
	s23 =	sadd.s32 $0x10, s8;
	s16 =	sadd.s32 $0x30, s8;
	v12 =	vadd.s32 $0x80, v21;
	v29 =	vadd.s32 v14, v5;
	v5 =	vor.u32 v7, v2;
	v14 =	vld.idx.msk [tilespmem:v18+s28+$0x0], $0xffff  }
0x428: {  	s12 =	sor.u32 $0x100, s8;
	s31 =	sand.u32 $0xFC0, s7;
	s22 =	sor.u32 $0x100, s16;
	v15 =	vor.u32 v7, v10;
	[tilespmem:s6+$0xA0] =	vst v6;
	v30 =	vadd.s32 v4, v5;
	v4 =	vor.u32 v17, v63  }
0x429: {  	s25 =	sand.u32 $0x40, s7;
	s24 =	sadd.s32 $0x20, s8;
	s11 =	sor.u32 $0x180, s18;
	v6 =	vadd.s32 $0x100, v21;
	v10 =	vadd.s32 $0x180, v21;
	v21 =	vld [tilespmem:s31+$0x1000];
	[tilespmem:s22+$0x16000] =	vst v20;
	v7 =	vadd.s32 v9, v4  }
0x42a: {  	v1 =	vadd.s32 $0x180, v1;
	s19 =	simm.s32 $0x8;
	s18 =	sor.u32 $0x100, s23;
	s20 =	sand.u32 $0x3E00, s13;
	v2 =	vadd.s32 $0x180, v8;
	[tilespmem:s21+$0x16000] =	vst v28;
	v17 =	vld.idx.msk [tilespmem:v25+s28+$0x0], $0xffff;
	v20 =	vadd.s32 $0x80, v7  }
0x42b: {  	s17 =	sor.u32 $0x100, s24;
	s9 =	sor.u32 $0x180, s23;
	s5 =	sor.u32 s25, s20;
	v13 =	vadd.s32 $0x80, v29;
	v5 =	vadd.s32 $0x100, v29;
	v18 =	vld.idx.msk [tilespmem:v23+s28+$0x0], $0xffff;
	v8 =	vadd.s32 $0x180, v29;
	[tilespmem:s0+$0x16000] =	vst v22  }
0x42c: {  	s3 =	sor.u32 $0x180, s24;
	v11 =	vadd.s32 $0x80, v30;
	v4 =	vadd.s32 $0x100, v30;
	v9 =	vadd.s32 $0x180, v30;
	v19 =	vld.idx.msk [tilespmem:v27+s28+$0x0], $0xffff;
	[tilespmem:s15+$0x16000] =	vst v26;
	s15 =	sor.u32 $0x180, s8;
	s8 =	simm.s32 $0x300  }
.LBB2_24:
0x42d: {  	s0 =	sshra.s32 s8, $0x2;
	s14 =	sadd.s32 $0x16000, s5;
	v15 =	vld.idx.msk [tilespmem:v15+s28+$0x0], $0xffff;
	[tilespmem:s18+$0x16000] =	vst v14  }
0x42e: {  	s19 =	sadd.s32 $0x4, s19;
	s1 =	sor.u32 $0x180, s16;
	v14 =	vld [tilespmem:s0+$0x1030];
	[tilespmem:s14+$0x30] =	vst v16  }
0x42f: {  	p1 =	slt.u32 s19, $0xFC;
	v16 =	vld.idx.msk [tilespmem:v20+s28+$0x0], $0xffff;
	[tilespmem:s1+$0x16000] =	vst v17  }
0x430: {  	v17 =	vld [tilespmem:s0+$0x1010];
	[tilespmem:s17+$0x16000] =	vst v18  }
0x431: {  	v18 =	vld [tilespmem:s0+$0x1020];
	v20 =	vand.u32 $0xFF80, v21;
	v22 =	vshra.s32 v21, $0x7;
	[tilespmem:s14+$0x10] =	vst v19;
	v19 =	vadd.s32 $0x100, v7  }
0x432: {  	v21 =	vand.u32 $0x7F, v21;
	v22 =	vand.u32 $0xFFFFFE00, v22;
	v12 =	vld.idx.msk [tilespmem:v12+s28+$0x0], $0xffff;
	[tilespmem:s11+$0x16000] =	vst v3;
	s11 =	smov.u32 s3  }
0x433: {  	v3 =	vadd.s32 v20, v22;
	v20 =	vor.u32 v21, v20;
	v13 =	vld.idx.msk [tilespmem:v13+s28+$0x0], $0xffff;
	[tilespmem:s14+$0x20] =	vst v15  }
0x434: {  	v15 =	vshra.s32 v14, $0x7;
	v21 =	vor.u32 v21, v3;
	v22 =	vadd.s32 v22, v20;
	v11 =	vld.idx.msk [tilespmem:v11+s28+$0x0], $0xffff  }
0x435: {  	p0 =	por !p0, !p0;
	s0 =	simm.s32 $0x1;
	v20 =	vand.u32 $0xFF80, v14;
	v23 =	vand.u32 $0xFFFFFE00, v15;
	v3 =	vshra.s32 v17, $0x7;
	[tilespmem:s14+$0xB0] =	vst v16;
	v24 =	vld.idx.msk [tilespmem:v1+s28+$0x0], $0xffff;
	v1 =	vmovc v10  }
0x436: {  	s0 =	simm.s32 @!p0 $0x0;
	v25 =	vand.u32 $0x7F, v14;
	v14 =	vadd.s32 v20, v23;
	v10 =	vshra.s32 v18, $0x7;
	v19 =	vld.idx.msk [tilespmem:v19+s28+$0x0], $0xffff  }
0x437: {  	s0 =	sshll.u32 s0, $0x6;
	v15 =	vand.u32 $0xFFFFFE00, v3;
	v16 =	vor.u32 v25, v14;
	v10 =	vand.u32 $0xFFFFFE00, v10;
	v26 =	vld.idx.msk [tilespmem:v0+s28+$0x0], $0xffff;
	v0 =	vmovc v8  }
0x438: {  	v27 =	vadd.s32 $0x180, v7;
	s0 =	sadd.s32 s0, s13;
	v14 =	vand.u32 $0xFF80, v18;
	v8 =	vand.u32 $0xFF80, v17;
	[tilespmem:s6+$0x80] =	vst v12;
	v3 =	vld.idx.msk [tilespmem:v2+s28+$0x0], $0xffff;
	v2 =	vmovc v9;
	s6 =	smov.u32 s14  }
0x439: {  	s13 =	smov.u32 s8;
	v7 =	vand.u32 $0x7F, v17;
	s1 =	sadd.s32 $0x10, s0;
	v9 =	vadd.s32 v8, v15;
	v12 =	vadd.s32 v14, v10;
	v21 =	vld.idx.msk [tilespmem:v21+s28+$0x0], $0xffff;
	[tilespmem:s6+$0x90] =	vst v13  }
0x43a: {  	s3 =	sadd.s32 $0x20, s0;
	s16 =	sadd.s32 $0x30, s0;
	s20 =	sor.u32 $0x100, s0;
	v9 =	vor.u32 v7, v9;
	v7 =	vor.u32 v7, v8;
	v8 =	vand.u32 $0x7F, v18;
	[tilespmem:s6+$0xA0] =	vst v11;
	v28 =	vld.idx.msk [tilespmem:v6+s28+$0x0], $0xffff  }
0x43b: {  	s18 =	sor.u32 $0x100, s1;
	s17 =	sor.u32 $0x100, s3;
	s14 =	sor.u32 $0x100, s16;
	v29 =	vadd.s32 v15, v7;
	v15 =	vor.u32 v8, v12;
	v6 =	vor.u32 v8, v14;
	v14 =	vld.idx.msk [tilespmem:v5+s28+$0x0], $0xffff  }
.Ltmp11:
0x43c: {  	s1 =	sor.u32 $0x180, s1;
	s3 =	sor.u32 $0x180, s3;
	v12 =	vadd.s32 $0x80, v22;
	v30 =	vadd.s32 v10, v6;
	v5 =	vor.u32 v25, v20;
	v16 =	vld.idx.msk [tilespmem:v16+s28+$0x0], $0xffff;
	[tilespmem:s14+$0x16000] =	vst v19;
	(pc) =	sbr.rel @p1 .LBB2_24-.Ltmp11, $4  }
0x43d: {  	v13 =	vadd.s32 $0x80, v29;
	v11 =	vadd.s32 $0x80, v30;
	v7 =	vadd.s32 v23, v5;
	v17 =	vld.idx.msk [tilespmem:v27+s28+$0x0], $0xffff;
	[tilespmem:s10+$0x16000] =	vst v24;
	s10 =	smov.u32 s15;
	s15 =	sor.u32 $0x180, s0  }
0x43e: {  	s7 =	sadd.s32 $0x40, s7;
	v6 =	vadd.s32 $0x100, v22;
	v5 =	vadd.s32 $0x100, v29;
	v20 =	vadd.s32 $0x80, v7;
	v18 =	vld.idx.msk [tilespmem:v4+s28+$0x0], $0xffff;
	[tilespmem:s9+$0x16000] =	vst v26;
	s9 =	smov.u32 s1  }
0x43f: {  	v8 =	vadd.s32 $0x180, v29;
	v10 =	vadd.s32 $0x180, v22;
	s14 =	sand.u32 $0x3E00, s8;
	s0 =	sand.u32 $0x40, s7;
	s1 =	sand.u32 $0xFC0, s7;
	v4 =	vadd.s32 $0x100, v30;
	v19 =	vld.idx.msk [tilespmem:v9+s28+$0x0], $0xffff;
	[tilespmem:s5+$0x16000] =	vst v21  }
0x440: {  	s8 =	sadd.s32 $0x100, s8;
	s5 =	sor.u32 s0, s14;
	v9 =	vadd.s32 $0x180, v30;
	v21 =	vld [tilespmem:s1+$0x1000];
	[tilespmem:s12+$0x16000] =	vst v28;
	s12 =	smov.u32 s20  }
0x441: {  	_ =	sdelay $0x3  }
0x442: {  	v22 =	vshra.s32 v21, $0x7  }
0x443: {  	v23 =	vand.u32 $0xFF80, v21;
	v22 =	vand.u32 $0xFFFFFE00, v22  }
0x444: {  	v21 =	vand.u32 $0x7F, v21;
	v24 =	vadd.s32 v23, v22  }
0x445: {  	v24 =	vor.u32 v21, v24;
	_ =	sdelay $0x1  }
0x446: {  	s0 =	sadd.s32 $0x16000, s5;
	v15 =	vld.idx.msk [tilespmem:v15+s28+$0x0], $0xffff;
	[tilespmem:s18+$0x16000] =	vst v14  }
0x447: {  	v12 =	vld.idx.msk [tilespmem:v12+s28+$0x0], $0xffff;
	[tilespmem:s0+$0x30] =	vst v16  }
0x448: {  	s1 =	sor.u32 $0x180, s16;
	[tilespmem:s11+$0x16000] =	vst v3;
	v14 =	vld.idx.msk [tilespmem:v20+s28+$0x0], $0xffff;
	v16 =	vor.u32 v21, v23  }
0x449: {  	[tilespmem:s1+$0x16000] =	vst v17;
	v16 =	vadd.s32 v22, v16;
	v20 =	vld.idx.msk [tilespmem:v24+s28+$0x0], $0xffff  }
0x44a: {  	v1 =	vld.idx.msk [tilespmem:v1+s28+$0x0], $0xffff;
	[tilespmem:s17+$0x16000] =	vst v18;
	v18 =	vadd.s32 $0x80, v16  }
0x44b: {  	[tilespmem:s0+$0x10] =	vst v19  }
0x44c: {  	v17 =	vadd.s32 $0x100, v7;
	v13 =	vld.idx.msk [tilespmem:v13+s28+$0x0], $0xffff;
	[tilespmem:s0+$0x20] =	vst v15  }
0x44d: {  	[tilespmem:s6+$0x80] =	vst v12;
	v11 =	vld.idx.msk [tilespmem:v11+s28+$0x0], $0xffff  }
0x44e: {  	v0 =	vld.idx.msk [tilespmem:v0+s28+$0x0], $0xffff;
	[tilespmem:s5+$0x16000] =	vst v20  }
0x44f: {  	[tilespmem:s10+$0x16000] =	vst v1;
	v3 =	vld.idx.msk [tilespmem:v18+s28+$0x0], $0xffff  }
0x450: {  	p0 =	por !p0, !p0;
	s1 =	simm.s32 $0x1;
	v6 =	vld.idx.msk [tilespmem:v6+s28+$0x0], $0xffff;
	[tilespmem:s0+$0xB0] =	vst v14;
	v12 =	vadd.s32 $0x100, v16  }
0x451: {  	s1 =	simm.s32 @!p0 $0x0;
	v14 =	vld.idx.msk [tilespmem:v17+s28+$0x0], $0xffff;
	[tilespmem:s0+$0x90] =	vst v13  }
0x452: {  	s1 =	sshll.u32 s1, $0x6;
	v5 =	vld.idx.msk [tilespmem:v5+s28+$0x0], $0xffff;
	[tilespmem:s0+$0xA0] =	vst v11  }
0x453: {  	s1 =	sadd.s32 s1, s13;
	[tilespmem:s9+$0x16000] =	vst v0;
	v4 =	vld.idx.msk [tilespmem:v4+s28+$0x0], $0xffff  }
0x454: {  	v7 =	vadd.s32 $0x180, v7;
	s22 =	sadd.s32 $0x30, s1;
	[tilespmem:s0+$0x80] =	vst v3  }
0x455: {  	s24 =	sadd.s32 $0x10, s1;
	s23 =	sor.u32 $0x100, s22;
	[tilespmem:s12+$0x16000] =	vst v6;
	v1 =	vld.idx.msk [tilespmem:v12+s28+$0x0], $0xffff  }
0x456: {  	v2 =	vld.idx.msk [tilespmem:v2+s28+$0x0], $0xffff;
	s25 =	sadd.s32 $0x20, s1;
	s7 =	sor.u32 $0x100, s24;
	v0 =	vadd.s32 $0x180, v16;
	[tilespmem:s23+$0x16000] =	vst v14  }
0x457: {  	s8 =	sor.u32 $0x100, s25;
	[tilespmem:s7+$0x16000] =	vst v5;
	v5 =	vld.idx.msk [tilespmem:v10+s28+$0x0], $0xffff  }
0x458: {  	[tilespmem:s8+$0x16000] =	vst v4;
	v4 =	vld.idx.msk [tilespmem:v8+s28+$0x0], $0xffff  }
0x459: {  	s31 =	sor.u32 $0x100, s1;
	v3 =	vld.idx.msk [tilespmem:v7+s28+$0x0], $0xffff  }
0x45a: {  	v6 =	vld.idx.msk [tilespmem:v9+s28+$0x0], $0xffff;
	[tilespmem:s31+$0x16000] =	vst v1  }
0x45b: {  	[tilespmem:s3+$0x16000] =	vst v2;
	v0 =	vld.idx.msk [tilespmem:v0+s28+$0x0], $0xffff  }
0x45c: {  	[tilespmem:s15+$0x16000] =	vst v5;
	s0 =	sor.u32 $0x180, s24  }
0x45d: {  	s5 =	sor.u32 $0x180, s22;
	[tilespmem:s0+$0x16000] =	vst v4  }
0x45e: {  	[tilespmem:s5+$0x16000] =	vst v3;
	s5 =	sor.u32 $0x180, s25  }
0x45f: {  	s6 =	sor.u32 $0x180, s1;
	[tilespmem:s5+$0x16000] =	vst v6  }
0x460: {  	[tilespmem:s6+$0x16000] =	vst v0  }
0x461: {  	s7 =	simm.s32 $0x16000;
	s8 =	simm.s32 $0x2;
	s0 =	rddreg [dreg:$0x13]  }
0x462: {  	[hbm4b:s0+s26] =	stream.strided.scatter [tilespmem:s7], [sflag:$0x4], $0x4000, s2, s26, $0x38;
	[tilespmem:$0x1A000] =	vst v63  }
0x463: {  	_ =	swait.ge [sflag:s8], $0x8000  }
0x464: {  	[sflag:s8] =	ssyncset.done $0x0  }
0x465: {  	s9 =	simm.s32 $0x3;
	[sflag:s8] =	ssyncadd.s32 $0xFFFF8000  }
0x466: {  	_ =	swait.ge [sflag:s9], $0x4000  }
0x467: {  	[sflag:s9] =	ssyncset.done $0x0  }
0x468: {  	s10 =	simm.s32 $0x0;
	[sflag:s9] =	ssyncadd.s32 $0xFFFFC000  }
0x469: {  	v0 =	vld [tilespmem:s10+$0x10]  }
0x46a: {  	v1 =	vld [tilespmem:s10+$0x30]  }
0x46b: {  	v2 =	vld [tilespmem:s10+$0x20];
	_ =	sdelay $0x1  }
0x46c: {  	v5 =	vld [tilespmem:s10+$0x0];
	_ =	sdelay $0x1  }
0x46d: {  	v3 =	vand.u32 $0xFF80, v0;
	v4 =	vshra.s32 v0, $0x7;
	v0 =	vand.u32 $0x7F, v0  }
0x46e: {  	v6 =	vshra.s32 v1, $0x7;
	v7 =	vshra.s32 v2, $0x7;
	v8 =	vand.u32 $0xFF80, v1  }
0x46f: {  	v1 =	vand.u32 $0x7F, v1;
	v11 =	vand.u32 $0xFF80, v2;
	v2 =	vand.u32 $0x7F, v2  }
0x470: {  	v12 =	vshra.s32 v5, $0x7;
	v14 =	vand.u32 $0xFF80, v5;
	v4 =	vand.u32 $0xFFFFFE00, v4  }
0x471: {  	v5 =	vand.u32 $0x7F, v5;
	v6 =	vand.u32 $0xFFFFFE00, v6;
	v10 =	vadd.s32 v3, v4  }
0x472: {  	v12 =	vand.u32 $0xFFFFFE00, v12;
	v9 =	vadd.s32 v8, v6;
	v10 =	vor.u32 v0, v10  }
0x473: {  	s11 =	simm.s32 $0x40;
	v7 =	vand.u32 $0xFFFFFE00, v7;
	v16 =	vadd.s32 v14, v12;
	v9 =	vor.u32 v1, v9  }
0x474: {  	s23 =	simm.s32 $0x80;
	v15 =	vld [tilespmem:s11+$0x10];
	v13 =	vadd.s32 v11, v7;
	v0 =	vor.u32 v0, v3;
	v3 =	vor.u32 v5, v16  }
0x475: {  	v22 =	vld [tilespmem:s23+$0x30];
	v13 =	vor.u32 v2, v13;
	v1 =	vor.u32 v1, v8  }
0x476: {  	v1 =	vadd.s32 v6, v1;
	v6 =	vld [tilespmem:s11+$0x30]  }
0x477: {  	v0 =	vadd.s32 v4, v0;
	v4 =	vld.idx.msk [tilespmem:v10+s29+$0x0], $0xffff  }
0x478: {  	s12 =	simm.s32 $0x0;
	v2 =	vor.u32 v2, v11;
	v8 =	vadd.s32 $0x80, v0;
	v9 =	vld.idx.msk [tilespmem:v9+s29+$0x0], $0xffff  }
0x479: {  	s18 =	simm.s32 $0x10;
	s17 =	sand.u32 $0x3E00, s12;
	v5 =	vor.u32 v5, v14;
	v7 =	vadd.s32 v7, v2;
	v3 =	vld.idx.msk [tilespmem:v3+s29+$0x0], $0xffff  }
0x47a: {  	s19 =	simm.s32 $0x30;
	s1 =	sadd.s32 $0x12000, s17;
	s5 =	sand.u32 $0x50, s18;
	v11 =	vadd.s32 v12, v5;
	v5 =	vshra.s32 v15, $0x7;
	v10 =	vadd.s32 $0x80, v1;
	v2 =	vld.idx.msk [tilespmem:v13+s29+$0x0], $0xffff  }
0x47b: {  	s21 =	simm.s32 $0x0;
	s5 =	sor.u32 s5, s1;
	s6 =	sand.u32 $0x70, s19;
	v25 =	vld [tilespmem:s23+$0x20];
	v12 =	vand.u32 $0xFF80, v15;
	v5 =	vand.u32 $0xFFFFFE00, v5  }
0x47c: {  	s20 =	simm.s32 $0x20;
	s6 =	sor.u32 s6, s1;
	s8 =	sand.u32 $0x40, s21;
	v14 =	vld [tilespmem:s11+$0x20];
	v15 =	vand.u32 $0x7F, v15;
	v16 =	vadd.s32 v12, v5;
	[tilespmem:s5+$0x0] =	vst v4;
	v4 =	vadd.s32 $0x80, v11  }
0x47d: {  	s7 =	sand.u32 $0x60, s20;
	s22 =	sor.u32 s8, s1;
	v16 =	vor.u32 v15, v16;
	v18 =	vshra.s32 v6, $0x7;
	[tilespmem:s6+$0x0] =	vst v9;
	v8 =	vld.idx.msk [tilespmem:v8+s29+$0x0], $0xffff  }
0x47e: {  	s7 =	sor.u32 s7, s1;
	v13 =	vadd.s32 $0x80, v7;
	v9 =	vld [tilespmem:s11+$0x0];
	[tilespmem:s22+$0x0] =	vst v3;
	v3 =	vand.u32 $0xFFFFFE00, v18;
	v18 =	vand.u32 $0xFF80, v6  }
0x47f: {  	v17 =	vadd.s32 $0x100, v0;
	[tilespmem:s7+$0x0] =	vst v2;
	v6 =	vand.u32 $0x7F, v6;
	v2 =	vld.idx.msk [tilespmem:v10+s29+$0x0], $0xffff;
	v20 =	vadd.s32 v18, v3  }
0x480: {  	v10 =	vadd.s32 $0x100, v1;
	v20 =	vor.u32 v6, v20;
	v6 =	vor.u32 v6, v18;
	v18 =	vld [tilespmem:s23+$0x10]  }
0x481: {  	v19 =	vshra.s32 v14, $0x7;
	v4 =	vld.idx.msk [tilespmem:v4+s29+$0x0], $0xffff  }
0x482: {  	s24 =	sand.u32 $0x7, s12;
	v23 =	vadd.s32 $0x100, v11;
	v19 =	vand.u32 $0xFFFFFE00, v19;
	[tilespmem:s5+$0x80] =	vst v8;
	v8 =	vld.idx.msk [tilespmem:v16+s29+$0x0], $0xffff;
	v16 =	vand.u32 $0xFF80, v14  }
0x483: {  	s1 =	sshll.u32 s24, $0x4;
	v26 =	vadd.s32 $0x180, v0;
	v13 =	vld.idx.msk [tilespmem:v13+s29+$0x0], $0xffff;
	v14 =	vand.u32 $0x7F, v14;
	v21 =	vadd.s32 v16, v19  }
0x484: {  	s1 =	sadd.s32 $0x0, s1;
	[tilespmem:s6+$0x80] =	vst v2;
	v2 =	vor.u32 v15, v12;
	v15 =	vshra.s32 v9, $0x7;
	s6 =	simm.s32 $0x100;
	v17 =	vld.idx.msk [tilespmem:v17+s29+$0x0], $0xffff;
	v12 =	vor.u32 v14, v21  }
0x485: {  	s16 =	simm.s32 $0x50;
	s13 =	sadd.s32 $0x10, s1;
	v61 =	vand.u32 $0xFF80, v9;
	v10 =	vld.idx.msk [tilespmem:v10+s29+$0x0], $0xffff;
	v15 =	vand.u32 $0xFFFFFE00, v15;
	s25 =	sand.u32 $0x3E00, s6;
	v21 =	vadd.s32 $0x100, v7  }
0x486: {  	s14 =	sadd.s32 $0x30, s1;
	s1 =	sand.u32 $0x50, s16;
	v0 =	vand.u32 $0x7F, v9;
	v9 =	vadd.s32 $0x180, v1;
	v1 =	vadd.s32 v61, v15;
	s5 =	sadd.s32 $0x12000, s25;
	[tilespmem:s22+$0x80] =	vst v4;
	v4 =	vld.idx.msk [tilespmem:v20+s29+$0x0], $0xffff  }
0x487: {  	s1 =	sor.u32 s1, s5;
	v20 =	vor.u32 v0, v1;
	v1 =	vor.u32 v14, v16;
	v14 =	vshra.s32 v18, $0x7;
	v23 =	vld.idx.msk [tilespmem:v23+s29+$0x0], $0xffff  }
0x488: {  	p0 =	por $0x0, $0x0;
	v62 =	vshra.s32 v25, $0x7;
	v2 =	vadd.s32 v5, v2;
	[tilespmem:s1+$0x0] =	vst v8;
	v8 =	vand.u32 $0xFFFFFE00, v14;
	v14 =	vld [tilespmem:s23+$0x0]  }
0x489: {  	s3 =	sand.u32 $0x3, s12;
	s8 =	simm.s32 $0x1;
	s15 =	sor.u32 $0x100, s13;
	v3 =	vadd.s32 v3, v6;
	[tilespmem:s7+$0x80] =	vst v13;
	v13 =	vadd.s32 $0x80, v2;
	v0 =	vor.u32 v0, v61;
	v12 =	vld.idx.msk [tilespmem:v12+s29+$0x0], $0xffff  }
0x48a: {  	s31 =	simm.s32 $0x70;
	s8 =	simm.s32 @!p0 $0x0;
	s17 =	sor.u32 $0x100, s14;
	v16 =	vadd.s32 $0x80, v3;
	v1 =	vadd.s32 v19, v1;
	v0 =	vadd.s32 v15, v0;
	[tilespmem:s15+$0x12000] =	vst v17;
	v15 =	vld.idx.msk [tilespmem:v21+s29+$0x0], $0xffff  }
0x48b: {  	s3 =	sshll.u32 s3, $0x5;
	s0 =	sand.u32 $0x70, s31;
	s21 =	sshll.u32 s8, $0x6;
	v5 =	vadd.s32 $0x100, v3;
	[tilespmem:s17+$0x12000] =	vst v10;
	v10 =	vadd.s32 $0x180, v11;
	v11 =	vadd.s32 $0x80, v1;
	v21 =	vld.idx.msk [tilespmem:v26+s29+$0x0], $0xffff  }
0x48c: {  	s18 =	simm.s32 $0x60;
	s16 =	sadd.s32 $0x0, s21;
	v6 =	vadd.s32 $0x100, v2;
	s7 =	sor.u32 s0, s5;
	v19 =	vand.u32 $0x7F, v18;
	v17 =	vadd.s32 $0x180, v7;
	v9 =	vld.idx.msk [tilespmem:v9+s29+$0x0], $0xffff  }
0x48d: {  	s19 =	sand.u32 $0x60, s18;
	s20 =	sadd.s32 $0x0, s3;
	s23 =	sor.u32 $0x100, s16;
	v7 =	vand.u32 $0xFF80, v18;
	v18 =	vshra.s32 v22, $0x7;
	v27 =	vadd.s32 $0x80, v0;
	v20 =	vld.idx.msk [tilespmem:v20+s29+$0x0], $0xffff;
	[tilespmem:s7+$0x0] =	vst v4  }
0x48e: {  	s8 =	sadd.s32 $0x20, s20;
	s15 =	sor.u32 s19, s5;
	v18 =	vand.u32 $0xFFFFFE00, v18;
	v63 =	vld.idx.msk [tilespmem:v13+s29+$0x0], $0xffff;
	v4 =	vor.u32 v19, v7;
	v7 =	vadd.s32 v7, v8;
	[tilespmem:s23+$0x12000] =	vst v23  }
0x48f: {  	s0 =	sor.u32 $0x100, s8;
	s22 =	simm.s32 $0x40;
	v13 =	vand.u32 $0x7F, v22;
	v16 =	vld.idx.msk [tilespmem:v16+s29+$0x0], $0xffff;
	[tilespmem:s15+$0x0] =	vst v12;
	v12 =	vand.u32 $0xFF80, v22;
	v22 =	vor.u32 v19, v7  }
0x490: {  	s25 =	sor.u32 $0x180, s14;
	s24 =	sand.u32 $0x40, s22;
	v23 =	vand.u32 $0xFFFFFE00, v62;
	[tilespmem:s0+$0x12000] =	vst v15;
	v7 =	vadd.s32 v12, v18;
	v19 =	vor.u32 v13, v12;
	v12 =	vld.idx.msk [tilespmem:v11+s29+$0x0], $0xffff  }
0x491: {  	s9 =	sor.u32 s24, s5;
	v15 =	vand.u32 $0xFF80, v25;
	[tilespmem:s25+$0x12000] =	vst v9;
	v11 =	vor.u32 v13, v7;
	v7 =	vadd.s32 v18, v19;
	v18 =	vld.idx.msk [tilespmem:v17+s29+$0x0], $0xffff  }
0x492: {  	s12 =	simm.s32 $0x4;
	s3 =	simm.s32 $0x2;
	p0 =	por !p0, !p0;
	v8 =	vadd.s32 v8, v4;
	v9 =	vand.u32 $0x7F, v25;
	v13 =	vadd.s32 v15, v23;
	[tilespmem:s9+$0x0] =	vst v20;
	v19 =	vld.idx.msk [tilespmem:v10+s29+$0x0], $0xffff  }
0x493: {  	s10 =	simm.s32 $0x200;
	s31 =	sor.u32 $0x180, s13;
	s13 =	simm.s32 $0xB0;
	[tilespmem:s1+$0x80] =	vst v63;
	v20 =	vshra.s32 v14, $0x7;
	v13 =	vor.u32 v9, v13;
	v9 =	vor.u32 v9, v15;
	v17 =	vld.idx.msk [tilespmem:v27+s29+$0x0], $0xffff  }
0x494: {  	s11 =	simm.s32 $0x2;
	s19 =	simm.s32 $0x8;
	s5 =	simm.s32 $0x300;
	[tilespmem:s31+$0x12000] =	vst v21;
	v4 =	vadd.s32 $0x80, v7;
	v15 =	vand.u32 $0x7F, v14;
	v9 =	vadd.s32 v23, v9;
	v10 =	vld.idx.msk [tilespmem:v22+s29+$0x0], $0xffff  }
.LBB2_26:
0x495: {  	s17 =	sshra.s32 s5, $0x2;
	s0 =	sadd.s32 $0xFFFFFFD0, s13;
	s1 =	sand.u32 $0x3E00, s10;
	v21 =	vld.idx.msk [tilespmem:v6+s29+$0x0], $0xffff;
	[tilespmem:s7+$0x80] =	vst v16  }
0x496: {  	v6 =	vadd.s32 $0x100, v0;
	v16 =	vld [tilespmem:s17+$0x30];
	s0 =	sand.u32 $0x40, s0;
	s14 =	sadd.s32 $0x12000, s1;
	s1 =	sor.u32 $0x180, s8  }
0x497: {  	s7 =	sand.u32 $0x7, s12;
	s8 =	sor.u32 $0x180, s16;
	s0 =	sor.u32 s0, s14;
	v22 =	vld.idx.msk [tilespmem:v5+s29+$0x0], $0xffff;
	[tilespmem:s1+$0x12000] =	vst v18  }
0x498: {  	s19 =	sadd.s32 $0x4, s19;
	v23 =	vadd.s32 $0x180, v3;
	v3 =	vmovc v7;
	v5 =	vand.u32 $0xFF80, v14;
	s1 =	sshll.u32 s7, $0x4;
	v14 =	vadd.s32 $0x100, v1;
	v18 =	vld [tilespmem:s17+$0x10];
	[tilespmem:s8+$0x12000] =	vst v19  }
0x499: {  	v7 =	vand.u32 $0xFFFFFE00, v20;
	p1 =	slt.u32 s19, $0xFC;
	v20 =	vor.u32 v15, v5;
	s1 =	sadd.s32 s6, s1;
	v19 =	vld [tilespmem:s17+$0x20];
	[tilespmem:s9+$0x80] =	vst v17;
	v17 =	vadd.s32 $0x180, v2;
	v2 =	vmovc v8;
	s9 =	smov.u32 s0  }
0x49a: {  	v8 =	vadd.s32 v5, v7;
	v7 =	vadd.s32 v7, v20;
	v5 =	vadd.s32 $0x100, v3;
	s20 =	sadd.s32 $0x30, s1;
	s18 =	sadd.s32 $0x10, s1;
	v11 =	vld.idx.msk [tilespmem:v11+s29+$0x0], $0xffff  }
0x49b: {  	v20 =	vadd.s32 $0x180, v1;
	v1 =	vmov v9;
	v8 =	vor.u32 v15, v8;
	s0 =	sor.u32 $0x100, s18;
	v15 =	vld.idx.msk [tilespmem:v6+s29+$0x0], $0xffff;
	[tilespmem:s15+$0x80] =	vst v12  }
0x49c: {  	v24 =	vadd.s32 $0x180, v0;
	s12 =	sadd.s32 $0x4, s12;
	s11 =	sadd.s32 $0x2, s11;
	s1 =	simm.s32 $0x1;
	v9 =	vadd.s32 $0x80, v2;
	v0 =	vmovc v7;
	v6 =	vadd.s32 $0x100, v2;
	v12 =	vld.idx.msk [tilespmem:v13+s29+$0x0], $0xffff;
	[tilespmem:s0+$0x12000] =	vst v21  }
0x49d: {  	s1 =	simm.s32 @!p0 $0x0;
	s7 =	sor.u32 $0x100, s20;
	s0 =	sadd.s32 $0xFFFFFFE0, s13;
	v7 =	vand.u32 $0xFF80, v18;
	v13 =	vand.u32 $0x7F, v18;
	v18 =	vshra.s32 v18, $0x7;
	v21 =	vld.idx.msk [tilespmem:v14+s29+$0x0], $0xffff  }
0x49e: {  	s3 =	sand.u32 $0x3, s3;
	s8 =	sand.u32 $0x70, s13;
	v14 =	vshra.s32 v16, $0x7;
	s0 =	sand.u32 $0x50, s0;
	v18 =	vand.u32 $0xFFFFFE00, v18;
	v25 =	vshra.s32 v19, $0x7;
	v26 =	vld.idx.msk [tilespmem:v17+s29+$0x0], $0xffff;
	[tilespmem:s7+$0x12000] =	vst v22  }
0x49f: {  	s3 =	sshll.u32 s3, $0x5;
	v27 =	vadd.s32 $0x80, v1;
	v17 =	vand.u32 $0xFF80, v19;
	v22 =	vand.u32 $0xFFFFFE00, v14;
	s0 =	sor.u32 s0, s14;
	s7 =	sadd.s32 $0xFFFFFFF0, s13;
	v23 =	vld.idx.msk [tilespmem:v23+s29+$0x0], $0xffff  }
0x4a0: {  	s3 =	sadd.s32 s6, s3;
	v28 =	vor.u32 v13, v7;
	v14 =	vand.u32 $0xFF80, v16;
	v16 =	vand.u32 $0x7F, v16;
	s15 =	sand.u32 $0x60, s7;
	s7 =	sor.u32 s8, s14;
	v29 =	vld.idx.msk [tilespmem:v8+s29+$0x0], $0xffff;
	[tilespmem:s0+$0x0] =	vst v10  }
0x4a1: {  	v30 =	vadd.s32 $0x80, v0;
	s1 =	sshll.u32 s1, $0x6;
	s8 =	sadd.s32 $0x20, s3;
	v8 =	vadd.s32 v14, v22;
	v10 =	vor.u32 v16, v14;
	s15 =	sor.u32 s15, s14;
	v31 =	vld.idx.msk [tilespmem:v9+s29+$0x0], $0xffff;
	[tilespmem:s7+$0x0] =	vst v11  }
0x4a2: {  	s16 =	sadd.s32 s1, s6;
	s3 =	smov.u32 s11;
	s1 =	sor.u32 $0x100, s8;
	v9 =	vadd.s32 v7, v18;
	v11 =	vor.u32 v16, v8;
	v7 =	vadd.s32 v22, v10;
	v14 =	vld [tilespmem:s17+$0x0];
	[tilespmem:s15+$0x0] =	vst v12  }
0x4a3: {  	s6 =	smov.u32 s10;
	s10 =	smov.u32 s5;
	s14 =	sor.u32 $0x100, s16;
	v10 =	vor.u32 v13, v9;
	v9 =	vand.u32 $0xFFFFFE00, v25;
	v16 =	vld.idx.msk [tilespmem:v4+s29+$0x0], $0xffff;
	v4 =	vadd.s32 $0x80, v7;
	[tilespmem:s1+$0x12000] =	vst v21  }
.Ltmp12:
0x4a4: {  	v8 =	vadd.s32 v18, v28;
	v18 =	vand.u32 $0x7F, v19;
	v13 =	vadd.s32 v17, v9;
	s1 =	sor.u32 $0x180, s20;
	v12 =	vld.idx.msk [tilespmem:v27+s29+$0x0], $0xffff;
	[tilespmem:s14+$0x12000] =	vst v15;
	(pc) =	sbr.rel @p1 .LBB2_26-.Ltmp12, $4  }
0x4a5: {  	v13 =	vor.u32 v18, v13;
	v15 =	vor.u32 v18, v17;
	v18 =	vld.idx.msk [tilespmem:v20+s29+$0x0], $0xffff;
	[tilespmem:s1+$0x12000] =	vst v23  }
0x4a6: {  	v9 =	vadd.s32 v9, v15;
	[tilespmem:s9+$0x0] =	vst v29;
	v19 =	vld.idx.msk [tilespmem:v24+s29+$0x0], $0xffff  }
0x4a7: {  	v15 =	vand.u32 $0x7F, v14;
	v20 =	vshra.s32 v14, $0x7;
	v17 =	vld.idx.msk [tilespmem:v30+s29+$0x0], $0xffff;
	[tilespmem:s0+$0x80] =	vst v31;
	s0 =	sor.u32 $0x180, s18  }
0x4a8: {  	p0 =	por !p0, !p0;
	s5 =	sadd.s32 $0x100, s5;
	s13 =	sadd.s32 $0x40, s13;
	v10 =	vld.idx.msk [tilespmem:v10+s29+$0x0], $0xffff;
	[tilespmem:s0+$0x12000] =	vst v26  }
0x4a9: {  	_ =	sdelay $0x3  }
0x4aa: {  	v14 =	vand.u32 $0xFF80, v14;
	v20 =	vand.u32 $0xFFFFFE00, v20;
	v6 =	vld.idx.msk [tilespmem:v6+s29+$0x0], $0xffff;
	s1 =	sand.u32 $0x7, s12  }
0x4ab: {  	[tilespmem:s7+$0x80] =	vst v16;
	s0 =	sor.u32 $0x180, s8;
	v11 =	vld.idx.msk [tilespmem:v11+s29+$0x0], $0xffff;
	v21 =	vadd.s32 v14, v20;
	s24 =	sshll.u32 s1, $0x4  }
0x4ac: {  	s23 =	sor.u32 $0x180, s16;
	s25 =	sand.u32 $0x3E00, s10;
	[tilespmem:s0+$0x12000] =	vst v18;
	v16 =	vor.u32 v15, v21;
	s0 =	sadd.s32 s6, s24  }
0x4ad: {  	[tilespmem:s15+$0x80] =	vst v12;
	s17 =	sadd.s32 $0xFFFFFFE0, s13;
	v5 =	vld.idx.msk [tilespmem:v5+s29+$0x0], $0xffff;
	s31 =	sadd.s32 $0x30, s0;
	s0 =	sadd.s32 $0x10, s0  }
0x4ae: {  	v12 =	vadd.s32 $0x80, v8;
	s19 =	sand.u32 $0x70, s13;
	s1 =	sadd.s32 $0x12000, s25;
	[tilespmem:s9+$0x80] =	vst v17;
	s16 =	sor.u32 $0x100, s0  }
0x4af: {  	v2 =	vadd.s32 $0x180, v2;
	s21 =	sor.u32 s19, s1;
	s9 =	sand.u32 $0x50, s17;
	[tilespmem:s16+$0x12000] =	vst v6  }
0x4b0: {  	v13 =	vld.idx.msk [tilespmem:v13+s29+$0x0], $0xffff;
	v18 =	vadd.s32 $0x100, v1;
	v14 =	vor.u32 v15, v14;
	s9 =	sor.u32 s9, s1;
	[tilespmem:s21+$0x0] =	vst v11  }
0x4b1: {  	v14 =	vadd.s32 v20, v14;
	s18 =	sor.u32 $0x100, s31;
	v6 =	vadd.s32 $0x80, v9;
	[tilespmem:s9+$0x0] =	vst v10;
	v15 =	vld.idx.msk [tilespmem:v16+s29+$0x0], $0xffff  }
0x4b2: {  	s20 =	sadd.s32 $0xFFFFFFF0, s13;
	[tilespmem:s18+$0x12000] =	vst v5;
	v5 =	vadd.s32 $0x80, v14;
	v4 =	vld.idx.msk [tilespmem:v4+s29+$0x0], $0xffff  }
0x4b3: {  	s5 =	sadd.s32 $0xFFFFFFD0, s13;
	v3 =	vadd.s32 $0x180, v3;
	s8 =	sand.u32 $0x60, s20;
	v11 =	vld.idx.msk [tilespmem:v12+s29+$0x0], $0xffff  }
0x4b4: {  	s5 =	sand.u32 $0x40, s5;
	v21 =	vadd.s32 $0x100, v0;
	[tilespmem:s23+$0x12000] =	vst v19;
	s8 =	sor.u32 s8, s1;
	v2 =	vld.idx.msk [tilespmem:v2+s29+$0x0], $0xffff  }
0x4b5: {  	s3 =	sand.u32 $0x3, s3;
	s1 =	sor.u32 s5, s1;
	v10 =	vadd.s32 $0x100, v7;
	[tilespmem:s8+$0x0] =	vst v13;
	v16 =	vld.idx.msk [tilespmem:v18+s29+$0x0], $0xffff  }
0x4b6: {  	s14 =	simm.s32 $0x1;
	s3 =	sshll.u32 s3, $0x5;
	v12 =	vadd.s32 $0x100, v8;
	v6 =	vld.idx.msk [tilespmem:v6+s29+$0x0], $0xffff;
	[tilespmem:s1+$0x0] =	vst v15  }
0x4b7: {  	s14 =	simm.s32 @!p0 $0x0;
	s25 =	sadd.s32 $0x4, s12;
	s3 =	sadd.s32 s6, s3;
	v13 =	vadd.s32 $0x100, v9;
	[tilespmem:s21+$0x80] =	vst v4;
	v5 =	vld.idx.msk [tilespmem:v5+s29+$0x0], $0xffff  }
0x4b8: {  	s22 =	sshll.u32 s14, $0x6;
	s3 =	sadd.s32 $0x20, s3;
	s0 =	sor.u32 $0x180, s0;
	v3 =	vld.idx.msk [tilespmem:v3+s29+$0x0], $0xffff;
	[tilespmem:s9+$0x80] =	vst v11;
	v15 =	vadd.s32 $0x100, v14  }
0x4b9: {  	v1 =	vadd.s32 $0x180, v1;
	s5 =	sadd.s32 s22, s6;
	s23 =	sor.u32 $0x100, s3;
	s6 =	sand.u32 $0x7, s25;
	v17 =	vld.idx.msk [tilespmem:v21+s29+$0x0], $0xffff;
	[tilespmem:s0+$0x12000] =	vst v2  }
0x4ba: {  	s11 =	sadd.s32 $0x2, s11;
	v0 =	vadd.s32 $0x180, v0;
	s6 =	sshll.u32 s6, $0x4;
	[tilespmem:s23+$0x12000] =	vst v16;
	v4 =	vld.idx.msk [tilespmem:v10+s29+$0x0], $0xffff  }
0x4bb: {  	p0 =	por !p0, !p0;
	s11 =	sand.u32 $0x3, s11;
	v7 =	vadd.s32 $0x180, v7;
	s6 =	sadd.s32 s10, s6;
	v10 =	vld.idx.msk [tilespmem:v12+s29+$0x0], $0xffff;
	[tilespmem:s8+$0x80] =	vst v6  }
0x4bc: {  	s7 =	sor.u32 $0x180, s31;
	s24 =	sor.u32 $0x100, s5;
	s31 =	sadd.s32 $0x30, s6;
	v6 =	vld.idx.msk [tilespmem:v13+s29+$0x0], $0xffff;
	[tilespmem:s1+$0x80] =	vst v5;
	v5 =	vadd.s32 $0x180, v8  }
0x4bd: {  	s6 =	sadd.s32 $0x10, s6;
	[tilespmem:s7+$0x12000] =	vst v3;
	s7 =	simm.s32 $0x1;
	s8 =	sshll.u32 s11, $0x5;
	v8 =	vadd.s32 $0x180, v9;
	v3 =	vld.idx.msk [tilespmem:v15+s29+$0x0], $0xffff  }
0x4be: {  	s12 =	sor.u32 $0x100, s31;
	v2 =	vadd.s32 $0x180, v14;
	[tilespmem:s24+$0x12000] =	vst v17;
	v1 =	vld.idx.msk [tilespmem:v1+s29+$0x0], $0xffff;
	s7 =	simm.s32 @!p0 $0x0;
	s8 =	sadd.s32 s10, s8  }
0x4bf: {  	s13 =	sor.u32 $0x100, s6;
	v0 =	vld.idx.msk [tilespmem:v0+s29+$0x0], $0xffff;
	s14 =	sshll.u32 s7, $0x6;
	[tilespmem:s12+$0x12000] =	vst v4;
	s15 =	sadd.s32 $0x20, s8  }
0x4c0: {  	s0 =	sadd.s32 s14, s10;
	[tilespmem:s13+$0x12000] =	vst v10;
	v4 =	vld.idx.msk [tilespmem:v7+s29+$0x0], $0xffff;
	s8 =	sor.u32 $0x100, s15  }
0x4c1: {  	s16 =	sor.u32 $0x100, s0;
	[tilespmem:s8+$0x12000] =	vst v6;
	v5 =	vld.idx.msk [tilespmem:v5+s29+$0x0], $0xffff  }
0x4c2: {  	s3 =	sor.u32 $0x180, s3;
	[tilespmem:s16+$0x12000] =	vst v3;
	v3 =	vld.idx.msk [tilespmem:v8+s29+$0x0], $0xffff  }
0x4c3: {  	s5 =	sor.u32 $0x180, s5;
	[tilespmem:s3+$0x12000] =	vst v1;
	v1 =	vld.idx.msk [tilespmem:v2+s29+$0x0], $0xffff  }
0x4c4: {  	[tilespmem:s5+$0x12000] =	vst v0;
	s1 =	sor.u32 $0x180, s31  }
0x4c5: {  	s17 =	sor.u32 $0x180, s6;
	[tilespmem:s1+$0x12000] =	vst v4  }
0x4c6: {  	s18 =	sor.u32 $0x180, s15;
	[tilespmem:s17+$0x12000] =	vst v5  }
0x4c7: {  	s0 =	sor.u32 $0x180, s0;
	[tilespmem:s18+$0x12000] =	vst v3  }
0x4c8: {  	[tilespmem:s0+$0x12000] =	vst v1  }
0x4c9: {  	s19 =	simm.s32 $0x12000;
	s0 =	rddreg [dreg:$0x14]  }
0x4ca: {  	[hbm4b:s0+s26] =	stream.strided.scatter [tilespmem:s19], [sflag:$0x3], $0x4000, s2, s26, $0x38;
	[tilespmem:$0x1A000] =	vst v63  }
0x4cb: {  	_ =	swait.ge [sflag:s4], $0x4000  }
0x4cc: {  	[sflag:s4] =	ssyncset.done $0x0  }
0x4cd: {  	s20 =	simm.s32 $0x0;
	[sflag:s4] =	ssyncadd.s32 $0xFFFFC000  }
0x4ce: {  	v0 =	vld [tilespmem:s20+$0x1030]  }
0x4cf: {  	v1 =	vld [tilespmem:s20+$0x1010];
	_ =	sdelay $0x2  }
0x4d0: {  	v2 =	vld [tilespmem:s20+$0x1020]  }
0x4d1: {  	v3 =	vshra.s32 v0, $0x7;
	v4 =	vand.u32 $0xFF80, v0  }
0x4d2: {  	v0 =	vand.u32 $0x7F, v0;
	v6 =	vshra.s32 v1, $0x7;
	v3 =	vand.u32 $0xFFFFFE00, v3  }
0x4d3: {  	v7 =	vand.u32 $0xFF80, v1;
	v6 =	vand.u32 $0xFFFFFE00, v6;
	v5 =	vadd.s32 v4, v3  }
0x4d4: {  	v1 =	vand.u32 $0x7F, v1;
	v9 =	vadd.s32 v7, v6;
	v5 =	vor.u32 v0, v5  }
0x4d5: {  	v8 =	vshra.s32 v2, $0x7;
	v9 =	vor.u32 v1, v9  }
0x4d6: {  	s21 =	simm.s32 $0x0;
	v10 =	vand.u32 $0xFF80, v2;
	v8 =	vand.u32 $0xFFFFFE00, v8  }
0x4d7: {  	s22 =	sand.u32 $0xFC0, s21;
	v2 =	vand.u32 $0x7F, v2;
	v11 =	vadd.s32 v10, v8  }
0x4d8: {  	v0 =	vor.u32 v0, v4;
	v4 =	vor.u32 v2, v11;
	v11 =	vld [tilespmem:s22+$0x1000]  }
0x4d9: {  	v5 =	vld.idx.msk [tilespmem:v5+s29+$0x0], $0xffff  }
0x4da: {  	v1 =	vor.u32 v1, v7;
	v0 =	vadd.s32 v3, v0;
	v7 =	vld.idx.msk [tilespmem:v9+s29+$0x0], $0xffff  }
0x4db: {  	s25 =	simm.s32 $0x40;
	s23 =	sand.u32 $0x40, s21;
	s0 =	sand.u32 $0x3E00, s21;
	v3 =	vadd.s32 $0x80, v0  }
0x4dc: {  	s24 =	sor.u32 s23, s0;
	v13 =	vld [tilespmem:s25+$0x1020];
	v2 =	vor.u32 v2, v10;
	v1 =	vadd.s32 v6, v1  }
0x4dd: {  	s3 =	sadd.s32 $0x16000, s24;
	v2 =	vadd.s32 v8, v2;
	v9 =	vadd.s32 $0x80, v1;
	v8 =	vshra.s32 v11, $0x7  }
0x4de: {  	v6 =	vld [tilespmem:s25+$0x1030];
	v14 =	vand.u32 $0xFF80, v11;
	v8 =	vand.u32 $0xFFFFFE00, v8;
	[tilespmem:s3+$0x30] =	vst v5  }
0x4df: {  	v4 =	vld.idx.msk [tilespmem:v4+s29+$0x0], $0xffff;
	[tilespmem:s3+$0x10] =	vst v7;
	v7 =	vand.u32 $0x7F, v11;
	v11 =	vadd.s32 v14, v8  }
0x4e0: {  	v3 =	vld.idx.msk [tilespmem:v3+s29+$0x0], $0xffff;
	v11 =	vor.u32 v7, v11  }
0x4e1: {  	v19 =	vshra.s32 v13, $0x7;
	v10 =	vadd.s32 $0x100, v0;
	v5 =	vld [tilespmem:s25+$0x1010]  }
0x4e2: {  	s12 =	simm.s32 $0x40;
	v21 =	vand.u32 $0xFF80, v13;
	v13 =	vand.u32 $0x7F, v13;
	v12 =	vadd.s32 $0x80, v2;
	v9 =	vld.idx.msk [tilespmem:v9+s29+$0x0], $0xffff  }
0x4e3: {  	s14 =	sand.u32 $0xFC0, s12;
	v19 =	vand.u32 $0xFFFFFE00, v19;
	v17 =	vadd.s32 $0x100, v1;
	v15 =	vshra.s32 v6, $0x7  }
0x4e4: {  	v16 =	vand.u32 $0xFF80, v6;
	v15 =	vand.u32 $0xFFFFFE00, v15;
	v7 =	vor.u32 v7, v14;
	v14 =	vld [tilespmem:s14+$0x1000]  }
0x4e5: {  	p0 =	por $0x0, $0x0;
	s0 =	simm.s32 $0x1;
	v18 =	vadd.s32 $0x100, v2;
	[tilespmem:s3+$0xB0] =	vst v3;
	v3 =	vand.u32 $0x7F, v6;
	v6 =	vadd.s32 v16, v15;
	v11 =	vld.idx.msk [tilespmem:v11+s29+$0x0], $0xffff  }
0x4e6: {  	s0 =	simm.s32 @!p0 $0x0;
	v0 =	vadd.s32 $0x180, v0;
	[tilespmem:s3+$0x20] =	vst v4;
	v20 =	vand.u32 $0xFF80, v5;
	v4 =	vld.idx.msk [tilespmem:v10+s29+$0x0], $0xffff;
	v6 =	vor.u32 v3, v6  }
0x4e7: {  	s0 =	sshll.u32 s0, $0x6;
	[tilespmem:s3+$0x90] =	vst v9;
	v9 =	vadd.s32 v21, v19;
	v10 =	vld.idx.msk [tilespmem:v12+s29+$0x0], $0xffff;
	v12 =	vshra.s32 v5, $0x7;
	v5 =	vand.u32 $0x7F, v5  }
0x4e8: {  	s16 =	simm.s32 $0x80;
	s31 =	sadd.s32 $0x0, s0;
	v17 =	vld.idx.msk [tilespmem:v17+s29+$0x0], $0xffff;
	v9 =	vor.u32 v13, v9;
	v3 =	vor.u32 v3, v16;
	v12 =	vand.u32 $0xFFFFFE00, v12  }
0x4e9: {  	s10 =	sadd.s32 $0x30, s31;
	v16 =	vld [tilespmem:s16+$0x1030];
	v3 =	vadd.s32 v15, v3;
	v15 =	vadd.s32 $0x180, v1;
	v22 =	vadd.s32 v20, v12  }
0x4ea: {  	s11 =	sor.u32 $0x100, s10;
	v1 =	vadd.s32 v8, v7;
	v22 =	vor.u32 v5, v22;
	v5 =	vor.u32 v5, v20;
	[tilespmem:s24+$0x16000] =	vst v11;
	v11 =	vld [tilespmem:s16+$0x1020]  }
0x4eb: {  	v5 =	vadd.s32 v12, v5;
	v12 =	vadd.s32 $0x80, v1;
	v6 =	vld.idx.msk [tilespmem:v6+s29+$0x0], $0xffff;
	[tilespmem:s11+$0x16000] =	vst v4  }
0x4ec: {  	s13 =	simm.s32 $0x100;
	v4 =	vld.idx.msk [tilespmem:v0+s29+$0x0], $0xffff;
	v0 =	vadd.s32 $0x80, v3  }
0x4ed: {  	s1 =	sand.u32 $0x3E00, s13;
	s0 =	sand.u32 $0x40, s12;
	[tilespmem:s3+$0xA0] =	vst v10;
	v9 =	vld.idx.msk [tilespmem:v9+s29+$0x0], $0xffff  }
0x4ee: {  	s15 =	sor.u32 s0, s1;
	v10 =	vld.idx.msk [tilespmem:v18+s29+$0x0], $0xffff  }
0x4ef: {  	s17 =	sadd.s32 $0x10, s31;
	s6 =	sadd.s32 $0x16000, s15;
	v2 =	vadd.s32 $0x180, v2;
	v24 =	vand.u32 $0xFF80, v14;
	v8 =	vor.u32 v13, v21;
	v7 =	vld.idx.msk [tilespmem:v22+s29+$0x0], $0xffff  }
0x4f0: {  	s19 =	sor.u32 $0x100, s17;
	v21 =	vshra.s32 v14, $0x7;
	v8 =	vadd.s32 v19, v8;
	v13 =	vadd.s32 $0x80, v5;
	v12 =	vld.idx.msk [tilespmem:v12+s29+$0x0], $0xffff;
	[tilespmem:s6+$0x30] =	vst v6  }
0x4f1: {  	s18 =	sadd.s32 $0x20, s31;
	v19 =	vadd.s32 $0x100, v1;
	v21 =	vand.u32 $0xFFFFFE00, v21;
	[tilespmem:s19+$0x16000] =	vst v17;
	v6 =	vadd.s32 $0x80, v8;
	v20 =	vld.idx.msk [tilespmem:v0+s29+$0x0], $0xffff  }
0x4f2: {  	s20 =	sor.u32 $0x100, s18;
	v18 =	vadd.s32 $0x100, v5;
	[tilespmem:s6+$0x20] =	vst v9;
	v9 =	vshra.s32 v16, $0x7;
	v0 =	vadd.s32 $0x180, v5;
	v5 =	vld [tilespmem:s16+$0x1010]  }
0x4f3: {  	v63 =	vand.u32 $0xFF80, v16;
	v22 =	vadd.s32 $0x100, v3;
	v9 =	vand.u32 $0xFFFFFE00, v9;
	[tilespmem:s20+$0x16000] =	vst v10  }
0x4f4: {  	v25 =	vadd.s32 $0x180, v3;
	v17 =	vand.u32 $0x7F, v16;
	v16 =	vadd.s32 v63, v9;
	v3 =	vld.idx.msk [tilespmem:v2+s29+$0x0], $0xffff;
	[tilespmem:s6+$0x10] =	vst v7  }
0x4f5: {  	v7 =	vand.u32 $0x7F, v14;
	v14 =	vadd.s32 v24, v21;
	v16 =	vor.u32 v17, v16;
	v13 =	vld.idx.msk [tilespmem:v13+s29+$0x0], $0xffff  }
0x4f6: {  	v24 =	vor.u32 v7, v24;
	v7 =	vor.u32 v7, v14;
	[tilespmem:s3+$0x80] =	vst v12;
	v6 =	vld.idx.msk [tilespmem:v6+s29+$0x0], $0xffff  }
0x4f7: {  	s9 =	sor.u32 $0x180, s10;
	v10 =	vshra.s32 v11, $0x7;
	v28 =	vld.idx.msk [tilespmem:v19+s29+$0x0], $0xffff;
	[tilespmem:s6+$0xB0] =	vst v20;
	v14 =	vshra.s32 v5, $0x7  }
0x4f8: {  	s8 =	simm.s32 $0x1;
	p0 =	por !p0, !p0;
	[tilespmem:s9+$0x16000] =	vst v4;
	v4 =	vand.u32 $0xFFFFFE00, v10;
	v10 =	vand.u32 $0xFF80, v5;
	v20 =	vld.idx.msk [tilespmem:v22+s29+$0x0], $0xffff;
	v14 =	vand.u32 $0xFFFFFE00, v14  }
0x4f9: {  	s8 =	simm.s32 @!p0 $0x0;
	v23 =	vadd.s32 $0x100, v8;
	v5 =	vand.u32 $0x7F, v5;
	v22 =	vld.idx.msk [tilespmem:v15+s29+$0x0], $0xffff;
	v12 =	vadd.s32 v10, v14  }
0x4fa: {  	s7 =	simm.s32 $0x80;
	s13 =	simm.s32 $0x200;
	s8 =	sshll.u32 s8, $0x6;
	v2 =	vand.u32 $0xFF80, v11;
	v21 =	vadd.s32 v21, v24;
	v16 =	vld.idx.msk [tilespmem:v16+s29+$0x0], $0xffff;
	v27 =	vor.u32 v5, v12  }
0x4fb: {  	s21 =	sor.u32 $0x100, s31;
	s8 =	sadd.s32 $0x100, s8;
	s0 =	sor.u32 $0x180, s17;
	v26 =	vld.idx.msk [tilespmem:v7+s29+$0x0], $0xffff;
	[tilespmem:s6+$0x90] =	vst v13;
	v5 =	vor.u32 v5, v10;
	v7 =	vand.u32 $0x7F, v11;
	v10 =	vadd.s32 v2, v4  }
0x4fc: {  	s10 =	sor.u32 $0x180, s31;
	s23 =	sadd.s32 $0x10, s8;
	s20 =	sadd.s32 $0x30, s8;
	v12 =	vadd.s32 $0x80, v21;
	v29 =	vadd.s32 v14, v5;
	v5 =	vor.u32 v7, v2;
	v14 =	vld.idx.msk [tilespmem:v18+s29+$0x0], $0xffff  }
0x4fd: {  	s12 =	sor.u32 $0x100, s8;
	s31 =	sand.u32 $0xFC0, s7;
	s22 =	sor.u32 $0x100, s20;
	v15 =	vor.u32 v7, v10;
	[tilespmem:s6+$0xA0] =	vst v6;
	v30 =	vadd.s32 v4, v5;
	v4 =	vor.u32 v17, v63  }
0x4fe: {  	s17 =	sor.u32 $0x100, s23;
	s25 =	sand.u32 $0x40, s7;
	s24 =	sadd.s32 $0x20, s8;
	v6 =	vadd.s32 $0x100, v21;
	v10 =	vadd.s32 $0x180, v21;
	v21 =	vld [tilespmem:s31+$0x1000];
	[tilespmem:s22+$0x16000] =	vst v20;
	v7 =	vadd.s32 v9, v4  }
0x4ff: {  	v1 =	vadd.s32 $0x180, v1;
	s11 =	sor.u32 $0x180, s18;
	s19 =	simm.s32 $0x8;
	s18 =	sand.u32 $0x3E00, s13;
	v2 =	vadd.s32 $0x180, v8;
	[tilespmem:s21+$0x16000] =	vst v28;
	v17 =	vld.idx.msk [tilespmem:v25+s29+$0x0], $0xffff;
	v20 =	vadd.s32 $0x80, v7  }
0x500: {  	s5 =	sor.u32 s25, s18;
	s16 =	sor.u32 $0x100, s24;
	s9 =	sor.u32 $0x180, s23;
	v13 =	vadd.s32 $0x80, v29;
	v5 =	vadd.s32 $0x100, v29;
	v18 =	vld.idx.msk [tilespmem:v23+s29+$0x0], $0xffff;
	v8 =	vadd.s32 $0x180, v29;
	[tilespmem:s0+$0x16000] =	vst v22  }
0x501: {  	s3 =	sor.u32 $0x180, s24;
	v11 =	vadd.s32 $0x80, v30;
	v4 =	vadd.s32 $0x100, v30;
	v9 =	vadd.s32 $0x180, v30;
	v19 =	vld.idx.msk [tilespmem:v27+s29+$0x0], $0xffff;
	[tilespmem:s15+$0x16000] =	vst v26;
	s15 =	sor.u32 $0x180, s8;
	s8 =	simm.s32 $0x300  }
.LBB2_28:
0x502: {  	s0 =	sshra.s32 s8, $0x2;
	s14 =	sadd.s32 $0x16000, s5;
	v15 =	vld.idx.msk [tilespmem:v15+s29+$0x0], $0xffff;
	[tilespmem:s17+$0x16000] =	vst v14  }
0x503: {  	s19 =	sadd.s32 $0x4, s19;
	s1 =	sor.u32 $0x180, s20;
	v14 =	vld [tilespmem:s0+$0x1030];
	[tilespmem:s14+$0x30] =	vst v16  }
0x504: {  	p1 =	slt.u32 s19, $0xFC;
	v16 =	vld.idx.msk [tilespmem:v20+s29+$0x0], $0xffff;
	[tilespmem:s1+$0x16000] =	vst v17  }
0x505: {  	v17 =	vld [tilespmem:s0+$0x1010];
	[tilespmem:s16+$0x16000] =	vst v18  }
0x506: {  	v18 =	vld [tilespmem:s0+$0x1020];
	v20 =	vand.u32 $0xFF80, v21;
	v22 =	vshra.s32 v21, $0x7;
	[tilespmem:s14+$0x10] =	vst v19;
	v19 =	vadd.s32 $0x100, v7  }
0x507: {  	v21 =	vand.u32 $0x7F, v21;
	v22 =	vand.u32 $0xFFFFFE00, v22;
	v12 =	vld.idx.msk [tilespmem:v12+s29+$0x0], $0xffff;
	[tilespmem:s11+$0x16000] =	vst v3;
	s11 =	smov.u32 s3  }
0x508: {  	v3 =	vadd.s32 v20, v22;
	v20 =	vor.u32 v21, v20;
	v13 =	vld.idx.msk [tilespmem:v13+s29+$0x0], $0xffff;
	[tilespmem:s14+$0x20] =	vst v15  }
0x509: {  	v15 =	vshra.s32 v14, $0x7;
	v21 =	vor.u32 v21, v3;
	v22 =	vadd.s32 v22, v20;
	v11 =	vld.idx.msk [tilespmem:v11+s29+$0x0], $0xffff  }
0x50a: {  	p0 =	por !p0, !p0;
	s0 =	simm.s32 $0x1;
	v20 =	vand.u32 $0xFF80, v14;
	v23 =	vand.u32 $0xFFFFFE00, v15;
	v3 =	vshra.s32 v17, $0x7;
	[tilespmem:s14+$0xB0] =	vst v16;
	v24 =	vld.idx.msk [tilespmem:v1+s29+$0x0], $0xffff;
	v1 =	vmovc v10  }
0x50b: {  	s0 =	simm.s32 @!p0 $0x0;
	v25 =	vand.u32 $0x7F, v14;
	v14 =	vadd.s32 v20, v23;
	v10 =	vshra.s32 v18, $0x7;
	v19 =	vld.idx.msk [tilespmem:v19+s29+$0x0], $0xffff  }
0x50c: {  	s0 =	sshll.u32 s0, $0x6;
	v15 =	vand.u32 $0xFFFFFE00, v3;
	v16 =	vor.u32 v25, v14;
	v10 =	vand.u32 $0xFFFFFE00, v10;
	v26 =	vld.idx.msk [tilespmem:v0+s29+$0x0], $0xffff;
	v0 =	vmovc v8  }
0x50d: {  	v27 =	vadd.s32 $0x180, v7;
	s0 =	sadd.s32 s0, s13;
	v14 =	vand.u32 $0xFF80, v18;
	v8 =	vand.u32 $0xFF80, v17;
	[tilespmem:s6+$0x80] =	vst v12;
	v3 =	vld.idx.msk [tilespmem:v2+s29+$0x0], $0xffff;
	v2 =	vmovc v9;
	s6 =	smov.u32 s14  }
0x50e: {  	s13 =	smov.u32 s8;
	v7 =	vand.u32 $0x7F, v17;
	s1 =	sadd.s32 $0x10, s0;
	v9 =	vadd.s32 v8, v15;
	v12 =	vadd.s32 v14, v10;
	v21 =	vld.idx.msk [tilespmem:v21+s29+$0x0], $0xffff;
	[tilespmem:s6+$0x90] =	vst v13  }
0x50f: {  	s3 =	sadd.s32 $0x20, s0;
	s20 =	sadd.s32 $0x30, s0;
	s18 =	sor.u32 $0x100, s0;
	v9 =	vor.u32 v7, v9;
	v7 =	vor.u32 v7, v8;
	v8 =	vand.u32 $0x7F, v18;
	[tilespmem:s6+$0xA0] =	vst v11;
	v28 =	vld.idx.msk [tilespmem:v6+s29+$0x0], $0xffff  }
0x510: {  	s17 =	sor.u32 $0x100, s1;
	s16 =	sor.u32 $0x100, s3;
	s14 =	sor.u32 $0x100, s20;
	v29 =	vadd.s32 v15, v7;
	v15 =	vor.u32 v8, v12;
	v6 =	vor.u32 v8, v14;
	v14 =	vld.idx.msk [tilespmem:v5+s29+$0x0], $0xffff  }
.Ltmp13:
0x511: {  	s1 =	sor.u32 $0x180, s1;
	s3 =	sor.u32 $0x180, s3;
	v12 =	vadd.s32 $0x80, v22;
	v30 =	vadd.s32 v10, v6;
	v5 =	vor.u32 v25, v20;
	v16 =	vld.idx.msk [tilespmem:v16+s29+$0x0], $0xffff;
	[tilespmem:s14+$0x16000] =	vst v19;
	(pc) =	sbr.rel @p1 .LBB2_28-.Ltmp13, $4  }
0x512: {  	v13 =	vadd.s32 $0x80, v29;
	v11 =	vadd.s32 $0x80, v30;
	v7 =	vadd.s32 v23, v5;
	v17 =	vld.idx.msk [tilespmem:v27+s29+$0x0], $0xffff;
	[tilespmem:s10+$0x16000] =	vst v24;
	s10 =	smov.u32 s15;
	s15 =	sor.u32 $0x180, s0  }
0x513: {  	s7 =	sadd.s32 $0x40, s7;
	v6 =	vadd.s32 $0x100, v22;
	v5 =	vadd.s32 $0x100, v29;
	v20 =	vadd.s32 $0x80, v7;
	v18 =	vld.idx.msk [tilespmem:v4+s29+$0x0], $0xffff;
	[tilespmem:s9+$0x16000] =	vst v26;
	s9 =	smov.u32 s1  }
0x514: {  	v8 =	vadd.s32 $0x180, v29;
	v10 =	vadd.s32 $0x180, v22;
	s14 =	sand.u32 $0x3E00, s8;
	s0 =	sand.u32 $0x40, s7;
	s1 =	sand.u32 $0xFC0, s7;
	v4 =	vadd.s32 $0x100, v30;
	v19 =	vld.idx.msk [tilespmem:v9+s29+$0x0], $0xffff;
	[tilespmem:s5+$0x16000] =	vst v21  }
0x515: {  	s8 =	sadd.s32 $0x100, s8;
	s5 =	sor.u32 s0, s14;
	v9 =	vadd.s32 $0x180, v30;
	v21 =	vld [tilespmem:s1+$0x1000];
	[tilespmem:s12+$0x16000] =	vst v28;
	s12 =	smov.u32 s18  }
0x516: {  	_ =	sdelay $0x3  }
0x517: {  	v22 =	vshra.s32 v21, $0x7  }
0x518: {  	v23 =	vand.u32 $0xFF80, v21;
	v22 =	vand.u32 $0xFFFFFE00, v22  }
0x519: {  	v49 =	vand.u32 $0x7F, v21;
	v24 =	vadd.s32 v23, v22  }
0x51a: {  	v24 =	vor.u32 v49, v24;
	_ =	sdelay $0x2  }
0x51b: {  	v15 =	vld.idx.msk [tilespmem:v15+s29+$0x0], $0xffff;
	[tilespmem:s17+$0x16000] =	vst v14  }
0x51c: {  	s0 =	sadd.s32 $0x16000, s5;
	[tilespmem:s11+$0x16000] =	vst v3;
	v50 =	vor.u32 v49, v23  }
0x51d: {  	s1 =	sor.u32 $0x180, s20;
	[tilespmem:s0+$0x30] =	vst v16;
	v14 =	vadd.s32 v22, v50;
	v52 =	vld.idx.msk [tilespmem:v24+s29+$0x0], $0xffff  }
0x51e: {  	v12 =	vld.idx.msk [tilespmem:v12+s29+$0x0], $0xffff;
	[tilespmem:s1+$0x16000] =	vst v17;
	v53 =	vadd.s32 $0x80, v14  }
0x51f: {  	v1 =	vld.idx.msk [tilespmem:v1+s29+$0x0], $0xffff;
	[tilespmem:s16+$0x16000] =	vst v18  }
0x520: {  	v16 =	vld.idx.msk [tilespmem:v20+s29+$0x0], $0xffff;
	[tilespmem:s0+$0x20] =	vst v15  }
0x521: {  	v51 =	vadd.s32 $0x100, v7;
	[tilespmem:s0+$0x10] =	vst v19;
	v11 =	vld.idx.msk [tilespmem:v11+s29+$0x0], $0xffff  }
0x522: {  	v13 =	vld.idx.msk [tilespmem:v13+s29+$0x0], $0xffff;
	[tilespmem:s5+$0x16000] =	vst v52  }
0x523: {  	[tilespmem:s6+$0x80] =	vst v12;
	v55 =	vld.idx.msk [tilespmem:v53+s29+$0x0], $0xffff  }
0x524: {  	v0 =	vld.idx.msk [tilespmem:v0+s29+$0x0], $0xffff;
	[tilespmem:s10+$0x16000] =	vst v1;
	v56 =	vadd.s32 $0x100, v14  }
0x525: {  	p0 =	por !p0, !p0;
	s1 =	simm.s32 $0x1;
	v6 =	vld.idx.msk [tilespmem:v6+s29+$0x0], $0xffff;
	[tilespmem:s0+$0xB0] =	vst v16  }
0x526: {  	s1 =	simm.s32 @!p0 $0x0;
	v54 =	vld.idx.msk [tilespmem:v51+s29+$0x0], $0xffff;
	[tilespmem:s0+$0xA0] =	vst v11  }
0x527: {  	v57 =	vadd.s32 $0x180, v7;
	s1 =	sshll.u32 s1, $0x6;
	[tilespmem:s0+$0x90] =	vst v13;
	v4 =	vld.idx.msk [tilespmem:v4+s29+$0x0], $0xffff  }
0x528: {  	s1 =	sadd.s32 s1, s13;
	v5 =	vld.idx.msk [tilespmem:v5+s29+$0x0], $0xffff;
	[tilespmem:s0+$0x80] =	vst v55  }
0x529: {  	s17 =	sadd.s32 $0x30, s1;
	[tilespmem:s9+$0x16000] =	vst v0;
	v58 =	vld.idx.msk [tilespmem:v56+s29+$0x0], $0xffff  }
0x52a: {  	v2 =	vld.idx.msk [tilespmem:v2+s29+$0x0], $0xffff;
	s20 =	sadd.s32 $0x20, s1;
	s18 =	sor.u32 $0x100, s17;
	v60 =	vadd.s32 $0x180, v14;
	[tilespmem:s12+$0x16000] =	vst v6  }
0x52b: {  	s19 =	sadd.s32 $0x10, s1;
	s8 =	sor.u32 $0x100, s20;
	v61 =	vld.idx.msk [tilespmem:v10+s29+$0x0], $0xffff;
	[tilespmem:s18+$0x16000] =	vst v54  }
0x52c: {  	s7 =	sor.u32 $0x100, s19;
	v59 =	vld.idx.msk [tilespmem:v57+s29+$0x0], $0xffff;
	[tilespmem:s8+$0x16000] =	vst v4  }
0x52d: {  	s21 =	sor.u32 $0x100, s1;
	[tilespmem:s7+$0x16000] =	vst v5;
	v63 =	vld.idx.msk [tilespmem:v9+s29+$0x0], $0xffff  }
0x52e: {  	v62 =	vld.idx.msk [tilespmem:v8+s29+$0x0], $0xffff;
	[tilespmem:s21+$0x16000] =	vst v58  }
0x52f: {  	[tilespmem:s3+$0x16000] =	vst v2;
	v0 =	vld.idx.msk [tilespmem:v60+s29+$0x0], $0xffff  }
0x530: {  	s5 =	sor.u32 $0x180, s17;
	[tilespmem:s15+$0x16000] =	vst v61  }
0x531: {  	s22 =	sor.u32 $0x180, s20;
	[tilespmem:s5+$0x16000] =	vst v59  }
0x532: {  	s0 =	sor.u32 $0x180, s19;
	[tilespmem:s22+$0x16000] =	vst v63  }
0x533: {  	s23 =	sor.u32 $0x180, s1;
	[tilespmem:s0+$0x16000] =	vst v62  }
0x534: {  	[tilespmem:s23+$0x16000] =	vst v0  }
0x535: {  	s24 =	simm.s32 $0x16000;
	s25 =	simm.s32 $0x3;
	s0 =	rddreg [dreg:$0x15]  }
0x536: {  	[hbm4b:s0+s26] =	stream.strided.scatter [tilespmem:s24], [sflag:$0x4], $0x4000, s2, s26, $0x38;
	[tilespmem:$0x1A000] =	vst v63  }
0x537: {  	_ =	swait.ge [sflag:s25], $0x4000  }
0x538: {  	[sflag:s25] =	ssyncset.done $0x0  }
0x539: {  	[sflag:s25] =	ssyncadd.s32 $0xFFFFC000  }
0x53a: {  	_ =	swait.ge [sflag:s4], $0x4000  }
0x53b: {  	s26 =	rddreg [dreg:$0x17]  }
0x53c: {  	s31 =	rddreg [dreg:$0x16];
	s1 =	sadd.s32 $0x1, s26  }
0x53d: {  	p0 =	sne.s32 s1, s31  }
.Ltmp14:
0x53e: {  	_ = 	snop;
	(pc) =	sbr.rel @p0 .LBB2_1-.Ltmp14, $3  }
0x53f: {  	_ =	sdelay $0x1  }
0x540: {  	[sflag:s4] =	ssyncset.done $0x0  }
0x541: {  	[sflag:s4] =	ssyncadd.s32 $0xFFFFC000  }
0x542: {  	_ =	sfence.sel $0x180000  }
0x543: {  	[bflag:$0x0] =	sbarrier.arrive $0xFFFF  }
0x544: {  	_ =	strace $0x90000047  }
0x545: {  	s0 =	stileid.u32;
	[bflag:$0x2] =	sbarrier.arrive $0xFFFF  }
0x546: {  	p0 =	sne.s32 s0, $0x0;
	s0 =	rddreg [dreg:$0x3]  }
0x547: {  	s0 =	sadd.s32 @!p0 $0x100000, s0  }
0x548: {  	[sflag:s0] =	ssyncadd.tile.s32 @!p0 $0x1;
	_ =	shalt  }
.Lfunc_end2:
_tile_overlayer_lowered:
.L_overlay_start_2:
0x549: {  	(tag) =	ssettag $0x2  }
0x54a: {  	s0 =	rddreg [dreg:$0x0];
	s2 =	stileid.u32  }
0x54b: {  	s1 =	rddreg [dreg:$0x1];
	p0 =	sne.s32 s2, $0x0  }
0x54c: {  	s3 =	rddreg [dreg:$0x2];
	[bflag:$0x3] =	sbarrier.arrive $0xFFFF;
	s2 =	simm.s32 @!p0 $0x1C05  }
0x54d: {  	[timem:s3], [sflag:s2] =	dma.local @!p0 [hbm:s0], s1  }
0x54e: {  	s0 =	simm.s32 @!p0 $0x5  }
0x54f: {  	_ =	swait.ge @!p0 [sflag:s0], s1  }
0x550: {  	s1 =	ssub.s32 @!p0 $0x0, s1;
	[sflag:s0] =	ssyncset.done @!p0 $0x0  }
0x551: {  	[sflag:s0] =	ssyncadd.s32 @!p0 s1  }
0x552: {  	[bflag:$0x3] =	sbarrier.arrive $0xFFFF  }
0x553: {  	_ =	shalt  }

</sc_bundles>
